<compile_context>
chip_gen: v7x
topology: tpu7x:2x2x1
jax: 0.10.2.dev20260603
libtpu: 0.0.44.dev20260713+nightly
codegen_flags: <defaults>
</compile_context>

<pallas_src>
import functools

import jax
import jax.numpy as jnp
from jax import lax
from jax.experimental import pallas as pl
from jax.experimental.pallas import tpu as pltpu
from jax.experimental.pallas import tpu_sc as plsc

K = 8
B = 32
H = 32768
C = 64
L = 16
NG = C // L
CHH = 512
NCHUNK = H // CHH
RB = 16
NBLK = CHH // RB


def _neg_inf():
    return jnp.full((L,), -jnp.inf, dtype=jnp.float32)


def _kmax_body(x_hbm, out_hbm, buf0, buf1, state, sem0, sem1):
    cid = lax.axis_index("c")
    sid = lax.axis_index("s")
    b = sid * 2 + cid

    for i in range(K):
        for g in range(NG):
            state[i, pl.ds(g * L, L)] = _neg_inf()

    iota = lax.iota(jnp.int32, L)
    idx_c = [iota + jnp.full((L,), g * L, jnp.int32) for g in range(NG)]

    bufs = (buf0, buf1)
    sems = (sem0, sem1)

    def start_dma(chunk, slot):
        pltpu.make_async_copy(
            x_hbm.at[b, :, pl.ds(chunk * CHH, CHH)], bufs[slot], sems[slot]
        ).start()

    def wait_dma(chunk, slot):
        pltpu.make_async_copy(
            x_hbm.at[b, :, pl.ds(chunk * CHH, CHH)], bufs[slot], sems[slot]
        ).wait()

    start_dma(0, 0)
    start_dma(1, 1)

    def process_chunk(slot, r7s):
        bufr = bufs[slot]

        def load(g, idx_h):
            return plsc.load_gather(bufr, [idx_c[g], idx_h])

        def skew_idx(base, kk):
            skew = (iota + jnp.full((L,), kk, jnp.int32)) & jnp.full(
                (L,), RB - 1, jnp.int32
            )
            return skew + jnp.full((L,), base, jnp.int32)

        def block_masks(base, r7s_in):
            idx0 = skew_idx(base, 0)
            idx1 = skew_idx(base, 1)
            macc_a = [load(g, idx0) for g in range(NG)]
            macc_b = [load(g, idx1) for g in range(NG)]
            for kk in range(2, RB, 2):
                idx0 = skew_idx(base, kk)
                idx1 = skew_idx(base, kk + 1)
                for g in range(NG):
                    macc_a[g] = jnp.maximum(macc_a[g], load(g, idx0))
                    macc_b[g] = jnp.maximum(macc_b[g], load(g, idx1))
            return [
                jnp.maximum(macc_a[g], macc_b[g]) > r7s_in[g]
                for g in range(NG)
            ]

        def ce(a, bb):
            return jnp.maximum(a, bb), jnp.minimum(a, bb)

        def bitonic8_desc(m):
            for stride in (4, 2, 1):
                for i in range(8):
                    if (i & stride) == 0 and i + stride < 8:
                        hi_v, lo_v = ce(m[i], m[i + stride])
                        m[i], m[i + stride] = hi_v, lo_v
            return m

        def insert_block(base, g):
            v = [load(g, skew_idx(base, kk)) for kk in range(RB)]
            p = []
            for i in range(8):
                hi, lo = ce(v[2 * i], v[2 * i + 1])
                p.append([hi, lo])
            q = []
            for i in range(4):
                x, y = p[2 * i], p[2 * i + 1]
                z0, t1 = ce(x[0], y[0])
                t2, z3 = ce(x[1], y[1])
                z1, z2 = ce(t1, t2)
                q.append([z0, z1, z2, z3])
            r = []
            for i in range(2):
                x, y = q[2 * i], q[2 * i + 1]
                r.append(
                    bitonic8_desc(
                        [x[0], x[1], x[2], x[3], y[3], y[2], y[1], y[0]]
                    )
                )
            m = [jnp.maximum(r[0][i], r[1][7 - i]) for i in range(8)]
            m = bitonic8_desc(m)
            s = [state[i, pl.ds(g * L, L)] for i in range(K)]
            m2 = [jnp.maximum(s[i], m[7 - i]) for i in range(8)]
            m2 = bitonic8_desc(m2)
            for i in range(K):
                state[i, pl.ds(g * L, L)] = m2[i]
            return m2[K - 1]

        def block(j, r7s_in):
            base = j * RB
            ms = block_masks(base, r7s_in)
            hit = jnp.any((ms[0] | ms[1]) | (ms[2] | ms[3]))

            def slow(rs):
                return tuple(insert_block(base, g) for g in range(NG))

            return lax.cond(hit, slow, lambda rs: rs, r7s_in)

        return lax.fori_loop(0, NBLK, block, r7s)

    def outer(i, r7s):
        c0 = 2 * i
        wait_dma(c0, 0)
        r7s = process_chunk(0, r7s)

        @pl.when(c0 + 2 < NCHUNK)
        def _():
            start_dma(c0 + 2, 0)

        wait_dma(c0 + 1, 1)
        r7s = process_chunk(1, r7s)

        @pl.when(c0 + 3 < NCHUNK)
        def _():
            start_dma(c0 + 3, 1)

        return r7s

    r7s = tuple(_neg_inf() for _ in range(NG))
    lax.fori_loop(0, NCHUNK // 2, outer, r7s)

    pltpu.sync_copy(state, out_hbm.at[b])


@jax.jit
def _kmax(x):
    mesh = plsc.VectorSubcoreMesh(core_axis_name="c", subcore_axis_name="s")
    f = functools.partial(
        pl.kernel,
        out_type=jax.ShapeDtypeStruct((B, K, C), jnp.float32),
        mesh=mesh,
        compiler_params=pltpu.CompilerParams(needs_layout_passes=False),
        scratch_types=[
            pltpu.VMEM((C, CHH), jnp.float32),
            pltpu.VMEM((C, CHH), jnp.float32),
            pltpu.VMEM((K, C), jnp.float32),
            pltpu.SemaphoreType.DMA,
            pltpu.SemaphoreType.DMA,
        ],
    )(_kmax_body)
    return f(x)


def kernel(inputs):
    x = jnp.transpose(inputs, (0, 2, 3, 1)).reshape(B, C, H)
    out = _kmax(x)
    return out.reshape(B, K, 1, C)

# --- scband reference (transcript-rebuilt; emitter-appended) ---
"""Pipeline reference for scband-kmax-pool-40596030882550 (READ-ONLY COPY).

The authoritative reference and input builder live on the scoring server;
editing this copy changes nothing except your own understanding.
"""

import jax, jax.numpy as jnp
import numpy as np

K_TOP = 8

def setup_inputs(seed: int = 0) -> dict:
    key = jax.random.key(seed)
    inputs = jax.random.normal(key, (32, 32768, 1, 64), dtype=jnp.float32)
    return {"inputs": inputs}

def reference(inputs):
    # KMaxPool: transpose [B,H,W,C] -> [B,C,W,H], top_k over last axis, transpose back
    x = jnp.transpose(inputs, (0, 3, 2, 1))          # [B, C, W, H]
    k_max = jax.lax.top_k(x, K_TOP)[0]               # [B, C, W, k], sorted descending
    output = jnp.transpose(k_max, (0, 3, 2, 1))      # [B, k, W, C]
    return output

if __name__ == "__main__":
    import jax
    _d = setup_inputs()
    print(jax.jit(kernel)(*tuple(_d.values())))

</pallas_src>

<mosaic_0001>
#map = affine_map<(d0, d1) -> (0, 0, 0)>
module attributes {stable_mosaic.version = 14 : i64} {
  func.func @_kmax_body(%arg0: i32, %arg1: i32, %arg2: memref<32x64x32768xf32, #tpu.memory_space<hbm>>, %arg3: memref<32x8x64xf32, #tpu.memory_space<hbm>>, %arg4: memref<64x512xf32, #tpu.memory_space<vmem>>, %arg5: memref<64x512xf32, #tpu.memory_space<vmem>>, %arg6: memref<8x64xf32, #tpu.memory_space<vmem>>, %arg7: memref<!tpu.dma_semaphore, #tpu.memory_space<semaphore_mem>>, %arg8: memref<!tpu.dma_semaphore, #tpu.memory_space<semaphore_mem>>) attributes {dimension_semantics = [#tpu.dimension_semantics<core_parallel>, #tpu.dimension_semantics<subcore_parallel>], iteration_bounds = array<i64: 2, 16>, scalar_prefetch = 0 : i64, scratch_operands = 5 : i64, tpu.core_type = #tpu.core_type<sc_vector_subcore>, window_params = [{transform_indices = #map}, {transform_indices = #map}]} {
    %mul3A = arith.constant 2 : i32
    %mul3A_0 = arith.muli %arg1, %mul3A : i32
    %add3A = arith.addi %mul3A_0, %arg0 : i32
    %broadcast_in_dim3A = arith.constant 0xFF800000 : f32
    %broadcast_in_dim3A_1 = vector.broadcast %broadcast_in_dim3A : f32 to vector<16xf32>
    %swap3A = arith.constant 0 : i32
    %swap3A_2 = arith.index_cast %swap3A : i32 to index
    %swap3A_3 = arith.constant 0 : index
    %swap3A_4 = tpu.vector_load %arg6[%swap3A_2, %swap3A_3] {strides = array<i32>} : memref<8x64xf32, #tpu.memory_space<vmem>>, vector<16xf32>,
    tpu.vector_store %arg6[%swap3A_2, %swap3A_3], %broadcast_in_dim3A_1 {strides = array<i32>} : memref<8x64xf32, #tpu.memory_space<vmem>>, vector<16xf32>,
    %broadcast_in_dim3A_5 = arith.constant 0xFF800000 : f32
    %broadcast_in_dim3A_6 = vector.broadcast %broadcast_in_dim3A_5 : f32 to vector<16xf32>
    %swap3A_7 = arith.constant 0 : i32
    %swap3A_8 = arith.index_cast %swap3A_7 : i32 to index
    %swap3A_9 = arith.constant 16 : index
    %swap3A_10 = tpu.vector_load %arg6[%swap3A_8, %swap3A_9] {strides = array<i32>} : memref<8x64xf32, #tpu.memory_space<vmem>>, vector<16xf32>,
    tpu.vector_store %arg6[%swap3A_8, %swap3A_9], %broadcast_in_dim3A_6 {strides = array<i32>} : memref<8x64xf32, #tpu.memory_space<vmem>>, vector<16xf32>,
    %broadcast_in_dim3A_11 = arith.constant 0xFF800000 : f32
    %broadcast_in_dim3A_12 = vector.broadcast %broadcast_in_dim3A_11 : f32 to vector<16xf32>
    %swap3A_13 = arith.constant 0 : i32
    %swap3A_14 = arith.index_cast %swap3A_13 : i32 to index
    %swap3A_15 = arith.constant 32 : index
    %swap3A_16 = tpu.vector_load %arg6[%swap3A_14, %swap3A_15] {strides = array<i32>} : memref<8x64xf32, #tpu.memory_space<vmem>>, vector<16xf32>,
    tpu.vector_store %arg6[%swap3A_14, %swap3A_15], %broadcast_in_dim3A_12 {strides = array<i32>} : memref<8x64xf32, #tpu.memory_space<vmem>>, vector<16xf32>,
    %broadcast_in_dim3A_17 = arith.constant 0xFF800000 : f32
    %broadcast_in_dim3A_18 = vector.broadcast %broadcast_in_dim3A_17 : f32 to vector<16xf32>
    %swap3A_19 = arith.constant 0 : i32
    %swap3A_20 = arith.index_cast %swap3A_19 : i32 to index
    %swap3A_21 = arith.constant 48 : index
    %swap3A_22 = tpu.vector_load %arg6[%swap3A_20, %swap3A_21] {strides = array<i32>} : memref<8x64xf32, #tpu.memory_space<vmem>>, vector<16xf32>,
    tpu.vector_store %arg6[%swap3A_20, %swap3A_21], %broadcast_in_dim3A_18 {strides = array<i32>} : memref<8x64xf32, #tpu.memory_space<vmem>>, vector<16xf32>,
    %broadcast_in_dim3A_23 = arith.constant 0xFF800000 : f32
    %broadcast_in_dim3A_24 = vector.broadcast %broadcast_in_dim3A_23 : f32 to vector<16xf32>
    %swap3A_25 = arith.constant 1 : i32
    %swap3A_26 = arith.index_cast %swap3A_25 : i32 to index
    %swap3A_27 = arith.constant 0 : index
    %swap3A_28 = tpu.vector_load %arg6[%swap3A_26, %swap3A_27] {strides = array<i32>} : memref<8x64xf32, #tpu.memory_space<vmem>>, vector<16xf32>,
    tpu.vector_store %arg6[%swap3A_26, %swap3A_27], %broadcast_in_dim3A_24 {strides = array<i32>} : memref<8x64xf32, #tpu.memory_space<vmem>>, vector<16xf32>,
    %broadcast_in_dim3A_29 = arith.constant 0xFF800000 : f32
    %broadcast_in_dim3A_30 = vector.broadcast %broadcast_in_dim3A_29 : f32 to vector<16xf32>
    %swap3A_31 = arith.constant 1 : i32
    %swap3A_32 = arith.index_cast %swap3A_31 : i32 to index
    %swap3A_33 = arith.constant 16 : index
    %swap3A_34 = tpu.vector_load %arg6[%swap3A_32, %swap3A_33] {strides = array<i32>} : memref<8x64xf32, #tpu.memory_space<vmem>>, vector<16xf32>,
    tpu.vector_store %arg6[%swap3A_32, %swap3A_33], %broadcast_in_dim3A_30 {strides = array<i32>} : memref<8x64xf32, #tpu.memory_space<vmem>>, vector<16xf32>,
    %broadcast_in_dim3A_35 = arith.constant 0xFF800000 : f32
    %broadcast_in_dim3A_36 = vector.broadcast %broadcast_in_dim3A_35 : f32 to vector<16xf32>
    %swap3A_37 = arith.constant 1 : i32
    %swap3A_38 = arith.index_cast %swap3A_37 : i32 to index
    %swap3A_39 = arith.constant 32 : index
    %swap3A_40 = tpu.vector_load %arg6[%swap3A_38, %swap3A_39] {strides = array<i32>} : memref<8x64xf32, #tpu.memory_space<vmem>>, vector<16xf32>,
    tpu.vector_store %arg6[%swap3A_38, %swap3A_39], %broadcast_in_dim3A_36 {strides = array<i32>} : memref<8x64xf32, #tpu.memory_space<vmem>>, vector<16xf32>,
    %broadcast_in_dim3A_41 = arith.constant 0xFF800000 : f32
    %broadcast_in_dim3A_42 = vector.broadcast %broadcast_in_dim3A_41 : f32 to vector<16xf32>
    %swap3A_43 = arith.constant 1 : i32
    %swap3A_44 = arith.index_cast %swap3A_43 : i32 to index
    %swap3A_45 = arith.constant 48 : index
    %swap3A_46 = tpu.vector_load %arg6[%swap3A_44, %swap3A_45] {strides = array<i32>} : memref<8x64xf32, #tpu.memory_space<vmem>>, vector<16xf32>,
    tpu.vector_store %arg6[%swap3A_44, %swap3A_45], %broadcast_in_dim3A_42 {strides = array<i32>} : memref<8x64xf32, #tpu.memory_space<vmem>>, vector<16xf32>,
    %broadcast_in_dim3A_47 = arith.constant 0xFF800000 : f32
    %broadcast_in_dim3A_48 = vector.broadcast %broadcast_in_dim3A_47 : f32 to vector<16xf32>
    %swap3A_49 = arith.constant 2 : i32
    %swap3A_50 = arith.index_cast %swap3A_49 : i32 to index
    %swap3A_51 = arith.constant 0 : index
    %swap3A_52 = tpu.vector_load %arg6[%swap3A_50, %swap3A_51] {strides = array<i32>} : memref<8x64xf32, #tpu.memory_space<vmem>>, vector<16xf32>,
    tpu.vector_store %arg6[%swap3A_50, %swap3A_51], %broadcast_in_dim3A_48 {strides = array<i32>} : memref<8x64xf32, #tpu.memory_space<vmem>>, vector<16xf32>,
    %broadcast_in_dim3A_53 = arith.constant 0xFF800000 : f32
    %broadcast_in_dim3A_54 = vector.broadcast %broadcast_in_dim3A_53 : f32 to vector<16xf32>
    %swap3A_55 = arith.constant 2 : i32
    %swap3A_56 = arith.index_cast %swap3A_55 : i32 to index
    %swap3A_57 = arith.constant 16 : index
    %swap3A_58 = tpu.vector_load %arg6[%swap3A_56, %swap3A_57] {strides = array<i32>} : memref<8x64xf32, #tpu.memory_space<vmem>>, vector<16xf32>,
    tpu.vector_store %arg6[%swap3A_56, %swap3A_57], %broadcast_in_dim3A_54 {strides = array<i32>} : memref<8x64xf32, #tpu.memory_space<vmem>>, vector<16xf32>,
    %broadcast_in_dim3A_59 = arith.constant 0xFF800000 : f32
    %broadcast_in_dim3A_60 = vector.broadcast %broadcast_in_dim3A_59 : f32 to vector<16xf32>
    %swap3A_61 = arith.constant 2 : i32
    %swap3A_62 = arith.index_cast %swap3A_61 : i32 to index
    %swap3A_63 = arith.constant 32 : index
    %swap3A_64 = tpu.vector_load %arg6[%swap3A_62, %swap3A_63] {strides = array<i32>} : memref<8x64xf32, #tpu.memory_space<vmem>>, vector<16xf32>,
    tpu.vector_store %arg6[%swap3A_62, %swap3A_63], %broadcast_in_dim3A_60 {strides = array<i32>} : memref<8x64xf32, #tpu.memory_space<vmem>>, vector<16xf32>,
    %broadcast_in_dim3A_65 = arith.constant 0xFF800000 : f32
    %broadcast_in_dim3A_66 = vector.broadcast %broadcast_in_dim3A_65 : f32 to vector<16xf32>
    %swap3A_67 = arith.constant 2 : i32
    %swap3A_68 = arith.index_cast %swap3A_67 : i32 to index
    %swap3A_69 = arith.constant 48 : index
    %swap3A_70 = tpu.vector_load %arg6[%swap3A_68, %swap3A_69] {strides = array<i32>} : memref<8x64xf32, #tpu.memory_space<vmem>>, vector<16xf32>,
    tpu.vector_store %arg6[%swap3A_68, %swap3A_69], %broadcast_in_dim3A_66 {strides = array<i32>} : memref<8x64xf32, #tpu.memory_space<vmem>>, vector<16xf32>,
    %broadcast_in_dim3A_71 = arith.constant 0xFF800000 : f32
    %broadcast_in_dim3A_72 = vector.broadcast %broadcast_in_dim3A_71 : f32 to vector<16xf32>
    %swap3A_73 = arith.constant 3 : i32
    %swap3A_74 = arith.index_cast %swap3A_73 : i32 to index
    %swap3A_75 = arith.constant 0 : index
    %swap3A_76 = tpu.vector_load %arg6[%swap3A_74, %swap3A_75] {strides = array<i32>} : memref<8x64xf32, #tpu.memory_space<vmem>>, vector<16xf32>,
    tpu.vector_store %arg6[%swap3A_74, %swap3A_75], %broadcast_in_dim3A_72 {strides = array<i32>} : memref<8x64xf32, #tpu.memory_space<vmem>>, vector<16xf32>,
    %broadcast_in_dim3A_77 = arith.constant 0xFF800000 : f32
    %broadcast_in_dim3A_78 = vector.broadcast %broadcast_in_dim3A_77 : f32 to vector<16xf32>
    %swap3A_79 = arith.constant 3 : i32
    %swap3A_80 = arith.index_cast %swap3A_79 : i32 to index
    %swap3A_81 = arith.constant 16 : index
    %swap3A_82 = tpu.vector_load %arg6[%swap3A_80, %swap3A_81] {strides = array<i32>} : memref<8x64xf32, #tpu.memory_space<vmem>>, vector<16xf32>,
    tpu.vector_store %arg6[%swap3A_80, %swap3A_81], %broadcast_in_dim3A_78 {strides = array<i32>} : memref<8x64xf32, #tpu.memory_space<vmem>>, vector<16xf32>,
    %broadcast_in_dim3A_83 = arith.constant 0xFF800000 : f32
    %broadcast_in_dim3A_84 = vector.broadcast %broadcast_in_dim3A_83 : f32 to vector<16xf32>
    %swap3A_85 = arith.constant 3 : i32
    %swap3A_86 = arith.index_cast %swap3A_85 : i32 to index
    %swap3A_87 = arith.constant 32 : index
    %swap3A_88 = tpu.vector_load %arg6[%swap3A_86, %swap3A_87] {strides = array<i32>} : memref<8x64xf32, #tpu.memory_space<vmem>>, vector<16xf32>,
    tpu.vector_store %arg6[%swap3A_86, %swap3A_87], %broadcast_in_dim3A_84 {strides = array<i32>} : memref<8x64xf32, #tpu.memory_space<vmem>>, vector<16xf32>,
    %broadcast_in_dim3A_89 = arith.constant 0xFF800000 : f32
    %broadcast_in_dim3A_90 = vector.broadcast %broadcast_in_dim3A_89 : f32 to vector<16xf32>
    %swap3A_91 = arith.constant 3 : i32
    %swap3A_92 = arith.index_cast %swap3A_91 : i32 to index
    %swap3A_93 = arith.constant 48 : index
    %swap3A_94 = tpu.vector_load %arg6[%swap3A_92, %swap3A_93] {strides = array<i32>} : memref<8x64xf32, #tpu.memory_space<vmem>>, vector<16xf32>,
    tpu.vector_store %arg6[%swap3A_92, %swap3A_93], %broadcast_in_dim3A_90 {strides = array<i32>} : memref<8x64xf32, #tpu.memory_space<vmem>>, vector<16xf32>,
    %broadcast_in_dim3A_95 = arith.constant 0xFF800000 : f32
    %broadcast_in_dim3A_96 = vector.broadcast %broadcast_in_dim3A_95 : f32 to vector<16xf32>
    %swap3A_97 = arith.constant 4 : i32
    %swap3A_98 = arith.index_cast %swap3A_97 : i32 to index
    %swap3A_99 = arith.constant 0 : index
    %swap3A_100 = tpu.vector_load %arg6[%swap3A_98, %swap3A_99] {strides = array<i32>} : memref<8x64xf32, #tpu.memory_space<vmem>>, vector<16xf32>,
    tpu.vector_store %arg6[%swap3A_98, %swap3A_99], %broadcast_in_dim3A_96 {strides = array<i32>} : memref<8x64xf32, #tpu.memory_space<vmem>>, vector<16xf32>,
    %broadcast_in_dim3A_101 = arith.constant 0xFF800000 : f32
    %broadcast_in_dim3A_102 = vector.broadcast %broadcast_in_dim3A_101 : f32 to vector<16xf32>
    %swap3A_103 = arith.constant 4 : i32
    %swap3A_104 = arith.index_cast %swap3A_103 : i32 to index
    %swap3A_105 = arith.constant 16 : index
    %swap3A_106 = tpu.vector_load %arg6[%swap3A_104, %swap3A_105] {strides = array<i32>} : memref<8x64xf32, #tpu.memory_space<vmem>>, vector<16xf32>,
    tpu.vector_store %arg6[%swap3A_104, %swap3A_105], %broadcast_in_dim3A_102 {strides = array<i32>} : memref<8x64xf32, #tpu.memory_space<vmem>>, vector<16xf32>,
    %broadcast_in_dim3A_107 = arith.constant 0xFF800000 : f32
    %broadcast_in_dim3A_108 = vector.broadcast %broadcast_in_dim3A_107 : f32 to vector<16xf32>
    %swap3A_109 = arith.constant 4 : i32
    %swap3A_110 = arith.index_cast %swap3A_109 : i32 to index
    %swap3A_111 = arith.constant 32 : index
    %swap3A_112 = tpu.vector_load %arg6[%swap3A_110, %swap3A_111] {strides = array<i32>} : memref<8x64xf32, #tpu.memory_space<vmem>>, vector<16xf32>,
    tpu.vector_store %arg6[%swap3A_110, %swap3A_111], %broadcast_in_dim3A_108 {strides = array<i32>} : memref<8x64xf32, #tpu.memory_space<vmem>>, vector<16xf32>,
    %broadcast_in_dim3A_113 = arith.constant 0xFF800000 : f32
    %broadcast_in_dim3A_114 = vector.broadcast %broadcast_in_dim3A_113 : f32 to vector<16xf32>
    %swap3A_115 = arith.constant 4 : i32
    %swap3A_116 = arith.index_cast %swap3A_115 : i32 to index
    %swap3A_117 = arith.constant 48 : index
    %swap3A_118 = tpu.vector_load %arg6[%swap3A_116, %swap3A_117] {strides = array<i32>} : memref<8x64xf32, #tpu.memory_space<vmem>>, vector<16xf32>,
    tpu.vector_store %arg6[%swap3A_116, %swap3A_117], %broadcast_in_dim3A_114 {strides = array<i32>} : memref<8x64xf32, #tpu.memory_space<vmem>>, vector<16xf32>,
    %broadcast_in_dim3A_119 = arith.constant 0xFF800000 : f32
    %broadcast_in_dim3A_120 = vector.broadcast %broadcast_in_dim3A_119 : f32 to vector<16xf32>
    %swap3A_121 = arith.constant 5 : i32
    %swap3A_122 = arith.index_cast %swap3A_121 : i32 to index
    %swap3A_123 = arith.constant 0 : index
    %swap3A_124 = tpu.vector_load %arg6[%swap3A_122, %swap3A_123] {strides = array<i32>} : memref<8x64xf32, #tpu.memory_space<vmem>>, vector<16xf32>,
    tpu.vector_store %arg6[%swap3A_122, %swap3A_123], %broadcast_in_dim3A_120 {strides = array<i32>} : memref<8x64xf32, #tpu.memory_space<vmem>>, vector<16xf32>,
    %broadcast_in_dim3A_125 = arith.constant 0xFF800000 : f32
    %broadcast_in_dim3A_126 = vector.broadcast %broadcast_in_dim3A_125 : f32 to vector<16xf32>
    %swap3A_127 = arith.constant 5 : i32
    %swap3A_128 = arith.index_cast %swap3A_127 : i32 to index
    %swap3A_129 = arith.constant 16 : index
    %swap3A_130 = tpu.vector_load %arg6[%swap3A_128, %swap3A_129] {strides = array<i32>} : memref<8x64xf32, #tpu.memory_space<vmem>>, vector<16xf32>,
    tpu.vector_store %arg6[%swap3A_128, %swap3A_129], %broadcast_in_dim3A_126 {strides = array<i32>} : memref<8x64xf32, #tpu.memory_space<vmem>>, vector<16xf32>,
    %broadcast_in_dim3A_131 = arith.constant 0xFF800000 : f32
    %broadcast_in_dim3A_132 = vector.broadcast %broadcast_in_dim3A_131 : f32 to vector<16xf32>
    %swap3A_133 = arith.constant 5 : i32
    %swap3A_134 = arith.index_cast %swap3A_133 : i32 to index
    %swap3A_135 = arith.constant 32 : index
    %swap3A_136 = tpu.vector_load %arg6[%swap3A_134, %swap3A_135] {strides = array<i32>} : memref<8x64xf32, #tpu.memory_space<vmem>>, vector<16xf32>,
    tpu.vector_store %arg6[%swap3A_134, %swap3A_135], %broadcast_in_dim3A_132 {strides = array<i32>} : memref<8x64xf32, #tpu.memory_space<vmem>>, vector<16xf32>,
    %broadcast_in_dim3A_137 = arith.constant 0xFF800000 : f32
    %broadcast_in_dim3A_138 = vector.broadcast %broadcast_in_dim3A_137 : f32 to vector<16xf32>
    %swap3A_139 = arith.constant 5 : i32
    %swap3A_140 = arith.index_cast %swap3A_139 : i32 to index
    %swap3A_141 = arith.constant 48 : index
    %swap3A_142 = tpu.vector_load %arg6[%swap3A_140, %swap3A_141] {strides = array<i32>} : memref<8x64xf32, #tpu.memory_space<vmem>>, vector<16xf32>,
    tpu.vector_store %arg6[%swap3A_140, %swap3A_141], %broadcast_in_dim3A_138 {strides = array<i32>} : memref<8x64xf32, #tpu.memory_space<vmem>>, vector<16xf32>,
    %broadcast_in_dim3A_143 = arith.constant 0xFF800000 : f32
    %broadcast_in_dim3A_144 = vector.broadcast %broadcast_in_dim3A_143 : f32 to vector<16xf32>
    %swap3A_145 = arith.constant 6 : i32
    %swap3A_146 = arith.index_cast %swap3A_145 : i32 to index
    %swap3A_147 = arith.constant 0 : index
    %swap3A_148 = tpu.vector_load %arg6[%swap3A_146, %swap3A_147] {strides = array<i32>} : memref<8x64xf32, #tpu.memory_space<vmem>>, vector<16xf32>,
    tpu.vector_store %arg6[%swap3A_146, %swap3A_147], %broadcast_in_dim3A_144 {strides = array<i32>} : memref<8x64xf32, #tpu.memory_space<vmem>>, vector<16xf32>,
    %broadcast_in_dim3A_149 = arith.constant 0xFF800000 : f32
    %broadcast_in_dim3A_150 = vector.broadcast %broadcast_in_dim3A_149 : f32 to vector<16xf32>
    %swap3A_151 = arith.constant 6 : i32
    %swap3A_152 = arith.index_cast %swap3A_151 : i32 to index
    %swap3A_153 = arith.constant 16 : index
    %swap3A_154 = tpu.vector_load %arg6[%swap3A_152, %swap3A_153] {strides = array<i32>} : memref<8x64xf32, #tpu.memory_space<vmem>>, vector<16xf32>,
    tpu.vector_store %arg6[%swap3A_152, %swap3A_153], %broadcast_in_dim3A_150 {strides = array<i32>} : memref<8x64xf32, #tpu.memory_space<vmem>>, vector<16xf32>,
    %broadcast_in_dim3A_155 = arith.constant 0xFF800000 : f32
    %broadcast_in_dim3A_156 = vector.broadcast %broadcast_in_dim3A_155 : f32 to vector<16xf32>
    %swap3A_157 = arith.constant 6 : i32
    %swap3A_158 = arith.index_cast %swap3A_157 : i32 to index
    %swap3A_159 = arith.constant 32 : index
    %swap3A_160 = tpu.vector_load %arg6[%swap3A_158, %swap3A_159] {strides = array<i32>} : memref<8x64xf32, #tpu.memory_space<vmem>>, vector<16xf32>,
    tpu.vector_store %arg6[%swap3A_158, %swap3A_159], %broadcast_in_dim3A_156 {strides = array<i32>} : memref<8x64xf32, #tpu.memory_space<vmem>>, vector<16xf32>,
    %broadcast_in_dim3A_161 = arith.constant 0xFF800000 : f32
    %broadcast_in_dim3A_162 = vector.broadcast %broadcast_in_dim3A_161 : f32 to vector<16xf32>
    %swap3A_163 = arith.constant 6 : i32
    %swap3A_164 = arith.index_cast %swap3A_163 : i32 to index
    %swap3A_165 = arith.constant 48 : index
    %swap3A_166 = tpu.vector_load %arg6[%swap3A_164, %swap3A_165] {strides = array<i32>} : memref<8x64xf32, #tpu.memory_space<vmem>>, vector<16xf32>,
    tpu.vector_store %arg6[%swap3A_164, %swap3A_165], %broadcast_in_dim3A_162 {strides = array<i32>} : memref<8x64xf32, #tpu.memory_space<vmem>>, vector<16xf32>,
    %broadcast_in_dim3A_167 = arith.constant 0xFF800000 : f32
    %broadcast_in_dim3A_168 = vector.broadcast %broadcast_in_dim3A_167 : f32 to vector<16xf32>
    %swap3A_169 = arith.constant 7 : i32
    %swap3A_170 = arith.index_cast %swap3A_169 : i32 to index
    %swap3A_171 = arith.constant 0 : index
    %swap3A_172 = tpu.vector_load %arg6[%swap3A_170, %swap3A_171] {strides = array<i32>} : memref<8x64xf32, #tpu.memory_space<vmem>>, vector<16xf32>,
    tpu.vector_store %arg6[%swap3A_170, %swap3A_171], %broadcast_in_dim3A_168 {strides = array<i32>} : memref<8x64xf32, #tpu.memory_space<vmem>>, vector<16xf32>,
    %broadcast_in_dim3A_173 = arith.constant 0xFF800000 : f32
    %broadcast_in_dim3A_174 = vector.broadcast %broadcast_in_dim3A_173 : f32 to vector<16xf32>
    %swap3A_175 = arith.constant 7 : i32
    %swap3A_176 = arith.index_cast %swap3A_175 : i32 to index
    %swap3A_177 = arith.constant 16 : index
    %swap3A_178 = tpu.vector_load %arg6[%swap3A_176, %swap3A_177] {strides = array<i32>} : memref<8x64xf32, #tpu.memory_space<vmem>>, vector<16xf32>,
    tpu.vector_store %arg6[%swap3A_176, %swap3A_177], %broadcast_in_dim3A_174 {strides = array<i32>} : memref<8x64xf32, #tpu.memory_space<vmem>>, vector<16xf32>,
    %broadcast_in_dim3A_179 = arith.constant 0xFF800000 : f32
    %broadcast_in_dim3A_180 = vector.broadcast %broadcast_in_dim3A_179 : f32 to vector<16xf32>
    %swap3A_181 = arith.constant 7 : i32
    %swap3A_182 = arith.index_cast %swap3A_181 : i32 to index
    %swap3A_183 = arith.constant 32 : index
    %swap3A_184 = tpu.vector_load %arg6[%swap3A_182, %swap3A_183] {strides = array<i32>} : memref<8x64xf32, #tpu.memory_space<vmem>>, vector<16xf32>,
    tpu.vector_store %arg6[%swap3A_182, %swap3A_183], %broadcast_in_dim3A_180 {strides = array<i32>} : memref<8x64xf32, #tpu.memory_space<vmem>>, vector<16xf32>,
    %broadcast_in_dim3A_185 = arith.constant 0xFF800000 : f32
    %broadcast_in_dim3A_186 = vector.broadcast %broadcast_in_dim3A_185 : f32 to vector<16xf32>
    %swap3A_187 = arith.constant 7 : i32
    %swap3A_188 = arith.index_cast %swap3A_187 : i32 to index
    %swap3A_189 = arith.constant 48 : index
    %swap3A_190 = tpu.vector_load %arg6[%swap3A_188, %swap3A_189] {strides = array<i32>} : memref<8x64xf32, #tpu.memory_space<vmem>>, vector<16xf32>,
    tpu.vector_store %arg6[%swap3A_188, %swap3A_189], %broadcast_in_dim3A_186 {strides = array<i32>} : memref<8x64xf32, #tpu.memory_space<vmem>>, vector<16xf32>,
    %iota3A = tpu.iota {dimensions = array<i32: 0>} : vector<16xi32>
    %broadcast_in_dim3A_191 = arith.constant 0 : i32
    %broadcast_in_dim3A_192 = vector.broadcast %broadcast_in_dim3A_191 : i32 to vector<16xi32>
    %add3A_193 = arith.addi %iota3A, %broadcast_in_dim3A_192 : vector<16xi32>
    %broadcast_in_dim3A_194 = arith.constant 16 : i32
    %broadcast_in_dim3A_195 = vector.broadcast %broadcast_in_dim3A_194 : i32 to vector<16xi32>
    %add3A_196 = arith.addi %iota3A, %broadcast_in_dim3A_195 : vector<16xi32>
    %broadcast_in_dim3A_197 = arith.constant 32 : i32
    %broadcast_in_dim3A_198 = vector.broadcast %broadcast_in_dim3A_197 : i32 to vector<16xi32>
    %add3A_199 = arith.addi %iota3A, %broadcast_in_dim3A_198 : vector<16xi32>
    %broadcast_in_dim3A_200 = arith.constant 48 : i32
    %broadcast_in_dim3A_201 = vector.broadcast %broadcast_in_dim3A_200 : i32 to vector<16xi32>
    %add3A_202 = arith.addi %iota3A, %broadcast_in_dim3A_201 : vector<16xi32>
    %dma_start3A = arith.constant 0 : i32
    %dma_start3A_203 = arith.constant 0 : i32
    %dma_start3A_204 = tpu.memref_slice %arg2[%add3A, %dma_start3A, %dma_start3A_203] : memref<32x64x32768xf32, #tpu.memory_space<hbm>> -> memref<1x64x512xf32, #tpu.memory_space<hbm>>
    %dma_start3A_205 = tpu.memref_squeeze %dma_start3A_204 : memref<1x64x512xf32, #tpu.memory_space<hbm>> -> memref<64x512xf32, #tpu.memory_space<hbm>>
    %dma_start3A_206 = arith.constant 0 : i32
    %dma_start3A_207 = arith.constant 0 : i32
    %dma_start3A_208 = tpu.memref_slice %arg2[%add3A, %dma_start3A_206, %dma_start3A_207] : memref<32x64x32768xf32, #tpu.memory_space<hbm>> -> memref<1x64x512xf32, #tpu.memory_space<hbm>>
    %dma_start3A_209 = tpu.memref_squeeze %dma_start3A_208 : memref<1x64x512xf32, #tpu.memory_space<hbm>> -> memref<64x512xf32, #tpu.memory_space<hbm>>
    tpu.enqueue_dma source(%dma_start3A_209 : memref<64x512xf32, #tpu.memory_space<hbm>>) target(%arg4 : memref<64x512xf32, #tpu.memory_space<vmem>>) target_semaphore(%arg7 : memref<!tpu.dma_semaphore, #tpu.memory_space<semaphore_mem>>)
    %dma_start3A_210 = arith.constant 0 : i32
    %dma_start3A_211 = arith.constant 512 : i32
    %dma_start3A_212 = tpu.memref_slice %arg2[%add3A, %dma_start3A_210, %dma_start3A_211] : memref<32x64x32768xf32, #tpu.memory_space<hbm>> -> memref<1x64x512xf32, #tpu.memory_space<hbm>>
    %dma_start3A_213 = tpu.memref_squeeze %dma_start3A_212 : memref<1x64x512xf32, #tpu.memory_space<hbm>> -> memref<64x512xf32, #tpu.memory_space<hbm>>
    %dma_start3A_214 = arith.constant 0 : i32
    %dma_start3A_215 = arith.constant 512 : i32
    %dma_start3A_216 = tpu.memref_slice %arg2[%add3A, %dma_start3A_214, %dma_start3A_215] : memref<32x64x32768xf32, #tpu.memory_space<hbm>> -> memref<1x64x512xf32, #tpu.memory_space<hbm>>
    %dma_start3A_217 = tpu.memref_squeeze %dma_start3A_216 : memref<1x64x512xf32, #tpu.memory_space<hbm>> -> memref<64x512xf32, #tpu.memory_space<hbm>>
    tpu.enqueue_dma source(%dma_start3A_217 : memref<64x512xf32, #tpu.memory_space<hbm>>) target(%arg5 : memref<64x512xf32, #tpu.memory_space<vmem>>) target_semaphore(%arg8 : memref<!tpu.dma_semaphore, #tpu.memory_space<semaphore_mem>>)
    %broadcast_in_dim3A_218 = arith.constant 0xFF800000 : f32
    %broadcast_in_dim3A_219 = vector.broadcast %broadcast_in_dim3A_218 : f32 to vector<16xf32>
    %broadcast_in_dim3A_220 = arith.constant 0xFF800000 : f32
    %broadcast_in_dim3A_221 = vector.broadcast %broadcast_in_dim3A_220 : f32 to vector<16xf32>
    %broadcast_in_dim3A_222 = arith.constant 0xFF800000 : f32
    %broadcast_in_dim3A_223 = vector.broadcast %broadcast_in_dim3A_222 : f32 to vector<16xf32>
    %broadcast_in_dim3A_224 = arith.constant 0xFF800000 : f32
    %broadcast_in_dim3A_225 = vector.broadcast %broadcast_in_dim3A_224 : f32 to vector<16xf32>
    %scan3A = arith.constant 0 : i32
    %scan3A_226 = arith.constant 32 : i32
    %scan3A_227 = arith.addi %scan3A, %scan3A_226 : i32
    %scan3A_228 = arith.constant 1 : i32
    %scan3A_229:4 = scf.for %scan3A_231 = %scan3A to %scan3A_227 step %scan3A_228 iter_args(%scan3A_232 = %broadcast_in_dim3A_219, %scan3A_233 = %broadcast_in_dim3A_221, %scan3A_234 = %broadcast_in_dim3A_223, %scan3A_235 = %broadcast_in_dim3A_225) -> (vector<16xf32>, vector<16xf32>, vector<16xf32>, vector<16xf32>)  : i32 {
      %mul3A_236 = arith.constant 2 : i32
      %mul3A_237 = arith.muli %mul3A_236, %scan3A_231 : i32
      %mul3A_238 = arith.constant 512 : i32
      %mul3A_239 = arith.muli %mul3A_237, %mul3A_238 : i32
      %dma_wait3A = arith.constant 0 : i32
      %dma_wait3A_240 = tpu.memref_slice %arg2[%add3A, %dma_wait3A, %mul3A_239] : memref<32x64x32768xf32, #tpu.memory_space<hbm>> -> memref<1x64x512xf32, #tpu.memory_space<hbm>>
      %dma_wait3A_241 = tpu.memref_squeeze %dma_wait3A_240 : memref<1x64x512xf32, #tpu.memory_space<hbm>> -> memref<64x512xf32, #tpu.memory_space<hbm>>
      %dma_wait3A_242 = arith.constant 0 : i32
      %dma_wait3A_243 = tpu.memref_slice %arg2[%add3A, %dma_wait3A_242, %mul3A_239] : memref<32x64x32768xf32, #tpu.memory_space<hbm>> -> memref<1x64x512xf32, #tpu.memory_space<hbm>>
      %dma_wait3A_244 = tpu.memref_squeeze %dma_wait3A_243 : memref<1x64x512xf32, #tpu.memory_space<hbm>> -> memref<64x512xf32, #tpu.memory_space<hbm>>
      tpu.wait_dma2 semaphore(%arg7 : memref<!tpu.dma_semaphore, #tpu.memory_space<semaphore_mem>>) src(%dma_wait3A_244 : memref<64x512xf32, #tpu.memory_space<hbm>>) dst(%arg4 : memref<64x512xf32, #tpu.memory_space<vmem>>)
      %scan3A_245 = arith.constant 0 : i32
      %scan3A_246 = arith.constant 32 : i32
      %scan3A_247 = arith.addi %scan3A_245, %scan3A_246 : i32
      %scan3A_248 = arith.constant 1 : i32
      %scan3A_249:4 = scf.for %scan3A_278 = %scan3A_245 to %scan3A_247 step %scan3A_248 iter_args(%scan3A_279 = %scan3A_232, %scan3A_280 = %scan3A_233, %scan3A_281 = %scan3A_234, %scan3A_282 = %scan3A_235) -> (vector<16xf32>, vector<16xf32>, vector<16xf32>, vector<16xf32>)  : i32 {
        %mul3A_283 = arith.constant 16 : i32
        %mul3A_284 = arith.muli %scan3A_278, %mul3A_283 : i32
        %broadcast_in_dim3A_285 = arith.constant 0 : i32
        %broadcast_in_dim3A_286 = vector.broadcast %broadcast_in_dim3A_285 : i32 to vector<16xi32>
        %add3A_287 = arith.addi %iota3A, %broadcast_in_dim3A_286 : vector<16xi32>
        %broadcast_in_dim3A_288 = arith.constant 15 : i32
        %broadcast_in_dim3A_289 = vector.broadcast %broadcast_in_dim3A_288 : i32 to vector<16xi32>
        %and3A = arith.andi %add3A_287, %broadcast_in_dim3A_289 : vector<16xi32>
        %broadcast_in_dim3A_290 = vector.broadcast %mul3A_284 : i32 to vector<16xi32>
        %add3A_291 = arith.addi %and3A, %broadcast_in_dim3A_290 : vector<16xi32>
        %broadcast_in_dim3A_292 = arith.constant 1 : i32
        %broadcast_in_dim3A_293 = vector.broadcast %broadcast_in_dim3A_292 : i32 to vector<16xi32>
        %add3A_294 = arith.addi %iota3A, %broadcast_in_dim3A_293 : vector<16xi32>
        %broadcast_in_dim3A_295 = arith.constant 15 : i32
        %broadcast_in_dim3A_296 = vector.broadcast %broadcast_in_dim3A_295 : i32 to vector<16xi32>
        %and3A_297 = arith.andi %add3A_294, %broadcast_in_dim3A_296 : vector<16xi32>
        %broadcast_in_dim3A_298 = vector.broadcast %mul3A_284 : i32 to vector<16xi32>
        %add3A_299 = arith.addi %and3A_297, %broadcast_in_dim3A_298 : vector<16xi32>
        %gather3A = tpu.vector_load_idx %arg4[%add3A_193, %add3A_291] : memref<64x512xf32, #tpu.memory_space<vmem>>[vector<16xi32>, vector<16xi32>], vector<16xf32>,
        %gather3A_300 = tpu.vector_load_idx %arg4[%add3A_196, %add3A_291] : memref<64x512xf32, #tpu.memory_space<vmem>>[vector<16xi32>, vector<16xi32>], vector<16xf32>,
        %gather3A_301 = tpu.vector_load_idx %arg4[%add3A_199, %add3A_291] : memref<64x512xf32, #tpu.memory_space<vmem>>[vector<16xi32>, vector<16xi32>], vector<16xf32>,
        %gather3A_302 = tpu.vector_load_idx %arg4[%add3A_202, %add3A_291] : memref<64x512xf32, #tpu.memory_space<vmem>>[vector<16xi32>, vector<16xi32>], vector<16xf32>,
        %gather3A_303 = tpu.vector_load_idx %arg4[%add3A_193, %add3A_299] : memref<64x512xf32, #tpu.memory_space<vmem>>[vector<16xi32>, vector<16xi32>], vector<16xf32>,
        %gather3A_304 = tpu.vector_load_idx %arg4[%add3A_196, %add3A_299] : memref<64x512xf32, #tpu.memory_space<vmem>>[vector<16xi32>, vector<16xi32>], vector<16xf32>,
        %gather3A_305 = tpu.vector_load_idx %arg4[%add3A_199, %add3A_299] : memref<64x512xf32, #tpu.memory_space<vmem>>[vector<16xi32>, vector<16xi32>], vector<16xf32>,
        %gather3A_306 = tpu.vector_load_idx %arg4[%add3A_202, %add3A_299] : memref<64x512xf32, #tpu.memory_space<vmem>>[vector<16xi32>, vector<16xi32>], vector<16xf32>,
        %broadcast_in_dim3A_307 = arith.constant 2 : i32
        %broadcast_in_dim3A_308 = vector.broadcast %broadcast_in_dim3A_307 : i32 to vector<16xi32>
        %add3A_309 = arith.addi %iota3A, %broadcast_in_dim3A_308 : vector<16xi32>
        %broadcast_in_dim3A_310 = arith.constant 15 : i32
        %broadcast_in_dim3A_311 = vector.broadcast %broadcast_in_dim3A_310 : i32 to vector<16xi32>
        %and3A_312 = arith.andi %add3A_309, %broadcast_in_dim3A_311 : vector<16xi32>
        %broadcast_in_dim3A_313 = vector.broadcast %mul3A_284 : i32 to vector<16xi32>
        %add3A_314 = arith.addi %and3A_312, %broadcast_in_dim3A_313 : vector<16xi32>
        %broadcast_in_dim3A_315 = arith.constant 3 : i32
        %broadcast_in_dim3A_316 = vector.broadcast %broadcast_in_dim3A_315 : i32 to vector<16xi32>
        %add3A_317 = arith.addi %iota3A, %broadcast_in_dim3A_316 : vector<16xi32>
        %broadcast_in_dim3A_318 = arith.constant 15 : i32
        %broadcast_in_dim3A_319 = vector.broadcast %broadcast_in_dim3A_318 : i32 to vector<16xi32>
        %and3A_320 = arith.andi %add3A_317, %broadcast_in_dim3A_319 : vector<16xi32>
        %broadcast_in_dim3A_321 = vector.broadcast %mul3A_284 : i32 to vector<16xi32>
        %add3A_322 = arith.addi %and3A_320, %broadcast_in_dim3A_321 : vector<16xi32>
        %gather3A_323 = tpu.vector_load_idx %arg4[%add3A_193, %add3A_314] : memref<64x512xf32, #tpu.memory_space<vmem>>[vector<16xi32>, vector<16xi32>], vector<16xf32>,
        %max3A = arith.maximumf %gather3A, %gather3A_323 : vector<16xf32>
        %gather3A_324 = tpu.vector_load_idx %arg4[%add3A_193, %add3A_322] : memref<64x512xf32, #tpu.memory_space<vmem>>[vector<16xi32>, vector<16xi32>], vector<16xf32>,
        %max3A_325 = arith.maximumf %gather3A_303, %gather3A_324 : vector<16xf32>
        %gather3A_326 = tpu.vector_load_idx %arg4[%add3A_196, %add3A_314] : memref<64x512xf32, #tpu.memory_space<vmem>>[vector<16xi32>, vector<16xi32>], vector<16xf32>,
        %max3A_327 = arith.maximumf %gather3A_300, %gather3A_326 : vector<16xf32>
        %gather3A_328 = tpu.vector_load_idx %arg4[%add3A_196, %add3A_322] : memref<64x512xf32, #tpu.memory_space<vmem>>[vector<16xi32>, vector<16xi32>], vector<16xf32>,
        %max3A_329 = arith.maximumf %gather3A_304, %gather3A_328 : vector<16xf32>
        %gather3A_330 = tpu.vector_load_idx %arg4[%add3A_199, %add3A_314] : memref<64x512xf32, #tpu.memory_space<vmem>>[vector<16xi32>, vector<16xi32>], vector<16xf32>,
        %max3A_331 = arith.maximumf %gather3A_301, %gather3A_330 : vector<16xf32>
        %gather3A_332 = tpu.vector_load_idx %arg4[%add3A_199, %add3A_322] : memref<64x512xf32, #tpu.memory_space<vmem>>[vector<16xi32>, vector<16xi32>], vector<16xf32>,
        %max3A_333 = arith.maximumf %gather3A_305, %gather3A_332 : vector<16xf32>
        %gather3A_334 = tpu.vector_load_idx %arg4[%add3A_202, %add3A_314] : memref<64x512xf32, #tpu.memory_space<vmem>>[vector<16xi32>, vector<16xi32>], vector<16xf32>,
        %max3A_335 = arith.maximumf %gather3A_302, %gather3A_334 : vector<16xf32>
        %gather3A_336 = tpu.vector_load_idx %arg4[%add3A_202, %add3A_322] : memref<64x512xf32, #tpu.memory_space<vmem>>[vector<16xi32>, vector<16xi32>], vector<16xf32>,
        %max3A_337 = arith.maximumf %gather3A_306, %gather3A_336 : vector<16xf32>
        %broadcast_in_dim3A_338 = arith.constant 4 : i32
        %broadcast_in_dim3A_339 = vector.broadcast %broadcast_in_dim3A_338 : i32 to vector<16xi32>
        %add3A_340 = arith.addi %iota3A, %broadcast_in_dim3A_339 : vector<16xi32>
        %broadcast_in_dim3A_341 = arith.constant 15 : i32
        %broadcast_in_dim3A_342 = vector.broadcast %broadcast_in_dim3A_341 : i32 to vector<16xi32>
        %and3A_343 = arith.andi %add3A_340, %broadcast_in_dim3A_342 : vector<16xi32>
        %broadcast_in_dim3A_344 = vector.broadcast %mul3A_284 : i32 to vector<16xi32>
        %add3A_345 = arith.addi %and3A_343, %broadcast_in_dim3A_344 : vector<16xi32>
        %broadcast_in_dim3A_346 = arith.constant 5 : i32
        %broadcast_in_dim3A_347 = vector.broadcast %broadcast_in_dim3A_346 : i32 to vector<16xi32>
        %add3A_348 = arith.addi %iota3A, %broadcast_in_dim3A_347 : vector<16xi32>
        %broadcast_in_dim3A_349 = arith.constant 15 : i32
        %broadcast_in_dim3A_350 = vector.broadcast %broadcast_in_dim3A_349 : i32 to vector<16xi32>
        %and3A_351 = arith.andi %add3A_348, %broadcast_in_dim3A_350 : vector<16xi32>
        %broadcast_in_dim3A_352 = vector.broadcast %mul3A_284 : i32 to vector<16xi32>
        %add3A_353 = arith.addi %and3A_351, %broadcast_in_dim3A_352 : vector<16xi32>
        %gather3A_354 = tpu.vector_load_idx %arg4[%add3A_193, %add3A_345] : memref<64x512xf32, #tpu.memory_space<vmem>>[vector<16xi32>, vector<16xi32>], vector<16xf32>,
        %max3A_355 = arith.maximumf %max3A, %gather3A_354 : vector<16xf32>
        %gather3A_356 = tpu.vector_load_idx %arg4[%add3A_193, %add3A_353] : memref<64x512xf32, #tpu.memory_space<vmem>>[vector<16xi32>, vector<16xi32>], vector<16xf32>,
        %max3A_357 = arith.maximumf %max3A_325, %gather3A_356 : vector<16xf32>
        %gather3A_358 = tpu.vector_load_idx %arg4[%add3A_196, %add3A_345] : memref<64x512xf32, #tpu.memory_space<vmem>>[vector<16xi32>, vector<16xi32>], vector<16xf32>,
        %max3A_359 = arith.maximumf %max3A_327, %gather3A_358 : vector<16xf32>
        %gather3A_360 = tpu.vector_load_idx %arg4[%add3A_196, %add3A_353] : memref<64x512xf32, #tpu.memory_space<vmem>>[vector<16xi32>, vector<16xi32>], vector<16xf32>,
        %max3A_361 = arith.maximumf %max3A_329, %gather3A_360 : vector<16xf32>
        %gather3A_362 = tpu.vector_load_idx %arg4[%add3A_199, %add3A_345] : memref<64x512xf32, #tpu.memory_space<vmem>>[vector<16xi32>, vector<16xi32>], vector<16xf32>,
        %max3A_363 = arith.maximumf %max3A_331, %gather3A_362 : vector<16xf32>
        %gather3A_364 = tpu.vector_load_idx %arg4[%add3A_199, %add3A_353] : memref<64x512xf32, #tpu.memory_space<vmem>>[vector<16xi32>, vector<16xi32>], vector<16xf32>,
        %max3A_365 = arith.maximumf %max3A_333, %gather3A_364 : vector<16xf32>
        %gather3A_366 = tpu.vector_load_idx %arg4[%add3A_202, %add3A_345] : memref<64x512xf32, #tpu.memory_space<vmem>>[vector<16xi32>, vector<16xi32>], vector<16xf32>,
        %max3A_367 = arith.maximumf %max3A_335, %gather3A_366 : vector<16xf32>
        %gather3A_368 = tpu.vector_load_idx %arg4[%add3A_202, %add3A_353] : memref<64x512xf32, #tpu.memory_space<vmem>>[vector<16xi32>, vector<16xi32>], vector<16xf32>,
        %max3A_369 = arith.maximumf %max3A_337, %gather3A_368 : vector<16xf32>
        %broadcast_in_dim3A_370 = arith.constant 6 : i32
        %broadcast_in_dim3A_371 = vector.broadcast %broadcast_in_dim3A_370 : i32 to vector<16xi32>
        %add3A_372 = arith.addi %iota3A, %broadcast_in_dim3A_371 : vector<16xi32>
        %broadcast_in_dim3A_373 = arith.constant 15 : i32
        %broadcast_in_dim3A_374 = vector.broadcast %broadcast_in_dim3A_373 : i32 to vector<16xi32>
        %and3A_375 = arith.andi %add3A_372, %broadcast_in_dim3A_374 : vector<16xi32>
        %broadcast_in_dim3A_376 = vector.broadcast %mul3A_284 : i32 to vector<16xi32>
        %add3A_377 = arith.addi %and3A_375, %broadcast_in_dim3A_376 : vector<16xi32>
        %broadcast_in_dim3A_378 = arith.constant 7 : i32
        %broadcast_in_dim3A_379 = vector.broadcast %broadcast_in_dim3A_378 : i32 to vector<16xi32>
        %add3A_380 = arith.addi %iota3A, %broadcast_in_dim3A_379 : vector<16xi32>
        %broadcast_in_dim3A_381 = arith.constant 15 : i32
        %broadcast_in_dim3A_382 = vector.broadcast %broadcast_in_dim3A_381 : i32 to vector<16xi32>
        %and3A_383 = arith.andi %add3A_380, %broadcast_in_dim3A_382 : vector<16xi32>
        %broadcast_in_dim3A_384 = vector.broadcast %mul3A_284 : i32 to vector<16xi32>
        %add3A_385 = arith.addi %and3A_383, %broadcast_in_dim3A_384 : vector<16xi32>
        %gather3A_386 = tpu.vector_load_idx %arg4[%add3A_193, %add3A_377] : memref<64x512xf32, #tpu.memory_space<vmem>>[vector<16xi32>, vector<16xi32>], vector<16xf32>,
        %max3A_387 = arith.maximumf %max3A_355, %gather3A_386 : vector<16xf32>
        %gather3A_388 = tpu.vector_load_idx %arg4[%add3A_193, %add3A_385] : memref<64x512xf32, #tpu.memory_space<vmem>>[vector<16xi32>, vector<16xi32>], vector<16xf32>,
        %max3A_389 = arith.maximumf %max3A_357, %gather3A_388 : vector<16xf32>
        %gather3A_390 = tpu.vector_load_idx %arg4[%add3A_196, %add3A_377] : memref<64x512xf32, #tpu.memory_space<vmem>>[vector<16xi32>, vector<16xi32>], vector<16xf32>,
        %max3A_391 = arith.maximumf %max3A_359, %gather3A_390 : vector<16xf32>
        %gather3A_392 = tpu.vector_load_idx %arg4[%add3A_196, %add3A_385] : memref<64x512xf32, #tpu.memory_space<vmem>>[vector<16xi32>, vector<16xi32>], vector<16xf32>,
        %max3A_393 = arith.maximumf %max3A_361, %gather3A_392 : vector<16xf32>
        %gather3A_394 = tpu.vector_load_idx %arg4[%add3A_199, %add3A_377] : memref<64x512xf32, #tpu.memory_space<vmem>>[vector<16xi32>, vector<16xi32>], vector<16xf32>,
        %max3A_395 = arith.maximumf %max3A_363, %gather3A_394 : vector<16xf32>
        %gather3A_396 = tpu.vector_load_idx %arg4[%add3A_199, %add3A_385] : memref<64x512xf32, #tpu.memory_space<vmem>>[vector<16xi32>, vector<16xi32>], vector<16xf32>,
        %max3A_397 = arith.maximumf %max3A_365, %gather3A_396 : vector<16xf32>
        %gather3A_398 = tpu.vector_load_idx %arg4[%add3A_202, %add3A_377] : memref<64x512xf32, #tpu.memory_space<vmem>>[vector<16xi32>, vector<16xi32>], vector<16xf32>,
        %max3A_399 = arith.maximumf %max3A_367, %gather3A_398 : vector<16xf32>
        %gather3A_400 = tpu.vector_load_idx %arg4[%add3A_202, %add3A_385] : memref<64x512xf32, #tpu.memory_space<vmem>>[vector<16xi32>, vector<16xi32>], vector<16xf32>,
        %max3A_401 = arith.maximumf %max3A_369, %gather3A_400 : vector<16xf32>
        %broadcast_in_dim3A_402 = arith.constant 8 : i32
        %broadcast_in_dim3A_403 = vector.broadcast %broadcast_in_dim3A_402 : i32 to vector<16xi32>
        %add3A_404 = arith.addi %iota3A, %broadcast_in_dim3A_403 : vector<16xi32>
        %broadcast_in_dim3A_405 = arith.constant 15 : i32
        %broadcast_in_dim3A_406 = vector.broadcast %broadcast_in_dim3A_405 : i32 to vector<16xi32>
        %and3A_407 = arith.andi %add3A_404, %broadcast_in_dim3A_406 : vector<16xi32>
        %broadcast_in_dim3A_408 = vector.broadcast %mul3A_284 : i32 to vector<16xi32>
        %add3A_409 = arith.addi %and3A_407, %broadcast_in_dim3A_408 : vector<16xi32>
        %broadcast_in_dim3A_410 = arith.constant 9 : i32
        %broadcast_in_dim3A_411 = vector.broadcast %broadcast_in_dim3A_410 : i32 to vector<16xi32>
        %add3A_412 = arith.addi %iota3A, %broadcast_in_dim3A_411 : vector<16xi32>
        %broadcast_in_dim3A_413 = arith.constant 15 : i32
        %broadcast_in_dim3A_414 = vector.broadcast %broadcast_in_dim3A_413 : i32 to vector<16xi32>
        %and3A_415 = arith.andi %add3A_412, %broadcast_in_dim3A_414 : vector<16xi32>
        %broadcast_in_dim3A_416 = vector.broadcast %mul3A_284 : i32 to vector<16xi32>
        %add3A_417 = arith.addi %and3A_415, %broadcast_in_dim3A_416 : vector<16xi32>
        %gather3A_418 = tpu.vector_load_idx %arg4[%add3A_193, %add3A_409] : memref<64x512xf32, #tpu.memory_space<vmem>>[vector<16xi32>, vector<16xi32>], vector<16xf32>,
        %max3A_419 = arith.maximumf %max3A_387, %gather3A_418 : vector<16xf32>
        %gather3A_420 = tpu.vector_load_idx %arg4[%add3A_193, %add3A_417] : memref<64x512xf32, #tpu.memory_space<vmem>>[vector<16xi32>, vector<16xi32>], vector<16xf32>,
        %max3A_421 = arith.maximumf %max3A_389, %gather3A_420 : vector<16xf32>
        %gather3A_422 = tpu.vector_load_idx %arg4[%add3A_196, %add3A_409] : memref<64x512xf32, #tpu.memory_space<vmem>>[vector<16xi32>, vector<16xi32>], vector<16xf32>,
        %max3A_423 = arith.maximumf %max3A_391, %gather3A_422 : vector<16xf32>
        %gather3A_424 = tpu.vector_load_idx %arg4[%add3A_196, %add3A_417] : memref<64x512xf32, #tpu.memory_space<vmem>>[vector<16xi32>, vector<16xi32>], vector<16xf32>,
        %max3A_425 = arith.maximumf %max3A_393, %gather3A_424 : vector<16xf32>
        %gather3A_426 = tpu.vector_load_idx %arg4[%add3A_199, %add3A_409] : memref<64x512xf32, #tpu.memory_space<vmem>>[vector<16xi32>, vector<16xi32>], vector<16xf32>,
        %max3A_427 = arith.maximumf %max3A_395, %gather3A_426 : vector<16xf32>
        %gather3A_428 = tpu.vector_load_idx %arg4[%add3A_199, %add3A_417] : memref<64x512xf32, #tpu.memory_space<vmem>>[vector<16xi32>, vector<16xi32>], vector<16xf32>,
        %max3A_429 = arith.maximumf %max3A_397, %gather3A_428 : vector<16xf32>
        %gather3A_430 = tpu.vector_load_idx %arg4[%add3A_202, %add3A_409] : memref<64x512xf32, #tpu.memory_space<vmem>>[vector<16xi32>, vector<16xi32>], vector<16xf32>,
        %max3A_431 = arith.maximumf %max3A_399, %gather3A_430 : vector<16xf32>
        %gather3A_432 = tpu.vector_load_idx %arg4[%add3A_202, %add3A_417] : memref<64x512xf32, #tpu.memory_space<vmem>>[vector<16xi32>, vector<16xi32>], vector<16xf32>,
        %max3A_433 = arith.maximumf %max3A_401, %gather3A_432 : vector<16xf32>
        %broadcast_in_dim3A_434 = arith.constant 10 : i32
        %broadcast_in_dim3A_435 = vector.broadcast %broadcast_in_dim3A_434 : i32 to vector<16xi32>
        %add3A_436 = arith.addi %iota3A, %broadcast_in_dim3A_435 : vector<16xi32>
        %broadcast_in_dim3A_437 = arith.constant 15 : i32
        %broadcast_in_dim3A_438 = vector.broadcast %broadcast_in_dim3A_437 : i32 to vector<16xi32>
        %and3A_439 = arith.andi %add3A_436, %broadcast_in_dim3A_438 : vector<16xi32>
        %broadcast_in_dim3A_440 = vector.broadcast %mul3A_284 : i32 to vector<16xi32>
        %add3A_441 = arith.addi %and3A_439, %broadcast_in_dim3A_440 : vector<16xi32>
        %broadcast_in_dim3A_442 = arith.constant 11 : i32
        %broadcast_in_dim3A_443 = vector.broadcast %broadcast_in_dim3A_442 : i32 to vector<16xi32>
        %add3A_444 = arith.addi %iota3A, %broadcast_in_dim3A_443 : vector<16xi32>
        %broadcast_in_dim3A_445 = arith.constant 15 : i32
        %broadcast_in_dim3A_446 = vector.broadcast %broadcast_in_dim3A_445 : i32 to vector<16xi32>
        %and3A_447 = arith.andi %add3A_444, %broadcast_in_dim3A_446 : vector<16xi32>
        %broadcast_in_dim3A_448 = vector.broadcast %mul3A_284 : i32 to vector<16xi32>
        %add3A_449 = arith.addi %and3A_447, %broadcast_in_dim3A_448 : vector<16xi32>
        %gather3A_450 = tpu.vector_load_idx %arg4[%add3A_193, %add3A_441] : memref<64x512xf32, #tpu.memory_space<vmem>>[vector<16xi32>, vector<16xi32>], vector<16xf32>,
        %max3A_451 = arith.maximumf %max3A_419, %gather3A_450 : vector<16xf32>
        %gather3A_452 = tpu.vector_load_idx %arg4[%add3A_193, %add3A_449] : memref<64x512xf32, #tpu.memory_space<vmem>>[vector<16xi32>, vector<16xi32>], vector<16xf32>,
        %max3A_453 = arith.maximumf %max3A_421, %gather3A_452 : vector<16xf32>
        %gather3A_454 = tpu.vector_load_idx %arg4[%add3A_196, %add3A_441] : memref<64x512xf32, #tpu.memory_space<vmem>>[vector<16xi32>, vector<16xi32>], vector<16xf32>,
        %max3A_455 = arith.maximumf %max3A_423, %gather3A_454 : vector<16xf32>
        %gather3A_456 = tpu.vector_load_idx %arg4[%add3A_196, %add3A_449] : memref<64x512xf32, #tpu.memory_space<vmem>>[vector<16xi32>, vector<16xi32>], vector<16xf32>,
        %max3A_457 = arith.maximumf %max3A_425, %gather3A_456 : vector<16xf32>
        %gather3A_458 = tpu.vector_load_idx %arg4[%add3A_199, %add3A_441] : memref<64x512xf32, #tpu.memory_space<vmem>>[vector<16xi32>, vector<16xi32>], vector<16xf32>,
        %max3A_459 = arith.maximumf %max3A_427, %gather3A_458 : vector<16xf32>
        %gather3A_460 = tpu.vector_load_idx %arg4[%add3A_199, %add3A_449] : memref<64x512xf32, #tpu.memory_space<vmem>>[vector<16xi32>, vector<16xi32>], vector<16xf32>,
        %max3A_461 = arith.maximumf %max3A_429, %gather3A_460 : vector<16xf32>
        %gather3A_462 = tpu.vector_load_idx %arg4[%add3A_202, %add3A_441] : memref<64x512xf32, #tpu.memory_space<vmem>>[vector<16xi32>, vector<16xi32>], vector<16xf32>,
        %max3A_463 = arith.maximumf %max3A_431, %gather3A_462 : vector<16xf32>
        %gather3A_464 = tpu.vector_load_idx %arg4[%add3A_202, %add3A_449] : memref<64x512xf32, #tpu.memory_space<vmem>>[vector<16xi32>, vector<16xi32>], vector<16xf32>,
        %max3A_465 = arith.maximumf %max3A_433, %gather3A_464 : vector<16xf32>
        %broadcast_in_dim3A_466 = arith.constant 12 : i32
        %broadcast_in_dim3A_467 = vector.broadcast %broadcast_in_dim3A_466 : i32 to vector<16xi32>
        %add3A_468 = arith.addi %iota3A, %broadcast_in_dim3A_467 : vector<16xi32>
        %broadcast_in_dim3A_469 = arith.constant 15 : i32
        %broadcast_in_dim3A_470 = vector.broadcast %broadcast_in_dim3A_469 : i32 to vector<16xi32>
        %and3A_471 = arith.andi %add3A_468, %broadcast_in_dim3A_470 : vector<16xi32>
        %broadcast_in_dim3A_472 = vector.broadcast %mul3A_284 : i32 to vector<16xi32>
        %add3A_473 = arith.addi %and3A_471, %broadcast_in_dim3A_472 : vector<16xi32>
        %broadcast_in_dim3A_474 = arith.constant 13 : i32
        %broadcast_in_dim3A_475 = vector.broadcast %broadcast_in_dim3A_474 : i32 to vector<16xi32>
        %add3A_476 = arith.addi %iota3A, %broadcast_in_dim3A_475 : vector<16xi32>
        %broadcast_in_dim3A_477 = arith.constant 15 : i32
        %broadcast_in_dim3A_478 = vector.broadcast %broadcast_in_dim3A_477 : i32 to vector<16xi32>
        %and3A_479 = arith.andi %add3A_476, %broadcast_in_dim3A_478 : vector<16xi32>
        %broadcast_in_dim3A_480 = vector.broadcast %mul3A_284 : i32 to vector<16xi32>
        %add3A_481 = arith.addi %and3A_479, %broadcast_in_dim3A_480 : vector<16xi32>
        %gather3A_482 = tpu.vector_load_idx %arg4[%add3A_193, %add3A_473] : memref<64x512xf32, #tpu.memory_space<vmem>>[vector<16xi32>, vector<16xi32>], vector<16xf32>,
        %max3A_483 = arith.maximumf %max3A_451, %gather3A_482 : vector<16xf32>
        %gather3A_484 = tpu.vector_load_idx %arg4[%add3A_193, %add3A_481] : memref<64x512xf32, #tpu.memory_space<vmem>>[vector<16xi32>, vector<16xi32>], vector<16xf32>,
        %max3A_485 = arith.maximumf %max3A_453, %gather3A_484 : vector<16xf32>
        %gather3A_486 = tpu.vector_load_idx %arg4[%add3A_196, %add3A_473] : memref<64x512xf32, #tpu.memory_space<vmem>>[vector<16xi32>, vector<16xi32>], vector<16xf32>,
        %max3A_487 = arith.maximumf %max3A_455, %gather3A_486 : vector<16xf32>
        %gather3A_488 = tpu.vector_load_idx %arg4[%add3A_196, %add3A_481] : memref<64x512xf32, #tpu.memory_space<vmem>>[vector<16xi32>, vector<16xi32>], vector<16xf32>,
        %max3A_489 = arith.maximumf %max3A_457, %gather3A_488 : vector<16xf32>
        %gather3A_490 = tpu.vector_load_idx %arg4[%add3A_199, %add3A_473] : memref<64x512xf32, #tpu.memory_space<vmem>>[vector<16xi32>, vector<16xi32>], vector<16xf32>,
        %max3A_491 = arith.maximumf %max3A_459, %gather3A_490 : vector<16xf32>
        %gather3A_492 = tpu.vector_load_idx %arg4[%add3A_199, %add3A_481] : memref<64x512xf32, #tpu.memory_space<vmem>>[vector<16xi32>, vector<16xi32>], vector<16xf32>,
        %max3A_493 = arith.maximumf %max3A_461, %gather3A_492 : vector<16xf32>
        %gather3A_494 = tpu.vector_load_idx %arg4[%add3A_202, %add3A_473] : memref<64x512xf32, #tpu.memory_space<vmem>>[vector<16xi32>, vector<16xi32>], vector<16xf32>,
        %max3A_495 = arith.maximumf %max3A_463, %gather3A_494 : vector<16xf32>
        %gather3A_496 = tpu.vector_load_idx %arg4[%add3A_202, %add3A_481] : memref<64x512xf32, #tpu.memory_space<vmem>>[vector<16xi32>, vector<16xi32>], vector<16xf32>,
        %max3A_497 = arith.maximumf %max3A_465, %gather3A_496 : vector<16xf32>
        %broadcast_in_dim3A_498 = arith.constant 14 : i32
        %broadcast_in_dim3A_499 = vector.broadcast %broadcast_in_dim3A_498 : i32 to vector<16xi32>
        %add3A_500 = arith.addi %iota3A, %broadcast_in_dim3A_499 : vector<16xi32>
        %broadcast_in_dim3A_501 = arith.constant 15 : i32
        %broadcast_in_dim3A_502 = vector.broadcast %broadcast_in_dim3A_501 : i32 to vector<16xi32>
        %and3A_503 = arith.andi %add3A_500, %broadcast_in_dim3A_502 : vector<16xi32>
        %broadcast_in_dim3A_504 = vector.broadcast %mul3A_284 : i32 to vector<16xi32>
        %add3A_505 = arith.addi %and3A_503, %broadcast_in_dim3A_504 : vector<16xi32>
        %broadcast_in_dim3A_506 = arith.constant 15 : i32
        %broadcast_in_dim3A_507 = vector.broadcast %broadcast_in_dim3A_506 : i32 to vector<16xi32>
        %add3A_508 = arith.addi %iota3A, %broadcast_in_dim3A_507 : vector<16xi32>
        %broadcast_in_dim3A_509 = arith.constant 15 : i32
        %broadcast_in_dim3A_510 = vector.broadcast %broadcast_in_dim3A_509 : i32 to vector<16xi32>
        %and3A_511 = arith.andi %add3A_508, %broadcast_in_dim3A_510 : vector<16xi32>
        %broadcast_in_dim3A_512 = vector.broadcast %mul3A_284 : i32 to vector<16xi32>
        %add3A_513 = arith.addi %and3A_511, %broadcast_in_dim3A_512 : vector<16xi32>
        %gather3A_514 = tpu.vector_load_idx %arg4[%add3A_193, %add3A_505] : memref<64x512xf32, #tpu.memory_space<vmem>>[vector<16xi32>, vector<16xi32>], vector<16xf32>,
        %max3A_515 = arith.maximumf %max3A_483, %gather3A_514 : vector<16xf32>
        %gather3A_516 = tpu.vector_load_idx %arg4[%add3A_193, %add3A_513] : memref<64x512xf32, #tpu.memory_space<vmem>>[vector<16xi32>, vector<16xi32>], vector<16xf32>,
        %max3A_517 = arith.maximumf %max3A_485, %gather3A_516 : vector<16xf32>
        %gather3A_518 = tpu.vector_load_idx %arg4[%add3A_196, %add3A_505] : memref<64x512xf32, #tpu.memory_space<vmem>>[vector<16xi32>, vector<16xi32>], vector<16xf32>,
        %max3A_519 = arith.maximumf %max3A_487, %gather3A_518 : vector<16xf32>
        %gather3A_520 = tpu.vector_load_idx %arg4[%add3A_196, %add3A_513] : memref<64x512xf32, #tpu.memory_space<vmem>>[vector<16xi32>, vector<16xi32>], vector<16xf32>,
        %max3A_521 = arith.maximumf %max3A_489, %gather3A_520 : vector<16xf32>
        %gather3A_522 = tpu.vector_load_idx %arg4[%add3A_199, %add3A_505] : memref<64x512xf32, #tpu.memory_space<vmem>>[vector<16xi32>, vector<16xi32>], vector<16xf32>,
        %max3A_523 = arith.maximumf %max3A_491, %gather3A_522 : vector<16xf32>
        %gather3A_524 = tpu.vector_load_idx %arg4[%add3A_199, %add3A_513] : memref<64x512xf32, #tpu.memory_space<vmem>>[vector<16xi32>, vector<16xi32>], vector<16xf32>,
        %max3A_525 = arith.maximumf %max3A_493, %gather3A_524 : vector<16xf32>
        %gather3A_526 = tpu.vector_load_idx %arg4[%add3A_202, %add3A_505] : memref<64x512xf32, #tpu.memory_space<vmem>>[vector<16xi32>, vector<16xi32>], vector<16xf32>,
        %max3A_527 = arith.maximumf %max3A_495, %gather3A_526 : vector<16xf32>
        %gather3A_528 = tpu.vector_load_idx %arg4[%add3A_202, %add3A_513] : memref<64x512xf32, #tpu.memory_space<vmem>>[vector<16xi32>, vector<16xi32>], vector<16xf32>,
        %max3A_529 = arith.maximumf %max3A_497, %gather3A_528 : vector<16xf32>
        %max3A_530 = arith.maximumf %max3A_515, %max3A_517 : vector<16xf32>
        %gt3A = arith.cmpf ogt, %max3A_530, %scan3A_279 : vector<16xf32>
        %max3A_531 = arith.maximumf %max3A_519, %max3A_521 : vector<16xf32>
        %gt3A_532 = arith.cmpf ogt, %max3A_531, %scan3A_280 : vector<16xf32>
        %max3A_533 = arith.maximumf %max3A_523, %max3A_525 : vector<16xf32>
        %gt3A_534 = arith.cmpf ogt, %max3A_533, %scan3A_281 : vector<16xf32>
        %max3A_535 = arith.maximumf %max3A_527, %max3A_529 : vector<16xf32>
        %gt3A_536 = arith.cmpf ogt, %max3A_535, %scan3A_282 : vector<16xf32>
        %or3A = arith.ori %gt3A, %gt3A_532 : vector<16xi1>
        %or3A_537 = arith.ori %gt3A_534, %gt3A_536 : vector<16xi1>
        %or3A_538 = arith.ori %or3A, %or3A_537 : vector<16xi1>
        %reduce_or3A = arith.constant 1.000000e+00 : f32
        %reduce_or3A_539 = arith.constant 0.000000e+00 : f32
        %reduce_or3A_540 = vector.broadcast %reduce_or3A : f32 to vector<16xf32>
        %reduce_or3A_541 = vector.broadcast %reduce_or3A_539 : f32 to vector<16xf32>
        %reduce_or3A_542 = arith.select %or3A_538, %reduce_or3A_540, %reduce_or3A_541 : vector<16xi1>, vector<16xf32>
        %reduce_or3A_543 = arith.constant true
        %reduce_or3A_544 = vector.broadcast %reduce_or3A_543 : i1 to vector<16xi1>
        %reduce_or3A_545 = tpu.scan <max>, %reduce_or3A_542 masked %reduce_or3A_544 : vector<16xf32>, vector<16xi1> -> vector<16xf32>
        %reduce_or3A_546 = vector.extract %reduce_or3A_545[15] : f32 from vector<16xf32>
        %reduce_or3A_547 = arith.constant 0.000000e+00 : f32
        %reduce_or3A_548 = arith.cmpf ogt, %reduce_or3A_546, %reduce_or3A_547 : f32
        %convert_element_type3A_549 = arith.extui %reduce_or3A_548 : i1 to i32
        %cond3A_550 = arith.constant 0 : i32
        %cond3A_551 = arith.cmpi ne, %convert_element_type3A_549, %cond3A_550 : i32
        %cond3A_552:4 = scf.if %cond3A_551 -> (vector<16xf32>, vector<16xf32>, vector<16xf32>, vector<16xf32>) {
          %broadcast_in_dim3A_553 = arith.constant 0 : i32
          %broadcast_in_dim3A_554 = vector.broadcast %broadcast_in_dim3A_553 : i32 to vector<16xi32>
          %add3A_555 = arith.addi %iota3A, %broadcast_in_dim3A_554 : vector<16xi32>
          %broadcast_in_dim3A_556 = arith.constant 15 : i32
          %broadcast_in_dim3A_557 = vector.broadcast %broadcast_in_dim3A_556 : i32 to vector<16xi32>
          %and3A_558 = arith.andi %add3A_555, %broadcast_in_dim3A_557 : vector<16xi32>
          %broadcast_in_dim3A_559 = vector.broadcast %mul3A_284 : i32 to vector<16xi32>
          %add3A_560 = arith.addi %and3A_558, %broadcast_in_dim3A_559 : vector<16xi32>
          %gather3A_561 = tpu.vector_load_idx %arg4[%add3A_193, %add3A_560] : memref<64x512xf32, #tpu.memory_space<vmem>>[vector<16xi32>, vector<16xi32>], vector<16xf32>,
          %broadcast_in_dim3A_562 = arith.constant 1 : i32
          %broadcast_in_dim3A_563 = vector.broadcast %broadcast_in_dim3A_562 : i32 to vector<16xi32>
          %add3A_564 = arith.addi %iota3A, %broadcast_in_dim3A_563 : vector<16xi32>
          %broadcast_in_dim3A_565 = arith.constant 15 : i32
          %broadcast_in_dim3A_566 = vector.broadcast %broadcast_in_dim3A_565 : i32 to vector<16xi32>
          %and3A_567 = arith.andi %add3A_564, %broadcast_in_dim3A_566 : vector<16xi32>
          %broadcast_in_dim3A_568 = vector.broadcast %mul3A_284 : i32 to vector<16xi32>
          %add3A_569 = arith.addi %and3A_567, %broadcast_in_dim3A_568 : vector<16xi32>
          %gather3A_570 = tpu.vector_load_idx %arg4[%add3A_193, %add3A_569] : memref<64x512xf32, #tpu.memory_space<vmem>>[vector<16xi32>, vector<16xi32>], vector<16xf32>,
          %broadcast_in_dim3A_571 = arith.constant 2 : i32
          %broadcast_in_dim3A_572 = vector.broadcast %broadcast_in_dim3A_571 : i32 to vector<16xi32>
          %add3A_573 = arith.addi %iota3A, %broadcast_in_dim3A_572 : vector<16xi32>
          %broadcast_in_dim3A_574 = arith.constant 15 : i32
          %broadcast_in_dim3A_575 = vector.broadcast %broadcast_in_dim3A_574 : i32 to vector<16xi32>
          %and3A_576 = arith.andi %add3A_573, %broadcast_in_dim3A_575 : vector<16xi32>
          %broadcast_in_dim3A_577 = vector.broadcast %mul3A_284 : i32 to vector<16xi32>
          %add3A_578 = arith.addi %and3A_576, %broadcast_in_dim3A_577 : vector<16xi32>
          %gather3A_579 = tpu.vector_load_idx %arg4[%add3A_193, %add3A_578] : memref<64x512xf32, #tpu.memory_space<vmem>>[vector<16xi32>, vector<16xi32>], vector<16xf32>,
          %broadcast_in_dim3A_580 = arith.constant 3 : i32
          %broadcast_in_dim3A_581 = vector.broadcast %broadcast_in_dim3A_580 : i32 to vector<16xi32>
          %add3A_582 = arith.addi %iota3A, %broadcast_in_dim3A_581 : vector<16xi32>
          %broadcast_in_dim3A_583 = arith.constant 15 : i32
          %broadcast_in_dim3A_584 = vector.broadcast %broadcast_in_dim3A_583 : i32 to vector<16xi32>
          %and3A_585 = arith.andi %add3A_582, %broadcast_in_dim3A_584 : vector<16xi32>
          %broadcast_in_dim3A_586 = vector.broadcast %mul3A_284 : i32 to vector<16xi32>
          %add3A_587 = arith.addi %and3A_585, %broadcast_in_dim3A_586 : vector<16xi32>
          %gather3A_588 = tpu.vector_load_idx %arg4[%add3A_193, %add3A_587] : memref<64x512xf32, #tpu.memory_space<vmem>>[vector<16xi32>, vector<16xi32>], vector<16xf32>,
          %broadcast_in_dim3A_589 = arith.constant 4 : i32
          %broadcast_in_dim3A_590 = vector.broadcast %broadcast_in_dim3A_589 : i32 to vector<16xi32>
          %add3A_591 = arith.addi %iota3A, %broadcast_in_dim3A_590 : vector<16xi32>
          %broadcast_in_dim3A_592 = arith.constant 15 : i32
          %broadcast_in_dim3A_593 = vector.broadcast %broadcast_in_dim3A_592 : i32 to vector<16xi32>
          %and3A_594 = arith.andi %add3A_591, %broadcast_in_dim3A_593 : vector<16xi32>
          %broadcast_in_dim3A_595 = vector.broadcast %mul3A_284 : i32 to vector<16xi32>
          %add3A_596 = arith.addi %and3A_594, %broadcast_in_dim3A_595 : vector<16xi32>
          %gather3A_597 = tpu.vector_load_idx %arg4[%add3A_193, %add3A_596] : memref<64x512xf32, #tpu.memory_space<vmem>>[vector<16xi32>, vector<16xi32>], vector<16xf32>,
          %broadcast_in_dim3A_598 = arith.constant 5 : i32
          %broadcast_in_dim3A_599 = vector.broadcast %broadcast_in_dim3A_598 : i32 to vector<16xi32>
          %add3A_600 = arith.addi %iota3A, %broadcast_in_dim3A_599 : vector<16xi32>
          %broadcast_in_dim3A_601 = arith.constant 15 : i32
          %broadcast_in_dim3A_602 = vector.broadcast %broadcast_in_dim3A_601 : i32 to vector<16xi32>
          %and3A_603 = arith.andi %add3A_600, %broadcast_in_dim3A_602 : vector<16xi32>
          %broadcast_in_dim3A_604 = vector.broadcast %mul3A_284 : i32 to vector<16xi32>
          %add3A_605 = arith.addi %and3A_603, %broadcast_in_dim3A_604 : vector<16xi32>
          %gather3A_606 = tpu.vector_load_idx %arg4[%add3A_193, %add3A_605] : memref<64x512xf32, #tpu.memory_space<vmem>>[vector<16xi32>, vector<16xi32>], vector<16xf32>,
          %broadcast_in_dim3A_607 = arith.constant 6 : i32
          %broadcast_in_dim3A_608 = vector.broadcast %broadcast_in_dim3A_607 : i32 to vector<16xi32>
          %add3A_609 = arith.addi %iota3A, %broadcast_in_dim3A_608 : vector<16xi32>
          %broadcast_in_dim3A_610 = arith.constant 15 : i32
          %broadcast_in_dim3A_611 = vector.broadcast %broadcast_in_dim3A_610 : i32 to vector<16xi32>
          %and3A_612 = arith.andi %add3A_609, %broadcast_in_dim3A_611 : vector<16xi32>
          %broadcast_in_dim3A_613 = vector.broadcast %mul3A_284 : i32 to vector<16xi32>
          %add3A_614 = arith.addi %and3A_612, %broadcast_in_dim3A_613 : vector<16xi32>
          %gather3A_615 = tpu.vector_load_idx %arg4[%add3A_193, %add3A_614] : memref<64x512xf32, #tpu.memory_space<vmem>>[vector<16xi32>, vector<16xi32>], vector<16xf32>,
          %broadcast_in_dim3A_616 = arith.constant 7 : i32
          %broadcast_in_dim3A_617 = vector.broadcast %broadcast_in_dim3A_616 : i32 to vector<16xi32>
          %add3A_618 = arith.addi %iota3A, %broadcast_in_dim3A_617 : vector<16xi32>
          %broadcast_in_dim3A_619 = arith.constant 15 : i32
          %broadcast_in_dim3A_620 = vector.broadcast %broadcast_in_dim3A_619 : i32 to vector<16xi32>
          %and3A_621 = arith.andi %add3A_618, %broadcast_in_dim3A_620 : vector<16xi32>
          %broadcast_in_dim3A_622 = vector.broadcast %mul3A_284 : i32 to vector<16xi32>
          %add3A_623 = arith.addi %and3A_621, %broadcast_in_dim3A_622 : vector<16xi32>
          %gather3A_624 = tpu.vector_load_idx %arg4[%add3A_193, %add3A_623] : memref<64x512xf32, #tpu.memory_space<vmem>>[vector<16xi32>, vector<16xi32>], vector<16xf32>,
          %broadcast_in_dim3A_625 = arith.constant 8 : i32
          %broadcast_in_dim3A_626 = vector.broadcast %broadcast_in_dim3A_625 : i32 to vector<16xi32>
          %add3A_627 = arith.addi %iota3A, %broadcast_in_dim3A_626 : vector<16xi32>
          %broadcast_in_dim3A_628 = arith.constant 15 : i32
          %broadcast_in_dim3A_629 = vector.broadcast %broadcast_in_dim3A_628 : i32 to vector<16xi32>
          %and3A_630 = arith.andi %add3A_627, %broadcast_in_dim3A_629 : vector<16xi32>
          %broadcast_in_dim3A_631 = vector.broadcast %mul3A_284 : i32 to vector<16xi32>
          %add3A_632 = arith.addi %and3A_630, %broadcast_in_dim3A_631 : vector<16xi32>
          %gather3A_633 = tpu.vector_load_idx %arg4[%add3A_193, %add3A_632] : memref<64x512xf32, #tpu.memory_space<vmem>>[vector<16xi32>, vector<16xi32>], vector<16xf32>,
          %broadcast_in_dim3A_634 = arith.constant 9 : i32
          %broadcast_in_dim3A_635 = vector.broadcast %broadcast_in_dim3A_634 : i32 to vector<16xi32>
          %add3A_636 = arith.addi %iota3A, %broadcast_in_dim3A_635 : vector<16xi32>
          %broadcast_in_dim3A_637 = arith.constant 15 : i32
          %broadcast_in_dim3A_638 = vector.broadcast %broadcast_in_dim3A_637 : i32 to vector<16xi32>
          %and3A_639 = arith.andi %add3A_636, %broadcast_in_dim3A_638 : vector<16xi32>
          %broadcast_in_dim3A_640 = vector.broadcast %mul3A_284 : i32 to vector<16xi32>
          %add3A_641 = arith.addi %and3A_639, %broadcast_in_dim3A_640 : vector<16xi32>
          %gather3A_642 = tpu.vector_load_idx %arg4[%add3A_193, %add3A_641] : memref<64x512xf32, #tpu.memory_space<vmem>>[vector<16xi32>, vector<16xi32>], vector<16xf32>,
          %broadcast_in_dim3A_643 = arith.constant 10 : i32
          %broadcast_in_dim3A_644 = vector.broadcast %broadcast_in_dim3A_643 : i32 to vector<16xi32>
          %add3A_645 = arith.addi %iota3A, %broadcast_in_dim3A_644 : vector<16xi32>
          %broadcast_in_dim3A_646 = arith.constant 15 : i32
          %broadcast_in_dim3A_647 = vector.broadcast %broadcast_in_dim3A_646 : i32 to vector<16xi32>
          %and3A_648 = arith.andi %add3A_645, %broadcast_in_dim3A_647 : vector<16xi32>
          %broadcast_in_dim3A_649 = vector.broadcast %mul3A_284 : i32 to vector<16xi32>
          %add3A_650 = arith.addi %and3A_648, %broadcast_in_dim3A_649 : vector<16xi32>
          %gather3A_651 = tpu.vector_load_idx %arg4[%add3A_193, %add3A_650] : memref<64x512xf32, #tpu.memory_space<vmem>>[vector<16xi32>, vector<16xi32>], vector<16xf32>,
          %broadcast_in_dim3A_652 = arith.constant 11 : i32
          %broadcast_in_dim3A_653 = vector.broadcast %broadcast_in_dim3A_652 : i32 to vector<16xi32>
          %add3A_654 = arith.addi %iota3A, %broadcast_in_dim3A_653 : vector<16xi32>
          %broadcast_in_dim3A_655 = arith.constant 15 : i32
          %broadcast_in_dim3A_656 = vector.broadcast %broadcast_in_dim3A_655 : i32 to vector<16xi32>
          %and3A_657 = arith.andi %add3A_654, %broadcast_in_dim3A_656 : vector<16xi32>
          %broadcast_in_dim3A_658 = vector.broadcast %mul3A_284 : i32 to vector<16xi32>
          %add3A_659 = arith.addi %and3A_657, %broadcast_in_dim3A_658 : vector<16xi32>
          %gather3A_660 = tpu.vector_load_idx %arg4[%add3A_193, %add3A_659] : memref<64x512xf32, #tpu.memory_space<vmem>>[vector<16xi32>, vector<16xi32>], vector<16xf32>,
          %broadcast_in_dim3A_661 = arith.constant 12 : i32
          %broadcast_in_dim3A_662 = vector.broadcast %broadcast_in_dim3A_661 : i32 to vector<16xi32>
          %add3A_663 = arith.addi %iota3A, %broadcast_in_dim3A_662 : vector<16xi32>
          %broadcast_in_dim3A_664 = arith.constant 15 : i32
          %broadcast_in_dim3A_665 = vector.broadcast %broadcast_in_dim3A_664 : i32 to vector<16xi32>
          %and3A_666 = arith.andi %add3A_663, %broadcast_in_dim3A_665 : vector<16xi32>
          %broadcast_in_dim3A_667 = vector.broadcast %mul3A_284 : i32 to vector<16xi32>
          %add3A_668 = arith.addi %and3A_666, %broadcast_in_dim3A_667 : vector<16xi32>
          %gather3A_669 = tpu.vector_load_idx %arg4[%add3A_193, %add3A_668] : memref<64x512xf32, #tpu.memory_space<vmem>>[vector<16xi32>, vector<16xi32>], vector<16xf32>,
          %broadcast_in_dim3A_670 = arith.constant 13 : i32
          %broadcast_in_dim3A_671 = vector.broadcast %broadcast_in_dim3A_670 : i32 to vector<16xi32>
          %add3A_672 = arith.addi %iota3A, %broadcast_in_dim3A_671 : vector<16xi32>
          %broadcast_in_dim3A_673 = arith.constant 15 : i32
          %broadcast_in_dim3A_674 = vector.broadcast %broadcast_in_dim3A_673 : i32 to vector<16xi32>
          %and3A_675 = arith.andi %add3A_672, %broadcast_in_dim3A_674 : vector<16xi32>
          %broadcast_in_dim3A_676 = vector.broadcast %mul3A_284 : i32 to vector<16xi32>
          %add3A_677 = arith.addi %and3A_675, %broadcast_in_dim3A_676 : vector<16xi32>
          %gather3A_678 = tpu.vector_load_idx %arg4[%add3A_193, %add3A_677] : memref<64x512xf32, #tpu.memory_space<vmem>>[vector<16xi32>, vector<16xi32>], vector<16xf32>,
          %broadcast_in_dim3A_679 = arith.constant 14 : i32
          %broadcast_in_dim3A_680 = vector.broadcast %broadcast_in_dim3A_679 : i32 to vector<16xi32>
          %add3A_681 = arith.addi %iota3A, %broadcast_in_dim3A_680 : vector<16xi32>
          %broadcast_in_dim3A_682 = arith.constant 15 : i32
          %broadcast_in_dim3A_683 = vector.broadcast %broadcast_in_dim3A_682 : i32 to vector<16xi32>
          %and3A_684 = arith.andi %add3A_681, %broadcast_in_dim3A_683 : vector<16xi32>
          %broadcast_in_dim3A_685 = vector.broadcast %mul3A_284 : i32 to vector<16xi32>
          %add3A_686 = arith.addi %and3A_684, %broadcast_in_dim3A_685 : vector<16xi32>
          %gather3A_687 = tpu.vector_load_idx %arg4[%add3A_193, %add3A_686] : memref<64x512xf32, #tpu.memory_space<vmem>>[vector<16xi32>, vector<16xi32>], vector<16xf32>,
          %broadcast_in_dim3A_688 = arith.constant 15 : i32
          %broadcast_in_dim3A_689 = vector.broadcast %broadcast_in_dim3A_688 : i32 to vector<16xi32>
          %add3A_690 = arith.addi %iota3A, %broadcast_in_dim3A_689 : vector<16xi32>
          %broadcast_in_dim3A_691 = arith.constant 15 : i32
          %broadcast_in_dim3A_692 = vector.broadcast %broadcast_in_dim3A_691 : i32 to vector<16xi32>
          %and3A_693 = arith.andi %add3A_690, %broadcast_in_dim3A_692 : vector<16xi32>
          %broadcast_in_dim3A_694 = vector.broadcast %mul3A_284 : i32 to vector<16xi32>
          %add3A_695 = arith.addi %and3A_693, %broadcast_in_dim3A_694 : vector<16xi32>
          %gather3A_696 = tpu.vector_load_idx %arg4[%add3A_193, %add3A_695] : memref<64x512xf32, #tpu.memory_space<vmem>>[vector<16xi32>, vector<16xi32>], vector<16xf32>,
          %max3A_697 = arith.maximumf %gather3A_561, %gather3A_570 : vector<16xf32>
          %min3A = arith.minimumf %gather3A_561, %gather3A_570 : vector<16xf32>
          %max3A_698 = arith.maximumf %gather3A_579, %gather3A_588 : vector<16xf32>
          %min3A_699 = arith.minimumf %gather3A_579, %gather3A_588 : vector<16xf32>
          %max3A_700 = arith.maximumf %gather3A_597, %gather3A_606 : vector<16xf32>
          %min3A_701 = arith.minimumf %gather3A_597, %gather3A_606 : vector<16xf32>
          %max3A_702 = arith.maximumf %gather3A_615, %gather3A_624 : vector<16xf32>
          %min3A_703 = arith.minimumf %gather3A_615, %gather3A_624 : vector<16xf32>
          %max3A_704 = arith.maximumf %gather3A_633, %gather3A_642 : vector<16xf32>
          %min3A_705 = arith.minimumf %gather3A_633, %gather3A_642 : vector<16xf32>
          %max3A_706 = arith.maximumf %gather3A_651, %gather3A_660 : vector<16xf32>
          %min3A_707 = arith.minimumf %gather3A_651, %gather3A_660 : vector<16xf32>
          %max3A_708 = arith.maximumf %gather3A_669, %gather3A_678 : vector<16xf32>
          %min3A_709 = arith.minimumf %gather3A_669, %gather3A_678 : vector<16xf32>
          %max3A_710 = arith.maximumf %gather3A_687, %gather3A_696 : vector<16xf32>
          %min3A_711 = arith.minimumf %gather3A_687, %gather3A_696 : vector<16xf32>
          %max3A_712 = arith.maximumf %max3A_697, %max3A_698 : vector<16xf32>
          %min3A_713 = arith.minimumf %max3A_697, %max3A_698 : vector<16xf32>
          %max3A_714 = arith.maximumf %min3A, %min3A_699 : vector<16xf32>
          %min3A_715 = arith.minimumf %min3A, %min3A_699 : vector<16xf32>
          %max3A_716 = arith.maximumf %min3A_713, %max3A_714 : vector<16xf32>
          %min3A_717 = arith.minimumf %min3A_713, %max3A_714 : vector<16xf32>
          %max3A_718 = arith.maximumf %max3A_700, %max3A_702 : vector<16xf32>
          %min3A_719 = arith.minimumf %max3A_700, %max3A_702 : vector<16xf32>
          %max3A_720 = arith.maximumf %min3A_701, %min3A_703 : vector<16xf32>
          %min3A_721 = arith.minimumf %min3A_701, %min3A_703 : vector<16xf32>
          %max3A_722 = arith.maximumf %min3A_719, %max3A_720 : vector<16xf32>
          %min3A_723 = arith.minimumf %min3A_719, %max3A_720 : vector<16xf32>
          %max3A_724 = arith.maximumf %max3A_704, %max3A_706 : vector<16xf32>
          %min3A_725 = arith.minimumf %max3A_704, %max3A_706 : vector<16xf32>
          %max3A_726 = arith.maximumf %min3A_705, %min3A_707 : vector<16xf32>
          %min3A_727 = arith.minimumf %min3A_705, %min3A_707 : vector<16xf32>
          %max3A_728 = arith.maximumf %min3A_725, %max3A_726 : vector<16xf32>
          %min3A_729 = arith.minimumf %min3A_725, %max3A_726 : vector<16xf32>
          %max3A_730 = arith.maximumf %max3A_708, %max3A_710 : vector<16xf32>
          %min3A_731 = arith.minimumf %max3A_708, %max3A_710 : vector<16xf32>
          %max3A_732 = arith.maximumf %min3A_709, %min3A_711 : vector<16xf32>
          %min3A_733 = arith.minimumf %min3A_709, %min3A_711 : vector<16xf32>
          %max3A_734 = arith.maximumf %min3A_731, %max3A_732 : vector<16xf32>
          %min3A_735 = arith.minimumf %min3A_731, %max3A_732 : vector<16xf32>
          %max3A_736 = arith.maximumf %max3A_712, %min3A_721 : vector<16xf32>
          %min3A_737 = arith.minimumf %max3A_712, %min3A_721 : vector<16xf32>
          %max3A_738 = arith.maximumf %max3A_716, %min3A_723 : vector<16xf32>
          %min3A_739 = arith.minimumf %max3A_716, %min3A_723 : vector<16xf32>
          %max3A_740 = arith.maximumf %min3A_717, %max3A_722 : vector<16xf32>
          %min3A_741 = arith.minimumf %min3A_717, %max3A_722 : vector<16xf32>
          %max3A_742 = arith.maximumf %min3A_715, %max3A_718 : vector<16xf32>
          %min3A_743 = arith.minimumf %min3A_715, %max3A_718 : vector<16xf32>
          %max3A_744 = arith.maximumf %max3A_736, %max3A_740 : vector<16xf32>
          %min3A_745 = arith.minimumf %max3A_736, %max3A_740 : vector<16xf32>
          %max3A_746 = arith.maximumf %max3A_738, %max3A_742 : vector<16xf32>
          %min3A_747 = arith.minimumf %max3A_738, %max3A_742 : vector<16xf32>
          %max3A_748 = arith.maximumf %min3A_737, %min3A_741 : vector<16xf32>
          %min3A_749 = arith.minimumf %min3A_737, %min3A_741 : vector<16xf32>
          %max3A_750 = arith.maximumf %min3A_739, %min3A_743 : vector<16xf32>
          %min3A_751 = arith.minimumf %min3A_739, %min3A_743 : vector<16xf32>
          %max3A_752 = arith.maximumf %max3A_744, %max3A_746 : vector<16xf32>
          %min3A_753 = arith.minimumf %max3A_744, %max3A_746 : vector<16xf32>
          %max3A_754 = arith.maximumf %min3A_745, %min3A_747 : vector<16xf32>
          %min3A_755 = arith.minimumf %min3A_745, %min3A_747 : vector<16xf32>
          %max3A_756 = arith.maximumf %max3A_748, %max3A_750 : vector<16xf32>
          %min3A_757 = arith.minimumf %max3A_748, %max3A_750 : vector<16xf32>
          %max3A_758 = arith.maximumf %min3A_749, %min3A_751 : vector<16xf32>
          %min3A_759 = arith.minimumf %min3A_749, %min3A_751 : vector<16xf32>
          %max3A_760 = arith.maximumf %max3A_724, %min3A_733 : vector<16xf32>
          %min3A_761 = arith.minimumf %max3A_724, %min3A_733 : vector<16xf32>
          %max3A_762 = arith.maximumf %max3A_728, %min3A_735 : vector<16xf32>
          %min3A_763 = arith.minimumf %max3A_728, %min3A_735 : vector<16xf32>
          %max3A_764 = arith.maximumf %min3A_729, %max3A_734 : vector<16xf32>
          %min3A_765 = arith.minimumf %min3A_729, %max3A_734 : vector<16xf32>
          %max3A_766 = arith.maximumf %min3A_727, %max3A_730 : vector<16xf32>
          %min3A_767 = arith.minimumf %min3A_727, %max3A_730 : vector<16xf32>
          %max3A_768 = arith.maximumf %max3A_760, %max3A_764 : vector<16xf32>
          %min3A_769 = arith.minimumf %max3A_760, %max3A_764 : vector<16xf32>
          %max3A_770 = arith.maximumf %max3A_762, %max3A_766 : vector<16xf32>
          %min3A_771 = arith.minimumf %max3A_762, %max3A_766 : vector<16xf32>
          %max3A_772 = arith.maximumf %min3A_761, %min3A_765 : vector<16xf32>
          %min3A_773 = arith.minimumf %min3A_761, %min3A_765 : vector<16xf32>
          %max3A_774 = arith.maximumf %min3A_763, %min3A_767 : vector<16xf32>
          %min3A_775 = arith.minimumf %min3A_763, %min3A_767 : vector<16xf32>
          %max3A_776 = arith.maximumf %max3A_768, %max3A_770 : vector<16xf32>
          %min3A_777 = arith.minimumf %max3A_768, %max3A_770 : vector<16xf32>
          %max3A_778 = arith.maximumf %min3A_769, %min3A_771 : vector<16xf32>
          %min3A_779 = arith.minimumf %min3A_769, %min3A_771 : vector<16xf32>
          %max3A_780 = arith.maximumf %max3A_772, %max3A_774 : vector<16xf32>
          %min3A_781 = arith.minimumf %max3A_772, %max3A_774 : vector<16xf32>
          %max3A_782 = arith.maximumf %min3A_773, %min3A_775 : vector<16xf32>
          %min3A_783 = arith.minimumf %min3A_773, %min3A_775 : vector<16xf32>
          %max3A_784 = arith.maximumf %max3A_752, %min3A_783 : vector<16xf32>
          %max3A_785 = arith.maximumf %min3A_753, %max3A_782 : vector<16xf32>
          %max3A_786 = arith.maximumf %max3A_754, %min3A_781 : vector<16xf32>
          %max3A_787 = arith.maximumf %min3A_755, %max3A_780 : vector<16xf32>
          %max3A_788 = arith.maximumf %max3A_756, %min3A_779 : vector<16xf32>
          %max3A_789 = arith.maximumf %min3A_757, %max3A_778 : vector<16xf32>
          %max3A_790 = arith.maximumf %max3A_758, %min3A_777 : vector<16xf32>
          %max3A_791 = arith.maximumf %min3A_759, %max3A_776 : vector<16xf32>
          %max3A_792 = arith.maximumf %max3A_784, %max3A_788 : vector<16xf32>
          %min3A_793 = arith.minimumf %max3A_784, %max3A_788 : vector<16xf32>
          %max3A_794 = arith.maximumf %max3A_785, %max3A_789 : vector<16xf32>
          %min3A_795 = arith.minimumf %max3A_785, %max3A_789 : vector<16xf32>
          %max3A_796 = arith.maximumf %max3A_786, %max3A_790 : vector<16xf32>
          %min3A_797 = arith.minimumf %max3A_786, %max3A_790 : vector<16xf32>
          %max3A_798 = arith.maximumf %max3A_787, %max3A_791 : vector<16xf32>
          %min3A_799 = arith.minimumf %max3A_787, %max3A_791 : vector<16xf32>
          %max3A_800 = arith.maximumf %max3A_792, %max3A_796 : vector<16xf32>
          %min3A_801 = arith.minimumf %max3A_792, %max3A_796 : vector<16xf32>
          %max3A_802 = arith.maximumf %max3A_794, %max3A_798 : vector<16xf32>
          %min3A_803 = arith.minimumf %max3A_794, %max3A_798 : vector<16xf32>
          %max3A_804 = arith.maximumf %min3A_793, %min3A_797 : vector<16xf32>
          %min3A_805 = arith.minimumf %min3A_793, %min3A_797 : vector<16xf32>
          %max3A_806 = arith.maximumf %min3A_795, %min3A_799 : vector<16xf32>
          %min3A_807 = arith.minimumf %min3A_795, %min3A_799 : vector<16xf32>
          %max3A_808 = arith.maximumf %max3A_800, %max3A_802 : vector<16xf32>
          %min3A_809 = arith.minimumf %max3A_800, %max3A_802 : vector<16xf32>
          %max3A_810 = arith.maximumf %min3A_801, %min3A_803 : vector<16xf32>
          %min3A_811 = arith.minimumf %min3A_801, %min3A_803 : vector<16xf32>
          %max3A_812 = arith.maximumf %max3A_804, %max3A_806 : vector<16xf32>
          %min3A_813 = arith.minimumf %max3A_804, %max3A_806 : vector<16xf32>
          %max3A_814 = arith.maximumf %min3A_805, %min3A_807 : vector<16xf32>
          %min3A_815 = arith.minimumf %min3A_805, %min3A_807 : vector<16xf32>
          %get3A = arith.constant 0 : i32
          %get3A_816 = arith.index_cast %get3A : i32 to index
          %get3A_817 = arith.constant 0 : index
          %get3A_818 = tpu.vector_load %arg6[%get3A_816, %get3A_817] {strides = array<i32>} : memref<8x64xf32, #tpu.memory_space<vmem>>, vector<16xf32>,
          %get3A_819 = arith.constant 1 : i32
          %get3A_820 = arith.index_cast %get3A_819 : i32 to index
          %get3A_821 = arith.constant 0 : index
          %get3A_822 = tpu.vector_load %arg6[%get3A_820, %get3A_821] {strides = array<i32>} : memref<8x64xf32, #tpu.memory_space<vmem>>, vector<16xf32>,
          %get3A_823 = arith.constant 2 : i32
          %get3A_824 = arith.index_cast %get3A_823 : i32 to index
          %get3A_825 = arith.constant 0 : index
          %get3A_826 = tpu.vector_load %arg6[%get3A_824, %get3A_825] {strides = array<i32>} : memref<8x64xf32, #tpu.memory_space<vmem>>, vector<16xf32>,
          %get3A_827 = arith.constant 3 : i32
          %get3A_828 = arith.index_cast %get3A_827 : i32 to index
          %get3A_829 = arith.constant 0 : index
          %get3A_830 = tpu.vector_load %arg6[%get3A_828, %get3A_829] {strides = array<i32>} : memref<8x64xf32, #tpu.memory_space<vmem>>, vector<16xf32>,
          %get3A_831 = arith.constant 4 : i32
          %get3A_832 = arith.index_cast %get3A_831 : i32 to index
          %get3A_833 = arith.constant 0 : index
          %get3A_834 = tpu.vector_load %arg6[%get3A_832, %get3A_833] {strides = array<i32>} : memref<8x64xf32, #tpu.memory_space<vmem>>, vector<16xf32>,
          %get3A_835 = arith.constant 5 : i32
          %get3A_836 = arith.index_cast %get3A_835 : i32 to index
          %get3A_837 = arith.constant 0 : index
          %get3A_838 = tpu.vector_load %arg6[%get3A_836, %get3A_837] {strides = array<i32>} : memref<8x64xf32, #tpu.memory_space<vmem>>, vector<16xf32>,
          %get3A_839 = arith.constant 6 : i32
          %get3A_840 = arith.index_cast %get3A_839 : i32 to index
          %get3A_841 = arith.constant 0 : index
          %get3A_842 = tpu.vector_load %arg6[%get3A_840, %get3A_841] {strides = array<i32>} : memref<8x64xf32, #tpu.memory_space<vmem>>, vector<16xf32>,
          %get3A_843 = arith.constant 7 : i32
          %get3A_844 = arith.index_cast %get3A_843 : i32 to index
          %get3A_845 = arith.constant 0 : index
          %get3A_846 = tpu.vector_load %arg6[%get3A_844, %get3A_845] {strides = array<i32>} : memref<8x64xf32, #tpu.memory_space<vmem>>, vector<16xf32>,
          %max3A_847 = arith.maximumf %get3A_818, %min3A_815 : vector<16xf32>
          %max3A_848 = arith.maximumf %get3A_822, %max3A_814 : vector<16xf32>
          %max3A_849 = arith.maximumf %get3A_826, %min3A_813 : vector<16xf32>
          %max3A_850 = arith.maximumf %get3A_830, %max3A_812 : vector<16xf32>
          %max3A_851 = arith.maximumf %get3A_834, %min3A_811 : vector<16xf32>
          %max3A_852 = arith.maximumf %get3A_838, %max3A_810 : vector<16xf32>
          %max3A_853 = arith.maximumf %get3A_842, %min3A_809 : vector<16xf32>
          %max3A_854 = arith.maximumf %get3A_846, %max3A_808 : vector<16xf32>
          %max3A_855 = arith.maximumf %max3A_847, %max3A_851 : vector<16xf32>
          %min3A_856 = arith.minimumf %max3A_847, %max3A_851 : vector<16xf32>
          %max3A_857 = arith.maximumf %max3A_848, %max3A_852 : vector<16xf32>
          %min3A_858 = arith.minimumf %max3A_848, %max3A_852 : vector<16xf32>
          %max3A_859 = arith.maximumf %max3A_849, %max3A_853 : vector<16xf32>
          %min3A_860 = arith.minimumf %max3A_849, %max3A_853 : vector<16xf32>
          %max3A_861 = arith.maximumf %max3A_850, %max3A_854 : vector<16xf32>
          %min3A_862 = arith.minimumf %max3A_850, %max3A_854 : vector<16xf32>
          %max3A_863 = arith.maximumf %max3A_855, %max3A_859 : vector<16xf32>
          %min3A_864 = arith.minimumf %max3A_855, %max3A_859 : vector<16xf32>
          %max3A_865 = arith.maximumf %max3A_857, %max3A_861 : vector<16xf32>
          %min3A_866 = arith.minimumf %max3A_857, %max3A_861 : vector<16xf32>
          %max3A_867 = arith.maximumf %min3A_856, %min3A_860 : vector<16xf32>
          %min3A_868 = arith.minimumf %min3A_856, %min3A_860 : vector<16xf32>
          %max3A_869 = arith.maximumf %min3A_858, %min3A_862 : vector<16xf32>
          %min3A_870 = arith.minimumf %min3A_858, %min3A_862 : vector<16xf32>
          %max3A_871 = arith.maximumf %max3A_863, %max3A_865 : vector<16xf32>
          %min3A_872 = arith.minimumf %max3A_863, %max3A_865 : vector<16xf32>
          %max3A_873 = arith.maximumf %min3A_864, %min3A_866 : vector<16xf32>
          %min3A_874 = arith.minimumf %min3A_864, %min3A_866 : vector<16xf32>
          %max3A_875 = arith.maximumf %max3A_867, %max3A_869 : vector<16xf32>
          %min3A_876 = arith.minimumf %max3A_867, %max3A_869 : vector<16xf32>
          %max3A_877 = arith.maximumf %min3A_868, %min3A_870 : vector<16xf32>
          %min3A_878 = arith.minimumf %min3A_868, %min3A_870 : vector<16xf32>
          %swap3A_879 = arith.constant 0 : i32
          %swap3A_880 = arith.index_cast %swap3A_879 : i32 to index
          %swap3A_881 = arith.constant 0 : index
          %swap3A_882 = tpu.vector_load %arg6[%swap3A_880, %swap3A_881] {strides = array<i32>} : memref<8x64xf32, #tpu.memory_space<vmem>>, vector<16xf32>,
          tpu.vector_store %arg6[%swap3A_880, %swap3A_881], %max3A_871 {strides = array<i32>} : memref<8x64xf32, #tpu.memory_space<vmem>>, vector<16xf32>,
          %swap3A_883 = arith.constant 1 : i32
          %swap3A_884 = arith.index_cast %swap3A_883 : i32 to index
          %swap3A_885 = arith.constant 0 : index
          %swap3A_886 = tpu.vector_load %arg6[%swap3A_884, %swap3A_885] {strides = array<i32>} : memref<8x64xf32, #tpu.memory_space<vmem>>, vector<16xf32>,
          tpu.vector_store %arg6[%swap3A_884, %swap3A_885], %min3A_872 {strides = array<i32>} : memref<8x64xf32, #tpu.memory_space<vmem>>, vector<16xf32>,
          %swap3A_887 = arith.constant 2 : i32
          %swap3A_888 = arith.index_cast %swap3A_887 : i32 to index
          %swap3A_889 = arith.constant 0 : index
          %swap3A_890 = tpu.vector_load %arg6[%swap3A_888, %swap3A_889] {strides = array<i32>} : memref<8x64xf32, #tpu.memory_space<vmem>>, vector<16xf32>,
          tpu.vector_store %arg6[%swap3A_888, %swap3A_889], %max3A_873 {strides = array<i32>} : memref<8x64xf32, #tpu.memory_space<vmem>>, vector<16xf32>,
          %swap3A_891 = arith.constant 3 : i32
          %swap3A_892 = arith.index_cast %swap3A_891 : i32 to index
          %swap3A_893 = arith.constant 0 : index
          %swap3A_894 = tpu.vector_load %arg6[%swap3A_892, %swap3A_893] {strides = array<i32>} : memref<8x64xf32, #tpu.memory_space<vmem>>, vector<16xf32>,
          tpu.vector_store %arg6[%swap3A_892, %swap3A_893], %min3A_874 {strides = array<i32>} : memref<8x64xf32, #tpu.memory_space<vmem>>, vector<16xf32>,
          %swap3A_895 = arith.constant 4 : i32
          %swap3A_896 = arith.index_cast %swap3A_895 : i32 to index
          %swap3A_897 = arith.constant 0 : index
          %swap3A_898 = tpu.vector_load %arg6[%swap3A_896, %swap3A_897] {strides = array<i32>} : memref<8x64xf32, #tpu.memory_space<vmem>>, vector<16xf32>,
          tpu.vector_store %arg6[%swap3A_896, %swap3A_897], %max3A_875 {strides = array<i32>} : memref<8x64xf32, #tpu.memory_space<vmem>>, vector<16xf32>,
          %swap3A_899 = arith.constant 5 : i32
          %swap3A_900 = arith.index_cast %swap3A_899 : i32 to index
          %swap3A_901 = arith.constant 0 : index
          %swap3A_902 = tpu.vector_load %arg6[%swap3A_900, %swap3A_901] {strides = array<i32>} : memref<8x64xf32, #tpu.memory_space<vmem>>, vector<16xf32>,
          tpu.vector_store %arg6[%swap3A_900, %swap3A_901], %min3A_876 {strides = array<i32>} : memref<8x64xf32, #tpu.memory_space<vmem>>, vector<16xf32>,
          %swap3A_903 = arith.constant 6 : i32
          %swap3A_904 = arith.index_cast %swap3A_903 : i32 to index
          %swap3A_905 = arith.constant 0 : index
          %swap3A_906 = tpu.vector_load %arg6[%swap3A_904, %swap3A_905] {strides = array<i32>} : memref<8x64xf32, #tpu.memory_space<vmem>>, vector<16xf32>,
          tpu.vector_store %arg6[%swap3A_904, %swap3A_905], %max3A_877 {strides = array<i32>} : memref<8x64xf32, #tpu.memory_space<vmem>>, vector<16xf32>,
          %swap3A_907 = arith.constant 7 : i32
          %swap3A_908 = arith.index_cast %swap3A_907 : i32 to index
          %swap3A_909 = arith.constant 0 : index
          %swap3A_910 = tpu.vector_load %arg6[%swap3A_908, %swap3A_909] {strides = array<i32>} : memref<8x64xf32, #tpu.memory_space<vmem>>, vector<16xf32>,
          tpu.vector_store %arg6[%swap3A_908, %swap3A_909], %min3A_878 {strides = array<i32>} : memref<8x64xf32, #tpu.memory_space<vmem>>, vector<16xf32>,
          %broadcast_in_dim3A_911 = arith.constant 0 : i32
          %broadcast_in_dim3A_912 = vector.broadcast %broadcast_in_dim3A_911 : i32 to vector<16xi32>
          %add3A_913 = arith.addi %iota3A, %broadcast_in_dim3A_912 : vector<16xi32>
          %broadcast_in_dim3A_914 = arith.constant 15 : i32
          %broadcast_in_dim3A_915 = vector.broadcast %broadcast_in_dim3A_914 : i32 to vector<16xi32>
          %and3A_916 = arith.andi %add3A_913, %broadcast_in_dim3A_915 : vector<16xi32>
          %broadcast_in_dim3A_917 = vector.broadcast %mul3A_284 : i32 to vector<16xi32>
          %add3A_918 = arith.addi %and3A_916, %broadcast_in_dim3A_917 : vector<16xi32>
          %gather3A_919 = tpu.vector_load_idx %arg4[%add3A_196, %add3A_918] : memref<64x512xf32, #tpu.memory_space<vmem>>[vector<16xi32>, vector<16xi32>], vector<16xf32>,
          %broadcast_in_dim3A_920 = arith.constant 1 : i32
          %broadcast_in_dim3A_921 = vector.broadcast %broadcast_in_dim3A_920 : i32 to vector<16xi32>
          %add3A_922 = arith.addi %iota3A, %broadcast_in_dim3A_921 : vector<16xi32>
          %broadcast_in_dim3A_923 = arith.constant 15 : i32
          %broadcast_in_dim3A_924 = vector.broadcast %broadcast_in_dim3A_923 : i32 to vector<16xi32>
          %and3A_925 = arith.andi %add3A_922, %broadcast_in_dim3A_924 : vector<16xi32>
          %broadcast_in_dim3A_926 = vector.broadcast %mul3A_284 : i32 to vector<16xi32>
          %add3A_927 = arith.addi %and3A_925, %broadcast_in_dim3A_926 : vector<16xi32>
          %gather3A_928 = tpu.vector_load_idx %arg4[%add3A_196, %add3A_927] : memref<64x512xf32, #tpu.memory_space<vmem>>[vector<16xi32>, vector<16xi32>], vector<16xf32>,
          %broadcast_in_dim3A_929 = arith.constant 2 : i32
          %broadcast_in_dim3A_930 = vector.broadcast %broadcast_in_dim3A_929 : i32 to vector<16xi32>
          %add3A_931 = arith.addi %iota3A, %broadcast_in_dim3A_930 : vector<16xi32>
          %broadcast_in_dim3A_932 = arith.constant 15 : i32
          %broadcast_in_dim3A_933 = vector.broadcast %broadcast_in_dim3A_932 : i32 to vector<16xi32>
          %and3A_934 = arith.andi %add3A_931, %broadcast_in_dim3A_933 : vector<16xi32>
          %broadcast_in_dim3A_935 = vector.broadcast %mul3A_284 : i32 to vector<16xi32>
          %add3A_936 = arith.addi %and3A_934, %broadcast_in_dim3A_935 : vector<16xi32>
          %gather3A_937 = tpu.vector_load_idx %arg4[%add3A_196, %add3A_936] : memref<64x512xf32, #tpu.memory_space<vmem>>[vector<16xi32>, vector<16xi32>], vector<16xf32>,
          %broadcast_in_dim3A_938 = arith.constant 3 : i32
          %broadcast_in_dim3A_939 = vector.broadcast %broadcast_in_dim3A_938 : i32 to vector<16xi32>
          %add3A_940 = arith.addi %iota3A, %broadcast_in_dim3A_939 : vector<16xi32>
          %broadcast_in_dim3A_941 = arith.constant 15 : i32
          %broadcast_in_dim3A_942 = vector.broadcast %broadcast_in_dim3A_941 : i32 to vector<16xi32>
          %and3A_943 = arith.andi %add3A_940, %broadcast_in_dim3A_942 : vector<16xi32>
          %broadcast_in_dim3A_944 = vector.broadcast %mul3A_284 : i32 to vector<16xi32>
          %add3A_945 = arith.addi %and3A_943, %broadcast_in_dim3A_944 : vector<16xi32>
          %gather3A_946 = tpu.vector_load_idx %arg4[%add3A_196, %add3A_945] : memref<64x512xf32, #tpu.memory_space<vmem>>[vector<16xi32>, vector<16xi32>], vector<16xf32>,
          %broadcast_in_dim3A_947 = arith.constant 4 : i32
          %broadcast_in_dim3A_948 = vector.broadcast %broadcast_in_dim3A_947 : i32 to vector<16xi32>
          %add3A_949 = arith.addi %iota3A, %broadcast_in_dim3A_948 : vector<16xi32>
          %broadcast_in_dim3A_950 = arith.constant 15 : i32
          %broadcast_in_dim3A_951 = vector.broadcast %broadcast_in_dim3A_950 : i32 to vector<16xi32>
          %and3A_952 = arith.andi %add3A_949, %broadcast_in_dim3A_951 : vector<16xi32>
          %broadcast_in_dim3A_953 = vector.broadcast %mul3A_284 : i32 to vector<16xi32>
          %add3A_954 = arith.addi %and3A_952, %broadcast_in_dim3A_953 : vector<16xi32>
          %gather3A_955 = tpu.vector_load_idx %arg4[%add3A_196, %add3A_954] : memref<64x512xf32, #tpu.memory_space<vmem>>[vector<16xi32>, vector<16xi32>], vector<16xf32>,
          %broadcast_in_dim3A_956 = arith.constant 5 : i32
          %broadcast_in_dim3A_957 = vector.broadcast %broadcast_in_dim3A_956 : i32 to vector<16xi32>
          %add3A_958 = arith.addi %iota3A, %broadcast_in_dim3A_957 : vector<16xi32>
          %broadcast_in_dim3A_959 = arith.constant 15 : i32
          %broadcast_in_dim3A_960 = vector.broadcast %broadcast_in_dim3A_959 : i32 to vector<16xi32>
          %and3A_961 = arith.andi %add3A_958, %broadcast_in_dim3A_960 : vector<16xi32>
          %broadcast_in_dim3A_962 = vector.broadcast %mul3A_284 : i32 to vector<16xi32>
          %add3A_963 = arith.addi %and3A_961, %broadcast_in_dim3A_962 : vector<16xi32>
          %gather3A_964 = tpu.vector_load_idx %arg4[%add3A_196, %add3A_963] : memref<64x512xf32, #tpu.memory_space<vmem>>[vector<16xi32>, vector<16xi32>], vector<16xf32>,
          %broadcast_in_dim3A_965 = arith.constant 6 : i32
          %broadcast_in_dim3A_966 = vector.broadcast %broadcast_in_dim3A_965 : i32 to vector<16xi32>
          %add3A_967 = arith.addi %iota3A, %broadcast_in_dim3A_966 : vector<16xi32>
          %broadcast_in_dim3A_968 = arith.constant 15 : i32
          %broadcast_in_dim3A_969 = vector.broadcast %broadcast_in_dim3A_968 : i32 to vector<16xi32>
          %and3A_970 = arith.andi %add3A_967, %broadcast_in_dim3A_969 : vector<16xi32>
          %broadcast_in_dim3A_971 = vector.broadcast %mul3A_284 : i32 to vector<16xi32>
          %add3A_972 = arith.addi %and3A_970, %broadcast_in_dim3A_971 : vector<16xi32>
          %gather3A_973 = tpu.vector_load_idx %arg4[%add3A_196, %add3A_972] : memref<64x512xf32, #tpu.memory_space<vmem>>[vector<16xi32>, vector<16xi32>], vector<16xf32>,
          %broadcast_in_dim3A_974 = arith.constant 7 : i32
          %broadcast_in_dim3A_975 = vector.broadcast %broadcast_in_dim3A_974 : i32 to vector<16xi32>
          %add3A_976 = arith.addi %iota3A, %broadcast_in_dim3A_975 : vector<16xi32>
          %broadcast_in_dim3A_977 = arith.constant 15 : i32
          %broadcast_in_dim3A_978 = vector.broadcast %broadcast_in_dim3A_977 : i32 to vector<16xi32>
          %and3A_979 = arith.andi %add3A_976, %broadcast_in_dim3A_978 : vector<16xi32>
          %broadcast_in_dim3A_980 = vector.broadcast %mul3A_284 : i32 to vector<16xi32>
          %add3A_981 = arith.addi %and3A_979, %broadcast_in_dim3A_980 : vector<16xi32>
          %gather3A_982 = tpu.vector_load_idx %arg4[%add3A_196, %add3A_981] : memref<64x512xf32, #tpu.memory_space<vmem>>[vector<16xi32>, vector<16xi32>], vector<16xf32>,
          %broadcast_in_dim3A_983 = arith.constant 8 : i32
          %broadcast_in_dim3A_984 = vector.broadcast %broadcast_in_dim3A_983 : i32 to vector<16xi32>
          %add3A_985 = arith.addi %iota3A, %broadcast_in_dim3A_984 : vector<16xi32>
          %broadcast_in_dim3A_986 = arith.constant 15 : i32
          %broadcast_in_dim3A_987 = vector.broadcast %broadcast_in_dim3A_986 : i32 to vector<16xi32>
          %and3A_988 = arith.andi %add3A_985, %broadcast_in_dim3A_987 : vector<16xi32>
          %broadcast_in_dim3A_989 = vector.broadcast %mul3A_284 : i32 to vector<16xi32>
          %add3A_990 = arith.addi %and3A_988, %broadcast_in_dim3A_989 : vector<16xi32>
          %gather3A_991 = tpu.vector_load_idx %arg4[%add3A_196, %add3A_990] : memref<64x512xf32, #tpu.memory_space<vmem>>[vector<16xi32>, vector<16xi32>], vector<16xf32>,
          %broadcast_in_dim3A_992 = arith.constant 9 : i32
          %broadcast_in_dim3A_993 = vector.broadcast %broadcast_in_dim3A_992 : i32 to vector<16xi32>
          %add3A_994 = arith.addi %iota3A, %broadcast_in_dim3A_993 : vector<16xi32>
          %broadcast_in_dim3A_995 = arith.constant 15 : i32
          %broadcast_in_dim3A_996 = vector.broadcast %broadcast_in_dim3A_995 : i32 to vector<16xi32>
          %and3A_997 = arith.andi %add3A_994, %broadcast_in_dim3A_996 : vector<16xi32>
          %broadcast_in_dim3A_998 = vector.broadcast %mul3A_284 : i32 to vector<16xi32>
          %add3A_999 = arith.addi %and3A_997, %broadcast_in_dim3A_998 : vector<16xi32>
          %gather3A_1000 = tpu.vector_load_idx %arg4[%add3A_196, %add3A_999] : memref<64x512xf32, #tpu.memory_space<vmem>>[vector<16xi32>, vector<16xi32>], vector<16xf32>,
          %broadcast_in_dim3A_1001 = arith.constant 10 : i32
          %broadcast_in_dim3A_1002 = vector.broadcast %broadcast_in_dim3A_1001 : i32 to vector<16xi32>
          %add3A_1003 = arith.addi %iota3A, %broadcast_in_dim3A_1002 : vector<16xi32>
          %broadcast_in_dim3A_1004 = arith.constant 15 : i32
          %broadcast_in_dim3A_1005 = vector.broadcast %broadcast_in_dim3A_1004 : i32 to vector<16xi32>
          %and3A_1006 = arith.andi %add3A_1003, %broadcast_in_dim3A_1005 : vector<16xi32>
          %broadcast_in_dim3A_1007 = vector.broadcast %mul3A_284 : i32 to vector<16xi32>
          %add3A_1008 = arith.addi %and3A_1006, %broadcast_in_dim3A_1007 : vector<16xi32>
          %gather3A_1009 = tpu.vector_load_idx %arg4[%add3A_196, %add3A_1008] : memref<64x512xf32, #tpu.memory_space<vmem>>[vector<16xi32>, vector<16xi32>], vector<16xf32>,
          %broadcast_in_dim3A_1010 = arith.constant 11 : i32
          %broadcast_in_dim3A_1011 = vector.broadcast %broadcast_in_dim3A_1010 : i32 to vector<16xi32>
          %add3A_1012 = arith.addi %iota3A, %broadcast_in_dim3A_1011 : vector<16xi32>
          %broadcast_in_dim3A_1013 = arith.constant 15 : i32
          %broadcast_in_dim3A_1014 = vector.broadcast %broadcast_in_dim3A_1013 : i32 to vector<16xi32>
          %and3A_1015 = arith.andi %add3A_1012, %broadcast_in_dim3A_1014 : vector<16xi32>
          %broadcast_in_dim3A_1016 = vector.broadcast %mul3A_284 : i32 to vector<16xi32>
          %add3A_1017 = arith.addi %and3A_1015, %broadcast_in_dim3A_1016 : vector<16xi32>
          %gather3A_1018 = tpu.vector_load_idx %arg4[%add3A_196, %add3A_1017] : memref<64x512xf32, #tpu.memory_space<vmem>>[vector<16xi32>, vector<16xi32>], vector<16xf32>,
          %broadcast_in_dim3A_1019 = arith.constant 12 : i32
          %broadcast_in_dim3A_1020 = vector.broadcast %broadcast_in_dim3A_1019 : i32 to vector<16xi32>
          %add3A_1021 = arith.addi %iota3A, %broadcast_in_dim3A_1020 : vector<16xi32>
          %broadcast_in_dim3A_1022 = arith.constant 15 : i32
          %broadcast_in_dim3A_1023 = vector.broadcast %broadcast_in_dim3A_1022 : i32 to vector<16xi32>
          %and3A_1024 = arith.andi %add3A_1021, %broadcast_in_dim3A_1023 : vector<16xi32>
          %broadcast_in_dim3A_1025 = vector.broadcast %mul3A_284 : i32 to vector<16xi32>
          %add3A_1026 = arith.addi %and3A_1024, %broadcast_in_dim3A_1025 : vector<16xi32>
          %gather3A_1027 = tpu.vector_load_idx %arg4[%add3A_196, %add3A_1026] : memref<64x512xf32, #tpu.memory_space<vmem>>[vector<16xi32>, vector<16xi32>], vector<16xf32>,
          %broadcast_in_dim3A_1028 = arith.constant 13 : i32
          %broadcast_in_dim3A_1029 = vector.broadcast %broadcast_in_dim3A_1028 : i32 to vector<16xi32>
          %add3A_1030 = arith.addi %iota3A, %broadcast_in_dim3A_1029 : vector<16xi32>
          %broadcast_in_dim3A_1031 = arith.constant 15 : i32
          %broadcast_in_dim3A_1032 = vector.broadcast %broadcast_in_dim3A_1031 : i32 to vector<16xi32>
          %and3A_1033 = arith.andi %add3A_1030, %broadcast_in_dim3A_1032 : vector<16xi32>
          %broadcast_in_dim3A_1034 = vector.broadcast %mul3A_284 : i32 to vector<16xi32>
          %add3A_1035 = arith.addi %and3A_1033, %broadcast_in_dim3A_1034 : vector<16xi32>
          %gather3A_1036 = tpu.vector_load_idx %arg4[%add3A_196, %add3A_1035] : memref<64x512xf32, #tpu.memory_space<vmem>>[vector<16xi32>, vector<16xi32>], vector<16xf32>,
          %broadcast_in_dim3A_1037 = arith.constant 14 : i32
          %broadcast_in_dim3A_1038 = vector.broadcast %broadcast_in_dim3A_1037 : i32 to vector<16xi32>
          %add3A_1039 = arith.addi %iota3A, %broadcast_in_dim3A_1038 : vector<16xi32>
          %broadcast_in_dim3A_1040 = arith.constant 15 : i32
          %broadcast_in_dim3A_1041 = vector.broadcast %broadcast_in_dim3A_1040 : i32 to vector<16xi32>
          %and3A_1042 = arith.andi %add3A_1039, %broadcast_in_dim3A_1041 : vector<16xi32>
          %broadcast_in_dim3A_1043 = vector.broadcast %mul3A_284 : i32 to vector<16xi32>
          %add3A_1044 = arith.addi %and3A_1042, %broadcast_in_dim3A_1043 : vector<16xi32>
          %gather3A_1045 = tpu.vector_load_idx %arg4[%add3A_196, %add3A_1044] : memref<64x512xf32, #tpu.memory_space<vmem>>[vector<16xi32>, vector<16xi32>], vector<16xf32>,
          %broadcast_in_dim3A_1046 = arith.constant 15 : i32
          %broadcast_in_dim3A_1047 = vector.broadcast %broadcast_in_dim3A_1046 : i32 to vector<16xi32>
          %add3A_1048 = arith.addi %iota3A, %broadcast_in_dim3A_1047 : vector<16xi32>
          %broadcast_in_dim3A_1049 = arith.constant 15 : i32
          %broadcast_in_dim3A_1050 = vector.broadcast %broadcast_in_dim3A_1049 : i32 to vector<16xi32>
          %and3A_1051 = arith.andi %add3A_1048, %broadcast_in_dim3A_1050 : vector<16xi32>
          %broadcast_in_dim3A_1052 = vector.broadcast %mul3A_284 : i32 to vector<16xi32>
          %add3A_1053 = arith.addi %and3A_1051, %broadcast_in_dim3A_1052 : vector<16xi32>
          %gather3A_1054 = tpu.vector_load_idx %arg4[%add3A_196, %add3A_1053] : memref<64x512xf32, #tpu.memory_space<vmem>>[vector<16xi32>, vector<16xi32>], vector<16xf32>,
          %max3A_1055 = arith.maximumf %gather3A_919, %gather3A_928 : vector<16xf32>
          %min3A_1056 = arith.minimumf %gather3A_919, %gather3A_928 : vector<16xf32>
          %max3A_1057 = arith.maximumf %gather3A_937, %gather3A_946 : vector<16xf32>
          %min3A_1058 = arith.minimumf %gather3A_937, %gather3A_946 : vector<16xf32>
          %max3A_1059 = arith.maximumf %gather3A_955, %gather3A_964 : vector<16xf32>
          %min3A_1060 = arith.minimumf %gather3A_955, %gather3A_964 : vector<16xf32>
          %max3A_1061 = arith.maximumf %gather3A_973, %gather3A_982 : vector<16xf32>
          %min3A_1062 = arith.minimumf %gather3A_973, %gather3A_982 : vector<16xf32>
          %max3A_1063 = arith.maximumf %gather3A_991, %gather3A_1000 : vector<16xf32>
          %min3A_1064 = arith.minimumf %gather3A_991, %gather3A_1000 : vector<16xf32>
          %max3A_1065 = arith.maximumf %gather3A_1009, %gather3A_1018 : vector<16xf32>
          %min3A_1066 = arith.minimumf %gather3A_1009, %gather3A_1018 : vector<16xf32>
          %max3A_1067 = arith.maximumf %gather3A_1027, %gather3A_1036 : vector<16xf32>
          %min3A_1068 = arith.minimumf %gather3A_1027, %gather3A_1036 : vector<16xf32>
          %max3A_1069 = arith.maximumf %gather3A_1045, %gather3A_1054 : vector<16xf32>
          %min3A_1070 = arith.minimumf %gather3A_1045, %gather3A_1054 : vector<16xf32>
          %max3A_1071 = arith.maximumf %max3A_1055, %max3A_1057 : vector<16xf32>
          %min3A_1072 = arith.minimumf %max3A_1055, %max3A_1057 : vector<16xf32>
          %max3A_1073 = arith.maximumf %min3A_1056, %min3A_1058 : vector<16xf32>
          %min3A_1074 = arith.minimumf %min3A_1056, %min3A_1058 : vector<16xf32>
          %max3A_1075 = arith.maximumf %min3A_1072, %max3A_1073 : vector<16xf32>
          %min3A_1076 = arith.minimumf %min3A_1072, %max3A_1073 : vector<16xf32>
          %max3A_1077 = arith.maximumf %max3A_1059, %max3A_1061 : vector<16xf32>
          %min3A_1078 = arith.minimumf %max3A_1059, %max3A_1061 : vector<16xf32>
          %max3A_1079 = arith.maximumf %min3A_1060, %min3A_1062 : vector<16xf32>
          %min3A_1080 = arith.minimumf %min3A_1060, %min3A_1062 : vector<16xf32>
          %max3A_1081 = arith.maximumf %min3A_1078, %max3A_1079 : vector<16xf32>
          %min3A_1082 = arith.minimumf %min3A_1078, %max3A_1079 : vector<16xf32>
          %max3A_1083 = arith.maximumf %max3A_1063, %max3A_1065 : vector<16xf32>
          %min3A_1084 = arith.minimumf %max3A_1063, %max3A_1065 : vector<16xf32>
          %max3A_1085 = arith.maximumf %min3A_1064, %min3A_1066 : vector<16xf32>
          %min3A_1086 = arith.minimumf %min3A_1064, %min3A_1066 : vector<16xf32>
          %max3A_1087 = arith.maximumf %min3A_1084, %max3A_1085 : vector<16xf32>
          %min3A_1088 = arith.minimumf %min3A_1084, %max3A_1085 : vector<16xf32>
          %max3A_1089 = arith.maximumf %max3A_1067, %max3A_1069 : vector<16xf32>
          %min3A_1090 = arith.minimumf %max3A_1067, %max3A_1069 : vector<16xf32>
          %max3A_1091 = arith.maximumf %min3A_1068, %min3A_1070 : vector<16xf32>
          %min3A_1092 = arith.minimumf %min3A_1068, %min3A_1070 : vector<16xf32>
          %max3A_1093 = arith.maximumf %min3A_1090, %max3A_1091 : vector<16xf32>
          %min3A_1094 = arith.minimumf %min3A_1090, %max3A_1091 : vector<16xf32>
          %max3A_1095 = arith.maximumf %max3A_1071, %min3A_1080 : vector<16xf32>
          %min3A_1096 = arith.minimumf %max3A_1071, %min3A_1080 : vector<16xf32>
          %max3A_1097 = arith.maximumf %max3A_1075, %min3A_1082 : vector<16xf32>
          %min3A_1098 = arith.minimumf %max3A_1075, %min3A_1082 : vector<16xf32>
          %max3A_1099 = arith.maximumf %min3A_1076, %max3A_1081 : vector<16xf32>
          %min3A_1100 = arith.minimumf %min3A_1076, %max3A_1081 : vector<16xf32>
          %max3A_1101 = arith.maximumf %min3A_1074, %max3A_1077 : vector<16xf32>
          %min3A_1102 = arith.minimumf %min3A_1074, %max3A_1077 : vector<16xf32>
          %max3A_1103 = arith.maximumf %max3A_1095, %max3A_1099 : vector<16xf32>
          %min3A_1104 = arith.minimumf %max3A_1095, %max3A_1099 : vector<16xf32>
          %max3A_1105 = arith.maximumf %max3A_1097, %max3A_1101 : vector<16xf32>
          %min3A_1106 = arith.minimumf %max3A_1097, %max3A_1101 : vector<16xf32>
          %max3A_1107 = arith.maximumf %min3A_1096, %min3A_1100 : vector<16xf32>
          %min3A_1108 = arith.minimumf %min3A_1096, %min3A_1100 : vector<16xf32>
          %max3A_1109 = arith.maximumf %min3A_1098, %min3A_1102 : vector<16xf32>
          %min3A_1110 = arith.minimumf %min3A_1098, %min3A_1102 : vector<16xf32>
          %max3A_1111 = arith.maximumf %max3A_1103, %max3A_1105 : vector<16xf32>
          %min3A_1112 = arith.minimumf %max3A_1103, %max3A_1105 : vector<16xf32>
          %max3A_1113 = arith.maximumf %min3A_1104, %min3A_1106 : vector<16xf32>
          %min3A_1114 = arith.minimumf %min3A_1104, %min3A_1106 : vector<16xf32>
          %max3A_1115 = arith.maximumf %max3A_1107, %max3A_1109 : vector<16xf32>
          %min3A_1116 = arith.minimumf %max3A_1107, %max3A_1109 : vector<16xf32>
          %max3A_1117 = arith.maximumf %min3A_1108, %min3A_1110 : vector<16xf32>
          %min3A_1118 = arith.minimumf %min3A_1108, %min3A_1110 : vector<16xf32>
          %max3A_1119 = arith.maximumf %max3A_1083, %min3A_1092 : vector<16xf32>
          %min3A_1120 = arith.minimumf %max3A_1083, %min3A_1092 : vector<16xf32>
          %max3A_1121 = arith.maximumf %max3A_1087, %min3A_1094 : vector<16xf32>
          %min3A_1122 = arith.minimumf %max3A_1087, %min3A_1094 : vector<16xf32>
          %max3A_1123 = arith.maximumf %min3A_1088, %max3A_1093 : vector<16xf32>
          %min3A_1124 = arith.minimumf %min3A_1088, %max3A_1093 : vector<16xf32>
          %max3A_1125 = arith.maximumf %min3A_1086, %max3A_1089 : vector<16xf32>
          %min3A_1126 = arith.minimumf %min3A_1086, %max3A_1089 : vector<16xf32>
          %max3A_1127 = arith.maximumf %max3A_1119, %max3A_1123 : vector<16xf32>
          %min3A_1128 = arith.minimumf %max3A_1119, %max3A_1123 : vector<16xf32>
          %max3A_1129 = arith.maximumf %max3A_1121, %max3A_1125 : vector<16xf32>
          %min3A_1130 = arith.minimumf %max3A_1121, %max3A_1125 : vector<16xf32>
          %max3A_1131 = arith.maximumf %min3A_1120, %min3A_1124 : vector<16xf32>
          %min3A_1132 = arith.minimumf %min3A_1120, %min3A_1124 : vector<16xf32>
          %max3A_1133 = arith.maximumf %min3A_1122, %min3A_1126 : vector<16xf32>
          %min3A_1134 = arith.minimumf %min3A_1122, %min3A_1126 : vector<16xf32>
          %max3A_1135 = arith.maximumf %max3A_1127, %max3A_1129 : vector<16xf32>
          %min3A_1136 = arith.minimumf %max3A_1127, %max3A_1129 : vector<16xf32>
          %max3A_1137 = arith.maximumf %min3A_1128, %min3A_1130 : vector<16xf32>
          %min3A_1138 = arith.minimumf %min3A_1128, %min3A_1130 : vector<16xf32>
          %max3A_1139 = arith.maximumf %max3A_1131, %max3A_1133 : vector<16xf32>
          %min3A_1140 = arith.minimumf %max3A_1131, %max3A_1133 : vector<16xf32>
          %max3A_1141 = arith.maximumf %min3A_1132, %min3A_1134 : vector<16xf32>
          %min3A_1142 = arith.minimumf %min3A_1132, %min3A_1134 : vector<16xf32>
          %max3A_1143 = arith.maximumf %max3A_1111, %min3A_1142 : vector<16xf32>
          %max3A_1144 = arith.maximumf %min3A_1112, %max3A_1141 : vector<16xf32>
          %max3A_1145 = arith.maximumf %max3A_1113, %min3A_1140 : vector<16xf32>
          %max3A_1146 = arith.maximumf %min3A_1114, %max3A_1139 : vector<16xf32>
          %max3A_1147 = arith.maximumf %max3A_1115, %min3A_1138 : vector<16xf32>
          %max3A_1148 = arith.maximumf %min3A_1116, %max3A_1137 : vector<16xf32>
          %max3A_1149 = arith.maximumf %max3A_1117, %min3A_1136 : vector<16xf32>
          %max3A_1150 = arith.maximumf %min3A_1118, %max3A_1135 : vector<16xf32>
          %max3A_1151 = arith.maximumf %max3A_1143, %max3A_1147 : vector<16xf32>
          %min3A_1152 = arith.minimumf %max3A_1143, %max3A_1147 : vector<16xf32>
          %max3A_1153 = arith.maximumf %max3A_1144, %max3A_1148 : vector<16xf32>
          %min3A_1154 = arith.minimumf %max3A_1144, %max3A_1148 : vector<16xf32>
          %max3A_1155 = arith.maximumf %max3A_1145, %max3A_1149 : vector<16xf32>
          %min3A_1156 = arith.minimumf %max3A_1145, %max3A_1149 : vector<16xf32>
          %max3A_1157 = arith.maximumf %max3A_1146, %max3A_1150 : vector<16xf32>
          %min3A_1158 = arith.minimumf %max3A_1146, %max3A_1150 : vector<16xf32>
          %max3A_1159 = arith.maximumf %max3A_1151, %max3A_1155 : vector<16xf32>
          %min3A_1160 = arith.minimumf %max3A_1151, %max3A_1155 : vector<16xf32>
          %max3A_1161 = arith.maximumf %max3A_1153, %max3A_1157 : vector<16xf32>
          %min3A_1162 = arith.minimumf %max3A_1153, %max3A_1157 : vector<16xf32>
          %max3A_1163 = arith.maximumf %min3A_1152, %min3A_1156 : vector<16xf32>
          %min3A_1164 = arith.minimumf %min3A_1152, %min3A_1156 : vector<16xf32>
          %max3A_1165 = arith.maximumf %min3A_1154, %min3A_1158 : vector<16xf32>
          %min3A_1166 = arith.minimumf %min3A_1154, %min3A_1158 : vector<16xf32>
          %max3A_1167 = arith.maximumf %max3A_1159, %max3A_1161 : vector<16xf32>
          %min3A_1168 = arith.minimumf %max3A_1159, %max3A_1161 : vector<16xf32>
          %max3A_1169 = arith.maximumf %min3A_1160, %min3A_1162 : vector<16xf32>
          %min3A_1170 = arith.minimumf %min3A_1160, %min3A_1162 : vector<16xf32>
          %max3A_1171 = arith.maximumf %max3A_1163, %max3A_1165 : vector<16xf32>
          %min3A_1172 = arith.minimumf %max3A_1163, %max3A_1165 : vector<16xf32>
          %max3A_1173 = arith.maximumf %min3A_1164, %min3A_1166 : vector<16xf32>
          %min3A_1174 = arith.minimumf %min3A_1164, %min3A_1166 : vector<16xf32>
          %get3A_1175 = arith.constant 0 : i32
          %get3A_1176 = arith.index_cast %get3A_1175 : i32 to index
          %get3A_1177 = arith.constant 16 : index
          %get3A_1178 = tpu.vector_load %arg6[%get3A_1176, %get3A_1177] {strides = array<i32>} : memref<8x64xf32, #tpu.memory_space<vmem>>, vector<16xf32>,
          %get3A_1179 = arith.constant 1 : i32
          %get3A_1180 = arith.index_cast %get3A_1179 : i32 to index
          %get3A_1181 = arith.constant 16 : index
          %get3A_1182 = tpu.vector_load %arg6[%get3A_1180, %get3A_1181] {strides = array<i32>} : memref<8x64xf32, #tpu.memory_space<vmem>>, vector<16xf32>,
          %get3A_1183 = arith.constant 2 : i32
          %get3A_1184 = arith.index_cast %get3A_1183 : i32 to index
          %get3A_1185 = arith.constant 16 : index
          %get3A_1186 = tpu.vector_load %arg6[%get3A_1184, %get3A_1185] {strides = array<i32>} : memref<8x64xf32, #tpu.memory_space<vmem>>, vector<16xf32>,
          %get3A_1187 = arith.constant 3 : i32
          %get3A_1188 = arith.index_cast %get3A_1187 : i32 to index
          %get3A_1189 = arith.constant 16 : index
          %get3A_1190 = tpu.vector_load %arg6[%get3A_1188, %get3A_1189] {strides = array<i32>} : memref<8x64xf32, #tpu.memory_space<vmem>>, vector<16xf32>,
          %get3A_1191 = arith.constant 4 : i32
          %get3A_1192 = arith.index_cast %get3A_1191 : i32 to index
          %get3A_1193 = arith.constant 16 : index
          %get3A_1194 = tpu.vector_load %arg6[%get3A_1192, %get3A_1193] {strides = array<i32>} : memref<8x64xf32, #tpu.memory_space<vmem>>, vector<16xf32>,
          %get3A_1195 = arith.constant 5 : i32
          %get3A_1196 = arith.index_cast %get3A_1195 : i32 to index
          %get3A_1197 = arith.constant 16 : index
          %get3A_1198 = tpu.vector_load %arg6[%get3A_1196, %get3A_1197] {strides = array<i32>} : memref<8x64xf32, #tpu.memory_space<vmem>>, vector<16xf32>,
          %get3A_1199 = arith.constant 6 : i32
          %get3A_1200 = arith.index_cast %get3A_1199 : i32 to index
          %get3A_1201 = arith.constant 16 : index
          %get3A_1202 = tpu.vector_load %arg6[%get3A_1200, %get3A_1201] {strides = array<i32>} : memref<8x64xf32, #tpu.memory_space<vmem>>, vector<16xf32>,
          %get3A_1203 = arith.constant 7 : i32
          %get3A_1204 = arith.index_cast %get3A_1203 : i32 to index
          %get3A_1205 = arith.constant 16 : index
          %get3A_1206 = tpu.vector_load %arg6[%get3A_1204, %get3A_1205] {strides = array<i32>} : memref<8x64xf32, #tpu.memory_space<vmem>>, vector<16xf32>,
          %max3A_1207 = arith.maximumf %get3A_1178, %min3A_1174 : vector<16xf32>
          %max3A_1208 = arith.maximumf %get3A_1182, %max3A_1173 : vector<16xf32>
          %max3A_1209 = arith.maximumf %get3A_1186, %min3A_1172 : vector<16xf32>
          %max3A_1210 = arith.maximumf %get3A_1190, %max3A_1171 : vector<16xf32>
          %max3A_1211 = arith.maximumf %get3A_1194, %min3A_1170 : vector<16xf32>
          %max3A_1212 = arith.maximumf %get3A_1198, %max3A_1169 : vector<16xf32>
          %max3A_1213 = arith.maximumf %get3A_1202, %min3A_1168 : vector<16xf32>
          %max3A_1214 = arith.maximumf %get3A_1206, %max3A_1167 : vector<16xf32>
          %max3A_1215 = arith.maximumf %max3A_1207, %max3A_1211 : vector<16xf32>
          %min3A_1216 = arith.minimumf %max3A_1207, %max3A_1211 : vector<16xf32>
          %max3A_1217 = arith.maximumf %max3A_1208, %max3A_1212 : vector<16xf32>
          %min3A_1218 = arith.minimumf %max3A_1208, %max3A_1212 : vector<16xf32>
          %max3A_1219 = arith.maximumf %max3A_1209, %max3A_1213 : vector<16xf32>
          %min3A_1220 = arith.minimumf %max3A_1209, %max3A_1213 : vector<16xf32>
          %max3A_1221 = arith.maximumf %max3A_1210, %max3A_1214 : vector<16xf32>
          %min3A_1222 = arith.minimumf %max3A_1210, %max3A_1214 : vector<16xf32>
          %max3A_1223 = arith.maximumf %max3A_1215, %max3A_1219 : vector<16xf32>
          %min3A_1224 = arith.minimumf %max3A_1215, %max3A_1219 : vector<16xf32>
          %max3A_1225 = arith.maximumf %max3A_1217, %max3A_1221 : vector<16xf32>
          %min3A_1226 = arith.minimumf %max3A_1217, %max3A_1221 : vector<16xf32>
          %max3A_1227 = arith.maximumf %min3A_1216, %min3A_1220 : vector<16xf32>
          %min3A_1228 = arith.minimumf %min3A_1216, %min3A_1220 : vector<16xf32>
          %max3A_1229 = arith.maximumf %min3A_1218, %min3A_1222 : vector<16xf32>
          %min3A_1230 = arith.minimumf %min3A_1218, %min3A_1222 : vector<16xf32>
          %max3A_1231 = arith.maximumf %max3A_1223, %max3A_1225 : vector<16xf32>
          %min3A_1232 = arith.minimumf %max3A_1223, %max3A_1225 : vector<16xf32>
          %max3A_1233 = arith.maximumf %min3A_1224, %min3A_1226 : vector<16xf32>
          %min3A_1234 = arith.minimumf %min3A_1224, %min3A_1226 : vector<16xf32>
          %max3A_1235 = arith.maximumf %max3A_1227, %max3A_1229 : vector<16xf32>
          %min3A_1236 = arith.minimumf %max3A_1227, %max3A_1229 : vector<16xf32>
          %max3A_1237 = arith.maximumf %min3A_1228, %min3A_1230 : vector<16xf32>
          %min3A_1238 = arith.minimumf %min3A_1228, %min3A_1230 : vector<16xf32>
          %swap3A_1239 = arith.constant 0 : i32
          %swap3A_1240 = arith.index_cast %swap3A_1239 : i32 to index
          %swap3A_1241 = arith.constant 16 : index
          %swap3A_1242 = tpu.vector_load %arg6[%swap3A_1240, %swap3A_1241] {strides = array<i32>} : memref<8x64xf32, #tpu.memory_space<vmem>>, vector<16xf32>,
          tpu.vector_store %arg6[%swap3A_1240, %swap3A_1241], %max3A_1231 {strides = array<i32>} : memref<8x64xf32, #tpu.memory_space<vmem>>, vector<16xf32>,
          %swap3A_1243 = arith.constant 1 : i32
          %swap3A_1244 = arith.index_cast %swap3A_1243 : i32 to index
          %swap3A_1245 = arith.constant 16 : index
          %swap3A_1246 = tpu.vector_load %arg6[%swap3A_1244, %swap3A_1245] {strides = array<i32>} : memref<8x64xf32, #tpu.memory_space<vmem>>, vector<16xf32>,
          tpu.vector_store %arg6[%swap3A_1244, %swap3A_1245], %min3A_1232 {strides = array<i32>} : memref<8x64xf32, #tpu.memory_space<vmem>>, vector<16xf32>,
          %swap3A_1247 = arith.constant 2 : i32
          %swap3A_1248 = arith.index_cast %swap3A_1247 : i32 to index
          %swap3A_1249 = arith.constant 16 : index
          %swap3A_1250 = tpu.vector_load %arg6[%swap3A_1248, %swap3A_1249] {strides = array<i32>} : memref<8x64xf32, #tpu.memory_space<vmem>>, vector<16xf32>,
          tpu.vector_store %arg6[%swap3A_1248, %swap3A_1249], %max3A_1233 {strides = array<i32>} : memref<8x64xf32, #tpu.memory_space<vmem>>, vector<16xf32>,
          %swap3A_1251 = arith.constant 3 : i32
          %swap3A_1252 = arith.index_cast %swap3A_1251 : i32 to index
          %swap3A_1253 = arith.constant 16 : index
          %swap3A_1254 = tpu.vector_load %arg6[%swap3A_1252, %swap3A_1253] {strides = array<i32>} : memref<8x64xf32, #tpu.memory_space<vmem>>, vector<16xf32>,
          tpu.vector_store %arg6[%swap3A_1252, %swap3A_1253], %min3A_1234 {strides = array<i32>} : memref<8x64xf32, #tpu.memory_space<vmem>>, vector<16xf32>,
          %swap3A_1255 = arith.constant 4 : i32
          %swap3A_1256 = arith.index_cast %swap3A_1255 : i32 to index
          %swap3A_1257 = arith.constant 16 : index
          %swap3A_1258 = tpu.vector_load %arg6[%swap3A_1256, %swap3A_1257] {strides = array<i32>} : memref<8x64xf32, #tpu.memory_space<vmem>>, vector<16xf32>,
          tpu.vector_store %arg6[%swap3A_1256, %swap3A_1257], %max3A_1235 {strides = array<i32>} : memref<8x64xf32, #tpu.memory_space<vmem>>, vector<16xf32>,
          %swap3A_1259 = arith.constant 5 : i32
          %swap3A_1260 = arith.index_cast %swap3A_1259 : i32 to index
          %swap3A_1261 = arith.constant 16 : index
          %swap3A_1262 = tpu.vector_load %arg6[%swap3A_1260, %swap3A_1261] {strides = array<i32>} : memref<8x64xf32, #tpu.memory_space<vmem>>, vector<16xf32>,
          tpu.vector_store %arg6[%swap3A_1260, %swap3A_1261], %min3A_1236 {strides = array<i32>} : memref<8x64xf32, #tpu.memory_space<vmem>>, vector<16xf32>,
          %swap3A_1263 = arith.constant 6 : i32
          %swap3A_1264 = arith.index_cast %swap3A_1263 : i32 to index
          %swap3A_1265 = arith.constant 16 : index
          %swap3A_1266 = tpu.vector_load %arg6[%swap3A_1264, %swap3A_1265] {strides = array<i32>} : memref<8x64xf32, #tpu.memory_space<vmem>>, vector<16xf32>,
          tpu.vector_store %arg6[%swap3A_1264, %swap3A_1265], %max3A_1237 {strides = array<i32>} : memref<8x64xf32, #tpu.memory_space<vmem>>, vector<16xf32>,
          %swap3A_1267 = arith.constant 7 : i32
          %swap3A_1268 = arith.index_cast %swap3A_1267 : i32 to index
          %swap3A_1269 = arith.constant 16 : index
          %swap3A_1270 = tpu.vector_load %arg6[%swap3A_1268, %swap3A_1269] {strides = array<i32>} : memref<8x64xf32, #tpu.memory_space<vmem>>, vector<16xf32>,
          tpu.vector_store %arg6[%swap3A_1268, %swap3A_1269], %min3A_1238 {strides = array<i32>} : memref<8x64xf32, #tpu.memory_space<vmem>>, vector<16xf32>,
          %broadcast_in_dim3A_1271 = arith.constant 0 : i32
          %broadcast_in_dim3A_1272 = vector.broadcast %broadcast_in_dim3A_1271 : i32 to vector<16xi32>
          %add3A_1273 = arith.addi %iota3A, %broadcast_in_dim3A_1272 : vector<16xi32>
          %broadcast_in_dim3A_1274 = arith.constant 15 : i32
          %broadcast_in_dim3A_1275 = vector.broadcast %broadcast_in_dim3A_1274 : i32 to vector<16xi32>
          %and3A_1276 = arith.andi %add3A_1273, %broadcast_in_dim3A_1275 : vector<16xi32>
          %broadcast_in_dim3A_1277 = vector.broadcast %mul3A_284 : i32 to vector<16xi32>
          %add3A_1278 = arith.addi %and3A_1276, %broadcast_in_dim3A_1277 : vector<16xi32>
          %gather3A_1279 = tpu.vector_load_idx %arg4[%add3A_199, %add3A_1278] : memref<64x512xf32, #tpu.memory_space<vmem>>[vector<16xi32>, vector<16xi32>], vector<16xf32>,
          %broadcast_in_dim3A_1280 = arith.constant 1 : i32
          %broadcast_in_dim3A_1281 = vector.broadcast %broadcast_in_dim3A_1280 : i32 to vector<16xi32>
          %add3A_1282 = arith.addi %iota3A, %broadcast_in_dim3A_1281 : vector<16xi32>
          %broadcast_in_dim3A_1283 = arith.constant 15 : i32
          %broadcast_in_dim3A_1284 = vector.broadcast %broadcast_in_dim3A_1283 : i32 to vector<16xi32>
          %and3A_1285 = arith.andi %add3A_1282, %broadcast_in_dim3A_1284 : vector<16xi32>
          %broadcast_in_dim3A_1286 = vector.broadcast %mul3A_284 : i32 to vector<16xi32>
          %add3A_1287 = arith.addi %and3A_1285, %broadcast_in_dim3A_1286 : vector<16xi32>
          %gather3A_1288 = tpu.vector_load_idx %arg4[%add3A_199, %add3A_1287] : memref<64x512xf32, #tpu.memory_space<vmem>>[vector<16xi32>, vector<16xi32>], vector<16xf32>,
          %broadcast_in_dim3A_1289 = arith.constant 2 : i32
          %broadcast_in_dim3A_1290 = vector.broadcast %broadcast_in_dim3A_1289 : i32 to vector<16xi32>
          %add3A_1291 = arith.addi %iota3A, %broadcast_in_dim3A_1290 : vector<16xi32>
          %broadcast_in_dim3A_1292 = arith.constant 15 : i32
          %broadcast_in_dim3A_1293 = vector.broadcast %broadcast_in_dim3A_1292 : i32 to vector<16xi32>
          %and3A_1294 = arith.andi %add3A_1291, %broadcast_in_dim3A_1293 : vector<16xi32>
          %broadcast_in_dim3A_1295 = vector.broadcast %mul3A_284 : i32 to vector<16xi32>
          %add3A_1296 = arith.addi %and3A_1294, %broadcast_in_dim3A_1295 : vector<16xi32>
          %gather3A_1297 = tpu.vector_load_idx %arg4[%add3A_199, %add3A_1296] : memref<64x512xf32, #tpu.memory_space<vmem>>[vector<16xi32>, vector<16xi32>], vector<16xf32>,
          %broadcast_in_dim3A_1298 = arith.constant 3 : i32
          %broadcast_in_dim3A_1299 = vector.broadcast %broadcast_in_dim3A_1298 : i32 to vector<16xi32>
          %add3A_1300 = arith.addi %iota3A, %broadcast_in_dim3A_1299 : vector<16xi32>
          %broadcast_in_dim3A_1301 = arith.constant 15 : i32
          %broadcast_in_dim3A_1302 = vector.broadcast %broadcast_in_dim3A_1301 : i32 to vector<16xi32>
          %and3A_1303 = arith.andi %add3A_1300, %broadcast_in_dim3A_1302 : vector<16xi32>
          %broadcast_in_dim3A_1304 = vector.broadcast %mul3A_284 : i32 to vector<16xi32>
          %add3A_1305 = arith.addi %and3A_1303, %broadcast_in_dim3A_1304 : vector<16xi32>
          %gather3A_1306 = tpu.vector_load_idx %arg4[%add3A_199, %add3A_1305] : memref<64x512xf32, #tpu.memory_space<vmem>>[vector<16xi32>, vector<16xi32>], vector<16xf32>,
          %broadcast_in_dim3A_1307 = arith.constant 4 : i32
          %broadcast_in_dim3A_1308 = vector.broadcast %broadcast_in_dim3A_1307 : i32 to vector<16xi32>
          %add3A_1309 = arith.addi %iota3A, %broadcast_in_dim3A_1308 : vector<16xi32>
          %broadcast_in_dim3A_1310 = arith.constant 15 : i32
          %broadcast_in_dim3A_1311 = vector.broadcast %broadcast_in_dim3A_1310 : i32 to vector<16xi32>
          %and3A_1312 = arith.andi %add3A_1309, %broadcast_in_dim3A_1311 : vector<16xi32>
          %broadcast_in_dim3A_1313 = vector.broadcast %mul3A_284 : i32 to vector<16xi32>
          %add3A_1314 = arith.addi %and3A_1312, %broadcast_in_dim3A_1313 : vector<16xi32>
          %gather3A_1315 = tpu.vector_load_idx %arg4[%add3A_199, %add3A_1314] : memref<64x512xf32, #tpu.memory_space<vmem>>[vector<16xi32>, vector<16xi32>], vector<16xf32>,
          %broadcast_in_dim3A_1316 = arith.constant 5 : i32
          %broadcast_in_dim3A_1317 = vector.broadcast %broadcast_in_dim3A_1316 : i32 to vector<16xi32>
          %add3A_1318 = arith.addi %iota3A, %broadcast_in_dim3A_1317 : vector<16xi32>
          %broadcast_in_dim3A_1319 = arith.constant 15 : i32
          %broadcast_in_dim3A_1320 = vector.broadcast %broadcast_in_dim3A_1319 : i32 to vector<16xi32>
          %and3A_1321 = arith.andi %add3A_1318, %broadcast_in_dim3A_1320 : vector<16xi32>
          %broadcast_in_dim3A_1322 = vector.broadcast %mul3A_284 : i32 to vector<16xi32>
          %add3A_1323 = arith.addi %and3A_1321, %broadcast_in_dim3A_1322 : vector<16xi32>
          %gather3A_1324 = tpu.vector_load_idx %arg4[%add3A_199, %add3A_1323] : memref<64x512xf32, #tpu.memory_space<vmem>>[vector<16xi32>, vector<16xi32>], vector<16xf32>,
          %broadcast_in_dim3A_1325 = arith.constant 6 : i32
          %broadcast_in_dim3A_1326 = vector.broadcast %broadcast_in_dim3A_1325 : i32 to vector<16xi32>
          %add3A_1327 = arith.addi %iota3A, %broadcast_in_dim3A_1326 : vector<16xi32>
          %broadcast_in_dim3A_1328 = arith.constant 15 : i32
          %broadcast_in_dim3A_1329 = vector.broadcast %broadcast_in_dim3A_1328 : i32 to vector<16xi32>
          %and3A_1330 = arith.andi %add3A_1327, %broadcast_in_dim3A_1329 : vector<16xi32>
          %broadcast_in_dim3A_1331 = vector.broadcast %mul3A_284 : i32 to vector<16xi32>
          %add3A_1332 = arith.addi %and3A_1330, %broadcast_in_dim3A_1331 : vector<16xi32>
          %gather3A_1333 = tpu.vector_load_idx %arg4[%add3A_199, %add3A_1332] : memref<64x512xf32, #tpu.memory_space<vmem>>[vector<16xi32>, vector<16xi32>], vector<16xf32>,
          %broadcast_in_dim3A_1334 = arith.constant 7 : i32
          %broadcast_in_dim3A_1335 = vector.broadcast %broadcast_in_dim3A_1334 : i32 to vector<16xi32>
          %add3A_1336 = arith.addi %iota3A, %broadcast_in_dim3A_1335 : vector<16xi32>
          %broadcast_in_dim3A_1337 = arith.constant 15 : i32
          %broadcast_in_dim3A_1338 = vector.broadcast %broadcast_in_dim3A_1337 : i32 to vector<16xi32>
          %and3A_1339 = arith.andi %add3A_1336, %broadcast_in_dim3A_1338 : vector<16xi32>
          %broadcast_in_dim3A_1340 = vector.broadcast %mul3A_284 : i32 to vector<16xi32>
          %add3A_1341 = arith.addi %and3A_1339, %broadcast_in_dim3A_1340 : vector<16xi32>
          %gather3A_1342 = tpu.vector_load_idx %arg4[%add3A_199, %add3A_1341] : memref<64x512xf32, #tpu.memory_space<vmem>>[vector<16xi32>, vector<16xi32>], vector<16xf32>,
          %broadcast_in_dim3A_1343 = arith.constant 8 : i32
          %broadcast_in_dim3A_1344 = vector.broadcast %broadcast_in_dim3A_1343 : i32 to vector<16xi32>
          %add3A_1345 = arith.addi %iota3A, %broadcast_in_dim3A_1344 : vector<16xi32>
          %broadcast_in_dim3A_1346 = arith.constant 15 : i32
          %broadcast_in_dim3A_1347 = vector.broadcast %broadcast_in_dim3A_1346 : i32 to vector<16xi32>
          %and3A_1348 = arith.andi %add3A_1345, %broadcast_in_dim3A_1347 : vector<16xi32>
          %broadcast_in_dim3A_1349 = vector.broadcast %mul3A_284 : i32 to vector<16xi32>
          %add3A_1350 = arith.addi %and3A_1348, %broadcast_in_dim3A_1349 : vector<16xi32>
          %gather3A_1351 = tpu.vector_load_idx %arg4[%add3A_199, %add3A_1350] : memref<64x512xf32, #tpu.memory_space<vmem>>[vector<16xi32>, vector<16xi32>], vector<16xf32>,
          %broadcast_in_dim3A_1352 = arith.constant 9 : i32
          %broadcast_in_dim3A_1353 = vector.broadcast %broadcast_in_dim3A_1352 : i32 to vector<16xi32>
          %add3A_1354 = arith.addi %iota3A, %broadcast_in_dim3A_1353 : vector<16xi32>
          %broadcast_in_dim3A_1355 = arith.constant 15 : i32
          %broadcast_in_dim3A_1356 = vector.broadcast %broadcast_in_dim3A_1355 : i32 to vector<16xi32>
          %and3A_1357 = arith.andi %add3A_1354, %broadcast_in_dim3A_1356 : vector<16xi32>
          %broadcast_in_dim3A_1358 = vector.broadcast %mul3A_284 : i32 to vector<16xi32>
          %add3A_1359 = arith.addi %and3A_1357, %broadcast_in_dim3A_1358 : vector<16xi32>
          %gather3A_1360 = tpu.vector_load_idx %arg4[%add3A_199, %add3A_1359] : memref<64x512xf32, #tpu.memory_space<vmem>>[vector<16xi32>, vector<16xi32>], vector<16xf32>,
          %broadcast_in_dim3A_1361 = arith.constant 10 : i32
          %broadcast_in_dim3A_1362 = vector.broadcast %broadcast_in_dim3A_1361 : i32 to vector<16xi32>
          %add3A_1363 = arith.addi %iota3A, %broadcast_in_dim3A_1362 : vector<16xi32>
          %broadcast_in_dim3A_1364 = arith.constant 15 : i32
          %broadcast_in_dim3A_1365 = vector.broadcast %broadcast_in_dim3A_1364 : i32 to vector<16xi32>
          %and3A_1366 = arith.andi %add3A_1363, %broadcast_in_dim3A_1365 : vector<16xi32>
          %broadcast_in_dim3A_1367 = vector.broadcast %mul3A_284 : i32 to vector<16xi32>
          %add3A_1368 = arith.addi %and3A_1366, %broadcast_in_dim3A_1367 : vector<16xi32>
          %gather3A_1369 = tpu.vector_load_idx %arg4[%add3A_199, %add3A_1368] : memref<64x512xf32, #tpu.memory_space<vmem>>[vector<16xi32>, vector<16xi32>], vector<16xf32>,
          %broadcast_in_dim3A_1370 = arith.constant 11 : i32
          %broadcast_in_dim3A_1371 = vector.broadcast %broadcast_in_dim3A_1370 : i32 to vector<16xi32>
          %add3A_1372 = arith.addi %iota3A, %broadcast_in_dim3A_1371 : vector<16xi32>
          %broadcast_in_dim3A_1373 = arith.constant 15 : i32
          %broadcast_in_dim3A_1374 = vector.broadcast %broadcast_in_dim3A_1373 : i32 to vector<16xi32>
          %and3A_1375 = arith.andi %add3A_1372, %broadcast_in_dim3A_1374 : vector<16xi32>
          %broadcast_in_dim3A_1376 = vector.broadcast %mul3A_284 : i32 to vector<16xi32>
          %add3A_1377 = arith.addi %and3A_1375, %broadcast_in_dim3A_1376 : vector<16xi32>
          %gather3A_1378 = tpu.vector_load_idx %arg4[%add3A_199, %add3A_1377] : memref<64x512xf32, #tpu.memory_space<vmem>>[vector<16xi32>, vector<16xi32>], vector<16xf32>,
          %broadcast_in_dim3A_1379 = arith.constant 12 : i32
          %broadcast_in_dim3A_1380 = vector.broadcast %broadcast_in_dim3A_1379 : i32 to vector<16xi32>
          %add3A_1381 = arith.addi %iota3A, %broadcast_in_dim3A_1380 : vector<16xi32>
          %broadcast_in_dim3A_1382 = arith.constant 15 : i32
          %broadcast_in_dim3A_1383 = vector.broadcast %broadcast_in_dim3A_1382 : i32 to vector<16xi32>
          %and3A_1384 = arith.andi %add3A_1381, %broadcast_in_dim3A_1383 : vector<16xi32>
          %broadcast_in_dim3A_1385 = vector.broadcast %mul3A_284 : i32 to vector<16xi32>
          %add3A_1386 = arith.addi %and3A_1384, %broadcast_in_dim3A_1385 : vector<16xi32>
          %gather3A_1387 = tpu.vector_load_idx %arg4[%add3A_199, %add3A_1386] : memref<64x512xf32, #tpu.memory_space<vmem>>[vector<16xi32>, vector<16xi32>], vector<16xf32>,
          %broadcast_in_dim3A_1388 = arith.constant 13 : i32
          %broadcast_in_dim3A_1389 = vector.broadcast %broadcast_in_dim3A_1388 : i32 to vector<16xi32>
          %add3A_1390 = arith.addi %iota3A, %broadcast_in_dim3A_1389 : vector<16xi32>
          %broadcast_in_dim3A_1391 = arith.constant 15 : i32
          %broadcast_in_dim3A_1392 = vector.broadcast %broadcast_in_dim3A_1391 : i32 to vector<16xi32>
          %and3A_1393 = arith.andi %add3A_1390, %broadcast_in_dim3A_1392 : vector<16xi32>
          %broadcast_in_dim3A_1394 = vector.broadcast %mul3A_284 : i32 to vector<16xi32>
          %add3A_1395 = arith.addi %and3A_1393, %broadcast_in_dim3A_1394 : vector<16xi32>
          %gather3A_1396 = tpu.vector_load_idx %arg4[%add3A_199, %add3A_1395] : memref<64x512xf32, #tpu.memory_space<vmem>>[vector<16xi32>, vector<16xi32>], vector<16xf32>,
          %broadcast_in_dim3A_1397 = arith.constant 14 : i32
          %broadcast_in_dim3A_1398 = vector.broadcast %broadcast_in_dim3A_1397 : i32 to vector<16xi32>
          %add3A_1399 = arith.addi %iota3A, %broadcast_in_dim3A_1398 : vector<16xi32>
          %broadcast_in_dim3A_1400 = arith.constant 15 : i32
          %broadcast_in_dim3A_1401 = vector.broadcast %broadcast_in_dim3A_1400 : i32 to vector<16xi32>
          %and3A_1402 = arith.andi %add3A_1399, %broadcast_in_dim3A_1401 : vector<16xi32>
          %broadcast_in_dim3A_1403 = vector.broadcast %mul3A_284 : i32 to vector<16xi32>
          %add3A_1404 = arith.addi %and3A_1402, %broadcast_in_dim3A_1403 : vector<16xi32>
          %gather3A_1405 = tpu.vector_load_idx %arg4[%add3A_199, %add3A_1404] : memref<64x512xf32, #tpu.memory_space<vmem>>[vector<16xi32>, vector<16xi32>], vector<16xf32>,
          %broadcast_in_dim3A_1406 = arith.constant 15 : i32
          %broadcast_in_dim3A_1407 = vector.broadcast %broadcast_in_dim3A_1406 : i32 to vector<16xi32>
          %add3A_1408 = arith.addi %iota3A, %broadcast_in_dim3A_1407 : vector<16xi32>
          %broadcast_in_dim3A_1409 = arith.constant 15 : i32
          %broadcast_in_dim3A_1410 = vector.broadcast %broadcast_in_dim3A_1409 : i32 to vector<16xi32>
          %and3A_1411 = arith.andi %add3A_1408, %broadcast_in_dim3A_1410 : vector<16xi32>
          %broadcast_in_dim3A_1412 = vector.broadcast %mul3A_284 : i32 to vector<16xi32>
          %add3A_1413 = arith.addi %and3A_1411, %broadcast_in_dim3A_1412 : vector<16xi32>
          %gather3A_1414 = tpu.vector_load_idx %arg4[%add3A_199, %add3A_1413] : memref<64x512xf32, #tpu.memory_space<vmem>>[vector<16xi32>, vector<16xi32>], vector<16xf32>,
          %max3A_1415 = arith.maximumf %gather3A_1279, %gather3A_1288 : vector<16xf32>
          %min3A_1416 = arith.minimumf %gather3A_1279, %gather3A_1288 : vector<16xf32>
          %max3A_1417 = arith.maximumf %gather3A_1297, %gather3A_1306 : vector<16xf32>
          %min3A_1418 = arith.minimumf %gather3A_1297, %gather3A_1306 : vector<16xf32>
          %max3A_1419 = arith.maximumf %gather3A_1315, %gather3A_1324 : vector<16xf32>
          %min3A_1420 = arith.minimumf %gather3A_1315, %gather3A_1324 : vector<16xf32>
          %max3A_1421 = arith.maximumf %gather3A_1333, %gather3A_1342 : vector<16xf32>
          %min3A_1422 = arith.minimumf %gather3A_1333, %gather3A_1342 : vector<16xf32>
          %max3A_1423 = arith.maximumf %gather3A_1351, %gather3A_1360 : vector<16xf32>
          %min3A_1424 = arith.minimumf %gather3A_1351, %gather3A_1360 : vector<16xf32>
          %max3A_1425 = arith.maximumf %gather3A_1369, %gather3A_1378 : vector<16xf32>
          %min3A_1426 = arith.minimumf %gather3A_1369, %gather3A_1378 : vector<16xf32>
          %max3A_1427 = arith.maximumf %gather3A_1387, %gather3A_1396 : vector<16xf32>
          %min3A_1428 = arith.minimumf %gather3A_1387, %gather3A_1396 : vector<16xf32>
          %max3A_1429 = arith.maximumf %gather3A_1405, %gather3A_1414 : vector<16xf32>
          %min3A_1430 = arith.minimumf %gather3A_1405, %gather3A_1414 : vector<16xf32>
          %max3A_1431 = arith.maximumf %max3A_1415, %max3A_1417 : vector<16xf32>
          %min3A_1432 = arith.minimumf %max3A_1415, %max3A_1417 : vector<16xf32>
          %max3A_1433 = arith.maximumf %min3A_1416, %min3A_1418 : vector<16xf32>
          %min3A_1434 = arith.minimumf %min3A_1416, %min3A_1418 : vector<16xf32>
          %max3A_1435 = arith.maximumf %min3A_1432, %max3A_1433 : vector<16xf32>
          %min3A_1436 = arith.minimumf %min3A_1432, %max3A_1433 : vector<16xf32>
          %max3A_1437 = arith.maximumf %max3A_1419, %max3A_1421 : vector<16xf32>
          %min3A_1438 = arith.minimumf %max3A_1419, %max3A_1421 : vector<16xf32>
          %max3A_1439 = arith.maximumf %min3A_1420, %min3A_1422 : vector<16xf32>
          %min3A_1440 = arith.minimumf %min3A_1420, %min3A_1422 : vector<16xf32>
          %max3A_1441 = arith.maximumf %min3A_1438, %max3A_1439 : vector<16xf32>
          %min3A_1442 = arith.minimumf %min3A_1438, %max3A_1439 : vector<16xf32>
          %max3A_1443 = arith.maximumf %max3A_1423, %max3A_1425 : vector<16xf32>
          %min3A_1444 = arith.minimumf %max3A_1423, %max3A_1425 : vector<16xf32>
          %max3A_1445 = arith.maximumf %min3A_1424, %min3A_1426 : vector<16xf32>
          %min3A_1446 = arith.minimumf %min3A_1424, %min3A_1426 : vector<16xf32>
          %max3A_1447 = arith.maximumf %min3A_1444, %max3A_1445 : vector<16xf32>
          %min3A_1448 = arith.minimumf %min3A_1444, %max3A_1445 : vector<16xf32>
          %max3A_1449 = arith.maximumf %max3A_1427, %max3A_1429 : vector<16xf32>
          %min3A_1450 = arith.minimumf %max3A_1427, %max3A_1429 : vector<16xf32>
          %max3A_1451 = arith.maximumf %min3A_1428, %min3A_1430 : vector<16xf32>
          %min3A_1452 = arith.minimumf %min3A_1428, %min3A_1430 : vector<16xf32>
          %max3A_1453 = arith.maximumf %min3A_1450, %max3A_1451 : vector<16xf32>
          %min3A_1454 = arith.minimumf %min3A_1450, %max3A_1451 : vector<16xf32>
          %max3A_1455 = arith.maximumf %max3A_1431, %min3A_1440 : vector<16xf32>
          %min3A_1456 = arith.minimumf %max3A_1431, %min3A_1440 : vector<16xf32>
          %max3A_1457 = arith.maximumf %max3A_1435, %min3A_1442 : vector<16xf32>
          %min3A_1458 = arith.minimumf %max3A_1435, %min3A_1442 : vector<16xf32>
          %max3A_1459 = arith.maximumf %min3A_1436, %max3A_1441 : vector<16xf32>
          %min3A_1460 = arith.minimumf %min3A_1436, %max3A_1441 : vector<16xf32>
          %max3A_1461 = arith.maximumf %min3A_1434, %max3A_1437 : vector<16xf32>
          %min3A_1462 = arith.minimumf %min3A_1434, %max3A_1437 : vector<16xf32>
          %max3A_1463 = arith.maximumf %max3A_1455, %max3A_1459 : vector<16xf32>
          %min3A_1464 = arith.minimumf %max3A_1455, %max3A_1459 : vector<16xf32>
          %max3A_1465 = arith.maximumf %max3A_1457, %max3A_1461 : vector<16xf32>
          %min3A_1466 = arith.minimumf %max3A_1457, %max3A_1461 : vector<16xf32>
          %max3A_1467 = arith.maximumf %min3A_1456, %min3A_1460 : vector<16xf32>
          %min3A_1468 = arith.minimumf %min3A_1456, %min3A_1460 : vector<16xf32>
          %max3A_1469 = arith.maximumf %min3A_1458, %min3A_1462 : vector<16xf32>
          %min3A_1470 = arith.minimumf %min3A_1458, %min3A_1462 : vector<16xf32>
          %max3A_1471 = arith.maximumf %max3A_1463, %max3A_1465 : vector<16xf32>
          %min3A_1472 = arith.minimumf %max3A_1463, %max3A_1465 : vector<16xf32>
          %max3A_1473 = arith.maximumf %min3A_1464, %min3A_1466 : vector<16xf32>
          %min3A_1474 = arith.minimumf %min3A_1464, %min3A_1466 : vector<16xf32>
          %max3A_1475 = arith.maximumf %max3A_1467, %max3A_1469 : vector<16xf32>
          %min3A_1476 = arith.minimumf %max3A_1467, %max3A_1469 : vector<16xf32>
          %max3A_1477 = arith.maximumf %min3A_1468, %min3A_1470 : vector<16xf32>
          %min3A_1478 = arith.minimumf %min3A_1468, %min3A_1470 : vector<16xf32>
          %max3A_1479 = arith.maximumf %max3A_1443, %min3A_1452 : vector<16xf32>
          %min3A_1480 = arith.minimumf %max3A_1443, %min3A_1452 : vector<16xf32>
          %max3A_1481 = arith.maximumf %max3A_1447, %min3A_1454 : vector<16xf32>
          %min3A_1482 = arith.minimumf %max3A_1447, %min3A_1454 : vector<16xf32>
          %max3A_1483 = arith.maximumf %min3A_1448, %max3A_1453 : vector<16xf32>
          %min3A_1484 = arith.minimumf %min3A_1448, %max3A_1453 : vector<16xf32>
          %max3A_1485 = arith.maximumf %min3A_1446, %max3A_1449 : vector<16xf32>
          %min3A_1486 = arith.minimumf %min3A_1446, %max3A_1449 : vector<16xf32>
          %max3A_1487 = arith.maximumf %max3A_1479, %max3A_1483 : vector<16xf32>
          %min3A_1488 = arith.minimumf %max3A_1479, %max3A_1483 : vector<16xf32>
          %max3A_1489 = arith.maximumf %max3A_1481, %max3A_1485 : vector<16xf32>
          %min3A_1490 = arith.minimumf %max3A_1481, %max3A_1485 : vector<16xf32>
          %max3A_1491 = arith.maximumf %min3A_1480, %min3A_1484 : vector<16xf32>
          %min3A_1492 = arith.minimumf %min3A_1480, %min3A_1484 : vector<16xf32>
          %max3A_1493 = arith.maximumf %min3A_1482, %min3A_1486 : vector<16xf32>
          %min3A_1494 = arith.minimumf %min3A_1482, %min3A_1486 : vector<16xf32>
          %max3A_1495 = arith.maximumf %max3A_1487, %max3A_1489 : vector<16xf32>
          %min3A_1496 = arith.minimumf %max3A_1487, %max3A_1489 : vector<16xf32>
          %max3A_1497 = arith.maximumf %min3A_1488, %min3A_1490 : vector<16xf32>
          %min3A_1498 = arith.minimumf %min3A_1488, %min3A_1490 : vector<16xf32>
          %max3A_1499 = arith.maximumf %max3A_1491, %max3A_1493 : vector<16xf32>
          %min3A_1500 = arith.minimumf %max3A_1491, %max3A_1493 : vector<16xf32>
          %max3A_1501 = arith.maximumf %min3A_1492, %min3A_1494 : vector<16xf32>
          %min3A_1502 = arith.minimumf %min3A_1492, %min3A_1494 : vector<16xf32>
          %max3A_1503 = arith.maximumf %max3A_1471, %min3A_1502 : vector<16xf32>
          %max3A_1504 = arith.maximumf %min3A_1472, %max3A_1501 : vector<16xf32>
          %max3A_1505 = arith.maximumf %max3A_1473, %min3A_1500 : vector<16xf32>
          %max3A_1506 = arith.maximumf %min3A_1474, %max3A_1499 : vector<16xf32>
          %max3A_1507 = arith.maximumf %max3A_1475, %min3A_1498 : vector<16xf32>
          %max3A_1508 = arith.maximumf %min3A_1476, %max3A_1497 : vector<16xf32>
          %max3A_1509 = arith.maximumf %max3A_1477, %min3A_1496 : vector<16xf32>
          %max3A_1510 = arith.maximumf %min3A_1478, %max3A_1495 : vector<16xf32>
          %max3A_1511 = arith.maximumf %max3A_1503, %max3A_1507 : vector<16xf32>
          %min3A_1512 = arith.minimumf %max3A_1503, %max3A_1507 : vector<16xf32>
          %max3A_1513 = arith.maximumf %max3A_1504, %max3A_1508 : vector<16xf32>
          %min3A_1514 = arith.minimumf %max3A_1504, %max3A_1508 : vector<16xf32>
          %max3A_1515 = arith.maximumf %max3A_1505, %max3A_1509 : vector<16xf32>
          %min3A_1516 = arith.minimumf %max3A_1505, %max3A_1509 : vector<16xf32>
          %max3A_1517 = arith.maximumf %max3A_1506, %max3A_1510 : vector<16xf32>
          %min3A_1518 = arith.minimumf %max3A_1506, %max3A_1510 : vector<16xf32>
          %max3A_1519 = arith.maximumf %max3A_1511, %max3A_1515 : vector<16xf32>
          %min3A_1520 = arith.minimumf %max3A_1511, %max3A_1515 : vector<16xf32>
          %max3A_1521 = arith.maximumf %max3A_1513, %max3A_1517 : vector<16xf32>
          %min3A_1522 = arith.minimumf %max3A_1513, %max3A_1517 : vector<16xf32>
          %max3A_1523 = arith.maximumf %min3A_1512, %min3A_1516 : vector<16xf32>
          %min3A_1524 = arith.minimumf %min3A_1512, %min3A_1516 : vector<16xf32>
          %max3A_1525 = arith.maximumf %min3A_1514, %min3A_1518 : vector<16xf32>
          %min3A_1526 = arith.minimumf %min3A_1514, %min3A_1518 : vector<16xf32>
          %max3A_1527 = arith.maximumf %max3A_1519, %max3A_1521 : vector<16xf32>
          %min3A_1528 = arith.minimumf %max3A_1519, %max3A_1521 : vector<16xf32>
          %max3A_1529 = arith.maximumf %min3A_1520, %min3A_1522 : vector<16xf32>
          %min3A_1530 = arith.minimumf %min3A_1520, %min3A_1522 : vector<16xf32>
          %max3A_1531 = arith.maximumf %max3A_1523, %max3A_1525 : vector<16xf32>
          %min3A_1532 = arith.minimumf %max3A_1523, %max3A_1525 : vector<16xf32>
          %max3A_1533 = arith.maximumf %min3A_1524, %min3A_1526 : vector<16xf32>
          %min3A_1534 = arith.minimumf %min3A_1524, %min3A_1526 : vector<16xf32>
          %get3A_1535 = arith.constant 0 : i32
          %get3A_1536 = arith.index_cast %get3A_1535 : i32 to index
          %get3A_1537 = arith.constant 32 : index
          %get3A_1538 = tpu.vector_load %arg6[%get3A_1536, %get3A_1537] {strides = array<i32>} : memref<8x64xf32, #tpu.memory_space<vmem>>, vector<16xf32>,
          %get3A_1539 = arith.constant 1 : i32
          %get3A_1540 = arith.index_cast %get3A_1539 : i32 to index
          %get3A_1541 = arith.constant 32 : index
          %get3A_1542 = tpu.vector_load %arg6[%get3A_1540, %get3A_1541] {strides = array<i32>} : memref<8x64xf32, #tpu.memory_space<vmem>>, vector<16xf32>,
          %get3A_1543 = arith.constant 2 : i32
          %get3A_1544 = arith.index_cast %get3A_1543 : i32 to index
          %get3A_1545 = arith.constant 32 : index
          %get3A_1546 = tpu.vector_load %arg6[%get3A_1544, %get3A_1545] {strides = array<i32>} : memref<8x64xf32, #tpu.memory_space<vmem>>, vector<16xf32>,
          %get3A_1547 = arith.constant 3 : i32
          %get3A_1548 = arith.index_cast %get3A_1547 : i32 to index
          %get3A_1549 = arith.constant 32 : index
          %get3A_1550 = tpu.vector_load %arg6[%get3A_1548, %get3A_1549] {strides = array<i32>} : memref<8x64xf32, #tpu.memory_space<vmem>>, vector<16xf32>,
          %get3A_1551 = arith.constant 4 : i32
          %get3A_1552 = arith.index_cast %get3A_1551 : i32 to index
          %get3A_1553 = arith.constant 32 : index
          %get3A_1554 = tpu.vector_load %arg6[%get3A_1552, %get3A_1553] {strides = array<i32>} : memref<8x64xf32, #tpu.memory_space<vmem>>, vector<16xf32>,
          %get3A_1555 = arith.constant 5 : i32
          %get3A_1556 = arith.index_cast %get3A_1555 : i32 to index
          %get3A_1557 = arith.constant 32 : index
          %get3A_1558 = tpu.vector_load %arg6[%get3A_1556, %get3A_1557] {strides = array<i32>} : memref<8x64xf32, #tpu.memory_space<vmem>>, vector<16xf32>,
          %get3A_1559 = arith.constant 6 : i32
          %get3A_1560 = arith.index_cast %get3A_1559 : i32 to index
          %get3A_1561 = arith.constant 32 : index
          %get3A_1562 = tpu.vector_load %arg6[%get3A_1560, %get3A_1561] {strides = array<i32>} : memref<8x64xf32, #tpu.memory_space<vmem>>, vector<16xf32>,
          %get3A_1563 = arith.constant 7 : i32
          %get3A_1564 = arith.index_cast %get3A_1563 : i32 to index
          %get3A_1565 = arith.constant 32 : index
          %get3A_1566 = tpu.vector_load %arg6[%get3A_1564, %get3A_1565] {strides = array<i32>} : memref<8x64xf32, #tpu.memory_space<vmem>>, vector<16xf32>,
          %max3A_1567 = arith.maximumf %get3A_1538, %min3A_1534 : vector<16xf32>
          %max3A_1568 = arith.maximumf %get3A_1542, %max3A_1533 : vector<16xf32>
          %max3A_1569 = arith.maximumf %get3A_1546, %min3A_1532 : vector<16xf32>
          %max3A_1570 = arith.maximumf %get3A_1550, %max3A_1531 : vector<16xf32>
          %max3A_1571 = arith.maximumf %get3A_1554, %min3A_1530 : vector<16xf32>
          %max3A_1572 = arith.maximumf %get3A_1558, %max3A_1529 : vector<16xf32>
          %max3A_1573 = arith.maximumf %get3A_1562, %min3A_1528 : vector<16xf32>
          %max3A_1574 = arith.maximumf %get3A_1566, %max3A_1527 : vector<16xf32>
          %max3A_1575 = arith.maximumf %max3A_1567, %max3A_1571 : vector<16xf32>
          %min3A_1576 = arith.minimumf %max3A_1567, %max3A_1571 : vector<16xf32>
          %max3A_1577 = arith.maximumf %max3A_1568, %max3A_1572 : vector<16xf32>
          %min3A_1578 = arith.minimumf %max3A_1568, %max3A_1572 : vector<16xf32>
          %max3A_1579 = arith.maximumf %max3A_1569, %max3A_1573 : vector<16xf32>
          %min3A_1580 = arith.minimumf %max3A_1569, %max3A_1573 : vector<16xf32>
          %max3A_1581 = arith.maximumf %max3A_1570, %max3A_1574 : vector<16xf32>
          %min3A_1582 = arith.minimumf %max3A_1570, %max3A_1574 : vector<16xf32>
          %max3A_1583 = arith.maximumf %max3A_1575, %max3A_1579 : vector<16xf32>
          %min3A_1584 = arith.minimumf %max3A_1575, %max3A_1579 : vector<16xf32>
          %max3A_1585 = arith.maximumf %max3A_1577, %max3A_1581 : vector<16xf32>
          %min3A_1586 = arith.minimumf %max3A_1577, %max3A_1581 : vector<16xf32>
          %max3A_1587 = arith.maximumf %min3A_1576, %min3A_1580 : vector<16xf32>
          %min3A_1588 = arith.minimumf %min3A_1576, %min3A_1580 : vector<16xf32>
          %max3A_1589 = arith.maximumf %min3A_1578, %min3A_1582 : vector<16xf32>
          %min3A_1590 = arith.minimumf %min3A_1578, %min3A_1582 : vector<16xf32>
          %max3A_1591 = arith.maximumf %max3A_1583, %max3A_1585 : vector<16xf32>
          %min3A_1592 = arith.minimumf %max3A_1583, %max3A_1585 : vector<16xf32>
          %max3A_1593 = arith.maximumf %min3A_1584, %min3A_1586 : vector<16xf32>
          %min3A_1594 = arith.minimumf %min3A_1584, %min3A_1586 : vector<16xf32>
          %max3A_1595 = arith.maximumf %max3A_1587, %max3A_1589 : vector<16xf32>
          %min3A_1596 = arith.minimumf %max3A_1587, %max3A_1589 : vector<16xf32>
          %max3A_1597 = arith.maximumf %min3A_1588, %min3A_1590 : vector<16xf32>
          %min3A_1598 = arith.minimumf %min3A_1588, %min3A_1590 : vector<16xf32>
          %swap3A_1599 = arith.constant 0 : i32
          %swap3A_1600 = arith.index_cast %swap3A_1599 : i32 to index
          %swap3A_1601 = arith.constant 32 : index
          %swap3A_1602 = tpu.vector_load %arg6[%swap3A_1600, %swap3A_1601] {strides = array<i32>} : memref<8x64xf32, #tpu.memory_space<vmem>>, vector<16xf32>,
          tpu.vector_store %arg6[%swap3A_1600, %swap3A_1601], %max3A_1591 {strides = array<i32>} : memref<8x64xf32, #tpu.memory_space<vmem>>, vector<16xf32>,
          %swap3A_1603 = arith.constant 1 : i32
          %swap3A_1604 = arith.index_cast %swap3A_1603 : i32 to index
          %swap3A_1605 = arith.constant 32 : index
          %swap3A_1606 = tpu.vector_load %arg6[%swap3A_1604, %swap3A_1605] {strides = array<i32>} : memref<8x64xf32, #tpu.memory_space<vmem>>, vector<16xf32>,
          tpu.vector_store %arg6[%swap3A_1604, %swap3A_1605], %min3A_1592 {strides = array<i32>} : memref<8x64xf32, #tpu.memory_space<vmem>>, vector<16xf32>,
          %swap3A_1607 = arith.constant 2 : i32
          %swap3A_1608 = arith.index_cast %swap3A_1607 : i32 to index
          %swap3A_1609 = arith.constant 32 : index
          %swap3A_1610 = tpu.vector_load %arg6[%swap3A_1608, %swap3A_1609] {strides = array<i32>} : memref<8x64xf32, #tpu.memory_space<vmem>>, vector<16xf32>,
          tpu.vector_store %arg6[%swap3A_1608, %swap3A_1609], %max3A_1593 {strides = array<i32>} : memref<8x64xf32, #tpu.memory_space<vmem>>, vector<16xf32>,
          %swap3A_1611 = arith.constant 3 : i32
          %swap3A_1612 = arith.index_cast %swap3A_1611 : i32 to index
          %swap3A_1613 = arith.constant 32 : index
          %swap3A_1614 = tpu.vector_load %arg6[%swap3A_1612, %swap3A_1613] {strides = array<i32>} : memref<8x64xf32, #tpu.memory_space<vmem>>, vector<16xf32>,
          tpu.vector_store %arg6[%swap3A_1612, %swap3A_1613], %min3A_1594 {strides = array<i32>} : memref<8x64xf32, #tpu.memory_space<vmem>>, vector<16xf32>,
          %swap3A_1615 = arith.constant 4 : i32
          %swap3A_1616 = arith.index_cast %swap3A_1615 : i32 to index
          %swap3A_1617 = arith.constant 32 : index
          %swap3A_1618 = tpu.vector_load %arg6[%swap3A_1616, %swap3A_1617] {strides = array<i32>} : memref<8x64xf32, #tpu.memory_space<vmem>>, vector<16xf32>,
          tpu.vector_store %arg6[%swap3A_1616, %swap3A_1617], %max3A_1595 {strides = array<i32>} : memref<8x64xf32, #tpu.memory_space<vmem>>, vector<16xf32>,
          %swap3A_1619 = arith.constant 5 : i32
          %swap3A_1620 = arith.index_cast %swap3A_1619 : i32 to index
          %swap3A_1621 = arith.constant 32 : index
          %swap3A_1622 = tpu.vector_load %arg6[%swap3A_1620, %swap3A_1621] {strides = array<i32>} : memref<8x64xf32, #tpu.memory_space<vmem>>, vector<16xf32>,
          tpu.vector_store %arg6[%swap3A_1620, %swap3A_1621], %min3A_1596 {strides = array<i32>} : memref<8x64xf32, #tpu.memory_space<vmem>>, vector<16xf32>,
          %swap3A_1623 = arith.constant 6 : i32
          %swap3A_1624 = arith.index_cast %swap3A_1623 : i32 to index
          %swap3A_1625 = arith.constant 32 : index
          %swap3A_1626 = tpu.vector_load %arg6[%swap3A_1624, %swap3A_1625] {strides = array<i32>} : memref<8x64xf32, #tpu.memory_space<vmem>>, vector<16xf32>,
          tpu.vector_store %arg6[%swap3A_1624, %swap3A_1625], %max3A_1597 {strides = array<i32>} : memref<8x64xf32, #tpu.memory_space<vmem>>, vector<16xf32>,
          %swap3A_1627 = arith.constant 7 : i32
          %swap3A_1628 = arith.index_cast %swap3A_1627 : i32 to index
          %swap3A_1629 = arith.constant 32 : index
          %swap3A_1630 = tpu.vector_load %arg6[%swap3A_1628, %swap3A_1629] {strides = array<i32>} : memref<8x64xf32, #tpu.memory_space<vmem>>, vector<16xf32>,
          tpu.vector_store %arg6[%swap3A_1628, %swap3A_1629], %min3A_1598 {strides = array<i32>} : memref<8x64xf32, #tpu.memory_space<vmem>>, vector<16xf32>,
          %broadcast_in_dim3A_1631 = arith.constant 0 : i32
          %broadcast_in_dim3A_1632 = vector.broadcast %broadcast_in_dim3A_1631 : i32 to vector<16xi32>
          %add3A_1633 = arith.addi %iota3A, %broadcast_in_dim3A_1632 : vector<16xi32>
          %broadcast_in_dim3A_1634 = arith.constant 15 : i32
          %broadcast_in_dim3A_1635 = vector.broadcast %broadcast_in_dim3A_1634 : i32 to vector<16xi32>
          %and3A_1636 = arith.andi %add3A_1633, %broadcast_in_dim3A_1635 : vector<16xi32>
          %broadcast_in_dim3A_1637 = vector.broadcast %mul3A_284 : i32 to vector<16xi32>
          %add3A_1638 = arith.addi %and3A_1636, %broadcast_in_dim3A_1637 : vector<16xi32>
          %gather3A_1639 = tpu.vector_load_idx %arg4[%add3A_202, %add3A_1638] : memref<64x512xf32, #tpu.memory_space<vmem>>[vector<16xi32>, vector<16xi32>], vector<16xf32>,
          %broadcast_in_dim3A_1640 = arith.constant 1 : i32
          %broadcast_in_dim3A_1641 = vector.broadcast %broadcast_in_dim3A_1640 : i32 to vector<16xi32>
          %add3A_1642 = arith.addi %iota3A, %broadcast_in_dim3A_1641 : vector<16xi32>
          %broadcast_in_dim3A_1643 = arith.constant 15 : i32
          %broadcast_in_dim3A_1644 = vector.broadcast %broadcast_in_dim3A_1643 : i32 to vector<16xi32>
          %and3A_1645 = arith.andi %add3A_1642, %broadcast_in_dim3A_1644 : vector<16xi32>
          %broadcast_in_dim3A_1646 = vector.broadcast %mul3A_284 : i32 to vector<16xi32>
          %add3A_1647 = arith.addi %and3A_1645, %broadcast_in_dim3A_1646 : vector<16xi32>
          %gather3A_1648 = tpu.vector_load_idx %arg4[%add3A_202, %add3A_1647] : memref<64x512xf32, #tpu.memory_space<vmem>>[vector<16xi32>, vector<16xi32>], vector<16xf32>,
          %broadcast_in_dim3A_1649 = arith.constant 2 : i32
          %broadcast_in_dim3A_1650 = vector.broadcast %broadcast_in_dim3A_1649 : i32 to vector<16xi32>
          %add3A_1651 = arith.addi %iota3A, %broadcast_in_dim3A_1650 : vector<16xi32>
          %broadcast_in_dim3A_1652 = arith.constant 15 : i32
          %broadcast_in_dim3A_1653 = vector.broadcast %broadcast_in_dim3A_1652 : i32 to vector<16xi32>
          %and3A_1654 = arith.andi %add3A_1651, %broadcast_in_dim3A_1653 : vector<16xi32>
          %broadcast_in_dim3A_1655 = vector.broadcast %mul3A_284 : i32 to vector<16xi32>
          %add3A_1656 = arith.addi %and3A_1654, %broadcast_in_dim3A_1655 : vector<16xi32>
          %gather3A_1657 = tpu.vector_load_idx %arg4[%add3A_202, %add3A_1656] : memref<64x512xf32, #tpu.memory_space<vmem>>[vector<16xi32>, vector<16xi32>], vector<16xf32>,
          %broadcast_in_dim3A_1658 = arith.constant 3 : i32
          %broadcast_in_dim3A_1659 = vector.broadcast %broadcast_in_dim3A_1658 : i32 to vector<16xi32>
          %add3A_1660 = arith.addi %iota3A, %broadcast_in_dim3A_1659 : vector<16xi32>
          %broadcast_in_dim3A_1661 = arith.constant 15 : i32
          %broadcast_in_dim3A_1662 = vector.broadcast %broadcast_in_dim3A_1661 : i32 to vector<16xi32>
          %and3A_1663 = arith.andi %add3A_1660, %broadcast_in_dim3A_1662 : vector<16xi32>
          %broadcast_in_dim3A_1664 = vector.broadcast %mul3A_284 : i32 to vector<16xi32>
          %add3A_1665 = arith.addi %and3A_1663, %broadcast_in_dim3A_1664 : vector<16xi32>
          %gather3A_1666 = tpu.vector_load_idx %arg4[%add3A_202, %add3A_1665] : memref<64x512xf32, #tpu.memory_space<vmem>>[vector<16xi32>, vector<16xi32>], vector<16xf32>,
          %broadcast_in_dim3A_1667 = arith.constant 4 : i32
          %broadcast_in_dim3A_1668 = vector.broadcast %broadcast_in_dim3A_1667 : i32 to vector<16xi32>
          %add3A_1669 = arith.addi %iota3A, %broadcast_in_dim3A_1668 : vector<16xi32>
          %broadcast_in_dim3A_1670 = arith.constant 15 : i32
          %broadcast_in_dim3A_1671 = vector.broadcast %broadcast_in_dim3A_1670 : i32 to vector<16xi32>
          %and3A_1672 = arith.andi %add3A_1669, %broadcast_in_dim3A_1671 : vector<16xi32>
          %broadcast_in_dim3A_1673 = vector.broadcast %mul3A_284 : i32 to vector<16xi32>
          %add3A_1674 = arith.addi %and3A_1672, %broadcast_in_dim3A_1673 : vector<16xi32>
          %gather3A_1675 = tpu.vector_load_idx %arg4[%add3A_202, %add3A_1674] : memref<64x512xf32, #tpu.memory_space<vmem>>[vector<16xi32>, vector<16xi32>], vector<16xf32>,
          %broadcast_in_dim3A_1676 = arith.constant 5 : i32
          %broadcast_in_dim3A_1677 = vector.broadcast %broadcast_in_dim3A_1676 : i32 to vector<16xi32>
          %add3A_1678 = arith.addi %iota3A, %broadcast_in_dim3A_1677 : vector<16xi32>
          %broadcast_in_dim3A_1679 = arith.constant 15 : i32
          %broadcast_in_dim3A_1680 = vector.broadcast %broadcast_in_dim3A_1679 : i32 to vector<16xi32>
          %and3A_1681 = arith.andi %add3A_1678, %broadcast_in_dim3A_1680 : vector<16xi32>
          %broadcast_in_dim3A_1682 = vector.broadcast %mul3A_284 : i32 to vector<16xi32>
          %add3A_1683 = arith.addi %and3A_1681, %broadcast_in_dim3A_1682 : vector<16xi32>
          %gather3A_1684 = tpu.vector_load_idx %arg4[%add3A_202, %add3A_1683] : memref<64x512xf32, #tpu.memory_space<vmem>>[vector<16xi32>, vector<16xi32>], vector<16xf32>,
          %broadcast_in_dim3A_1685 = arith.constant 6 : i32
          %broadcast_in_dim3A_1686 = vector.broadcast %broadcast_in_dim3A_1685 : i32 to vector<16xi32>
          %add3A_1687 = arith.addi %iota3A, %broadcast_in_dim3A_1686 : vector<16xi32>
          %broadcast_in_dim3A_1688 = arith.constant 15 : i32
          %broadcast_in_dim3A_1689 = vector.broadcast %broadcast_in_dim3A_1688 : i32 to vector<16xi32>
          %and3A_1690 = arith.andi %add3A_1687, %broadcast_in_dim3A_1689 : vector<16xi32>
          %broadcast_in_dim3A_1691 = vector.broadcast %mul3A_284 : i32 to vector<16xi32>
          %add3A_1692 = arith.addi %and3A_1690, %broadcast_in_dim3A_1691 : vector<16xi32>
          %gather3A_1693 = tpu.vector_load_idx %arg4[%add3A_202, %add3A_1692] : memref<64x512xf32, #tpu.memory_space<vmem>>[vector<16xi32>, vector<16xi32>], vector<16xf32>,
          %broadcast_in_dim3A_1694 = arith.constant 7 : i32
          %broadcast_in_dim3A_1695 = vector.broadcast %broadcast_in_dim3A_1694 : i32 to vector<16xi32>
          %add3A_1696 = arith.addi %iota3A, %broadcast_in_dim3A_1695 : vector<16xi32>
          %broadcast_in_dim3A_1697 = arith.constant 15 : i32
          %broadcast_in_dim3A_1698 = vector.broadcast %broadcast_in_dim3A_1697 : i32 to vector<16xi32>
          %and3A_1699 = arith.andi %add3A_1696, %broadcast_in_dim3A_1698 : vector<16xi32>
          %broadcast_in_dim3A_1700 = vector.broadcast %mul3A_284 : i32 to vector<16xi32>
          %add3A_1701 = arith.addi %and3A_1699, %broadcast_in_dim3A_1700 : vector<16xi32>
          %gather3A_1702 = tpu.vector_load_idx %arg4[%add3A_202, %add3A_1701] : memref<64x512xf32, #tpu.memory_space<vmem>>[vector<16xi32>, vector<16xi32>], vector<16xf32>,
          %broadcast_in_dim3A_1703 = arith.constant 8 : i32
          %broadcast_in_dim3A_1704 = vector.broadcast %broadcast_in_dim3A_1703 : i32 to vector<16xi32>
          %add3A_1705 = arith.addi %iota3A, %broadcast_in_dim3A_1704 : vector<16xi32>
          %broadcast_in_dim3A_1706 = arith.constant 15 : i32
          %broadcast_in_dim3A_1707 = vector.broadcast %broadcast_in_dim3A_1706 : i32 to vector<16xi32>
          %and3A_1708 = arith.andi %add3A_1705, %broadcast_in_dim3A_1707 : vector<16xi32>
          %broadcast_in_dim3A_1709 = vector.broadcast %mul3A_284 : i32 to vector<16xi32>
          %add3A_1710 = arith.addi %and3A_1708, %broadcast_in_dim3A_1709 : vector<16xi32>
          %gather3A_1711 = tpu.vector_load_idx %arg4[%add3A_202, %add3A_1710] : memref<64x512xf32, #tpu.memory_space<vmem>>[vector<16xi32>, vector<16xi32>], vector<16xf32>,
          %broadcast_in_dim3A_1712 = arith.constant 9 : i32
          %broadcast_in_dim3A_1713 = vector.broadcast %broadcast_in_dim3A_1712 : i32 to vector<16xi32>
          %add3A_1714 = arith.addi %iota3A, %broadcast_in_dim3A_1713 : vector<16xi32>
          %broadcast_in_dim3A_1715 = arith.constant 15 : i32
          %broadcast_in_dim3A_1716 = vector.broadcast %broadcast_in_dim3A_1715 : i32 to vector<16xi32>
          %and3A_1717 = arith.andi %add3A_1714, %broadcast_in_dim3A_1716 : vector<16xi32>
          %broadcast_in_dim3A_1718 = vector.broadcast %mul3A_284 : i32 to vector<16xi32>
          %add3A_1719 = arith.addi %and3A_1717, %broadcast_in_dim3A_1718 : vector<16xi32>
          %gather3A_1720 = tpu.vector_load_idx %arg4[%add3A_202, %add3A_1719] : memref<64x512xf32, #tpu.memory_space<vmem>>[vector<16xi32>, vector<16xi32>], vector<16xf32>,
          %broadcast_in_dim3A_1721 = arith.constant 10 : i32
          %broadcast_in_dim3A_1722 = vector.broadcast %broadcast_in_dim3A_1721 : i32 to vector<16xi32>
          %add3A_1723 = arith.addi %iota3A, %broadcast_in_dim3A_1722 : vector<16xi32>
          %broadcast_in_dim3A_1724 = arith.constant 15 : i32
          %broadcast_in_dim3A_1725 = vector.broadcast %broadcast_in_dim3A_1724 : i32 to vector<16xi32>
          %and3A_1726 = arith.andi %add3A_1723, %broadcast_in_dim3A_1725 : vector<16xi32>
          %broadcast_in_dim3A_1727 = vector.broadcast %mul3A_284 : i32 to vector<16xi32>
          %add3A_1728 = arith.addi %and3A_1726, %broadcast_in_dim3A_1727 : vector<16xi32>
          %gather3A_1729 = tpu.vector_load_idx %arg4[%add3A_202, %add3A_1728] : memref<64x512xf32, #tpu.memory_space<vmem>>[vector<16xi32>, vector<16xi32>], vector<16xf32>,
          %broadcast_in_dim3A_1730 = arith.constant 11 : i32
          %broadcast_in_dim3A_1731 = vector.broadcast %broadcast_in_dim3A_1730 : i32 to vector<16xi32>
          %add3A_1732 = arith.addi %iota3A, %broadcast_in_dim3A_1731 : vector<16xi32>
          %broadcast_in_dim3A_1733 = arith.constant 15 : i32
          %broadcast_in_dim3A_1734 = vector.broadcast %broadcast_in_dim3A_1733 : i32 to vector<16xi32>
          %and3A_1735 = arith.andi %add3A_1732, %broadcast_in_dim3A_1734 : vector<16xi32>
          %broadcast_in_dim3A_1736 = vector.broadcast %mul3A_284 : i32 to vector<16xi32>
          %add3A_1737 = arith.addi %and3A_1735, %broadcast_in_dim3A_1736 : vector<16xi32>
          %gather3A_1738 = tpu.vector_load_idx %arg4[%add3A_202, %add3A_1737] : memref<64x512xf32, #tpu.memory_space<vmem>>[vector<16xi32>, vector<16xi32>], vector<16xf32>,
          %broadcast_in_dim3A_1739 = arith.constant 12 : i32
          %broadcast_in_dim3A_1740 = vector.broadcast %broadcast_in_dim3A_1739 : i32 to vector<16xi32>
          %add3A_1741 = arith.addi %iota3A, %broadcast_in_dim3A_1740 : vector<16xi32>
          %broadcast_in_dim3A_1742 = arith.constant 15 : i32
          %broadcast_in_dim3A_1743 = vector.broadcast %broadcast_in_dim3A_1742 : i32 to vector<16xi32>
          %and3A_1744 = arith.andi %add3A_1741, %broadcast_in_dim3A_1743 : vector<16xi32>
          %broadcast_in_dim3A_1745 = vector.broadcast %mul3A_284 : i32 to vector<16xi32>
          %add3A_1746 = arith.addi %and3A_1744, %broadcast_in_dim3A_1745 : vector<16xi32>
          %gather3A_1747 = tpu.vector_load_idx %arg4[%add3A_202, %add3A_1746] : memref<64x512xf32, #tpu.memory_space<vmem>>[vector<16xi32>, vector<16xi32>], vector<16xf32>,
          %broadcast_in_dim3A_1748 = arith.constant 13 : i32
          %broadcast_in_dim3A_1749 = vector.broadcast %broadcast_in_dim3A_1748 : i32 to vector<16xi32>
          %add3A_1750 = arith.addi %iota3A, %broadcast_in_dim3A_1749 : vector<16xi32>
          %broadcast_in_dim3A_1751 = arith.constant 15 : i32
          %broadcast_in_dim3A_1752 = vector.broadcast %broadcast_in_dim3A_1751 : i32 to vector<16xi32>
          %and3A_1753 = arith.andi %add3A_1750, %broadcast_in_dim3A_1752 : vector<16xi32>
          %broadcast_in_dim3A_1754 = vector.broadcast %mul3A_284 : i32 to vector<16xi32>
          %add3A_1755 = arith.addi %and3A_1753, %broadcast_in_dim3A_1754 : vector<16xi32>
          %gather3A_1756 = tpu.vector_load_idx %arg4[%add3A_202, %add3A_1755] : memref<64x512xf32, #tpu.memory_space<vmem>>[vector<16xi32>, vector<16xi32>], vector<16xf32>,
          %broadcast_in_dim3A_1757 = arith.constant 14 : i32
          %broadcast_in_dim3A_1758 = vector.broadcast %broadcast_in_dim3A_1757 : i32 to vector<16xi32>
          %add3A_1759 = arith.addi %iota3A, %broadcast_in_dim3A_1758 : vector<16xi32>
          %broadcast_in_dim3A_1760 = arith.constant 15 : i32
          %broadcast_in_dim3A_1761 = vector.broadcast %broadcast_in_dim3A_1760 : i32 to vector<16xi32>
          %and3A_1762 = arith.andi %add3A_1759, %broadcast_in_dim3A_1761 : vector<16xi32>
          %broadcast_in_dim3A_1763 = vector.broadcast %mul3A_284 : i32 to vector<16xi32>
          %add3A_1764 = arith.addi %and3A_1762, %broadcast_in_dim3A_1763 : vector<16xi32>
          %gather3A_1765 = tpu.vector_load_idx %arg4[%add3A_202, %add3A_1764] : memref<64x512xf32, #tpu.memory_space<vmem>>[vector<16xi32>, vector<16xi32>], vector<16xf32>,
          %broadcast_in_dim3A_1766 = arith.constant 15 : i32
          %broadcast_in_dim3A_1767 = vector.broadcast %broadcast_in_dim3A_1766 : i32 to vector<16xi32>
          %add3A_1768 = arith.addi %iota3A, %broadcast_in_dim3A_1767 : vector<16xi32>
          %broadcast_in_dim3A_1769 = arith.constant 15 : i32
          %broadcast_in_dim3A_1770 = vector.broadcast %broadcast_in_dim3A_1769 : i32 to vector<16xi32>
          %and3A_1771 = arith.andi %add3A_1768, %broadcast_in_dim3A_1770 : vector<16xi32>
          %broadcast_in_dim3A_1772 = vector.broadcast %mul3A_284 : i32 to vector<16xi32>
          %add3A_1773 = arith.addi %and3A_1771, %broadcast_in_dim3A_1772 : vector<16xi32>
          %gather3A_1774 = tpu.vector_load_idx %arg4[%add3A_202, %add3A_1773] : memref<64x512xf32, #tpu.memory_space<vmem>>[vector<16xi32>, vector<16xi32>], vector<16xf32>,
          %max3A_1775 = arith.maximumf %gather3A_1639, %gather3A_1648 : vector<16xf32>
          %min3A_1776 = arith.minimumf %gather3A_1639, %gather3A_1648 : vector<16xf32>
          %max3A_1777 = arith.maximumf %gather3A_1657, %gather3A_1666 : vector<16xf32>
          %min3A_1778 = arith.minimumf %gather3A_1657, %gather3A_1666 : vector<16xf32>
          %max3A_1779 = arith.maximumf %gather3A_1675, %gather3A_1684 : vector<16xf32>
          %min3A_1780 = arith.minimumf %gather3A_1675, %gather3A_1684 : vector<16xf32>
          %max3A_1781 = arith.maximumf %gather3A_1693, %gather3A_1702 : vector<16xf32>
          %min3A_1782 = arith.minimumf %gather3A_1693, %gather3A_1702 : vector<16xf32>
          %max3A_1783 = arith.maximumf %gather3A_1711, %gather3A_1720 : vector<16xf32>
          %min3A_1784 = arith.minimumf %gather3A_1711, %gather3A_1720 : vector<16xf32>
          %max3A_1785 = arith.maximumf %gather3A_1729, %gather3A_1738 : vector<16xf32>
          %min3A_1786 = arith.minimumf %gather3A_1729, %gather3A_1738 : vector<16xf32>
          %max3A_1787 = arith.maximumf %gather3A_1747, %gather3A_1756 : vector<16xf32>
          %min3A_1788 = arith.minimumf %gather3A_1747, %gather3A_1756 : vector<16xf32>
          %max3A_1789 = arith.maximumf %gather3A_1765, %gather3A_1774 : vector<16xf32>
          %min3A_1790 = arith.minimumf %gather3A_1765, %gather3A_1774 : vector<16xf32>
          %max3A_1791 = arith.maximumf %max3A_1775, %max3A_1777 : vector<16xf32>
          %min3A_1792 = arith.minimumf %max3A_1775, %max3A_1777 : vector<16xf32>
          %max3A_1793 = arith.maximumf %min3A_1776, %min3A_1778 : vector<16xf32>
          %min3A_1794 = arith.minimumf %min3A_1776, %min3A_1778 : vector<16xf32>
          %max3A_1795 = arith.maximumf %min3A_1792, %max3A_1793 : vector<16xf32>
          %min3A_1796 = arith.minimumf %min3A_1792, %max3A_1793 : vector<16xf32>
          %max3A_1797 = arith.maximumf %max3A_1779, %max3A_1781 : vector<16xf32>
          %min3A_1798 = arith.minimumf %max3A_1779, %max3A_1781 : vector<16xf32>
          %max3A_1799 = arith.maximumf %min3A_1780, %min3A_1782 : vector<16xf32>
          %min3A_1800 = arith.minimumf %min3A_1780, %min3A_1782 : vector<16xf32>
          %max3A_1801 = arith.maximumf %min3A_1798, %max3A_1799 : vector<16xf32>
          %min3A_1802 = arith.minimumf %min3A_1798, %max3A_1799 : vector<16xf32>
          %max3A_1803 = arith.maximumf %max3A_1783, %max3A_1785 : vector<16xf32>
          %min3A_1804 = arith.minimumf %max3A_1783, %max3A_1785 : vector<16xf32>
          %max3A_1805 = arith.maximumf %min3A_1784, %min3A_1786 : vector<16xf32>
          %min3A_1806 = arith.minimumf %min3A_1784, %min3A_1786 : vector<16xf32>
          %max3A_1807 = arith.maximumf %min3A_1804, %max3A_1805 : vector<16xf32>
          %min3A_1808 = arith.minimumf %min3A_1804, %max3A_1805 : vector<16xf32>
          %max3A_1809 = arith.maximumf %max3A_1787, %max3A_1789 : vector<16xf32>
          %min3A_1810 = arith.minimumf %max3A_1787, %max3A_1789 : vector<16xf32>
          %max3A_1811 = arith.maximumf %min3A_1788, %min3A_1790 : vector<16xf32>
          %min3A_1812 = arith.minimumf %min3A_1788, %min3A_1790 : vector<16xf32>
          %max3A_1813 = arith.maximumf %min3A_1810, %max3A_1811 : vector<16xf32>
          %min3A_1814 = arith.minimumf %min3A_1810, %max3A_1811 : vector<16xf32>
          %max3A_1815 = arith.maximumf %max3A_1791, %min3A_1800 : vector<16xf32>
          %min3A_1816 = arith.minimumf %max3A_1791, %min3A_1800 : vector<16xf32>
          %max3A_1817 = arith.maximumf %max3A_1795, %min3A_1802 : vector<16xf32>
          %min3A_1818 = arith.minimumf %max3A_1795, %min3A_1802 : vector<16xf32>
          %max3A_1819 = arith.maximumf %min3A_1796, %max3A_1801 : vector<16xf32>
          %min3A_1820 = arith.minimumf %min3A_1796, %max3A_1801 : vector<16xf32>
          %max3A_1821 = arith.maximumf %min3A_1794, %max3A_1797 : vector<16xf32>
          %min3A_1822 = arith.minimumf %min3A_1794, %max3A_1797 : vector<16xf32>
          %max3A_1823 = arith.maximumf %max3A_1815, %max3A_1819 : vector<16xf32>
          %min3A_1824 = arith.minimumf %max3A_1815, %max3A_1819 : vector<16xf32>
          %max3A_1825 = arith.maximumf %max3A_1817, %max3A_1821 : vector<16xf32>
          %min3A_1826 = arith.minimumf %max3A_1817, %max3A_1821 : vector<16xf32>
          %max3A_1827 = arith.maximumf %min3A_1816, %min3A_1820 : vector<16xf32>
          %min3A_1828 = arith.minimumf %min3A_1816, %min3A_1820 : vector<16xf32>
          %max3A_1829 = arith.maximumf %min3A_1818, %min3A_1822 : vector<16xf32>
          %min3A_1830 = arith.minimumf %min3A_1818, %min3A_1822 : vector<16xf32>
          %max3A_1831 = arith.maximumf %max3A_1823, %max3A_1825 : vector<16xf32>
          %min3A_1832 = arith.minimumf %max3A_1823, %max3A_1825 : vector<16xf32>
          %max3A_1833 = arith.maximumf %min3A_1824, %min3A_1826 : vector<16xf32>
          %min3A_1834 = arith.minimumf %min3A_1824, %min3A_1826 : vector<16xf32>
          %max3A_1835 = arith.maximumf %max3A_1827, %max3A_1829 : vector<16xf32>
          %min3A_1836 = arith.minimumf %max3A_1827, %max3A_1829 : vector<16xf32>
          %max3A_1837 = arith.maximumf %min3A_1828, %min3A_1830 : vector<16xf32>
          %min3A_1838 = arith.minimumf %min3A_1828, %min3A_1830 : vector<16xf32>
          %max3A_1839 = arith.maximumf %max3A_1803, %min3A_1812 : vector<16xf32>
          %min3A_1840 = arith.minimumf %max3A_1803, %min3A_1812 : vector<16xf32>
          %max3A_1841 = arith.maximumf %max3A_1807, %min3A_1814 : vector<16xf32>
          %min3A_1842 = arith.minimumf %max3A_1807, %min3A_1814 : vector<16xf32>
          %max3A_1843 = arith.maximumf %min3A_1808, %max3A_1813 : vector<16xf32>
          %min3A_1844 = arith.minimumf %min3A_1808, %max3A_1813 : vector<16xf32>
          %max3A_1845 = arith.maximumf %min3A_1806, %max3A_1809 : vector<16xf32>
          %min3A_1846 = arith.minimumf %min3A_1806, %max3A_1809 : vector<16xf32>
          %max3A_1847 = arith.maximumf %max3A_1839, %max3A_1843 : vector<16xf32>
          %min3A_1848 = arith.minimumf %max3A_1839, %max3A_1843 : vector<16xf32>
          %max3A_1849 = arith.maximumf %max3A_1841, %max3A_1845 : vector<16xf32>
          %min3A_1850 = arith.minimumf %max3A_1841, %max3A_1845 : vector<16xf32>
          %max3A_1851 = arith.maximumf %min3A_1840, %min3A_1844 : vector<16xf32>
          %min3A_1852 = arith.minimumf %min3A_1840, %min3A_1844 : vector<16xf32>
          %max3A_1853 = arith.maximumf %min3A_1842, %min3A_1846 : vector<16xf32>
          %min3A_1854 = arith.minimumf %min3A_1842, %min3A_1846 : vector<16xf32>
          %max3A_1855 = arith.maximumf %max3A_1847, %max3A_1849 : vector<16xf32>
          %min3A_1856 = arith.minimumf %max3A_1847, %max3A_1849 : vector<16xf32>
          %max3A_1857 = arith.maximumf %min3A_1848, %min3A_1850 : vector<16xf32>
          %min3A_1858 = arith.minimumf %min3A_1848, %min3A_1850 : vector<16xf32>
          %max3A_1859 = arith.maximumf %max3A_1851, %max3A_1853 : vector<16xf32>
          %min3A_1860 = arith.minimumf %max3A_1851, %max3A_1853 : vector<16xf32>
          %max3A_1861 = arith.maximumf %min3A_1852, %min3A_1854 : vector<16xf32>
          %min3A_1862 = arith.minimumf %min3A_1852, %min3A_1854 : vector<16xf32>
          %max3A_1863 = arith.maximumf %max3A_1831, %min3A_1862 : vector<16xf32>
          %max3A_1864 = arith.maximumf %min3A_1832, %max3A_1861 : vector<16xf32>
          %max3A_1865 = arith.maximumf %max3A_1833, %min3A_1860 : vector<16xf32>
          %max3A_1866 = arith.maximumf %min3A_1834, %max3A_1859 : vector<16xf32>
          %max3A_1867 = arith.maximumf %max3A_1835, %min3A_1858 : vector<16xf32>
          %max3A_1868 = arith.maximumf %min3A_1836, %max3A_1857 : vector<16xf32>
          %max3A_1869 = arith.maximumf %max3A_1837, %min3A_1856 : vector<16xf32>
          %max3A_1870 = arith.maximumf %min3A_1838, %max3A_1855 : vector<16xf32>
          %max3A_1871 = arith.maximumf %max3A_1863, %max3A_1867 : vector<16xf32>
          %min3A_1872 = arith.minimumf %max3A_1863, %max3A_1867 : vector<16xf32>
          %max3A_1873 = arith.maximumf %max3A_1864, %max3A_1868 : vector<16xf32>
          %min3A_1874 = arith.minimumf %max3A_1864, %max3A_1868 : vector<16xf32>
          %max3A_1875 = arith.maximumf %max3A_1865, %max3A_1869 : vector<16xf32>
          %min3A_1876 = arith.minimumf %max3A_1865, %max3A_1869 : vector<16xf32>
          %max3A_1877 = arith.maximumf %max3A_1866, %max3A_1870 : vector<16xf32>
          %min3A_1878 = arith.minimumf %max3A_1866, %max3A_1870 : vector<16xf32>
          %max3A_1879 = arith.maximumf %max3A_1871, %max3A_1875 : vector<16xf32>
          %min3A_1880 = arith.minimumf %max3A_1871, %max3A_1875 : vector<16xf32>
          %max3A_1881 = arith.maximumf %max3A_1873, %max3A_1877 : vector<16xf32>
          %min3A_1882 = arith.minimumf %max3A_1873, %max3A_1877 : vector<16xf32>
          %max3A_1883 = arith.maximumf %min3A_1872, %min3A_1876 : vector<16xf32>
          %min3A_1884 = arith.minimumf %min3A_1872, %min3A_1876 : vector<16xf32>
          %max3A_1885 = arith.maximumf %min3A_1874, %min3A_1878 : vector<16xf32>
          %min3A_1886 = arith.minimumf %min3A_1874, %min3A_1878 : vector<16xf32>
          %max3A_1887 = arith.maximumf %max3A_1879, %max3A_1881 : vector<16xf32>
          %min3A_1888 = arith.minimumf %max3A_1879, %max3A_1881 : vector<16xf32>
          %max3A_1889 = arith.maximumf %min3A_1880, %min3A_1882 : vector<16xf32>
          %min3A_1890 = arith.minimumf %min3A_1880, %min3A_1882 : vector<16xf32>
          %max3A_1891 = arith.maximumf %max3A_1883, %max3A_1885 : vector<16xf32>
          %min3A_1892 = arith.minimumf %max3A_1883, %max3A_1885 : vector<16xf32>
          %max3A_1893 = arith.maximumf %min3A_1884, %min3A_1886 : vector<16xf32>
          %min3A_1894 = arith.minimumf %min3A_1884, %min3A_1886 : vector<16xf32>
          %get3A_1895 = arith.constant 0 : i32
          %get3A_1896 = arith.index_cast %get3A_1895 : i32 to index
          %get3A_1897 = arith.constant 48 : index
          %get3A_1898 = tpu.vector_load %arg6[%get3A_1896, %get3A_1897] {strides = array<i32>} : memref<8x64xf32, #tpu.memory_space<vmem>>, vector<16xf32>,
          %get3A_1899 = arith.constant 1 : i32
          %get3A_1900 = arith.index_cast %get3A_1899 : i32 to index
          %get3A_1901 = arith.constant 48 : index
          %get3A_1902 = tpu.vector_load %arg6[%get3A_1900, %get3A_1901] {strides = array<i32>} : memref<8x64xf32, #tpu.memory_space<vmem>>, vector<16xf32>,
          %get3A_1903 = arith.constant 2 : i32
          %get3A_1904 = arith.index_cast %get3A_1903 : i32 to index
          %get3A_1905 = arith.constant 48 : index
          %get3A_1906 = tpu.vector_load %arg6[%get3A_1904, %get3A_1905] {strides = array<i32>} : memref<8x64xf32, #tpu.memory_space<vmem>>, vector<16xf32>,
          %get3A_1907 = arith.constant 3 : i32
          %get3A_1908 = arith.index_cast %get3A_1907 : i32 to index
          %get3A_1909 = arith.constant 48 : index
          %get3A_1910 = tpu.vector_load %arg6[%get3A_1908, %get3A_1909] {strides = array<i32>} : memref<8x64xf32, #tpu.memory_space<vmem>>, vector<16xf32>,
          %get3A_1911 = arith.constant 4 : i32
          %get3A_1912 = arith.index_cast %get3A_1911 : i32 to index
          %get3A_1913 = arith.constant 48 : index
          %get3A_1914 = tpu.vector_load %arg6[%get3A_1912, %get3A_1913] {strides = array<i32>} : memref<8x64xf32, #tpu.memory_space<vmem>>, vector<16xf32>,
          %get3A_1915 = arith.constant 5 : i32
          %get3A_1916 = arith.index_cast %get3A_1915 : i32 to index
          %get3A_1917 = arith.constant 48 : index
          %get3A_1918 = tpu.vector_load %arg6[%get3A_1916, %get3A_1917] {strides = array<i32>} : memref<8x64xf32, #tpu.memory_space<vmem>>, vector<16xf32>,
          %get3A_1919 = arith.constant 6 : i32
          %get3A_1920 = arith.index_cast %get3A_1919 : i32 to index
          %get3A_1921 = arith.constant 48 : index
          %get3A_1922 = tpu.vector_load %arg6[%get3A_1920, %get3A_1921] {strides = array<i32>} : memref<8x64xf32, #tpu.memory_space<vmem>>, vector<16xf32>,
          %get3A_1923 = arith.constant 7 : i32
          %get3A_1924 = arith.index_cast %get3A_1923 : i32 to index
          %get3A_1925 = arith.constant 48 : index
          %get3A_1926 = tpu.vector_load %arg6[%get3A_1924, %get3A_1925] {strides = array<i32>} : memref<8x64xf32, #tpu.memory_space<vmem>>, vector<16xf32>,
          %max3A_1927 = arith.maximumf %get3A_1898, %min3A_1894 : vector<16xf32>
          %max3A_1928 = arith.maximumf %get3A_1902, %max3A_1893 : vector<16xf32>
          %max3A_1929 = arith.maximumf %get3A_1906, %min3A_1892 : vector<16xf32>
          %max3A_1930 = arith.maximumf %get3A_1910, %max3A_1891 : vector<16xf32>
          %max3A_1931 = arith.maximumf %get3A_1914, %min3A_1890 : vector<16xf32>
          %max3A_1932 = arith.maximumf %get3A_1918, %max3A_1889 : vector<16xf32>
          %max3A_1933 = arith.maximumf %get3A_1922, %min3A_1888 : vector<16xf32>
          %max3A_1934 = arith.maximumf %get3A_1926, %max3A_1887 : vector<16xf32>
          %max3A_1935 = arith.maximumf %max3A_1927, %max3A_1931 : vector<16xf32>
          %min3A_1936 = arith.minimumf %max3A_1927, %max3A_1931 : vector<16xf32>
          %max3A_1937 = arith.maximumf %max3A_1928, %max3A_1932 : vector<16xf32>
          %min3A_1938 = arith.minimumf %max3A_1928, %max3A_1932 : vector<16xf32>
          %max3A_1939 = arith.maximumf %max3A_1929, %max3A_1933 : vector<16xf32>
          %min3A_1940 = arith.minimumf %max3A_1929, %max3A_1933 : vector<16xf32>
          %max3A_1941 = arith.maximumf %max3A_1930, %max3A_1934 : vector<16xf32>
          %min3A_1942 = arith.minimumf %max3A_1930, %max3A_1934 : vector<16xf32>
          %max3A_1943 = arith.maximumf %max3A_1935, %max3A_1939 : vector<16xf32>
          %min3A_1944 = arith.minimumf %max3A_1935, %max3A_1939 : vector<16xf32>
          %max3A_1945 = arith.maximumf %max3A_1937, %max3A_1941 : vector<16xf32>
          %min3A_1946 = arith.minimumf %max3A_1937, %max3A_1941 : vector<16xf32>
          %max3A_1947 = arith.maximumf %min3A_1936, %min3A_1940 : vector<16xf32>
          %min3A_1948 = arith.minimumf %min3A_1936, %min3A_1940 : vector<16xf32>
          %max3A_1949 = arith.maximumf %min3A_1938, %min3A_1942 : vector<16xf32>
          %min3A_1950 = arith.minimumf %min3A_1938, %min3A_1942 : vector<16xf32>
          %max3A_1951 = arith.maximumf %max3A_1943, %max3A_1945 : vector<16xf32>
          %min3A_1952 = arith.minimumf %max3A_1943, %max3A_1945 : vector<16xf32>
          %max3A_1953 = arith.maximumf %min3A_1944, %min3A_1946 : vector<16xf32>
          %min3A_1954 = arith.minimumf %min3A_1944, %min3A_1946 : vector<16xf32>
          %max3A_1955 = arith.maximumf %max3A_1947, %max3A_1949 : vector<16xf32>
          %min3A_1956 = arith.minimumf %max3A_1947, %max3A_1949 : vector<16xf32>
          %max3A_1957 = arith.maximumf %min3A_1948, %min3A_1950 : vector<16xf32>
          %min3A_1958 = arith.minimumf %min3A_1948, %min3A_1950 : vector<16xf32>
          %swap3A_1959 = arith.constant 0 : i32
          %swap3A_1960 = arith.index_cast %swap3A_1959 : i32 to index
          %swap3A_1961 = arith.constant 48 : index
          %swap3A_1962 = tpu.vector_load %arg6[%swap3A_1960, %swap3A_1961] {strides = array<i32>} : memref<8x64xf32, #tpu.memory_space<vmem>>, vector<16xf32>,
          tpu.vector_store %arg6[%swap3A_1960, %swap3A_1961], %max3A_1951 {strides = array<i32>} : memref<8x64xf32, #tpu.memory_space<vmem>>, vector<16xf32>,
          %swap3A_1963 = arith.constant 1 : i32
          %swap3A_1964 = arith.index_cast %swap3A_1963 : i32 to index
          %swap3A_1965 = arith.constant 48 : index
          %swap3A_1966 = tpu.vector_load %arg6[%swap3A_1964, %swap3A_1965] {strides = array<i32>} : memref<8x64xf32, #tpu.memory_space<vmem>>, vector<16xf32>,
          tpu.vector_store %arg6[%swap3A_1964, %swap3A_1965], %min3A_1952 {strides = array<i32>} : memref<8x64xf32, #tpu.memory_space<vmem>>, vector<16xf32>,
          %swap3A_1967 = arith.constant 2 : i32
          %swap3A_1968 = arith.index_cast %swap3A_1967 : i32 to index
          %swap3A_1969 = arith.constant 48 : index
          %swap3A_1970 = tpu.vector_load %arg6[%swap3A_1968, %swap3A_1969] {strides = array<i32>} : memref<8x64xf32, #tpu.memory_space<vmem>>, vector<16xf32>,
          tpu.vector_store %arg6[%swap3A_1968, %swap3A_1969], %max3A_1953 {strides = array<i32>} : memref<8x64xf32, #tpu.memory_space<vmem>>, vector<16xf32>,
          %swap3A_1971 = arith.constant 3 : i32
          %swap3A_1972 = arith.index_cast %swap3A_1971 : i32 to index
          %swap3A_1973 = arith.constant 48 : index
          %swap3A_1974 = tpu.vector_load %arg6[%swap3A_1972, %swap3A_1973] {strides = array<i32>} : memref<8x64xf32, #tpu.memory_space<vmem>>, vector<16xf32>,
          tpu.vector_store %arg6[%swap3A_1972, %swap3A_1973], %min3A_1954 {strides = array<i32>} : memref<8x64xf32, #tpu.memory_space<vmem>>, vector<16xf32>,
          %swap3A_1975 = arith.constant 4 : i32
          %swap3A_1976 = arith.index_cast %swap3A_1975 : i32 to index
          %swap3A_1977 = arith.constant 48 : index
          %swap3A_1978 = tpu.vector_load %arg6[%swap3A_1976, %swap3A_1977] {strides = array<i32>} : memref<8x64xf32, #tpu.memory_space<vmem>>, vector<16xf32>,
          tpu.vector_store %arg6[%swap3A_1976, %swap3A_1977], %max3A_1955 {strides = array<i32>} : memref<8x64xf32, #tpu.memory_space<vmem>>, vector<16xf32>,
          %swap3A_1979 = arith.constant 5 : i32
          %swap3A_1980 = arith.index_cast %swap3A_1979 : i32 to index
          %swap3A_1981 = arith.constant 48 : index
          %swap3A_1982 = tpu.vector_load %arg6[%swap3A_1980, %swap3A_1981] {strides = array<i32>} : memref<8x64xf32, #tpu.memory_space<vmem>>, vector<16xf32>,
          tpu.vector_store %arg6[%swap3A_1980, %swap3A_1981], %min3A_1956 {strides = array<i32>} : memref<8x64xf32, #tpu.memory_space<vmem>>, vector<16xf32>,
          %swap3A_1983 = arith.constant 6 : i32
          %swap3A_1984 = arith.index_cast %swap3A_1983 : i32 to index
          %swap3A_1985 = arith.constant 48 : index
          %swap3A_1986 = tpu.vector_load %arg6[%swap3A_1984, %swap3A_1985] {strides = array<i32>} : memref<8x64xf32, #tpu.memory_space<vmem>>, vector<16xf32>,
          tpu.vector_store %arg6[%swap3A_1984, %swap3A_1985], %max3A_1957 {strides = array<i32>} : memref<8x64xf32, #tpu.memory_space<vmem>>, vector<16xf32>,
          %swap3A_1987 = arith.constant 7 : i32
          %swap3A_1988 = arith.index_cast %swap3A_1987 : i32 to index
          %swap3A_1989 = arith.constant 48 : index
          %swap3A_1990 = tpu.vector_load %arg6[%swap3A_1988, %swap3A_1989] {strides = array<i32>} : memref<8x64xf32, #tpu.memory_space<vmem>>, vector<16xf32>,
          tpu.vector_store %arg6[%swap3A_1988, %swap3A_1989], %min3A_1958 {strides = array<i32>} : memref<8x64xf32, #tpu.memory_space<vmem>>, vector<16xf32>,
          scf.yield %min3A_878, %min3A_1238, %min3A_1598, %min3A_1958 : vector<16xf32>, vector<16xf32>, vector<16xf32>, vector<16xf32>
        } else {
          scf.yield %scan3A_279, %scan3A_280, %scan3A_281, %scan3A_282 : vector<16xf32>, vector<16xf32>, vector<16xf32>, vector<16xf32>
        }
        scf.yield %cond3A_552#0, %cond3A_552#1, %cond3A_552#2, %cond3A_552#3 : vector<16xf32>, vector<16xf32>, vector<16xf32>, vector<16xf32>
      }
      %scan3A_250 = arith.constant 32 : i32
      %add3A_251 = arith.constant 2 : i32
      %add3A_252 = arith.addi %mul3A_237, %add3A_251 : i32
      %lt3A = arith.constant 64 : i32
      %lt3A_253 = arith.cmpi slt, %add3A_252, %lt3A : i32
      %convert_element_type3A = arith.extui %lt3A_253 : i1 to i32
      %cond3A = arith.constant 0 : i32
      %cond3A_254 = arith.cmpi ne, %convert_element_type3A, %cond3A : i32
      scf.if %cond3A_254 {
        %add3A_278 = arith.constant 2 : i32
        %add3A_279 = arith.addi %mul3A_237, %add3A_278 : i32
        %mul3A_280 = arith.constant 512 : i32
        %mul3A_281 = arith.muli %add3A_279, %mul3A_280 : i32
        %dma_start3A_282 = arith.constant 0 : i32
        %dma_start3A_283 = tpu.memref_slice %arg2[%add3A, %dma_start3A_282, %mul3A_281] : memref<32x64x32768xf32, #tpu.memory_space<hbm>> -> memref<1x64x512xf32, #tpu.memory_space<hbm>>
        %dma_start3A_284 = tpu.memref_squeeze %dma_start3A_283 : memref<1x64x512xf32, #tpu.memory_space<hbm>> -> memref<64x512xf32, #tpu.memory_space<hbm>>
        %dma_start3A_285 = arith.constant 0 : i32
        %dma_start3A_286 = tpu.memref_slice %arg2[%add3A, %dma_start3A_285, %mul3A_281] : memref<32x64x32768xf32, #tpu.memory_space<hbm>> -> memref<1x64x512xf32, #tpu.memory_space<hbm>>
        %dma_start3A_287 = tpu.memref_squeeze %dma_start3A_286 : memref<1x64x512xf32, #tpu.memory_space<hbm>> -> memref<64x512xf32, #tpu.memory_space<hbm>>
        tpu.enqueue_dma source(%dma_start3A_287 : memref<64x512xf32, #tpu.memory_space<hbm>>) target(%arg4 : memref<64x512xf32, #tpu.memory_space<vmem>>) target_semaphore(%arg7 : memref<!tpu.dma_semaphore, #tpu.memory_space<semaphore_mem>>)
      } else {
      }
      %add3A_255 = arith.constant 1 : i32
      %add3A_256 = arith.addi %mul3A_237, %add3A_255 : i32
      %mul3A_257 = arith.constant 512 : i32
      %mul3A_258 = arith.muli %add3A_256, %mul3A_257 : i32
      %dma_wait3A_259 = arith.constant 0 : i32
      %dma_wait3A_260 = tpu.memref_slice %arg2[%add3A, %dma_wait3A_259, %mul3A_258] : memref<32x64x32768xf32, #tpu.memory_space<hbm>> -> memref<1x64x512xf32, #tpu.memory_space<hbm>>
      %dma_wait3A_261 = tpu.memref_squeeze %dma_wait3A_260 : memref<1x64x512xf32, #tpu.memory_space<hbm>> -> memref<64x512xf32, #tpu.memory_space<hbm>>
      %dma_wait3A_262 = arith.constant 0 : i32
      %dma_wait3A_263 = tpu.memref_slice %arg2[%add3A, %dma_wait3A_262, %mul3A_258] : memref<32x64x32768xf32, #tpu.memory_space<hbm>> -> memref<1x64x512xf32, #tpu.memory_space<hbm>>
      %dma_wait3A_264 = tpu.memref_squeeze %dma_wait3A_263 : memref<1x64x512xf32, #tpu.memory_space<hbm>> -> memref<64x512xf32, #tpu.memory_space<hbm>>
      tpu.wait_dma2 semaphore(%arg8 : memref<!tpu.dma_semaphore, #tpu.memory_space<semaphore_mem>>) src(%dma_wait3A_264 : memref<64x512xf32, #tpu.memory_space<hbm>>) dst(%arg5 : memref<64x512xf32, #tpu.memory_space<vmem>>)
      %scan3A_265 = arith.constant 0 : i32
      %scan3A_266 = arith.constant 32 : i32
      %scan3A_267 = arith.addi %scan3A_265, %scan3A_266 : i32
      %scan3A_268 = arith.constant 1 : i32
      %scan3A_269:4 = scf.for %scan3A_278 = %scan3A_265 to %scan3A_267 step %scan3A_268 iter_args(%scan3A_279 = %scan3A_249#0, %scan3A_280 = %scan3A_249#1, %scan3A_281 = %scan3A_249#2, %scan3A_282 = %scan3A_249#3) -> (vector<16xf32>, vector<16xf32>, vector<16xf32>, vector<16xf32>)  : i32 {
        %mul3A_283 = arith.constant 16 : i32
        %mul3A_284 = arith.muli %scan3A_278, %mul3A_283 : i32
        %broadcast_in_dim3A_285 = arith.constant 0 : i32
        %broadcast_in_dim3A_286 = vector.broadcast %broadcast_in_dim3A_285 : i32 to vector<16xi32>
        %add3A_287 = arith.addi %iota3A, %broadcast_in_dim3A_286 : vector<16xi32>
        %broadcast_in_dim3A_288 = arith.constant 15 : i32
        %broadcast_in_dim3A_289 = vector.broadcast %broadcast_in_dim3A_288 : i32 to vector<16xi32>
        %and3A = arith.andi %add3A_287, %broadcast_in_dim3A_289 : vector<16xi32>
        %broadcast_in_dim3A_290 = vector.broadcast %mul3A_284 : i32 to vector<16xi32>
        %add3A_291 = arith.addi %and3A, %broadcast_in_dim3A_290 : vector<16xi32>
        %broadcast_in_dim3A_292 = arith.constant 1 : i32
        %broadcast_in_dim3A_293 = vector.broadcast %broadcast_in_dim3A_292 : i32 to vector<16xi32>
        %add3A_294 = arith.addi %iota3A, %broadcast_in_dim3A_293 : vector<16xi32>
        %broadcast_in_dim3A_295 = arith.constant 15 : i32
        %broadcast_in_dim3A_296 = vector.broadcast %broadcast_in_dim3A_295 : i32 to vector<16xi32>
        %and3A_297 = arith.andi %add3A_294, %broadcast_in_dim3A_296 : vector<16xi32>
        %broadcast_in_dim3A_298 = vector.broadcast %mul3A_284 : i32 to vector<16xi32>
        %add3A_299 = arith.addi %and3A_297, %broadcast_in_dim3A_298 : vector<16xi32>
        %gather3A = tpu.vector_load_idx %arg5[%add3A_193, %add3A_291] : memref<64x512xf32, #tpu.memory_space<vmem>>[vector<16xi32>, vector<16xi32>], vector<16xf32>,
        %gather3A_300 = tpu.vector_load_idx %arg5[%add3A_196, %add3A_291] : memref<64x512xf32, #tpu.memory_space<vmem>>[vector<16xi32>, vector<16xi32>], vector<16xf32>,
        %gather3A_301 = tpu.vector_load_idx %arg5[%add3A_199, %add3A_291] : memref<64x512xf32, #tpu.memory_space<vmem>>[vector<16xi32>, vector<16xi32>], vector<16xf32>,
        %gather3A_302 = tpu.vector_load_idx %arg5[%add3A_202, %add3A_291] : memref<64x512xf32, #tpu.memory_space<vmem>>[vector<16xi32>, vector<16xi32>], vector<16xf32>,
        %gather3A_303 = tpu.vector_load_idx %arg5[%add3A_193, %add3A_299] : memref<64x512xf32, #tpu.memory_space<vmem>>[vector<16xi32>, vector<16xi32>], vector<16xf32>,
        %gather3A_304 = tpu.vector_load_idx %arg5[%add3A_196, %add3A_299] : memref<64x512xf32, #tpu.memory_space<vmem>>[vector<16xi32>, vector<16xi32>], vector<16xf32>,
        %gather3A_305 = tpu.vector_load_idx %arg5[%add3A_199, %add3A_299] : memref<64x512xf32, #tpu.memory_space<vmem>>[vector<16xi32>, vector<16xi32>], vector<16xf32>,
        %gather3A_306 = tpu.vector_load_idx %arg5[%add3A_202, %add3A_299] : memref<64x512xf32, #tpu.memory_space<vmem>>[vector<16xi32>, vector<16xi32>], vector<16xf32>,
        %broadcast_in_dim3A_307 = arith.constant 2 : i32
        %broadcast_in_dim3A_308 = vector.broadcast %broadcast_in_dim3A_307 : i32 to vector<16xi32>
        %add3A_309 = arith.addi %iota3A, %broadcast_in_dim3A_308 : vector<16xi32>
        %broadcast_in_dim3A_310 = arith.constant 15 : i32
        %broadcast_in_dim3A_311 = vector.broadcast %broadcast_in_dim3A_310 : i32 to vector<16xi32>
        %and3A_312 = arith.andi %add3A_309, %broadcast_in_dim3A_311 : vector<16xi32>
        %broadcast_in_dim3A_313 = vector.broadcast %mul3A_284 : i32 to vector<16xi32>
        %add3A_314 = arith.addi %and3A_312, %broadcast_in_dim3A_313 : vector<16xi32>
        %broadcast_in_dim3A_315 = arith.constant 3 : i32
        %broadcast_in_dim3A_316 = vector.broadcast %broadcast_in_dim3A_315 : i32 to vector<16xi32>
        %add3A_317 = arith.addi %iota3A, %broadcast_in_dim3A_316 : vector<16xi32>
        %broadcast_in_dim3A_318 = arith.constant 15 : i32
        %broadcast_in_dim3A_319 = vector.broadcast %broadcast_in_dim3A_318 : i32 to vector<16xi32>
        %and3A_320 = arith.andi %add3A_317, %broadcast_in_dim3A_319 : vector<16xi32>
        %broadcast_in_dim3A_321 = vector.broadcast %mul3A_284 : i32 to vector<16xi32>
        %add3A_322 = arith.addi %and3A_320, %broadcast_in_dim3A_321 : vector<16xi32>
        %gather3A_323 = tpu.vector_load_idx %arg5[%add3A_193, %add3A_314] : memref<64x512xf32, #tpu.memory_space<vmem>>[vector<16xi32>, vector<16xi32>], vector<16xf32>,
        %max3A = arith.maximumf %gather3A, %gather3A_323 : vector<16xf32>
        %gather3A_324 = tpu.vector_load_idx %arg5[%add3A_193, %add3A_322] : memref<64x512xf32, #tpu.memory_space<vmem>>[vector<16xi32>, vector<16xi32>], vector<16xf32>,
        %max3A_325 = arith.maximumf %gather3A_303, %gather3A_324 : vector<16xf32>
        %gather3A_326 = tpu.vector_load_idx %arg5[%add3A_196, %add3A_314] : memref<64x512xf32, #tpu.memory_space<vmem>>[vector<16xi32>, vector<16xi32>], vector<16xf32>,
        %max3A_327 = arith.maximumf %gather3A_300, %gather3A_326 : vector<16xf32>
        %gather3A_328 = tpu.vector_load_idx %arg5[%add3A_196, %add3A_322] : memref<64x512xf32, #tpu.memory_space<vmem>>[vector<16xi32>, vector<16xi32>], vector<16xf32>,
        %max3A_329 = arith.maximumf %gather3A_304, %gather3A_328 : vector<16xf32>
        %gather3A_330 = tpu.vector_load_idx %arg5[%add3A_199, %add3A_314] : memref<64x512xf32, #tpu.memory_space<vmem>>[vector<16xi32>, vector<16xi32>], vector<16xf32>,
        %max3A_331 = arith.maximumf %gather3A_301, %gather3A_330 : vector<16xf32>
        %gather3A_332 = tpu.vector_load_idx %arg5[%add3A_199, %add3A_322] : memref<64x512xf32, #tpu.memory_space<vmem>>[vector<16xi32>, vector<16xi32>], vector<16xf32>,
        %max3A_333 = arith.maximumf %gather3A_305, %gather3A_332 : vector<16xf32>
        %gather3A_334 = tpu.vector_load_idx %arg5[%add3A_202, %add3A_314] : memref<64x512xf32, #tpu.memory_space<vmem>>[vector<16xi32>, vector<16xi32>], vector<16xf32>,
        %max3A_335 = arith.maximumf %gather3A_302, %gather3A_334 : vector<16xf32>
        %gather3A_336 = tpu.vector_load_idx %arg5[%add3A_202, %add3A_322] : memref<64x512xf32, #tpu.memory_space<vmem>>[vector<16xi32>, vector<16xi32>], vector<16xf32>,
        %max3A_337 = arith.maximumf %gather3A_306, %gather3A_336 : vector<16xf32>
        %broadcast_in_dim3A_338 = arith.constant 4 : i32
        %broadcast_in_dim3A_339 = vector.broadcast %broadcast_in_dim3A_338 : i32 to vector<16xi32>
        %add3A_340 = arith.addi %iota3A, %broadcast_in_dim3A_339 : vector<16xi32>
        %broadcast_in_dim3A_341 = arith.constant 15 : i32
        %broadcast_in_dim3A_342 = vector.broadcast %broadcast_in_dim3A_341 : i32 to vector<16xi32>
        %and3A_343 = arith.andi %add3A_340, %broadcast_in_dim3A_342 : vector<16xi32>
        %broadcast_in_dim3A_344 = vector.broadcast %mul3A_284 : i32 to vector<16xi32>
        %add3A_345 = arith.addi %and3A_343, %broadcast_in_dim3A_344 : vector<16xi32>
        %broadcast_in_dim3A_346 = arith.constant 5 : i32
        %broadcast_in_dim3A_347 = vector.broadcast %broadcast_in_dim3A_346 : i32 to vector<16xi32>
        %add3A_348 = arith.addi %iota3A, %broadcast_in_dim3A_347 : vector<16xi32>
        %broadcast_in_dim3A_349 = arith.constant 15 : i32
        %broadcast_in_dim3A_350 = vector.broadcast %broadcast_in_dim3A_349 : i32 to vector<16xi32>
        %and3A_351 = arith.andi %add3A_348, %broadcast_in_dim3A_350 : vector<16xi32>
        %broadcast_in_dim3A_352 = vector.broadcast %mul3A_284 : i32 to vector<16xi32>
        %add3A_353 = arith.addi %and3A_351, %broadcast_in_dim3A_352 : vector<16xi32>
        %gather3A_354 = tpu.vector_load_idx %arg5[%add3A_193, %add3A_345] : memref<64x512xf32, #tpu.memory_space<vmem>>[vector<16xi32>, vector<16xi32>], vector<16xf32>,
        %max3A_355 = arith.maximumf %max3A, %gather3A_354 : vector<16xf32>
        %gather3A_356 = tpu.vector_load_idx %arg5[%add3A_193, %add3A_353] : memref<64x512xf32, #tpu.memory_space<vmem>>[vector<16xi32>, vector<16xi32>], vector<16xf32>,
        %max3A_357 = arith.maximumf %max3A_325, %gather3A_356 : vector<16xf32>
        %gather3A_358 = tpu.vector_load_idx %arg5[%add3A_196, %add3A_345] : memref<64x512xf32, #tpu.memory_space<vmem>>[vector<16xi32>, vector<16xi32>], vector<16xf32>,
        %max3A_359 = arith.maximumf %max3A_327, %gather3A_358 : vector<16xf32>
        %gather3A_360 = tpu.vector_load_idx %arg5[%add3A_196, %add3A_353] : memref<64x512xf32, #tpu.memory_space<vmem>>[vector<16xi32>, vector<16xi32>], vector<16xf32>,
        %max3A_361 = arith.maximumf %max3A_329, %gather3A_360 : vector<16xf32>
        %gather3A_362 = tpu.vector_load_idx %arg5[%add3A_199, %add3A_345] : memref<64x512xf32, #tpu.memory_space<vmem>>[vector<16xi32>, vector<16xi32>], vector<16xf32>,
        %max3A_363 = arith.maximumf %max3A_331, %gather3A_362 : vector<16xf32>
        %gather3A_364 = tpu.vector_load_idx %arg5[%add3A_199, %add3A_353] : memref<64x512xf32, #tpu.memory_space<vmem>>[vector<16xi32>, vector<16xi32>], vector<16xf32>,
        %max3A_365 = arith.maximumf %max3A_333, %gather3A_364 : vector<16xf32>
        %gather3A_366 = tpu.vector_load_idx %arg5[%add3A_202, %add3A_345] : memref<64x512xf32, #tpu.memory_space<vmem>>[vector<16xi32>, vector<16xi32>], vector<16xf32>,
        %max3A_367 = arith.maximumf %max3A_335, %gather3A_366 : vector<16xf32>
        %gather3A_368 = tpu.vector_load_idx %arg5[%add3A_202, %add3A_353] : memref<64x512xf32, #tpu.memory_space<vmem>>[vector<16xi32>, vector<16xi32>], vector<16xf32>,
        %max3A_369 = arith.maximumf %max3A_337, %gather3A_368 : vector<16xf32>
        %broadcast_in_dim3A_370 = arith.constant 6 : i32
        %broadcast_in_dim3A_371 = vector.broadcast %broadcast_in_dim3A_370 : i32 to vector<16xi32>
        %add3A_372 = arith.addi %iota3A, %broadcast_in_dim3A_371 : vector<16xi32>
        %broadcast_in_dim3A_373 = arith.constant 15 : i32
        %broadcast_in_dim3A_374 = vector.broadcast %broadcast_in_dim3A_373 : i32 to vector<16xi32>
        %and3A_375 = arith.andi %add3A_372, %broadcast_in_dim3A_374 : vector<16xi32>
        %broadcast_in_dim3A_376 = vector.broadcast %mul3A_284 : i32 to vector<16xi32>
        %add3A_377 = arith.addi %and3A_375, %broadcast_in_dim3A_376 : vector<16xi32>
        %broadcast_in_dim3A_378 = arith.constant 7 : i32
        %broadcast_in_dim3A_379 = vector.broadcast %broadcast_in_dim3A_378 : i32 to vector<16xi32>
        %add3A_380 = arith.addi %iota3A, %broadcast_in_dim3A_379 : vector<16xi32>
        %broadcast_in_dim3A_381 = arith.constant 15 : i32
        %broadcast_in_dim3A_382 = vector.broadcast %broadcast_in_dim3A_381 : i32 to vector<16xi32>
        %and3A_383 = arith.andi %add3A_380, %broadcast_in_dim3A_382 : vector<16xi32>
        %broadcast_in_dim3A_384 = vector.broadcast %mul3A_284 : i32 to vector<16xi32>
        %add3A_385 = arith.addi %and3A_383, %broadcast_in_dim3A_384 : vector<16xi32>
        %gather3A_386 = tpu.vector_load_idx %arg5[%add3A_193, %add3A_377] : memref<64x512xf32, #tpu.memory_space<vmem>>[vector<16xi32>, vector<16xi32>], vector<16xf32>,
        %max3A_387 = arith.maximumf %max3A_355, %gather3A_386 : vector<16xf32>
        %gather3A_388 = tpu.vector_load_idx %arg5[%add3A_193, %add3A_385] : memref<64x512xf32, #tpu.memory_space<vmem>>[vector<16xi32>, vector<16xi32>], vector<16xf32>,
        %max3A_389 = arith.maximumf %max3A_357, %gather3A_388 : vector<16xf32>
        %gather3A_390 = tpu.vector_load_idx %arg5[%add3A_196, %add3A_377] : memref<64x512xf32, #tpu.memory_space<vmem>>[vector<16xi32>, vector<16xi32>], vector<16xf32>,
        %max3A_391 = arith.maximumf %max3A_359, %gather3A_390 : vector<16xf32>
        %gather3A_392 = tpu.vector_load_idx %arg5[%add3A_196, %add3A_385] : memref<64x512xf32, #tpu.memory_space<vmem>>[vector<16xi32>, vector<16xi32>], vector<16xf32>,
        %max3A_393 = arith.maximumf %max3A_361, %gather3A_392 : vector<16xf32>
        %gather3A_394 = tpu.vector_load_idx %arg5[%add3A_199, %add3A_377] : memref<64x512xf32, #tpu.memory_space<vmem>>[vector<16xi32>, vector<16xi32>], vector<16xf32>,
        %max3A_395 = arith.maximumf %max3A_363, %gather3A_394 : vector<16xf32>
        %gather3A_396 = tpu.vector_load_idx %arg5[%add3A_199, %add3A_385] : memref<64x512xf32, #tpu.memory_space<vmem>>[vector<16xi32>, vector<16xi32>], vector<16xf32>,
        %max3A_397 = arith.maximumf %max3A_365, %gather3A_396 : vector<16xf32>
        %gather3A_398 = tpu.vector_load_idx %arg5[%add3A_202, %add3A_377] : memref<64x512xf32, #tpu.memory_space<vmem>>[vector<16xi32>, vector<16xi32>], vector<16xf32>,
        %max3A_399 = arith.maximumf %max3A_367, %gather3A_398 : vector<16xf32>
        %gather3A_400 = tpu.vector_load_idx %arg5[%add3A_202, %add3A_385] : memref<64x512xf32, #tpu.memory_space<vmem>>[vector<16xi32>, vector<16xi32>], vector<16xf32>,
        %max3A_401 = arith.maximumf %max3A_369, %gather3A_400 : vector<16xf32>
        %broadcast_in_dim3A_402 = arith.constant 8 : i32
        %broadcast_in_dim3A_403 = vector.broadcast %broadcast_in_dim3A_402 : i32 to vector<16xi32>
        %add3A_404 = arith.addi %iota3A, %broadcast_in_dim3A_403 : vector<16xi32>
        %broadcast_in_dim3A_405 = arith.constant 15 : i32
        %broadcast_in_dim3A_406 = vector.broadcast %broadcast_in_dim3A_405 : i32 to vector<16xi32>
        %and3A_407 = arith.andi %add3A_404, %broadcast_in_dim3A_406 : vector<16xi32>
        %broadcast_in_dim3A_408 = vector.broadcast %mul3A_284 : i32 to vector<16xi32>
        %add3A_409 = arith.addi %and3A_407, %broadcast_in_dim3A_408 : vector<16xi32>
        %broadcast_in_dim3A_410 = arith.constant 9 : i32
        %broadcast_in_dim3A_411 = vector.broadcast %broadcast_in_dim3A_410 : i32 to vector<16xi32>
        %add3A_412 = arith.addi %iota3A, %broadcast_in_dim3A_411 : vector<16xi32>
        %broadcast_in_dim3A_413 = arith.constant 15 : i32
        %broadcast_in_dim3A_414 = vector.broadcast %broadcast_in_dim3A_413 : i32 to vector<16xi32>
        %and3A_415 = arith.andi %add3A_412, %broadcast_in_dim3A_414 : vector<16xi32>
        %broadcast_in_dim3A_416 = vector.broadcast %mul3A_284 : i32 to vector<16xi32>
        %add3A_417 = arith.addi %and3A_415, %broadcast_in_dim3A_416 : vector<16xi32>
        %gather3A_418 = tpu.vector_load_idx %arg5[%add3A_193, %add3A_409] : memref<64x512xf32, #tpu.memory_space<vmem>>[vector<16xi32>, vector<16xi32>], vector<16xf32>,
        %max3A_419 = arith.maximumf %max3A_387, %gather3A_418 : vector<16xf32>
        %gather3A_420 = tpu.vector_load_idx %arg5[%add3A_193, %add3A_417] : memref<64x512xf32, #tpu.memory_space<vmem>>[vector<16xi32>, vector<16xi32>], vector<16xf32>,
        %max3A_421 = arith.maximumf %max3A_389, %gather3A_420 : vector<16xf32>
        %gather3A_422 = tpu.vector_load_idx %arg5[%add3A_196, %add3A_409] : memref<64x512xf32, #tpu.memory_space<vmem>>[vector<16xi32>, vector<16xi32>], vector<16xf32>,
        %max3A_423 = arith.maximumf %max3A_391, %gather3A_422 : vector<16xf32>
        %gather3A_424 = tpu.vector_load_idx %arg5[%add3A_196, %add3A_417] : memref<64x512xf32, #tpu.memory_space<vmem>>[vector<16xi32>, vector<16xi32>], vector<16xf32>,
        %max3A_425 = arith.maximumf %max3A_393, %gather3A_424 : vector<16xf32>
        %gather3A_426 = tpu.vector_load_idx %arg5[%add3A_199, %add3A_409] : memref<64x512xf32, #tpu.memory_space<vmem>>[vector<16xi32>, vector<16xi32>], vector<16xf32>,
        %max3A_427 = arith.maximumf %max3A_395, %gather3A_426 : vector<16xf32>
        %gather3A_428 = tpu.vector_load_idx %arg5[%add3A_199, %add3A_417] : memref<64x512xf32, #tpu.memory_space<vmem>>[vector<16xi32>, vector<16xi32>], vector<16xf32>,
        %max3A_429 = arith.maximumf %max3A_397, %gather3A_428 : vector<16xf32>
        %gather3A_430 = tpu.vector_load_idx %arg5[%add3A_202, %add3A_409] : memref<64x512xf32, #tpu.memory_space<vmem>>[vector<16xi32>, vector<16xi32>], vector<16xf32>,
        %max3A_431 = arith.maximumf %max3A_399, %gather3A_430 : vector<16xf32>
        %gather3A_432 = tpu.vector_load_idx %arg5[%add3A_202, %add3A_417] : memref<64x512xf32, #tpu.memory_space<vmem>>[vector<16xi32>, vector<16xi32>], vector<16xf32>,
        %max3A_433 = arith.maximumf %max3A_401, %gather3A_432 : vector<16xf32>
        %broadcast_in_dim3A_434 = arith.constant 10 : i32
        %broadcast_in_dim3A_435 = vector.broadcast %broadcast_in_dim3A_434 : i32 to vector<16xi32>
        %add3A_436 = arith.addi %iota3A, %broadcast_in_dim3A_435 : vector<16xi32>
        %broadcast_in_dim3A_437 = arith.constant 15 : i32
        %broadcast_in_dim3A_438 = vector.broadcast %broadcast_in_dim3A_437 : i32 to vector<16xi32>
        %and3A_439 = arith.andi %add3A_436, %broadcast_in_dim3A_438 : vector<16xi32>
        %broadcast_in_dim3A_440 = vector.broadcast %mul3A_284 : i32 to vector<16xi32>
        %add3A_441 = arith.addi %and3A_439, %broadcast_in_dim3A_440 : vector<16xi32>
        %broadcast_in_dim3A_442 = arith.constant 11 : i32
        %broadcast_in_dim3A_443 = vector.broadcast %broadcast_in_dim3A_442 : i32 to vector<16xi32>
        %add3A_444 = arith.addi %iota3A, %broadcast_in_dim3A_443 : vector<16xi32>
        %broadcast_in_dim3A_445 = arith.constant 15 : i32
        %broadcast_in_dim3A_446 = vector.broadcast %broadcast_in_dim3A_445 : i32 to vector<16xi32>
        %and3A_447 = arith.andi %add3A_444, %broadcast_in_dim3A_446 : vector<16xi32>
        %broadcast_in_dim3A_448 = vector.broadcast %mul3A_284 : i32 to vector<16xi32>
        %add3A_449 = arith.addi %and3A_447, %broadcast_in_dim3A_448 : vector<16xi32>
        %gather3A_450 = tpu.vector_load_idx %arg5[%add3A_193, %add3A_441] : memref<64x512xf32, #tpu.memory_space<vmem>>[vector<16xi32>, vector<16xi32>], vector<16xf32>,
        %max3A_451 = arith.maximumf %max3A_419, %gather3A_450 : vector<16xf32>
        %gather3A_452 = tpu.vector_load_idx %arg5[%add3A_193, %add3A_449] : memref<64x512xf32, #tpu.memory_space<vmem>>[vector<16xi32>, vector<16xi32>], vector<16xf32>,
        %max3A_453 = arith.maximumf %max3A_421, %gather3A_452 : vector<16xf32>
        %gather3A_454 = tpu.vector_load_idx %arg5[%add3A_196, %add3A_441] : memref<64x512xf32, #tpu.memory_space<vmem>>[vector<16xi32>, vector<16xi32>], vector<16xf32>,
        %max3A_455 = arith.maximumf %max3A_423, %gather3A_454 : vector<16xf32>
        %gather3A_456 = tpu.vector_load_idx %arg5[%add3A_196, %add3A_449] : memref<64x512xf32, #tpu.memory_space<vmem>>[vector<16xi32>, vector<16xi32>], vector<16xf32>,
        %max3A_457 = arith.maximumf %max3A_425, %gather3A_456 : vector<16xf32>
        %gather3A_458 = tpu.vector_load_idx %arg5[%add3A_199, %add3A_441] : memref<64x512xf32, #tpu.memory_space<vmem>>[vector<16xi32>, vector<16xi32>], vector<16xf32>,
        %max3A_459 = arith.maximumf %max3A_427, %gather3A_458 : vector<16xf32>
        %gather3A_460 = tpu.vector_load_idx %arg5[%add3A_199, %add3A_449] : memref<64x512xf32, #tpu.memory_space<vmem>>[vector<16xi32>, vector<16xi32>], vector<16xf32>,
        %max3A_461 = arith.maximumf %max3A_429, %gather3A_460 : vector<16xf32>
        %gather3A_462 = tpu.vector_load_idx %arg5[%add3A_202, %add3A_441] : memref<64x512xf32, #tpu.memory_space<vmem>>[vector<16xi32>, vector<16xi32>], vector<16xf32>,
        %max3A_463 = arith.maximumf %max3A_431, %gather3A_462 : vector<16xf32>
        %gather3A_464 = tpu.vector_load_idx %arg5[%add3A_202, %add3A_449] : memref<64x512xf32, #tpu.memory_space<vmem>>[vector<16xi32>, vector<16xi32>], vector<16xf32>,
        %max3A_465 = arith.maximumf %max3A_433, %gather3A_464 : vector<16xf32>
        %broadcast_in_dim3A_466 = arith.constant 12 : i32
        %broadcast_in_dim3A_467 = vector.broadcast %broadcast_in_dim3A_466 : i32 to vector<16xi32>
        %add3A_468 = arith.addi %iota3A, %broadcast_in_dim3A_467 : vector<16xi32>
        %broadcast_in_dim3A_469 = arith.constant 15 : i32
        %broadcast_in_dim3A_470 = vector.broadcast %broadcast_in_dim3A_469 : i32 to vector<16xi32>
        %and3A_471 = arith.andi %add3A_468, %broadcast_in_dim3A_470 : vector<16xi32>
        %broadcast_in_dim3A_472 = vector.broadcast %mul3A_284 : i32 to vector<16xi32>
        %add3A_473 = arith.addi %and3A_471, %broadcast_in_dim3A_472 : vector<16xi32>
        %broadcast_in_dim3A_474 = arith.constant 13 : i32
        %broadcast_in_dim3A_475 = vector.broadcast %broadcast_in_dim3A_474 : i32 to vector<16xi32>
        %add3A_476 = arith.addi %iota3A, %broadcast_in_dim3A_475 : vector<16xi32>
        %broadcast_in_dim3A_477 = arith.constant 15 : i32
        %broadcast_in_dim3A_478 = vector.broadcast %broadcast_in_dim3A_477 : i32 to vector<16xi32>
        %and3A_479 = arith.andi %add3A_476, %broadcast_in_dim3A_478 : vector<16xi32>
        %broadcast_in_dim3A_480 = vector.broadcast %mul3A_284 : i32 to vector<16xi32>
        %add3A_481 = arith.addi %and3A_479, %broadcast_in_dim3A_480 : vector<16xi32>
        %gather3A_482 = tpu.vector_load_idx %arg5[%add3A_193, %add3A_473] : memref<64x512xf32, #tpu.memory_space<vmem>>[vector<16xi32>, vector<16xi32>], vector<16xf32>,
        %max3A_483 = arith.maximumf %max3A_451, %gather3A_482 : vector<16xf32>
        %gather3A_484 = tpu.vector_load_idx %arg5[%add3A_193, %add3A_481] : memref<64x512xf32, #tpu.memory_space<vmem>>[vector<16xi32>, vector<16xi32>], vector<16xf32>,
        %max3A_485 = arith.maximumf %max3A_453, %gather3A_484 : vector<16xf32>
        %gather3A_486 = tpu.vector_load_idx %arg5[%add3A_196, %add3A_473] : memref<64x512xf32, #tpu.memory_space<vmem>>[vector<16xi32>, vector<16xi32>], vector<16xf32>,
        %max3A_487 = arith.maximumf %max3A_455, %gather3A_486 : vector<16xf32>
        %gather3A_488 = tpu.vector_load_idx %arg5[%add3A_196, %add3A_481] : memref<64x512xf32, #tpu.memory_space<vmem>>[vector<16xi32>, vector<16xi32>], vector<16xf32>,
        %max3A_489 = arith.maximumf %max3A_457, %gather3A_488 : vector<16xf32>
        %gather3A_490 = tpu.vector_load_idx %arg5[%add3A_199, %add3A_473] : memref<64x512xf32, #tpu.memory_space<vmem>>[vector<16xi32>, vector<16xi32>], vector<16xf32>,
        %max3A_491 = arith.maximumf %max3A_459, %gather3A_490 : vector<16xf32>
        %gather3A_492 = tpu.vector_load_idx %arg5[%add3A_199, %add3A_481] : memref<64x512xf32, #tpu.memory_space<vmem>>[vector<16xi32>, vector<16xi32>], vector<16xf32>,
        %max3A_493 = arith.maximumf %max3A_461, %gather3A_492 : vector<16xf32>
        %gather3A_494 = tpu.vector_load_idx %arg5[%add3A_202, %add3A_473] : memref<64x512xf32, #tpu.memory_space<vmem>>[vector<16xi32>, vector<16xi32>], vector<16xf32>,
        %max3A_495 = arith.maximumf %max3A_463, %gather3A_494 : vector<16xf32>
        %gather3A_496 = tpu.vector_load_idx %arg5[%add3A_202, %add3A_481] : memref<64x512xf32, #tpu.memory_space<vmem>>[vector<16xi32>, vector<16xi32>], vector<16xf32>,
        %max3A_497 = arith.maximumf %max3A_465, %gather3A_496 : vector<16xf32>
        %broadcast_in_dim3A_498 = arith.constant 14 : i32
        %broadcast_in_dim3A_499 = vector.broadcast %broadcast_in_dim3A_498 : i32 to vector<16xi32>
        %add3A_500 = arith.addi %iota3A, %broadcast_in_dim3A_499 : vector<16xi32>
        %broadcast_in_dim3A_501 = arith.constant 15 : i32
        %broadcast_in_dim3A_502 = vector.broadcast %broadcast_in_dim3A_501 : i32 to vector<16xi32>
        %and3A_503 = arith.andi %add3A_500, %broadcast_in_dim3A_502 : vector<16xi32>
        %broadcast_in_dim3A_504 = vector.broadcast %mul3A_284 : i32 to vector<16xi32>
        %add3A_505 = arith.addi %and3A_503, %broadcast_in_dim3A_504 : vector<16xi32>
        %broadcast_in_dim3A_506 = arith.constant 15 : i32
        %broadcast_in_dim3A_507 = vector.broadcast %broadcast_in_dim3A_506 : i32 to vector<16xi32>
        %add3A_508 = arith.addi %iota3A, %broadcast_in_dim3A_507 : vector<16xi32>
        %broadcast_in_dim3A_509 = arith.constant 15 : i32
        %broadcast_in_dim3A_510 = vector.broadcast %broadcast_in_dim3A_509 : i32 to vector<16xi32>
        %and3A_511 = arith.andi %add3A_508, %broadcast_in_dim3A_510 : vector<16xi32>
        %broadcast_in_dim3A_512 = vector.broadcast %mul3A_284 : i32 to vector<16xi32>
        %add3A_513 = arith.addi %and3A_511, %broadcast_in_dim3A_512 : vector<16xi32>
        %gather3A_514 = tpu.vector_load_idx %arg5[%add3A_193, %add3A_505] : memref<64x512xf32, #tpu.memory_space<vmem>>[vector<16xi32>, vector<16xi32>], vector<16xf32>,
        %max3A_515 = arith.maximumf %max3A_483, %gather3A_514 : vector<16xf32>
        %gather3A_516 = tpu.vector_load_idx %arg5[%add3A_193, %add3A_513] : memref<64x512xf32, #tpu.memory_space<vmem>>[vector<16xi32>, vector<16xi32>], vector<16xf32>,
        %max3A_517 = arith.maximumf %max3A_485, %gather3A_516 : vector<16xf32>
        %gather3A_518 = tpu.vector_load_idx %arg5[%add3A_196, %add3A_505] : memref<64x512xf32, #tpu.memory_space<vmem>>[vector<16xi32>, vector<16xi32>], vector<16xf32>,
        %max3A_519 = arith.maximumf %max3A_487, %gather3A_518 : vector<16xf32>
        %gather3A_520 = tpu.vector_load_idx %arg5[%add3A_196, %add3A_513] : memref<64x512xf32, #tpu.memory_space<vmem>>[vector<16xi32>, vector<16xi32>], vector<16xf32>,
        %max3A_521 = arith.maximumf %max3A_489, %gather3A_520 : vector<16xf32>
        %gather3A_522 = tpu.vector_load_idx %arg5[%add3A_199, %add3A_505] : memref<64x512xf32, #tpu.memory_space<vmem>>[vector<16xi32>, vector<16xi32>], vector<16xf32>,
        %max3A_523 = arith.maximumf %max3A_491, %gather3A_522 : vector<16xf32>
        %gather3A_524 = tpu.vector_load_idx %arg5[%add3A_199, %add3A_513] : memref<64x512xf32, #tpu.memory_space<vmem>>[vector<16xi32>, vector<16xi32>], vector<16xf32>,
        %max3A_525 = arith.maximumf %max3A_493, %gather3A_524 : vector<16xf32>
        %gather3A_526 = tpu.vector_load_idx %arg5[%add3A_202, %add3A_505] : memref<64x512xf32, #tpu.memory_space<vmem>>[vector<16xi32>, vector<16xi32>], vector<16xf32>,
        %max3A_527 = arith.maximumf %max3A_495, %gather3A_526 : vector<16xf32>
        %gather3A_528 = tpu.vector_load_idx %arg5[%add3A_202, %add3A_513] : memref<64x512xf32, #tpu.memory_space<vmem>>[vector<16xi32>, vector<16xi32>], vector<16xf32>,
        %max3A_529 = arith.maximumf %max3A_497, %gather3A_528 : vector<16xf32>
        %max3A_530 = arith.maximumf %max3A_515, %max3A_517 : vector<16xf32>
        %gt3A = arith.cmpf ogt, %max3A_530, %scan3A_279 : vector<16xf32>
        %max3A_531 = arith.maximumf %max3A_519, %max3A_521 : vector<16xf32>
        %gt3A_532 = arith.cmpf ogt, %max3A_531, %scan3A_280 : vector<16xf32>
        %max3A_533 = arith.maximumf %max3A_523, %max3A_525 : vector<16xf32>
        %gt3A_534 = arith.cmpf ogt, %max3A_533, %scan3A_281 : vector<16xf32>
        %max3A_535 = arith.maximumf %max3A_527, %max3A_529 : vector<16xf32>
        %gt3A_536 = arith.cmpf ogt, %max3A_535, %scan3A_282 : vector<16xf32>
        %or3A = arith.ori %gt3A, %gt3A_532 : vector<16xi1>
        %or3A_537 = arith.ori %gt3A_534, %gt3A_536 : vector<16xi1>
        %or3A_538 = arith.ori %or3A, %or3A_537 : vector<16xi1>
        %reduce_or3A = arith.constant 1.000000e+00 : f32
        %reduce_or3A_539 = arith.constant 0.000000e+00 : f32
        %reduce_or3A_540 = vector.broadcast %reduce_or3A : f32 to vector<16xf32>
        %reduce_or3A_541 = vector.broadcast %reduce_or3A_539 : f32 to vector<16xf32>
        %reduce_or3A_542 = arith.select %or3A_538, %reduce_or3A_540, %reduce_or3A_541 : vector<16xi1>, vector<16xf32>
        %reduce_or3A_543 = arith.constant true
        %reduce_or3A_544 = vector.broadcast %reduce_or3A_543 : i1 to vector<16xi1>
        %reduce_or3A_545 = tpu.scan <max>, %reduce_or3A_542 masked %reduce_or3A_544 : vector<16xf32>, vector<16xi1> -> vector<16xf32>
        %reduce_or3A_546 = vector.extract %reduce_or3A_545[15] : f32 from vector<16xf32>
        %reduce_or3A_547 = arith.constant 0.000000e+00 : f32
        %reduce_or3A_548 = arith.cmpf ogt, %reduce_or3A_546, %reduce_or3A_547 : f32
        %convert_element_type3A_549 = arith.extui %reduce_or3A_548 : i1 to i32
        %cond3A_550 = arith.constant 0 : i32
        %cond3A_551 = arith.cmpi ne, %convert_element_type3A_549, %cond3A_550 : i32
        %cond3A_552:4 = scf.if %cond3A_551 -> (vector<16xf32>, vector<16xf32>, vector<16xf32>, vector<16xf32>) {
          %broadcast_in_dim3A_553 = arith.constant 0 : i32
          %broadcast_in_dim3A_554 = vector.broadcast %broadcast_in_dim3A_553 : i32 to vector<16xi32>
          %add3A_555 = arith.addi %iota3A, %broadcast_in_dim3A_554 : vector<16xi32>
          %broadcast_in_dim3A_556 = arith.constant 15 : i32
          %broadcast_in_dim3A_557 = vector.broadcast %broadcast_in_dim3A_556 : i32 to vector<16xi32>
          %and3A_558 = arith.andi %add3A_555, %broadcast_in_dim3A_557 : vector<16xi32>
          %broadcast_in_dim3A_559 = vector.broadcast %mul3A_284 : i32 to vector<16xi32>
          %add3A_560 = arith.addi %and3A_558, %broadcast_in_dim3A_559 : vector<16xi32>
          %gather3A_561 = tpu.vector_load_idx %arg5[%add3A_193, %add3A_560] : memref<64x512xf32, #tpu.memory_space<vmem>>[vector<16xi32>, vector<16xi32>], vector<16xf32>,
          %broadcast_in_dim3A_562 = arith.constant 1 : i32
          %broadcast_in_dim3A_563 = vector.broadcast %broadcast_in_dim3A_562 : i32 to vector<16xi32>
          %add3A_564 = arith.addi %iota3A, %broadcast_in_dim3A_563 : vector<16xi32>
          %broadcast_in_dim3A_565 = arith.constant 15 : i32
          %broadcast_in_dim3A_566 = vector.broadcast %broadcast_in_dim3A_565 : i32 to vector<16xi32>
          %and3A_567 = arith.andi %add3A_564, %broadcast_in_dim3A_566 : vector<16xi32>
          %broadcast_in_dim3A_568 = vector.broadcast %mul3A_284 : i32 to vector<16xi32>
          %add3A_569 = arith.addi %and3A_567, %broadcast_in_dim3A_568 : vector<16xi32>
          %gather3A_570 = tpu.vector_load_idx %arg5[%add3A_193, %add3A_569] : memref<64x512xf32, #tpu.memory_space<vmem>>[vector<16xi32>, vector<16xi32>], vector<16xf32>,
          %broadcast_in_dim3A_571 = arith.constant 2 : i32
          %broadcast_in_dim3A_572 = vector.broadcast %broadcast_in_dim3A_571 : i32 to vector<16xi32>
          %add3A_573 = arith.addi %iota3A, %broadcast_in_dim3A_572 : vector<16xi32>
          %broadcast_in_dim3A_574 = arith.constant 15 : i32
          %broadcast_in_dim3A_575 = vector.broadcast %broadcast_in_dim3A_574 : i32 to vector<16xi32>
          %and3A_576 = arith.andi %add3A_573, %broadcast_in_dim3A_575 : vector<16xi32>
          %broadcast_in_dim3A_577 = vector.broadcast %mul3A_284 : i32 to vector<16xi32>
          %add3A_578 = arith.addi %and3A_576, %broadcast_in_dim3A_577 : vector<16xi32>
          %gather3A_579 = tpu.vector_load_idx %arg5[%add3A_193, %add3A_578] : memref<64x512xf32, #tpu.memory_space<vmem>>[vector<16xi32>, vector<16xi32>], vector<16xf32>,
          %broadcast_in_dim3A_580 = arith.constant 3 : i32
          %broadcast_in_dim3A_581 = vector.broadcast %broadcast_in_dim3A_580 : i32 to vector<16xi32>
          %add3A_582 = arith.addi %iota3A, %broadcast_in_dim3A_581 : vector<16xi32>
          %broadcast_in_dim3A_583 = arith.constant 15 : i32
          %broadcast_in_dim3A_584 = vector.broadcast %broadcast_in_dim3A_583 : i32 to vector<16xi32>
          %and3A_585 = arith.andi %add3A_582, %broadcast_in_dim3A_584 : vector<16xi32>
          %broadcast_in_dim3A_586 = vector.broadcast %mul3A_284 : i32 to vector<16xi32>
          %add3A_587 = arith.addi %and3A_585, %broadcast_in_dim3A_586 : vector<16xi32>
          %gather3A_588 = tpu.vector_load_idx %arg5[%add3A_193, %add3A_587] : memref<64x512xf32, #tpu.memory_space<vmem>>[vector<16xi32>, vector<16xi32>], vector<16xf32>,
          %broadcast_in_dim3A_589 = arith.constant 4 : i32
          %broadcast_in_dim3A_590 = vector.broadcast %broadcast_in_dim3A_589 : i32 to vector<16xi32>
          %add3A_591 = arith.addi %iota3A, %broadcast_in_dim3A_590 : vector<16xi32>
          %broadcast_in_dim3A_592 = arith.constant 15 : i32
          %broadcast_in_dim3A_593 = vector.broadcast %broadcast_in_dim3A_592 : i32 to vector<16xi32>
          %and3A_594 = arith.andi %add3A_591, %broadcast_in_dim3A_593 : vector<16xi32>
          %broadcast_in_dim3A_595 = vector.broadcast %mul3A_284 : i32 to vector<16xi32>
          %add3A_596 = arith.addi %and3A_594, %broadcast_in_dim3A_595 : vector<16xi32>
          %gather3A_597 = tpu.vector_load_idx %arg5[%add3A_193, %add3A_596] : memref<64x512xf32, #tpu.memory_space<vmem>>[vector<16xi32>, vector<16xi32>], vector<16xf32>,
          %broadcast_in_dim3A_598 = arith.constant 5 : i32
          %broadcast_in_dim3A_599 = vector.broadcast %broadcast_in_dim3A_598 : i32 to vector<16xi32>
          %add3A_600 = arith.addi %iota3A, %broadcast_in_dim3A_599 : vector<16xi32>
          %broadcast_in_dim3A_601 = arith.constant 15 : i32
          %broadcast_in_dim3A_602 = vector.broadcast %broadcast_in_dim3A_601 : i32 to vector<16xi32>
          %and3A_603 = arith.andi %add3A_600, %broadcast_in_dim3A_602 : vector<16xi32>
          %broadcast_in_dim3A_604 = vector.broadcast %mul3A_284 : i32 to vector<16xi32>
          %add3A_605 = arith.addi %and3A_603, %broadcast_in_dim3A_604 : vector<16xi32>
          %gather3A_606 = tpu.vector_load_idx %arg5[%add3A_193, %add3A_605] : memref<64x512xf32, #tpu.memory_space<vmem>>[vector<16xi32>, vector<16xi32>], vector<16xf32>,
          %broadcast_in_dim3A_607 = arith.constant 6 : i32
          %broadcast_in_dim3A_608 = vector.broadcast %broadcast_in_dim3A_607 : i32 to vector<16xi32>
          %add3A_609 = arith.addi %iota3A, %broadcast_in_dim3A_608 : vector<16xi32>
          %broadcast_in_dim3A_610 = arith.constant 15 : i32
          %broadcast_in_dim3A_611 = vector.broadcast %broadcast_in_dim3A_610 : i32 to vector<16xi32>
          %and3A_612 = arith.andi %add3A_609, %broadcast_in_dim3A_611 : vector<16xi32>
          %broadcast_in_dim3A_613 = vector.broadcast %mul3A_284 : i32 to vector<16xi32>
          %add3A_614 = arith.addi %and3A_612, %broadcast_in_dim3A_613 : vector<16xi32>
          %gather3A_615 = tpu.vector_load_idx %arg5[%add3A_193, %add3A_614] : memref<64x512xf32, #tpu.memory_space<vmem>>[vector<16xi32>, vector<16xi32>], vector<16xf32>,
          %broadcast_in_dim3A_616 = arith.constant 7 : i32
          %broadcast_in_dim3A_617 = vector.broadcast %broadcast_in_dim3A_616 : i32 to vector<16xi32>
          %add3A_618 = arith.addi %iota3A, %broadcast_in_dim3A_617 : vector<16xi32>
          %broadcast_in_dim3A_619 = arith.constant 15 : i32
          %broadcast_in_dim3A_620 = vector.broadcast %broadcast_in_dim3A_619 : i32 to vector<16xi32>
          %and3A_621 = arith.andi %add3A_618, %broadcast_in_dim3A_620 : vector<16xi32>
          %broadcast_in_dim3A_622 = vector.broadcast %mul3A_284 : i32 to vector<16xi32>
          %add3A_623 = arith.addi %and3A_621, %broadcast_in_dim3A_622 : vector<16xi32>
          %gather3A_624 = tpu.vector_load_idx %arg5[%add3A_193, %add3A_623] : memref<64x512xf32, #tpu.memory_space<vmem>>[vector<16xi32>, vector<16xi32>], vector<16xf32>,
          %broadcast_in_dim3A_625 = arith.constant 8 : i32
          %broadcast_in_dim3A_626 = vector.broadcast %broadcast_in_dim3A_625 : i32 to vector<16xi32>
          %add3A_627 = arith.addi %iota3A, %broadcast_in_dim3A_626 : vector<16xi32>
          %broadcast_in_dim3A_628 = arith.constant 15 : i32
          %broadcast_in_dim3A_629 = vector.broadcast %broadcast_in_dim3A_628 : i32 to vector<16xi32>
          %and3A_630 = arith.andi %add3A_627, %broadcast_in_dim3A_629 : vector<16xi32>
          %broadcast_in_dim3A_631 = vector.broadcast %mul3A_284 : i32 to vector<16xi32>
          %add3A_632 = arith.addi %and3A_630, %broadcast_in_dim3A_631 : vector<16xi32>
          %gather3A_633 = tpu.vector_load_idx %arg5[%add3A_193, %add3A_632] : memref<64x512xf32, #tpu.memory_space<vmem>>[vector<16xi32>, vector<16xi32>], vector<16xf32>,
          %broadcast_in_dim3A_634 = arith.constant 9 : i32
          %broadcast_in_dim3A_635 = vector.broadcast %broadcast_in_dim3A_634 : i32 to vector<16xi32>
          %add3A_636 = arith.addi %iota3A, %broadcast_in_dim3A_635 : vector<16xi32>
          %broadcast_in_dim3A_637 = arith.constant 15 : i32
          %broadcast_in_dim3A_638 = vector.broadcast %broadcast_in_dim3A_637 : i32 to vector<16xi32>
          %and3A_639 = arith.andi %add3A_636, %broadcast_in_dim3A_638 : vector<16xi32>
          %broadcast_in_dim3A_640 = vector.broadcast %mul3A_284 : i32 to vector<16xi32>
          %add3A_641 = arith.addi %and3A_639, %broadcast_in_dim3A_640 : vector<16xi32>
          %gather3A_642 = tpu.vector_load_idx %arg5[%add3A_193, %add3A_641] : memref<64x512xf32, #tpu.memory_space<vmem>>[vector<16xi32>, vector<16xi32>], vector<16xf32>,
          %broadcast_in_dim3A_643 = arith.constant 10 : i32
          %broadcast_in_dim3A_644 = vector.broadcast %broadcast_in_dim3A_643 : i32 to vector<16xi32>
          %add3A_645 = arith.addi %iota3A, %broadcast_in_dim3A_644 : vector<16xi32>
          %broadcast_in_dim3A_646 = arith.constant 15 : i32
          %broadcast_in_dim3A_647 = vector.broadcast %broadcast_in_dim3A_646 : i32 to vector<16xi32>
          %and3A_648 = arith.andi %add3A_645, %broadcast_in_dim3A_647 : vector<16xi32>
          %broadcast_in_dim3A_649 = vector.broadcast %mul3A_284 : i32 to vector<16xi32>
          %add3A_650 = arith.addi %and3A_648, %broadcast_in_dim3A_649 : vector<16xi32>
          %gather3A_651 = tpu.vector_load_idx %arg5[%add3A_193, %add3A_650] : memref<64x512xf32, #tpu.memory_space<vmem>>[vector<16xi32>, vector<16xi32>], vector<16xf32>,
          %broadcast_in_dim3A_652 = arith.constant 11 : i32
          %broadcast_in_dim3A_653 = vector.broadcast %broadcast_in_dim3A_652 : i32 to vector<16xi32>
          %add3A_654 = arith.addi %iota3A, %broadcast_in_dim3A_653 : vector<16xi32>
          %broadcast_in_dim3A_655 = arith.constant 15 : i32
          %broadcast_in_dim3A_656 = vector.broadcast %broadcast_in_dim3A_655 : i32 to vector<16xi32>
          %and3A_657 = arith.andi %add3A_654, %broadcast_in_dim3A_656 : vector<16xi32>
          %broadcast_in_dim3A_658 = vector.broadcast %mul3A_284 : i32 to vector<16xi32>
          %add3A_659 = arith.addi %and3A_657, %broadcast_in_dim3A_658 : vector<16xi32>
          %gather3A_660 = tpu.vector_load_idx %arg5[%add3A_193, %add3A_659] : memref<64x512xf32, #tpu.memory_space<vmem>>[vector<16xi32>, vector<16xi32>], vector<16xf32>,
          %broadcast_in_dim3A_661 = arith.constant 12 : i32
          %broadcast_in_dim3A_662 = vector.broadcast %broadcast_in_dim3A_661 : i32 to vector<16xi32>
          %add3A_663 = arith.addi %iota3A, %broadcast_in_dim3A_662 : vector<16xi32>
          %broadcast_in_dim3A_664 = arith.constant 15 : i32
          %broadcast_in_dim3A_665 = vector.broadcast %broadcast_in_dim3A_664 : i32 to vector<16xi32>
          %and3A_666 = arith.andi %add3A_663, %broadcast_in_dim3A_665 : vector<16xi32>
          %broadcast_in_dim3A_667 = vector.broadcast %mul3A_284 : i32 to vector<16xi32>
          %add3A_668 = arith.addi %and3A_666, %broadcast_in_dim3A_667 : vector<16xi32>
          %gather3A_669 = tpu.vector_load_idx %arg5[%add3A_193, %add3A_668] : memref<64x512xf32, #tpu.memory_space<vmem>>[vector<16xi32>, vector<16xi32>], vector<16xf32>,
          %broadcast_in_dim3A_670 = arith.constant 13 : i32
          %broadcast_in_dim3A_671 = vector.broadcast %broadcast_in_dim3A_670 : i32 to vector<16xi32>
          %add3A_672 = arith.addi %iota3A, %broadcast_in_dim3A_671 : vector<16xi32>
          %broadcast_in_dim3A_673 = arith.constant 15 : i32
          %broadcast_in_dim3A_674 = vector.broadcast %broadcast_in_dim3A_673 : i32 to vector<16xi32>
          %and3A_675 = arith.andi %add3A_672, %broadcast_in_dim3A_674 : vector<16xi32>
          %broadcast_in_dim3A_676 = vector.broadcast %mul3A_284 : i32 to vector<16xi32>
          %add3A_677 = arith.addi %and3A_675, %broadcast_in_dim3A_676 : vector<16xi32>
          %gather3A_678 = tpu.vector_load_idx %arg5[%add3A_193, %add3A_677] : memref<64x512xf32, #tpu.memory_space<vmem>>[vector<16xi32>, vector<16xi32>], vector<16xf32>,
          %broadcast_in_dim3A_679 = arith.constant 14 : i32
          %broadcast_in_dim3A_680 = vector.broadcast %broadcast_in_dim3A_679 : i32 to vector<16xi32>
          %add3A_681 = arith.addi %iota3A, %broadcast_in_dim3A_680 : vector<16xi32>
          %broadcast_in_dim3A_682 = arith.constant 15 : i32
          %broadcast_in_dim3A_683 = vector.broadcast %broadcast_in_dim3A_682 : i32 to vector<16xi32>
          %and3A_684 = arith.andi %add3A_681, %broadcast_in_dim3A_683 : vector<16xi32>
          %broadcast_in_dim3A_685 = vector.broadcast %mul3A_284 : i32 to vector<16xi32>
          %add3A_686 = arith.addi %and3A_684, %broadcast_in_dim3A_685 : vector<16xi32>
          %gather3A_687 = tpu.vector_load_idx %arg5[%add3A_193, %add3A_686] : memref<64x512xf32, #tpu.memory_space<vmem>>[vector<16xi32>, vector<16xi32>], vector<16xf32>,
          %broadcast_in_dim3A_688 = arith.constant 15 : i32
          %broadcast_in_dim3A_689 = vector.broadcast %broadcast_in_dim3A_688 : i32 to vector<16xi32>
          %add3A_690 = arith.addi %iota3A, %broadcast_in_dim3A_689 : vector<16xi32>
          %broadcast_in_dim3A_691 = arith.constant 15 : i32
          %broadcast_in_dim3A_692 = vector.broadcast %broadcast_in_dim3A_691 : i32 to vector<16xi32>
          %and3A_693 = arith.andi %add3A_690, %broadcast_in_dim3A_692 : vector<16xi32>
          %broadcast_in_dim3A_694 = vector.broadcast %mul3A_284 : i32 to vector<16xi32>
          %add3A_695 = arith.addi %and3A_693, %broadcast_in_dim3A_694 : vector<16xi32>
          %gather3A_696 = tpu.vector_load_idx %arg5[%add3A_193, %add3A_695] : memref<64x512xf32, #tpu.memory_space<vmem>>[vector<16xi32>, vector<16xi32>], vector<16xf32>,
          %max3A_697 = arith.maximumf %gather3A_561, %gather3A_570 : vector<16xf32>
          %min3A = arith.minimumf %gather3A_561, %gather3A_570 : vector<16xf32>
          %max3A_698 = arith.maximumf %gather3A_579, %gather3A_588 : vector<16xf32>
          %min3A_699 = arith.minimumf %gather3A_579, %gather3A_588 : vector<16xf32>
          %max3A_700 = arith.maximumf %gather3A_597, %gather3A_606 : vector<16xf32>
          %min3A_701 = arith.minimumf %gather3A_597, %gather3A_606 : vector<16xf32>
          %max3A_702 = arith.maximumf %gather3A_615, %gather3A_624 : vector<16xf32>
          %min3A_703 = arith.minimumf %gather3A_615, %gather3A_624 : vector<16xf32>
          %max3A_704 = arith.maximumf %gather3A_633, %gather3A_642 : vector<16xf32>
          %min3A_705 = arith.minimumf %gather3A_633, %gather3A_642 : vector<16xf32>
          %max3A_706 = arith.maximumf %gather3A_651, %gather3A_660 : vector<16xf32>
          %min3A_707 = arith.minimumf %gather3A_651, %gather3A_660 : vector<16xf32>
          %max3A_708 = arith.maximumf %gather3A_669, %gather3A_678 : vector<16xf32>
          %min3A_709 = arith.minimumf %gather3A_669, %gather3A_678 : vector<16xf32>
          %max3A_710 = arith.maximumf %gather3A_687, %gather3A_696 : vector<16xf32>
          %min3A_711 = arith.minimumf %gather3A_687, %gather3A_696 : vector<16xf32>
          %max3A_712 = arith.maximumf %max3A_697, %max3A_698 : vector<16xf32>
          %min3A_713 = arith.minimumf %max3A_697, %max3A_698 : vector<16xf32>
          %max3A_714 = arith.maximumf %min3A, %min3A_699 : vector<16xf32>
          %min3A_715 = arith.minimumf %min3A, %min3A_699 : vector<16xf32>
          %max3A_716 = arith.maximumf %min3A_713, %max3A_714 : vector<16xf32>
          %min3A_717 = arith.minimumf %min3A_713, %max3A_714 : vector<16xf32>
          %max3A_718 = arith.maximumf %max3A_700, %max3A_702 : vector<16xf32>
          %min3A_719 = arith.minimumf %max3A_700, %max3A_702 : vector<16xf32>
          %max3A_720 = arith.maximumf %min3A_701, %min3A_703 : vector<16xf32>
          %min3A_721 = arith.minimumf %min3A_701, %min3A_703 : vector<16xf32>
          %max3A_722 = arith.maximumf %min3A_719, %max3A_720 : vector<16xf32>
          %min3A_723 = arith.minimumf %min3A_719, %max3A_720 : vector<16xf32>
          %max3A_724 = arith.maximumf %max3A_704, %max3A_706 : vector<16xf32>
          %min3A_725 = arith.minimumf %max3A_704, %max3A_706 : vector<16xf32>
          %max3A_726 = arith.maximumf %min3A_705, %min3A_707 : vector<16xf32>
          %min3A_727 = arith.minimumf %min3A_705, %min3A_707 : vector<16xf32>
          %max3A_728 = arith.maximumf %min3A_725, %max3A_726 : vector<16xf32>
          %min3A_729 = arith.minimumf %min3A_725, %max3A_726 : vector<16xf32>
          %max3A_730 = arith.maximumf %max3A_708, %max3A_710 : vector<16xf32>
          %min3A_731 = arith.minimumf %max3A_708, %max3A_710 : vector<16xf32>
          %max3A_732 = arith.maximumf %min3A_709, %min3A_711 : vector<16xf32>
          %min3A_733 = arith.minimumf %min3A_709, %min3A_711 : vector<16xf32>
          %max3A_734 = arith.maximumf %min3A_731, %max3A_732 : vector<16xf32>
          %min3A_735 = arith.minimumf %min3A_731, %max3A_732 : vector<16xf32>
          %max3A_736 = arith.maximumf %max3A_712, %min3A_721 : vector<16xf32>
          %min3A_737 = arith.minimumf %max3A_712, %min3A_721 : vector<16xf32>
          %max3A_738 = arith.maximumf %max3A_716, %min3A_723 : vector<16xf32>
          %min3A_739 = arith.minimumf %max3A_716, %min3A_723 : vector<16xf32>
          %max3A_740 = arith.maximumf %min3A_717, %max3A_722 : vector<16xf32>
          %min3A_741 = arith.minimumf %min3A_717, %max3A_722 : vector<16xf32>
          %max3A_742 = arith.maximumf %min3A_715, %max3A_718 : vector<16xf32>
          %min3A_743 = arith.minimumf %min3A_715, %max3A_718 : vector<16xf32>
          %max3A_744 = arith.maximumf %max3A_736, %max3A_740 : vector<16xf32>
          %min3A_745 = arith.minimumf %max3A_736, %max3A_740 : vector<16xf32>
          %max3A_746 = arith.maximumf %max3A_738, %max3A_742 : vector<16xf32>
          %min3A_747 = arith.minimumf %max3A_738, %max3A_742 : vector<16xf32>
          %max3A_748 = arith.maximumf %min3A_737, %min3A_741 : vector<16xf32>
          %min3A_749 = arith.minimumf %min3A_737, %min3A_741 : vector<16xf32>
          %max3A_750 = arith.maximumf %min3A_739, %min3A_743 : vector<16xf32>
          %min3A_751 = arith.minimumf %min3A_739, %min3A_743 : vector<16xf32>
          %max3A_752 = arith.maximumf %max3A_744, %max3A_746 : vector<16xf32>
          %min3A_753 = arith.minimumf %max3A_744, %max3A_746 : vector<16xf32>
          %max3A_754 = arith.maximumf %min3A_745, %min3A_747 : vector<16xf32>
          %min3A_755 = arith.minimumf %min3A_745, %min3A_747 : vector<16xf32>
          %max3A_756 = arith.maximumf %max3A_748, %max3A_750 : vector<16xf32>
          %min3A_757 = arith.minimumf %max3A_748, %max3A_750 : vector<16xf32>
          %max3A_758 = arith.maximumf %min3A_749, %min3A_751 : vector<16xf32>
          %min3A_759 = arith.minimumf %min3A_749, %min3A_751 : vector<16xf32>
          %max3A_760 = arith.maximumf %max3A_724, %min3A_733 : vector<16xf32>
          %min3A_761 = arith.minimumf %max3A_724, %min3A_733 : vector<16xf32>
          %max3A_762 = arith.maximumf %max3A_728, %min3A_735 : vector<16xf32>
          %min3A_763 = arith.minimumf %max3A_728, %min3A_735 : vector<16xf32>
          %max3A_764 = arith.maximumf %min3A_729, %max3A_734 : vector<16xf32>
          %min3A_765 = arith.minimumf %min3A_729, %max3A_734 : vector<16xf32>
          %max3A_766 = arith.maximumf %min3A_727, %max3A_730 : vector<16xf32>
          %min3A_767 = arith.minimumf %min3A_727, %max3A_730 : vector<16xf32>
          %max3A_768 = arith.maximumf %max3A_760, %max3A_764 : vector<16xf32>
          %min3A_769 = arith.minimumf %max3A_760, %max3A_764 : vector<16xf32>
          %max3A_770 = arith.maximumf %max3A_762, %max3A_766 : vector<16xf32>
          %min3A_771 = arith.minimumf %max3A_762, %max3A_766 : vector<16xf32>
          %max3A_772 = arith.maximumf %min3A_761, %min3A_765 : vector<16xf32>
          %min3A_773 = arith.minimumf %min3A_761, %min3A_765 : vector<16xf32>
          %max3A_774 = arith.maximumf %min3A_763, %min3A_767 : vector<16xf32>
          %min3A_775 = arith.minimumf %min3A_763, %min3A_767 : vector<16xf32>
          %max3A_776 = arith.maximumf %max3A_768, %max3A_770 : vector<16xf32>
          %min3A_777 = arith.minimumf %max3A_768, %max3A_770 : vector<16xf32>
          %max3A_778 = arith.maximumf %min3A_769, %min3A_771 : vector<16xf32>
          %min3A_779 = arith.minimumf %min3A_769, %min3A_771 : vector<16xf32>
          %max3A_780 = arith.maximumf %max3A_772, %max3A_774 : vector<16xf32>
          %min3A_781 = arith.minimumf %max3A_772, %max3A_774 : vector<16xf32>
          %max3A_782 = arith.maximumf %min3A_773, %min3A_775 : vector<16xf32>
          %min3A_783 = arith.minimumf %min3A_773, %min3A_775 : vector<16xf32>
          %max3A_784 = arith.maximumf %max3A_752, %min3A_783 : vector<16xf32>
          %max3A_785 = arith.maximumf %min3A_753, %max3A_782 : vector<16xf32>
          %max3A_786 = arith.maximumf %max3A_754, %min3A_781 : vector<16xf32>
          %max3A_787 = arith.maximumf %min3A_755, %max3A_780 : vector<16xf32>
          %max3A_788 = arith.maximumf %max3A_756, %min3A_779 : vector<16xf32>
          %max3A_789 = arith.maximumf %min3A_757, %max3A_778 : vector<16xf32>
          %max3A_790 = arith.maximumf %max3A_758, %min3A_777 : vector<16xf32>
          %max3A_791 = arith.maximumf %min3A_759, %max3A_776 : vector<16xf32>
          %max3A_792 = arith.maximumf %max3A_784, %max3A_788 : vector<16xf32>
          %min3A_793 = arith.minimumf %max3A_784, %max3A_788 : vector<16xf32>
          %max3A_794 = arith.maximumf %max3A_785, %max3A_789 : vector<16xf32>
          %min3A_795 = arith.minimumf %max3A_785, %max3A_789 : vector<16xf32>
          %max3A_796 = arith.maximumf %max3A_786, %max3A_790 : vector<16xf32>
          %min3A_797 = arith.minimumf %max3A_786, %max3A_790 : vector<16xf32>
          %max3A_798 = arith.maximumf %max3A_787, %max3A_791 : vector<16xf32>
          %min3A_799 = arith.minimumf %max3A_787, %max3A_791 : vector<16xf32>
          %max3A_800 = arith.maximumf %max3A_792, %max3A_796 : vector<16xf32>
          %min3A_801 = arith.minimumf %max3A_792, %max3A_796 : vector<16xf32>
          %max3A_802 = arith.maximumf %max3A_794, %max3A_798 : vector<16xf32>
          %min3A_803 = arith.minimumf %max3A_794, %max3A_798 : vector<16xf32>
          %max3A_804 = arith.maximumf %min3A_793, %min3A_797 : vector<16xf32>
          %min3A_805 = arith.minimumf %min3A_793, %min3A_797 : vector<16xf32>
          %max3A_806 = arith.maximumf %min3A_795, %min3A_799 : vector<16xf32>
          %min3A_807 = arith.minimumf %min3A_795, %min3A_799 : vector<16xf32>
          %max3A_808 = arith.maximumf %max3A_800, %max3A_802 : vector<16xf32>
          %min3A_809 = arith.minimumf %max3A_800, %max3A_802 : vector<16xf32>
          %max3A_810 = arith.maximumf %min3A_801, %min3A_803 : vector<16xf32>
          %min3A_811 = arith.minimumf %min3A_801, %min3A_803 : vector<16xf32>
          %max3A_812 = arith.maximumf %max3A_804, %max3A_806 : vector<16xf32>
          %min3A_813 = arith.minimumf %max3A_804, %max3A_806 : vector<16xf32>
          %max3A_814 = arith.maximumf %min3A_805, %min3A_807 : vector<16xf32>
          %min3A_815 = arith.minimumf %min3A_805, %min3A_807 : vector<16xf32>
          %get3A = arith.constant 0 : i32
          %get3A_816 = arith.index_cast %get3A : i32 to index
          %get3A_817 = arith.constant 0 : index
          %get3A_818 = tpu.vector_load %arg6[%get3A_816, %get3A_817] {strides = array<i32>} : memref<8x64xf32, #tpu.memory_space<vmem>>, vector<16xf32>,
          %get3A_819 = arith.constant 1 : i32
          %get3A_820 = arith.index_cast %get3A_819 : i32 to index
          %get3A_821 = arith.constant 0 : index
          %get3A_822 = tpu.vector_load %arg6[%get3A_820, %get3A_821] {strides = array<i32>} : memref<8x64xf32, #tpu.memory_space<vmem>>, vector<16xf32>,
          %get3A_823 = arith.constant 2 : i32
          %get3A_824 = arith.index_cast %get3A_823 : i32 to index
          %get3A_825 = arith.constant 0 : index
          %get3A_826 = tpu.vector_load %arg6[%get3A_824, %get3A_825] {strides = array<i32>} : memref<8x64xf32, #tpu.memory_space<vmem>>, vector<16xf32>,
          %get3A_827 = arith.constant 3 : i32
          %get3A_828 = arith.index_cast %get3A_827 : i32 to index
          %get3A_829 = arith.constant 0 : index
          %get3A_830 = tpu.vector_load %arg6[%get3A_828, %get3A_829] {strides = array<i32>} : memref<8x64xf32, #tpu.memory_space<vmem>>, vector<16xf32>,
          %get3A_831 = arith.constant 4 : i32
          %get3A_832 = arith.index_cast %get3A_831 : i32 to index
          %get3A_833 = arith.constant 0 : index
          %get3A_834 = tpu.vector_load %arg6[%get3A_832, %get3A_833] {strides = array<i32>} : memref<8x64xf32, #tpu.memory_space<vmem>>, vector<16xf32>,
          %get3A_835 = arith.constant 5 : i32
          %get3A_836 = arith.index_cast %get3A_835 : i32 to index
          %get3A_837 = arith.constant 0 : index
          %get3A_838 = tpu.vector_load %arg6[%get3A_836, %get3A_837] {strides = array<i32>} : memref<8x64xf32, #tpu.memory_space<vmem>>, vector<16xf32>,
          %get3A_839 = arith.constant 6 : i32
          %get3A_840 = arith.index_cast %get3A_839 : i32 to index
          %get3A_841 = arith.constant 0 : index
          %get3A_842 = tpu.vector_load %arg6[%get3A_840, %get3A_841] {strides = array<i32>} : memref<8x64xf32, #tpu.memory_space<vmem>>, vector<16xf32>,
          %get3A_843 = arith.constant 7 : i32
          %get3A_844 = arith.index_cast %get3A_843 : i32 to index
          %get3A_845 = arith.constant 0 : index
          %get3A_846 = tpu.vector_load %arg6[%get3A_844, %get3A_845] {strides = array<i32>} : memref<8x64xf32, #tpu.memory_space<vmem>>, vector<16xf32>,
          %max3A_847 = arith.maximumf %get3A_818, %min3A_815 : vector<16xf32>
          %max3A_848 = arith.maximumf %get3A_822, %max3A_814 : vector<16xf32>
          %max3A_849 = arith.maximumf %get3A_826, %min3A_813 : vector<16xf32>
          %max3A_850 = arith.maximumf %get3A_830, %max3A_812 : vector<16xf32>
          %max3A_851 = arith.maximumf %get3A_834, %min3A_811 : vector<16xf32>
          %max3A_852 = arith.maximumf %get3A_838, %max3A_810 : vector<16xf32>
          %max3A_853 = arith.maximumf %get3A_842, %min3A_809 : vector<16xf32>
          %max3A_854 = arith.maximumf %get3A_846, %max3A_808 : vector<16xf32>
          %max3A_855 = arith.maximumf %max3A_847, %max3A_851 : vector<16xf32>
          %min3A_856 = arith.minimumf %max3A_847, %max3A_851 : vector<16xf32>
          %max3A_857 = arith.maximumf %max3A_848, %max3A_852 : vector<16xf32>
          %min3A_858 = arith.minimumf %max3A_848, %max3A_852 : vector<16xf32>
          %max3A_859 = arith.maximumf %max3A_849, %max3A_853 : vector<16xf32>
          %min3A_860 = arith.minimumf %max3A_849, %max3A_853 : vector<16xf32>
          %max3A_861 = arith.maximumf %max3A_850, %max3A_854 : vector<16xf32>
          %min3A_862 = arith.minimumf %max3A_850, %max3A_854 : vector<16xf32>
          %max3A_863 = arith.maximumf %max3A_855, %max3A_859 : vector<16xf32>
          %min3A_864 = arith.minimumf %max3A_855, %max3A_859 : vector<16xf32>
          %max3A_865 = arith.maximumf %max3A_857, %max3A_861 : vector<16xf32>
          %min3A_866 = arith.minimumf %max3A_857, %max3A_861 : vector<16xf32>
          %max3A_867 = arith.maximumf %min3A_856, %min3A_860 : vector<16xf32>
          %min3A_868 = arith.minimumf %min3A_856, %min3A_860 : vector<16xf32>
          %max3A_869 = arith.maximumf %min3A_858, %min3A_862 : vector<16xf32>
          %min3A_870 = arith.minimumf %min3A_858, %min3A_862 : vector<16xf32>
          %max3A_871 = arith.maximumf %max3A_863, %max3A_865 : vector<16xf32>
          %min3A_872 = arith.minimumf %max3A_863, %max3A_865 : vector<16xf32>
          %max3A_873 = arith.maximumf %min3A_864, %min3A_866 : vector<16xf32>
          %min3A_874 = arith.minimumf %min3A_864, %min3A_866 : vector<16xf32>
          %max3A_875 = arith.maximumf %max3A_867, %max3A_869 : vector<16xf32>
          %min3A_876 = arith.minimumf %max3A_867, %max3A_869 : vector<16xf32>
          %max3A_877 = arith.maximumf %min3A_868, %min3A_870 : vector<16xf32>
          %min3A_878 = arith.minimumf %min3A_868, %min3A_870 : vector<16xf32>
          %swap3A_879 = arith.constant 0 : i32
          %swap3A_880 = arith.index_cast %swap3A_879 : i32 to index
          %swap3A_881 = arith.constant 0 : index
          %swap3A_882 = tpu.vector_load %arg6[%swap3A_880, %swap3A_881] {strides = array<i32>} : memref<8x64xf32, #tpu.memory_space<vmem>>, vector<16xf32>,
          tpu.vector_store %arg6[%swap3A_880, %swap3A_881], %max3A_871 {strides = array<i32>} : memref<8x64xf32, #tpu.memory_space<vmem>>, vector<16xf32>,
          %swap3A_883 = arith.constant 1 : i32
          %swap3A_884 = arith.index_cast %swap3A_883 : i32 to index
          %swap3A_885 = arith.constant 0 : index
          %swap3A_886 = tpu.vector_load %arg6[%swap3A_884, %swap3A_885] {strides = array<i32>} : memref<8x64xf32, #tpu.memory_space<vmem>>, vector<16xf32>,
          tpu.vector_store %arg6[%swap3A_884, %swap3A_885], %min3A_872 {strides = array<i32>} : memref<8x64xf32, #tpu.memory_space<vmem>>, vector<16xf32>,
          %swap3A_887 = arith.constant 2 : i32
          %swap3A_888 = arith.index_cast %swap3A_887 : i32 to index
          %swap3A_889 = arith.constant 0 : index
          %swap3A_890 = tpu.vector_load %arg6[%swap3A_888, %swap3A_889] {strides = array<i32>} : memref<8x64xf32, #tpu.memory_space<vmem>>, vector<16xf32>,
          tpu.vector_store %arg6[%swap3A_888, %swap3A_889], %max3A_873 {strides = array<i32>} : memref<8x64xf32, #tpu.memory_space<vmem>>, vector<16xf32>,
          %swap3A_891 = arith.constant 3 : i32
          %swap3A_892 = arith.index_cast %swap3A_891 : i32 to index
          %swap3A_893 = arith.constant 0 : index
          %swap3A_894 = tpu.vector_load %arg6[%swap3A_892, %swap3A_893] {strides = array<i32>} : memref<8x64xf32, #tpu.memory_space<vmem>>, vector<16xf32>,
          tpu.vector_store %arg6[%swap3A_892, %swap3A_893], %min3A_874 {strides = array<i32>} : memref<8x64xf32, #tpu.memory_space<vmem>>, vector<16xf32>,
          %swap3A_895 = arith.constant 4 : i32
          %swap3A_896 = arith.index_cast %swap3A_895 : i32 to index
          %swap3A_897 = arith.constant 0 : index
          %swap3A_898 = tpu.vector_load %arg6[%swap3A_896, %swap3A_897] {strides = array<i32>} : memref<8x64xf32, #tpu.memory_space<vmem>>, vector<16xf32>,
          tpu.vector_store %arg6[%swap3A_896, %swap3A_897], %max3A_875 {strides = array<i32>} : memref<8x64xf32, #tpu.memory_space<vmem>>, vector<16xf32>,
          %swap3A_899 = arith.constant 5 : i32
          %swap3A_900 = arith.index_cast %swap3A_899 : i32 to index
          %swap3A_901 = arith.constant 0 : index
          %swap3A_902 = tpu.vector_load %arg6[%swap3A_900, %swap3A_901] {strides = array<i32>} : memref<8x64xf32, #tpu.memory_space<vmem>>, vector<16xf32>,
          tpu.vector_store %arg6[%swap3A_900, %swap3A_901], %min3A_876 {strides = array<i32>} : memref<8x64xf32, #tpu.memory_space<vmem>>, vector<16xf32>,
          %swap3A_903 = arith.constant 6 : i32
          %swap3A_904 = arith.index_cast %swap3A_903 : i32 to index
          %swap3A_905 = arith.constant 0 : index
          %swap3A_906 = tpu.vector_load %arg6[%swap3A_904, %swap3A_905] {strides = array<i32>} : memref<8x64xf32, #tpu.memory_space<vmem>>, vector<16xf32>,
          tpu.vector_store %arg6[%swap3A_904, %swap3A_905], %max3A_877 {strides = array<i32>} : memref<8x64xf32, #tpu.memory_space<vmem>>, vector<16xf32>,
          %swap3A_907 = arith.constant 7 : i32
          %swap3A_908 = arith.index_cast %swap3A_907 : i32 to index
          %swap3A_909 = arith.constant 0 : index
          %swap3A_910 = tpu.vector_load %arg6[%swap3A_908, %swap3A_909] {strides = array<i32>} : memref<8x64xf32, #tpu.memory_space<vmem>>, vector<16xf32>,
          tpu.vector_store %arg6[%swap3A_908, %swap3A_909], %min3A_878 {strides = array<i32>} : memref<8x64xf32, #tpu.memory_space<vmem>>, vector<16xf32>,
          %broadcast_in_dim3A_911 = arith.constant 0 : i32
          %broadcast_in_dim3A_912 = vector.broadcast %broadcast_in_dim3A_911 : i32 to vector<16xi32>
          %add3A_913 = arith.addi %iota3A, %broadcast_in_dim3A_912 : vector<16xi32>
          %broadcast_in_dim3A_914 = arith.constant 15 : i32
          %broadcast_in_dim3A_915 = vector.broadcast %broadcast_in_dim3A_914 : i32 to vector<16xi32>
          %and3A_916 = arith.andi %add3A_913, %broadcast_in_dim3A_915 : vector<16xi32>
          %broadcast_in_dim3A_917 = vector.broadcast %mul3A_284 : i32 to vector<16xi32>
          %add3A_918 = arith.addi %and3A_916, %broadcast_in_dim3A_917 : vector<16xi32>
          %gather3A_919 = tpu.vector_load_idx %arg5[%add3A_196, %add3A_918] : memref<64x512xf32, #tpu.memory_space<vmem>>[vector<16xi32>, vector<16xi32>], vector<16xf32>,
          %broadcast_in_dim3A_920 = arith.constant 1 : i32
          %broadcast_in_dim3A_921 = vector.broadcast %broadcast_in_dim3A_920 : i32 to vector<16xi32>
          %add3A_922 = arith.addi %iota3A, %broadcast_in_dim3A_921 : vector<16xi32>
          %broadcast_in_dim3A_923 = arith.constant 15 : i32
          %broadcast_in_dim3A_924 = vector.broadcast %broadcast_in_dim3A_923 : i32 to vector<16xi32>
          %and3A_925 = arith.andi %add3A_922, %broadcast_in_dim3A_924 : vector<16xi32>
          %broadcast_in_dim3A_926 = vector.broadcast %mul3A_284 : i32 to vector<16xi32>
          %add3A_927 = arith.addi %and3A_925, %broadcast_in_dim3A_926 : vector<16xi32>
          %gather3A_928 = tpu.vector_load_idx %arg5[%add3A_196, %add3A_927] : memref<64x512xf32, #tpu.memory_space<vmem>>[vector<16xi32>, vector<16xi32>], vector<16xf32>,
          %broadcast_in_dim3A_929 = arith.constant 2 : i32
          %broadcast_in_dim3A_930 = vector.broadcast %broadcast_in_dim3A_929 : i32 to vector<16xi32>
          %add3A_931 = arith.addi %iota3A, %broadcast_in_dim3A_930 : vector<16xi32>
          %broadcast_in_dim3A_932 = arith.constant 15 : i32
          %broadcast_in_dim3A_933 = vector.broadcast %broadcast_in_dim3A_932 : i32 to vector<16xi32>
          %and3A_934 = arith.andi %add3A_931, %broadcast_in_dim3A_933 : vector<16xi32>
          %broadcast_in_dim3A_935 = vector.broadcast %mul3A_284 : i32 to vector<16xi32>
          %add3A_936 = arith.addi %and3A_934, %broadcast_in_dim3A_935 : vector<16xi32>
          %gather3A_937 = tpu.vector_load_idx %arg5[%add3A_196, %add3A_936] : memref<64x512xf32, #tpu.memory_space<vmem>>[vector<16xi32>, vector<16xi32>], vector<16xf32>,
          %broadcast_in_dim3A_938 = arith.constant 3 : i32
          %broadcast_in_dim3A_939 = vector.broadcast %broadcast_in_dim3A_938 : i32 to vector<16xi32>
          %add3A_940 = arith.addi %iota3A, %broadcast_in_dim3A_939 : vector<16xi32>
          %broadcast_in_dim3A_941 = arith.constant 15 : i32
          %broadcast_in_dim3A_942 = vector.broadcast %broadcast_in_dim3A_941 : i32 to vector<16xi32>
          %and3A_943 = arith.andi %add3A_940, %broadcast_in_dim3A_942 : vector<16xi32>
          %broadcast_in_dim3A_944 = vector.broadcast %mul3A_284 : i32 to vector<16xi32>
          %add3A_945 = arith.addi %and3A_943, %broadcast_in_dim3A_944 : vector<16xi32>
          %gather3A_946 = tpu.vector_load_idx %arg5[%add3A_196, %add3A_945] : memref<64x512xf32, #tpu.memory_space<vmem>>[vector<16xi32>, vector<16xi32>], vector<16xf32>,
          %broadcast_in_dim3A_947 = arith.constant 4 : i32
          %broadcast_in_dim3A_948 = vector.broadcast %broadcast_in_dim3A_947 : i32 to vector<16xi32>
          %add3A_949 = arith.addi %iota3A, %broadcast_in_dim3A_948 : vector<16xi32>
          %broadcast_in_dim3A_950 = arith.constant 15 : i32
          %broadcast_in_dim3A_951 = vector.broadcast %broadcast_in_dim3A_950 : i32 to vector<16xi32>
          %and3A_952 = arith.andi %add3A_949, %broadcast_in_dim3A_951 : vector<16xi32>
          %broadcast_in_dim3A_953 = vector.broadcast %mul3A_284 : i32 to vector<16xi32>
          %add3A_954 = arith.addi %and3A_952, %broadcast_in_dim3A_953 : vector<16xi32>
          %gather3A_955 = tpu.vector_load_idx %arg5[%add3A_196, %add3A_954] : memref<64x512xf32, #tpu.memory_space<vmem>>[vector<16xi32>, vector<16xi32>], vector<16xf32>,
          %broadcast_in_dim3A_956 = arith.constant 5 : i32
          %broadcast_in_dim3A_957 = vector.broadcast %broadcast_in_dim3A_956 : i32 to vector<16xi32>
          %add3A_958 = arith.addi %iota3A, %broadcast_in_dim3A_957 : vector<16xi32>
          %broadcast_in_dim3A_959 = arith.constant 15 : i32
          %broadcast_in_dim3A_960 = vector.broadcast %broadcast_in_dim3A_959 : i32 to vector<16xi32>
          %and3A_961 = arith.andi %add3A_958, %broadcast_in_dim3A_960 : vector<16xi32>
          %broadcast_in_dim3A_962 = vector.broadcast %mul3A_284 : i32 to vector<16xi32>
          %add3A_963 = arith.addi %and3A_961, %broadcast_in_dim3A_962 : vector<16xi32>
          %gather3A_964 = tpu.vector_load_idx %arg5[%add3A_196, %add3A_963] : memref<64x512xf32, #tpu.memory_space<vmem>>[vector<16xi32>, vector<16xi32>], vector<16xf32>,
          %broadcast_in_dim3A_965 = arith.constant 6 : i32
          %broadcast_in_dim3A_966 = vector.broadcast %broadcast_in_dim3A_965 : i32 to vector<16xi32>
          %add3A_967 = arith.addi %iota3A, %broadcast_in_dim3A_966 : vector<16xi32>
          %broadcast_in_dim3A_968 = arith.constant 15 : i32
          %broadcast_in_dim3A_969 = vector.broadcast %broadcast_in_dim3A_968 : i32 to vector<16xi32>
          %and3A_970 = arith.andi %add3A_967, %broadcast_in_dim3A_969 : vector<16xi32>
          %broadcast_in_dim3A_971 = vector.broadcast %mul3A_284 : i32 to vector<16xi32>
          %add3A_972 = arith.addi %and3A_970, %broadcast_in_dim3A_971 : vector<16xi32>
          %gather3A_973 = tpu.vector_load_idx %arg5[%add3A_196, %add3A_972] : memref<64x512xf32, #tpu.memory_space<vmem>>[vector<16xi32>, vector<16xi32>], vector<16xf32>,
          %broadcast_in_dim3A_974 = arith.constant 7 : i32
          %broadcast_in_dim3A_975 = vector.broadcast %broadcast_in_dim3A_974 : i32 to vector<16xi32>
          %add3A_976 = arith.addi %iota3A, %broadcast_in_dim3A_975 : vector<16xi32>
          %broadcast_in_dim3A_977 = arith.constant 15 : i32
          %broadcast_in_dim3A_978 = vector.broadcast %broadcast_in_dim3A_977 : i32 to vector<16xi32>
          %and3A_979 = arith.andi %add3A_976, %broadcast_in_dim3A_978 : vector<16xi32>
          %broadcast_in_dim3A_980 = vector.broadcast %mul3A_284 : i32 to vector<16xi32>
          %add3A_981 = arith.addi %and3A_979, %broadcast_in_dim3A_980 : vector<16xi32>
          %gather3A_982 = tpu.vector_load_idx %arg5[%add3A_196, %add3A_981] : memref<64x512xf32, #tpu.memory_space<vmem>>[vector<16xi32>, vector<16xi32>], vector<16xf32>,
          %broadcast_in_dim3A_983 = arith.constant 8 : i32
          %broadcast_in_dim3A_984 = vector.broadcast %broadcast_in_dim3A_983 : i32 to vector<16xi32>
          %add3A_985 = arith.addi %iota3A, %broadcast_in_dim3A_984 : vector<16xi32>
          %broadcast_in_dim3A_986 = arith.constant 15 : i32
          %broadcast_in_dim3A_987 = vector.broadcast %broadcast_in_dim3A_986 : i32 to vector<16xi32>
          %and3A_988 = arith.andi %add3A_985, %broadcast_in_dim3A_987 : vector<16xi32>
          %broadcast_in_dim3A_989 = vector.broadcast %mul3A_284 : i32 to vector<16xi32>
          %add3A_990 = arith.addi %and3A_988, %broadcast_in_dim3A_989 : vector<16xi32>
          %gather3A_991 = tpu.vector_load_idx %arg5[%add3A_196, %add3A_990] : memref<64x512xf32, #tpu.memory_space<vmem>>[vector<16xi32>, vector<16xi32>], vector<16xf32>,
          %broadcast_in_dim3A_992 = arith.constant 9 : i32
          %broadcast_in_dim3A_993 = vector.broadcast %broadcast_in_dim3A_992 : i32 to vector<16xi32>
          %add3A_994 = arith.addi %iota3A, %broadcast_in_dim3A_993 : vector<16xi32>
          %broadcast_in_dim3A_995 = arith.constant 15 : i32
          %broadcast_in_dim3A_996 = vector.broadcast %broadcast_in_dim3A_995 : i32 to vector<16xi32>
          %and3A_997 = arith.andi %add3A_994, %broadcast_in_dim3A_996 : vector<16xi32>
          %broadcast_in_dim3A_998 = vector.broadcast %mul3A_284 : i32 to vector<16xi32>
          %add3A_999 = arith.addi %and3A_997, %broadcast_in_dim3A_998 : vector<16xi32>
          %gather3A_1000 = tpu.vector_load_idx %arg5[%add3A_196, %add3A_999] : memref<64x512xf32, #tpu.memory_space<vmem>>[vector<16xi32>, vector<16xi32>], vector<16xf32>,
          %broadcast_in_dim3A_1001 = arith.constant 10 : i32
          %broadcast_in_dim3A_1002 = vector.broadcast %broadcast_in_dim3A_1001 : i32 to vector<16xi32>
          %add3A_1003 = arith.addi %iota3A, %broadcast_in_dim3A_1002 : vector<16xi32>
          %broadcast_in_dim3A_1004 = arith.constant 15 : i32
          %broadcast_in_dim3A_1005 = vector.broadcast %broadcast_in_dim3A_1004 : i32 to vector<16xi32>
          %and3A_1006 = arith.andi %add3A_1003, %broadcast_in_dim3A_1005 : vector<16xi32>
          %broadcast_in_dim3A_1007 = vector.broadcast %mul3A_284 : i32 to vector<16xi32>
          %add3A_1008 = arith.addi %and3A_1006, %broadcast_in_dim3A_1007 : vector<16xi32>
          %gather3A_1009 = tpu.vector_load_idx %arg5[%add3A_196, %add3A_1008] : memref<64x512xf32, #tpu.memory_space<vmem>>[vector<16xi32>, vector<16xi32>], vector<16xf32>,
          %broadcast_in_dim3A_1010 = arith.constant 11 : i32
          %broadcast_in_dim3A_1011 = vector.broadcast %broadcast_in_dim3A_1010 : i32 to vector<16xi32>
          %add3A_1012 = arith.addi %iota3A, %broadcast_in_dim3A_1011 : vector<16xi32>
          %broadcast_in_dim3A_1013 = arith.constant 15 : i32
          %broadcast_in_dim3A_1014 = vector.broadcast %broadcast_in_dim3A_1013 : i32 to vector<16xi32>
          %and3A_1015 = arith.andi %add3A_1012, %broadcast_in_dim3A_1014 : vector<16xi32>
          %broadcast_in_dim3A_1016 = vector.broadcast %mul3A_284 : i32 to vector<16xi32>
          %add3A_1017 = arith.addi %and3A_1015, %broadcast_in_dim3A_1016 : vector<16xi32>
          %gather3A_1018 = tpu.vector_load_idx %arg5[%add3A_196, %add3A_1017] : memref<64x512xf32, #tpu.memory_space<vmem>>[vector<16xi32>, vector<16xi32>], vector<16xf32>,
          %broadcast_in_dim3A_1019 = arith.constant 12 : i32
          %broadcast_in_dim3A_1020 = vector.broadcast %broadcast_in_dim3A_1019 : i32 to vector<16xi32>
          %add3A_1021 = arith.addi %iota3A, %broadcast_in_dim3A_1020 : vector<16xi32>
          %broadcast_in_dim3A_1022 = arith.constant 15 : i32
          %broadcast_in_dim3A_1023 = vector.broadcast %broadcast_in_dim3A_1022 : i32 to vector<16xi32>
          %and3A_1024 = arith.andi %add3A_1021, %broadcast_in_dim3A_1023 : vector<16xi32>
          %broadcast_in_dim3A_1025 = vector.broadcast %mul3A_284 : i32 to vector<16xi32>
          %add3A_1026 = arith.addi %and3A_1024, %broadcast_in_dim3A_1025 : vector<16xi32>
          %gather3A_1027 = tpu.vector_load_idx %arg5[%add3A_196, %add3A_1026] : memref<64x512xf32, #tpu.memory_space<vmem>>[vector<16xi32>, vector<16xi32>], vector<16xf32>,
          %broadcast_in_dim3A_1028 = arith.constant 13 : i32
          %broadcast_in_dim3A_1029 = vector.broadcast %broadcast_in_dim3A_1028 : i32 to vector<16xi32>
          %add3A_1030 = arith.addi %iota3A, %broadcast_in_dim3A_1029 : vector<16xi32>
          %broadcast_in_dim3A_1031 = arith.constant 15 : i32
          %broadcast_in_dim3A_1032 = vector.broadcast %broadcast_in_dim3A_1031 : i32 to vector<16xi32>
          %and3A_1033 = arith.andi %add3A_1030, %broadcast_in_dim3A_1032 : vector<16xi32>
          %broadcast_in_dim3A_1034 = vector.broadcast %mul3A_284 : i32 to vector<16xi32>
          %add3A_1035 = arith.addi %and3A_1033, %broadcast_in_dim3A_1034 : vector<16xi32>
          %gather3A_1036 = tpu.vector_load_idx %arg5[%add3A_196, %add3A_1035] : memref<64x512xf32, #tpu.memory_space<vmem>>[vector<16xi32>, vector<16xi32>], vector<16xf32>,
          %broadcast_in_dim3A_1037 = arith.constant 14 : i32
          %broadcast_in_dim3A_1038 = vector.broadcast %broadcast_in_dim3A_1037 : i32 to vector<16xi32>
          %add3A_1039 = arith.addi %iota3A, %broadcast_in_dim3A_1038 : vector<16xi32>
          %broadcast_in_dim3A_1040 = arith.constant 15 : i32
          %broadcast_in_dim3A_1041 = vector.broadcast %broadcast_in_dim3A_1040 : i32 to vector<16xi32>
          %and3A_1042 = arith.andi %add3A_1039, %broadcast_in_dim3A_1041 : vector<16xi32>
          %broadcast_in_dim3A_1043 = vector.broadcast %mul3A_284 : i32 to vector<16xi32>
          %add3A_1044 = arith.addi %and3A_1042, %broadcast_in_dim3A_1043 : vector<16xi32>
          %gather3A_1045 = tpu.vector_load_idx %arg5[%add3A_196, %add3A_1044] : memref<64x512xf32, #tpu.memory_space<vmem>>[vector<16xi32>, vector<16xi32>], vector<16xf32>,
          %broadcast_in_dim3A_1046 = arith.constant 15 : i32
          %broadcast_in_dim3A_1047 = vector.broadcast %broadcast_in_dim3A_1046 : i32 to vector<16xi32>
          %add3A_1048 = arith.addi %iota3A, %broadcast_in_dim3A_1047 : vector<16xi32>
          %broadcast_in_dim3A_1049 = arith.constant 15 : i32
          %broadcast_in_dim3A_1050 = vector.broadcast %broadcast_in_dim3A_1049 : i32 to vector<16xi32>
          %and3A_1051 = arith.andi %add3A_1048, %broadcast_in_dim3A_1050 : vector<16xi32>
          %broadcast_in_dim3A_1052 = vector.broadcast %mul3A_284 : i32 to vector<16xi32>
          %add3A_1053 = arith.addi %and3A_1051, %broadcast_in_dim3A_1052 : vector<16xi32>
          %gather3A_1054 = tpu.vector_load_idx %arg5[%add3A_196, %add3A_1053] : memref<64x512xf32, #tpu.memory_space<vmem>>[vector<16xi32>, vector<16xi32>], vector<16xf32>,
          %max3A_1055 = arith.maximumf %gather3A_919, %gather3A_928 : vector<16xf32>
          %min3A_1056 = arith.minimumf %gather3A_919, %gather3A_928 : vector<16xf32>
          %max3A_1057 = arith.maximumf %gather3A_937, %gather3A_946 : vector<16xf32>
          %min3A_1058 = arith.minimumf %gather3A_937, %gather3A_946 : vector<16xf32>
          %max3A_1059 = arith.maximumf %gather3A_955, %gather3A_964 : vector<16xf32>
          %min3A_1060 = arith.minimumf %gather3A_955, %gather3A_964 : vector<16xf32>
          %max3A_1061 = arith.maximumf %gather3A_973, %gather3A_982 : vector<16xf32>
          %min3A_1062 = arith.minimumf %gather3A_973, %gather3A_982 : vector<16xf32>
          %max3A_1063 = arith.maximumf %gather3A_991, %gather3A_1000 : vector<16xf32>
          %min3A_1064 = arith.minimumf %gather3A_991, %gather3A_1000 : vector<16xf32>
          %max3A_1065 = arith.maximumf %gather3A_1009, %gather3A_1018 : vector<16xf32>
          %min3A_1066 = arith.minimumf %gather3A_1009, %gather3A_1018 : vector<16xf32>
          %max3A_1067 = arith.maximumf %gather3A_1027, %gather3A_1036 : vector<16xf32>
          %min3A_1068 = arith.minimumf %gather3A_1027, %gather3A_1036 : vector<16xf32>
          %max3A_1069 = arith.maximumf %gather3A_1045, %gather3A_1054 : vector<16xf32>
          %min3A_1070 = arith.minimumf %gather3A_1045, %gather3A_1054 : vector<16xf32>
          %max3A_1071 = arith.maximumf %max3A_1055, %max3A_1057 : vector<16xf32>
          %min3A_1072 = arith.minimumf %max3A_1055, %max3A_1057 : vector<16xf32>
          %max3A_1073 = arith.maximumf %min3A_1056, %min3A_1058 : vector<16xf32>
          %min3A_1074 = arith.minimumf %min3A_1056, %min3A_1058 : vector<16xf32>
          %max3A_1075 = arith.maximumf %min3A_1072, %max3A_1073 : vector<16xf32>
          %min3A_1076 = arith.minimumf %min3A_1072, %max3A_1073 : vector<16xf32>
          %max3A_1077 = arith.maximumf %max3A_1059, %max3A_1061 : vector<16xf32>
          %min3A_1078 = arith.minimumf %max3A_1059, %max3A_1061 : vector<16xf32>
          %max3A_1079 = arith.maximumf %min3A_1060, %min3A_1062 : vector<16xf32>
          %min3A_1080 = arith.minimumf %min3A_1060, %min3A_1062 : vector<16xf32>
          %max3A_1081 = arith.maximumf %min3A_1078, %max3A_1079 : vector<16xf32>
          %min3A_1082 = arith.minimumf %min3A_1078, %max3A_1079 : vector<16xf32>
          %max3A_1083 = arith.maximumf %max3A_1063, %max3A_1065 : vector<16xf32>
          %min3A_1084 = arith.minimumf %max3A_1063, %max3A_1065 : vector<16xf32>
          %max3A_1085 = arith.maximumf %min3A_1064, %min3A_1066 : vector<16xf32>
          %min3A_1086 = arith.minimumf %min3A_1064, %min3A_1066 : vector<16xf32>
          %max3A_1087 = arith.maximumf %min3A_1084, %max3A_1085 : vector<16xf32>
          %min3A_1088 = arith.minimumf %min3A_1084, %max3A_1085 : vector<16xf32>
          %max3A_1089 = arith.maximumf %max3A_1067, %max3A_1069 : vector<16xf32>
          %min3A_1090 = arith.minimumf %max3A_1067, %max3A_1069 : vector<16xf32>
          %max3A_1091 = arith.maximumf %min3A_1068, %min3A_1070 : vector<16xf32>
          %min3A_1092 = arith.minimumf %min3A_1068, %min3A_1070 : vector<16xf32>
          %max3A_1093 = arith.maximumf %min3A_1090, %max3A_1091 : vector<16xf32>
          %min3A_1094 = arith.minimumf %min3A_1090, %max3A_1091 : vector<16xf32>
          %max3A_1095 = arith.maximumf %max3A_1071, %min3A_1080 : vector<16xf32>
          %min3A_1096 = arith.minimumf %max3A_1071, %min3A_1080 : vector<16xf32>
          %max3A_1097 = arith.maximumf %max3A_1075, %min3A_1082 : vector<16xf32>
          %min3A_1098 = arith.minimumf %max3A_1075, %min3A_1082 : vector<16xf32>
          %max3A_1099 = arith.maximumf %min3A_1076, %max3A_1081 : vector<16xf32>
          %min3A_1100 = arith.minimumf %min3A_1076, %max3A_1081 : vector<16xf32>
          %max3A_1101 = arith.maximumf %min3A_1074, %max3A_1077 : vector<16xf32>
          %min3A_1102 = arith.minimumf %min3A_1074, %max3A_1077 : vector<16xf32>
          %max3A_1103 = arith.maximumf %max3A_1095, %max3A_1099 : vector<16xf32>
          %min3A_1104 = arith.minimumf %max3A_1095, %max3A_1099 : vector<16xf32>
          %max3A_1105 = arith.maximumf %max3A_1097, %max3A_1101 : vector<16xf32>
          %min3A_1106 = arith.minimumf %max3A_1097, %max3A_1101 : vector<16xf32>
          %max3A_1107 = arith.maximumf %min3A_1096, %min3A_1100 : vector<16xf32>
          %min3A_1108 = arith.minimumf %min3A_1096, %min3A_1100 : vector<16xf32>
          %max3A_1109 = arith.maximumf %min3A_1098, %min3A_1102 : vector<16xf32>
          %min3A_1110 = arith.minimumf %min3A_1098, %min3A_1102 : vector<16xf32>
          %max3A_1111 = arith.maximumf %max3A_1103, %max3A_1105 : vector<16xf32>
          %min3A_1112 = arith.minimumf %max3A_1103, %max3A_1105 : vector<16xf32>
          %max3A_1113 = arith.maximumf %min3A_1104, %min3A_1106 : vector<16xf32>
          %min3A_1114 = arith.minimumf %min3A_1104, %min3A_1106 : vector<16xf32>
          %max3A_1115 = arith.maximumf %max3A_1107, %max3A_1109 : vector<16xf32>
          %min3A_1116 = arith.minimumf %max3A_1107, %max3A_1109 : vector<16xf32>
          %max3A_1117 = arith.maximumf %min3A_1108, %min3A_1110 : vector<16xf32>
          %min3A_1118 = arith.minimumf %min3A_1108, %min3A_1110 : vector<16xf32>
          %max3A_1119 = arith.maximumf %max3A_1083, %min3A_1092 : vector<16xf32>
          %min3A_1120 = arith.minimumf %max3A_1083, %min3A_1092 : vector<16xf32>
          %max3A_1121 = arith.maximumf %max3A_1087, %min3A_1094 : vector<16xf32>
          %min3A_1122 = arith.minimumf %max3A_1087, %min3A_1094 : vector<16xf32>
          %max3A_1123 = arith.maximumf %min3A_1088, %max3A_1093 : vector<16xf32>
          %min3A_1124 = arith.minimumf %min3A_1088, %max3A_1093 : vector<16xf32>
          %max3A_1125 = arith.maximumf %min3A_1086, %max3A_1089 : vector<16xf32>
          %min3A_1126 = arith.minimumf %min3A_1086, %max3A_1089 : vector<16xf32>
          %max3A_1127 = arith.maximumf %max3A_1119, %max3A_1123 : vector<16xf32>
          %min3A_1128 = arith.minimumf %max3A_1119, %max3A_1123 : vector<16xf32>
          %max3A_1129 = arith.maximumf %max3A_1121, %max3A_1125 : vector<16xf32>
          %min3A_1130 = arith.minimumf %max3A_1121, %max3A_1125 : vector<16xf32>
          %max3A_1131 = arith.maximumf %min3A_1120, %min3A_1124 : vector<16xf32>
          %min3A_1132 = arith.minimumf %min3A_1120, %min3A_1124 : vector<16xf32>
          %max3A_1133 = arith.maximumf %min3A_1122, %min3A_1126 : vector<16xf32>
          %min3A_1134 = arith.minimumf %min3A_1122, %min3A_1126 : vector<16xf32>
          %max3A_1135 = arith.maximumf %max3A_1127, %max3A_1129 : vector<16xf32>
          %min3A_1136 = arith.minimumf %max3A_1127, %max3A_1129 : vector<16xf32>
          %max3A_1137 = arith.maximumf %min3A_1128, %min3A_1130 : vector<16xf32>
          %min3A_1138 = arith.minimumf %min3A_1128, %min3A_1130 : vector<16xf32>
          %max3A_1139 = arith.maximumf %max3A_1131, %max3A_1133 : vector<16xf32>
          %min3A_1140 = arith.minimumf %max3A_1131, %max3A_1133 : vector<16xf32>
          %max3A_1141 = arith.maximumf %min3A_1132, %min3A_1134 : vector<16xf32>
          %min3A_1142 = arith.minimumf %min3A_1132, %min3A_1134 : vector<16xf32>
          %max3A_1143 = arith.maximumf %max3A_1111, %min3A_1142 : vector<16xf32>
          %max3A_1144 = arith.maximumf %min3A_1112, %max3A_1141 : vector<16xf32>
          %max3A_1145 = arith.maximumf %max3A_1113, %min3A_1140 : vector<16xf32>
          %max3A_1146 = arith.maximumf %min3A_1114, %max3A_1139 : vector<16xf32>
          %max3A_1147 = arith.maximumf %max3A_1115, %min3A_1138 : vector<16xf32>
          %max3A_1148 = arith.maximumf %min3A_1116, %max3A_1137 : vector<16xf32>
          %max3A_1149 = arith.maximumf %max3A_1117, %min3A_1136 : vector<16xf32>
          %max3A_1150 = arith.maximumf %min3A_1118, %max3A_1135 : vector<16xf32>
          %max3A_1151 = arith.maximumf %max3A_1143, %max3A_1147 : vector<16xf32>
          %min3A_1152 = arith.minimumf %max3A_1143, %max3A_1147 : vector<16xf32>
          %max3A_1153 = arith.maximumf %max3A_1144, %max3A_1148 : vector<16xf32>
          %min3A_1154 = arith.minimumf %max3A_1144, %max3A_1148 : vector<16xf32>
          %max3A_1155 = arith.maximumf %max3A_1145, %max3A_1149 : vector<16xf32>
          %min3A_1156 = arith.minimumf %max3A_1145, %max3A_1149 : vector<16xf32>
          %max3A_1157 = arith.maximumf %max3A_1146, %max3A_1150 : vector<16xf32>
          %min3A_1158 = arith.minimumf %max3A_1146, %max3A_1150 : vector<16xf32>
          %max3A_1159 = arith.maximumf %max3A_1151, %max3A_1155 : vector<16xf32>
          %min3A_1160 = arith.minimumf %max3A_1151, %max3A_1155 : vector<16xf32>
          %max3A_1161 = arith.maximumf %max3A_1153, %max3A_1157 : vector<16xf32>
          %min3A_1162 = arith.minimumf %max3A_1153, %max3A_1157 : vector<16xf32>
          %max3A_1163 = arith.maximumf %min3A_1152, %min3A_1156 : vector<16xf32>
          %min3A_1164 = arith.minimumf %min3A_1152, %min3A_1156 : vector<16xf32>
          %max3A_1165 = arith.maximumf %min3A_1154, %min3A_1158 : vector<16xf32>
          %min3A_1166 = arith.minimumf %min3A_1154, %min3A_1158 : vector<16xf32>
          %max3A_1167 = arith.maximumf %max3A_1159, %max3A_1161 : vector<16xf32>
          %min3A_1168 = arith.minimumf %max3A_1159, %max3A_1161 : vector<16xf32>
          %max3A_1169 = arith.maximumf %min3A_1160, %min3A_1162 : vector<16xf32>
          %min3A_1170 = arith.minimumf %min3A_1160, %min3A_1162 : vector<16xf32>
          %max3A_1171 = arith.maximumf %max3A_1163, %max3A_1165 : vector<16xf32>
          %min3A_1172 = arith.minimumf %max3A_1163, %max3A_1165 : vector<16xf32>
          %max3A_1173 = arith.maximumf %min3A_1164, %min3A_1166 : vector<16xf32>
          %min3A_1174 = arith.minimumf %min3A_1164, %min3A_1166 : vector<16xf32>
          %get3A_1175 = arith.constant 0 : i32
          %get3A_1176 = arith.index_cast %get3A_1175 : i32 to index
          %get3A_1177 = arith.constant 16 : index
          %get3A_1178 = tpu.vector_load %arg6[%get3A_1176, %get3A_1177] {strides = array<i32>} : memref<8x64xf32, #tpu.memory_space<vmem>>, vector<16xf32>,
          %get3A_1179 = arith.constant 1 : i32
          %get3A_1180 = arith.index_cast %get3A_1179 : i32 to index
          %get3A_1181 = arith.constant 16 : index
          %get3A_1182 = tpu.vector_load %arg6[%get3A_1180, %get3A_1181] {strides = array<i32>} : memref<8x64xf32, #tpu.memory_space<vmem>>, vector<16xf32>,
          %get3A_1183 = arith.constant 2 : i32
          %get3A_1184 = arith.index_cast %get3A_1183 : i32 to index
          %get3A_1185 = arith.constant 16 : index
          %get3A_1186 = tpu.vector_load %arg6[%get3A_1184, %get3A_1185] {strides = array<i32>} : memref<8x64xf32, #tpu.memory_space<vmem>>, vector<16xf32>,
          %get3A_1187 = arith.constant 3 : i32
          %get3A_1188 = arith.index_cast %get3A_1187 : i32 to index
          %get3A_1189 = arith.constant 16 : index
          %get3A_1190 = tpu.vector_load %arg6[%get3A_1188, %get3A_1189] {strides = array<i32>} : memref<8x64xf32, #tpu.memory_space<vmem>>, vector<16xf32>,
          %get3A_1191 = arith.constant 4 : i32
          %get3A_1192 = arith.index_cast %get3A_1191 : i32 to index
          %get3A_1193 = arith.constant 16 : index
          %get3A_1194 = tpu.vector_load %arg6[%get3A_1192, %get3A_1193] {strides = array<i32>} : memref<8x64xf32, #tpu.memory_space<vmem>>, vector<16xf32>,
          %get3A_1195 = arith.constant 5 : i32
          %get3A_1196 = arith.index_cast %get3A_1195 : i32 to index
          %get3A_1197 = arith.constant 16 : index
          %get3A_1198 = tpu.vector_load %arg6[%get3A_1196, %get3A_1197] {strides = array<i32>} : memref<8x64xf32, #tpu.memory_space<vmem>>, vector<16xf32>,
          %get3A_1199 = arith.constant 6 : i32
          %get3A_1200 = arith.index_cast %get3A_1199 : i32 to index
          %get3A_1201 = arith.constant 16 : index
          %get3A_1202 = tpu.vector_load %arg6[%get3A_1200, %get3A_1201] {strides = array<i32>} : memref<8x64xf32, #tpu.memory_space<vmem>>, vector<16xf32>,
          %get3A_1203 = arith.constant 7 : i32
          %get3A_1204 = arith.index_cast %get3A_1203 : i32 to index
          %get3A_1205 = arith.constant 16 : index
          %get3A_1206 = tpu.vector_load %arg6[%get3A_1204, %get3A_1205] {strides = array<i32>} : memref<8x64xf32, #tpu.memory_space<vmem>>, vector<16xf32>,
          %max3A_1207 = arith.maximumf %get3A_1178, %min3A_1174 : vector<16xf32>
          %max3A_1208 = arith.maximumf %get3A_1182, %max3A_1173 : vector<16xf32>
          %max3A_1209 = arith.maximumf %get3A_1186, %min3A_1172 : vector<16xf32>
          %max3A_1210 = arith.maximumf %get3A_1190, %max3A_1171 : vector<16xf32>
          %max3A_1211 = arith.maximumf %get3A_1194, %min3A_1170 : vector<16xf32>
          %max3A_1212 = arith.maximumf %get3A_1198, %max3A_1169 : vector<16xf32>
          %max3A_1213 = arith.maximumf %get3A_1202, %min3A_1168 : vector<16xf32>
          %max3A_1214 = arith.maximumf %get3A_1206, %max3A_1167 : vector<16xf32>
          %max3A_1215 = arith.maximumf %max3A_1207, %max3A_1211 : vector<16xf32>
          %min3A_1216 = arith.minimumf %max3A_1207, %max3A_1211 : vector<16xf32>
          %max3A_1217 = arith.maximumf %max3A_1208, %max3A_1212 : vector<16xf32>
          %min3A_1218 = arith.minimumf %max3A_1208, %max3A_1212 : vector<16xf32>
          %max3A_1219 = arith.maximumf %max3A_1209, %max3A_1213 : vector<16xf32>
          %min3A_1220 = arith.minimumf %max3A_1209, %max3A_1213 : vector<16xf32>
          %max3A_1221 = arith.maximumf %max3A_1210, %max3A_1214 : vector<16xf32>
          %min3A_1222 = arith.minimumf %max3A_1210, %max3A_1214 : vector<16xf32>
          %max3A_1223 = arith.maximumf %max3A_1215, %max3A_1219 : vector<16xf32>
          %min3A_1224 = arith.minimumf %max3A_1215, %max3A_1219 : vector<16xf32>
          %max3A_1225 = arith.maximumf %max3A_1217, %max3A_1221 : vector<16xf32>
          %min3A_1226 = arith.minimumf %max3A_1217, %max3A_1221 : vector<16xf32>
          %max3A_1227 = arith.maximumf %min3A_1216, %min3A_1220 : vector<16xf32>
          %min3A_1228 = arith.minimumf %min3A_1216, %min3A_1220 : vector<16xf32>
          %max3A_1229 = arith.maximumf %min3A_1218, %min3A_1222 : vector<16xf32>
          %min3A_1230 = arith.minimumf %min3A_1218, %min3A_1222 : vector<16xf32>
          %max3A_1231 = arith.maximumf %max3A_1223, %max3A_1225 : vector<16xf32>
          %min3A_1232 = arith.minimumf %max3A_1223, %max3A_1225 : vector<16xf32>
          %max3A_1233 = arith.maximumf %min3A_1224, %min3A_1226 : vector<16xf32>
          %min3A_1234 = arith.minimumf %min3A_1224, %min3A_1226 : vector<16xf32>
          %max3A_1235 = arith.maximumf %max3A_1227, %max3A_1229 : vector<16xf32>
          %min3A_1236 = arith.minimumf %max3A_1227, %max3A_1229 : vector<16xf32>
          %max3A_1237 = arith.maximumf %min3A_1228, %min3A_1230 : vector<16xf32>
          %min3A_1238 = arith.minimumf %min3A_1228, %min3A_1230 : vector<16xf32>
          %swap3A_1239 = arith.constant 0 : i32
          %swap3A_1240 = arith.index_cast %swap3A_1239 : i32 to index
          %swap3A_1241 = arith.constant 16 : index
          %swap3A_1242 = tpu.vector_load %arg6[%swap3A_1240, %swap3A_1241] {strides = array<i32>} : memref<8x64xf32, #tpu.memory_space<vmem>>, vector<16xf32>,
          tpu.vector_store %arg6[%swap3A_1240, %swap3A_1241], %max3A_1231 {strides = array<i32>} : memref<8x64xf32, #tpu.memory_space<vmem>>, vector<16xf32>,
          %swap3A_1243 = arith.constant 1 : i32
          %swap3A_1244 = arith.index_cast %swap3A_1243 : i32 to index
          %swap3A_1245 = arith.constant 16 : index
          %swap3A_1246 = tpu.vector_load %arg6[%swap3A_1244, %swap3A_1245] {strides = array<i32>} : memref<8x64xf32, #tpu.memory_space<vmem>>, vector<16xf32>,
          tpu.vector_store %arg6[%swap3A_1244, %swap3A_1245], %min3A_1232 {strides = array<i32>} : memref<8x64xf32, #tpu.memory_space<vmem>>, vector<16xf32>,
          %swap3A_1247 = arith.constant 2 : i32
          %swap3A_1248 = arith.index_cast %swap3A_1247 : i32 to index
          %swap3A_1249 = arith.constant 16 : index
          %swap3A_1250 = tpu.vector_load %arg6[%swap3A_1248, %swap3A_1249] {strides = array<i32>} : memref<8x64xf32, #tpu.memory_space<vmem>>, vector<16xf32>,
          tpu.vector_store %arg6[%swap3A_1248, %swap3A_1249], %max3A_1233 {strides = array<i32>} : memref<8x64xf32, #tpu.memory_space<vmem>>, vector<16xf32>,
          %swap3A_1251 = arith.constant 3 : i32
          %swap3A_1252 = arith.index_cast %swap3A_1251 : i32 to index
          %swap3A_1253 = arith.constant 16 : index
          %swap3A_1254 = tpu.vector_load %arg6[%swap3A_1252, %swap3A_1253] {strides = array<i32>} : memref<8x64xf32, #tpu.memory_space<vmem>>, vector<16xf32>,
          tpu.vector_store %arg6[%swap3A_1252, %swap3A_1253], %min3A_1234 {strides = array<i32>} : memref<8x64xf32, #tpu.memory_space<vmem>>, vector<16xf32>,
          %swap3A_1255 = arith.constant 4 : i32
          %swap3A_1256 = arith.index_cast %swap3A_1255 : i32 to index
          %swap3A_1257 = arith.constant 16 : index
          %swap3A_1258 = tpu.vector_load %arg6[%swap3A_1256, %swap3A_1257] {strides = array<i32>} : memref<8x64xf32, #tpu.memory_space<vmem>>, vector<16xf32>,
          tpu.vector_store %arg6[%swap3A_1256, %swap3A_1257], %max3A_1235 {strides = array<i32>} : memref<8x64xf32, #tpu.memory_space<vmem>>, vector<16xf32>,
          %swap3A_1259 = arith.constant 5 : i32
          %swap3A_1260 = arith.index_cast %swap3A_1259 : i32 to index
          %swap3A_1261 = arith.constant 16 : index
          %swap3A_1262 = tpu.vector_load %arg6[%swap3A_1260, %swap3A_1261] {strides = array<i32>} : memref<8x64xf32, #tpu.memory_space<vmem>>, vector<16xf32>,
          tpu.vector_store %arg6[%swap3A_1260, %swap3A_1261], %min3A_1236 {strides = array<i32>} : memref<8x64xf32, #tpu.memory_space<vmem>>, vector<16xf32>,
          %swap3A_1263 = arith.constant 6 : i32
          %swap3A_1264 = arith.index_cast %swap3A_1263 : i32 to index
          %swap3A_1265 = arith.constant 16 : index
          %swap3A_1266 = tpu.vector_load %arg6[%swap3A_1264, %swap3A_1265] {strides = array<i32>} : memref<8x64xf32, #tpu.memory_space<vmem>>, vector<16xf32>,
          tpu.vector_store %arg6[%swap3A_1264, %swap3A_1265], %max3A_1237 {strides = array<i32>} : memref<8x64xf32, #tpu.memory_space<vmem>>, vector<16xf32>,
          %swap3A_1267 = arith.constant 7 : i32
          %swap3A_1268 = arith.index_cast %swap3A_1267 : i32 to index
          %swap3A_1269 = arith.constant 16 : index
          %swap3A_1270 = tpu.vector_load %arg6[%swap3A_1268, %swap3A_1269] {strides = array<i32>} : memref<8x64xf32, #tpu.memory_space<vmem>>, vector<16xf32>,
          tpu.vector_store %arg6[%swap3A_1268, %swap3A_1269], %min3A_1238 {strides = array<i32>} : memref<8x64xf32, #tpu.memory_space<vmem>>, vector<16xf32>,
          %broadcast_in_dim3A_1271 = arith.constant 0 : i32
          %broadcast_in_dim3A_1272 = vector.broadcast %broadcast_in_dim3A_1271 : i32 to vector<16xi32>
          %add3A_1273 = arith.addi %iota3A, %broadcast_in_dim3A_1272 : vector<16xi32>
          %broadcast_in_dim3A_1274 = arith.constant 15 : i32
          %broadcast_in_dim3A_1275 = vector.broadcast %broadcast_in_dim3A_1274 : i32 to vector<16xi32>
          %and3A_1276 = arith.andi %add3A_1273, %broadcast_in_dim3A_1275 : vector<16xi32>
          %broadcast_in_dim3A_1277 = vector.broadcast %mul3A_284 : i32 to vector<16xi32>
          %add3A_1278 = arith.addi %and3A_1276, %broadcast_in_dim3A_1277 : vector<16xi32>
          %gather3A_1279 = tpu.vector_load_idx %arg5[%add3A_199, %add3A_1278] : memref<64x512xf32, #tpu.memory_space<vmem>>[vector<16xi32>, vector<16xi32>], vector<16xf32>,
          %broadcast_in_dim3A_1280 = arith.constant 1 : i32
          %broadcast_in_dim3A_1281 = vector.broadcast %broadcast_in_dim3A_1280 : i32 to vector<16xi32>
          %add3A_1282 = arith.addi %iota3A, %broadcast_in_dim3A_1281 : vector<16xi32>
          %broadcast_in_dim3A_1283 = arith.constant 15 : i32
          %broadcast_in_dim3A_1284 = vector.broadcast %broadcast_in_dim3A_1283 : i32 to vector<16xi32>
          %and3A_1285 = arith.andi %add3A_1282, %broadcast_in_dim3A_1284 : vector<16xi32>
          %broadcast_in_dim3A_1286 = vector.broadcast %mul3A_284 : i32 to vector<16xi32>
          %add3A_1287 = arith.addi %and3A_1285, %broadcast_in_dim3A_1286 : vector<16xi32>
          %gather3A_1288 = tpu.vector_load_idx %arg5[%add3A_199, %add3A_1287] : memref<64x512xf32, #tpu.memory_space<vmem>>[vector<16xi32>, vector<16xi32>], vector<16xf32>,
          %broadcast_in_dim3A_1289 = arith.constant 2 : i32
          %broadcast_in_dim3A_1290 = vector.broadcast %broadcast_in_dim3A_1289 : i32 to vector<16xi32>
          %add3A_1291 = arith.addi %iota3A, %broadcast_in_dim3A_1290 : vector<16xi32>
          %broadcast_in_dim3A_1292 = arith.constant 15 : i32
          %broadcast_in_dim3A_1293 = vector.broadcast %broadcast_in_dim3A_1292 : i32 to vector<16xi32>
          %and3A_1294 = arith.andi %add3A_1291, %broadcast_in_dim3A_1293 : vector<16xi32>
          %broadcast_in_dim3A_1295 = vector.broadcast %mul3A_284 : i32 to vector<16xi32>
          %add3A_1296 = arith.addi %and3A_1294, %broadcast_in_dim3A_1295 : vector<16xi32>
          %gather3A_1297 = tpu.vector_load_idx %arg5[%add3A_199, %add3A_1296] : memref<64x512xf32, #tpu.memory_space<vmem>>[vector<16xi32>, vector<16xi32>], vector<16xf32>,
          %broadcast_in_dim3A_1298 = arith.constant 3 : i32
          %broadcast_in_dim3A_1299 = vector.broadcast %broadcast_in_dim3A_1298 : i32 to vector<16xi32>
          %add3A_1300 = arith.addi %iota3A, %broadcast_in_dim3A_1299 : vector<16xi32>
          %broadcast_in_dim3A_1301 = arith.constant 15 : i32
          %broadcast_in_dim3A_1302 = vector.broadcast %broadcast_in_dim3A_1301 : i32 to vector<16xi32>
          %and3A_1303 = arith.andi %add3A_1300, %broadcast_in_dim3A_1302 : vector<16xi32>
          %broadcast_in_dim3A_1304 = vector.broadcast %mul3A_284 : i32 to vector<16xi32>
          %add3A_1305 = arith.addi %and3A_1303, %broadcast_in_dim3A_1304 : vector<16xi32>
          %gather3A_1306 = tpu.vector_load_idx %arg5[%add3A_199, %add3A_1305] : memref<64x512xf32, #tpu.memory_space<vmem>>[vector<16xi32>, vector<16xi32>], vector<16xf32>,
          %broadcast_in_dim3A_1307 = arith.constant 4 : i32
          %broadcast_in_dim3A_1308 = vector.broadcast %broadcast_in_dim3A_1307 : i32 to vector<16xi32>
          %add3A_1309 = arith.addi %iota3A, %broadcast_in_dim3A_1308 : vector<16xi32>
          %broadcast_in_dim3A_1310 = arith.constant 15 : i32
          %broadcast_in_dim3A_1311 = vector.broadcast %broadcast_in_dim3A_1310 : i32 to vector<16xi32>
          %and3A_1312 = arith.andi %add3A_1309, %broadcast_in_dim3A_1311 : vector<16xi32>
          %broadcast_in_dim3A_1313 = vector.broadcast %mul3A_284 : i32 to vector<16xi32>
          %add3A_1314 = arith.addi %and3A_1312, %broadcast_in_dim3A_1313 : vector<16xi32>
          %gather3A_1315 = tpu.vector_load_idx %arg5[%add3A_199, %add3A_1314] : memref<64x512xf32, #tpu.memory_space<vmem>>[vector<16xi32>, vector<16xi32>], vector<16xf32>,
          %broadcast_in_dim3A_1316 = arith.constant 5 : i32
          %broadcast_in_dim3A_1317 = vector.broadcast %broadcast_in_dim3A_1316 : i32 to vector<16xi32>
          %add3A_1318 = arith.addi %iota3A, %broadcast_in_dim3A_1317 : vector<16xi32>
          %broadcast_in_dim3A_1319 = arith.constant 15 : i32
          %broadcast_in_dim3A_1320 = vector.broadcast %broadcast_in_dim3A_1319 : i32 to vector<16xi32>
          %and3A_1321 = arith.andi %add3A_1318, %broadcast_in_dim3A_1320 : vector<16xi32>
          %broadcast_in_dim3A_1322 = vector.broadcast %mul3A_284 : i32 to vector<16xi32>
          %add3A_1323 = arith.addi %and3A_1321, %broadcast_in_dim3A_1322 : vector<16xi32>
          %gather3A_1324 = tpu.vector_load_idx %arg5[%add3A_199, %add3A_1323] : memref<64x512xf32, #tpu.memory_space<vmem>>[vector<16xi32>, vector<16xi32>], vector<16xf32>,
          %broadcast_in_dim3A_1325 = arith.constant 6 : i32
          %broadcast_in_dim3A_1326 = vector.broadcast %broadcast_in_dim3A_1325 : i32 to vector<16xi32>
          %add3A_1327 = arith.addi %iota3A, %broadcast_in_dim3A_1326 : vector<16xi32>
          %broadcast_in_dim3A_1328 = arith.constant 15 : i32
          %broadcast_in_dim3A_1329 = vector.broadcast %broadcast_in_dim3A_1328 : i32 to vector<16xi32>
          %and3A_1330 = arith.andi %add3A_1327, %broadcast_in_dim3A_1329 : vector<16xi32>
          %broadcast_in_dim3A_1331 = vector.broadcast %mul3A_284 : i32 to vector<16xi32>
          %add3A_1332 = arith.addi %and3A_1330, %broadcast_in_dim3A_1331 : vector<16xi32>
          %gather3A_1333 = tpu.vector_load_idx %arg5[%add3A_199, %add3A_1332] : memref<64x512xf32, #tpu.memory_space<vmem>>[vector<16xi32>, vector<16xi32>], vector<16xf32>,
          %broadcast_in_dim3A_1334 = arith.constant 7 : i32
          %broadcast_in_dim3A_1335 = vector.broadcast %broadcast_in_dim3A_1334 : i32 to vector<16xi32>
          %add3A_1336 = arith.addi %iota3A, %broadcast_in_dim3A_1335 : vector<16xi32>
          %broadcast_in_dim3A_1337 = arith.constant 15 : i32
          %broadcast_in_dim3A_1338 = vector.broadcast %broadcast_in_dim3A_1337 : i32 to vector<16xi32>
          %and3A_1339 = arith.andi %add3A_1336, %broadcast_in_dim3A_1338 : vector<16xi32>
          %broadcast_in_dim3A_1340 = vector.broadcast %mul3A_284 : i32 to vector<16xi32>
          %add3A_1341 = arith.addi %and3A_1339, %broadcast_in_dim3A_1340 : vector<16xi32>
          %gather3A_1342 = tpu.vector_load_idx %arg5[%add3A_199, %add3A_1341] : memref<64x512xf32, #tpu.memory_space<vmem>>[vector<16xi32>, vector<16xi32>], vector<16xf32>,
          %broadcast_in_dim3A_1343 = arith.constant 8 : i32
          %broadcast_in_dim3A_1344 = vector.broadcast %broadcast_in_dim3A_1343 : i32 to vector<16xi32>
          %add3A_1345 = arith.addi %iota3A, %broadcast_in_dim3A_1344 : vector<16xi32>
          %broadcast_in_dim3A_1346 = arith.constant 15 : i32
          %broadcast_in_dim3A_1347 = vector.broadcast %broadcast_in_dim3A_1346 : i32 to vector<16xi32>
          %and3A_1348 = arith.andi %add3A_1345, %broadcast_in_dim3A_1347 : vector<16xi32>
          %broadcast_in_dim3A_1349 = vector.broadcast %mul3A_284 : i32 to vector<16xi32>
          %add3A_1350 = arith.addi %and3A_1348, %broadcast_in_dim3A_1349 : vector<16xi32>
          %gather3A_1351 = tpu.vector_load_idx %arg5[%add3A_199, %add3A_1350] : memref<64x512xf32, #tpu.memory_space<vmem>>[vector<16xi32>, vector<16xi32>], vector<16xf32>,
          %broadcast_in_dim3A_1352 = arith.constant 9 : i32
          %broadcast_in_dim3A_1353 = vector.broadcast %broadcast_in_dim3A_1352 : i32 to vector<16xi32>
          %add3A_1354 = arith.addi %iota3A, %broadcast_in_dim3A_1353 : vector<16xi32>
          %broadcast_in_dim3A_1355 = arith.constant 15 : i32
          %broadcast_in_dim3A_1356 = vector.broadcast %broadcast_in_dim3A_1355 : i32 to vector<16xi32>
          %and3A_1357 = arith.andi %add3A_1354, %broadcast_in_dim3A_1356 : vector<16xi32>
          %broadcast_in_dim3A_1358 = vector.broadcast %mul3A_284 : i32 to vector<16xi32>
          %add3A_1359 = arith.addi %and3A_1357, %broadcast_in_dim3A_1358 : vector<16xi32>
          %gather3A_1360 = tpu.vector_load_idx %arg5[%add3A_199, %add3A_1359] : memref<64x512xf32, #tpu.memory_space<vmem>>[vector<16xi32>, vector<16xi32>], vector<16xf32>,
          %broadcast_in_dim3A_1361 = arith.constant 10 : i32
          %broadcast_in_dim3A_1362 = vector.broadcast %broadcast_in_dim3A_1361 : i32 to vector<16xi32>
          %add3A_1363 = arith.addi %iota3A, %broadcast_in_dim3A_1362 : vector<16xi32>
          %broadcast_in_dim3A_1364 = arith.constant 15 : i32
          %broadcast_in_dim3A_1365 = vector.broadcast %broadcast_in_dim3A_1364 : i32 to vector<16xi32>
          %and3A_1366 = arith.andi %add3A_1363, %broadcast_in_dim3A_1365 : vector<16xi32>
          %broadcast_in_dim3A_1367 = vector.broadcast %mul3A_284 : i32 to vector<16xi32>
          %add3A_1368 = arith.addi %and3A_1366, %broadcast_in_dim3A_1367 : vector<16xi32>
          %gather3A_1369 = tpu.vector_load_idx %arg5[%add3A_199, %add3A_1368] : memref<64x512xf32, #tpu.memory_space<vmem>>[vector<16xi32>, vector<16xi32>], vector<16xf32>,
          %broadcast_in_dim3A_1370 = arith.constant 11 : i32
          %broadcast_in_dim3A_1371 = vector.broadcast %broadcast_in_dim3A_1370 : i32 to vector<16xi32>
          %add3A_1372 = arith.addi %iota3A, %broadcast_in_dim3A_1371 : vector<16xi32>
          %broadcast_in_dim3A_1373 = arith.constant 15 : i32
          %broadcast_in_dim3A_1374 = vector.broadcast %broadcast_in_dim3A_1373 : i32 to vector<16xi32>
          %and3A_1375 = arith.andi %add3A_1372, %broadcast_in_dim3A_1374 : vector<16xi32>
          %broadcast_in_dim3A_1376 = vector.broadcast %mul3A_284 : i32 to vector<16xi32>
          %add3A_1377 = arith.addi %and3A_1375, %broadcast_in_dim3A_1376 : vector<16xi32>
          %gather3A_1378 = tpu.vector_load_idx %arg5[%add3A_199, %add3A_1377] : memref<64x512xf32, #tpu.memory_space<vmem>>[vector<16xi32>, vector<16xi32>], vector<16xf32>,
          %broadcast_in_dim3A_1379 = arith.constant 12 : i32
          %broadcast_in_dim3A_1380 = vector.broadcast %broadcast_in_dim3A_1379 : i32 to vector<16xi32>
          %add3A_1381 = arith.addi %iota3A, %broadcast_in_dim3A_1380 : vector<16xi32>
          %broadcast_in_dim3A_1382 = arith.constant 15 : i32
          %broadcast_in_dim3A_1383 = vector.broadcast %broadcast_in_dim3A_1382 : i32 to vector<16xi32>
          %and3A_1384 = arith.andi %add3A_1381, %broadcast_in_dim3A_1383 : vector<16xi32>
          %broadcast_in_dim3A_1385 = vector.broadcast %mul3A_284 : i32 to vector<16xi32>
          %add3A_1386 = arith.addi %and3A_1384, %broadcast_in_dim3A_1385 : vector<16xi32>
          %gather3A_1387 = tpu.vector_load_idx %arg5[%add3A_199, %add3A_1386] : memref<64x512xf32, #tpu.memory_space<vmem>>[vector<16xi32>, vector<16xi32>], vector<16xf32>,
          %broadcast_in_dim3A_1388 = arith.constant 13 : i32
          %broadcast_in_dim3A_1389 = vector.broadcast %broadcast_in_dim3A_1388 : i32 to vector<16xi32>
          %add3A_1390 = arith.addi %iota3A, %broadcast_in_dim3A_1389 : vector<16xi32>
          %broadcast_in_dim3A_1391 = arith.constant 15 : i32
          %broadcast_in_dim3A_1392 = vector.broadcast %broadcast_in_dim3A_1391 : i32 to vector<16xi32>
          %and3A_1393 = arith.andi %add3A_1390, %broadcast_in_dim3A_1392 : vector<16xi32>
          %broadcast_in_dim3A_1394 = vector.broadcast %mul3A_284 : i32 to vector<16xi32>
          %add3A_1395 = arith.addi %and3A_1393, %broadcast_in_dim3A_1394 : vector<16xi32>
          %gather3A_1396 = tpu.vector_load_idx %arg5[%add3A_199, %add3A_1395] : memref<64x512xf32, #tpu.memory_space<vmem>>[vector<16xi32>, vector<16xi32>], vector<16xf32>,
          %broadcast_in_dim3A_1397 = arith.constant 14 : i32
          %broadcast_in_dim3A_1398 = vector.broadcast %broadcast_in_dim3A_1397 : i32 to vector<16xi32>
          %add3A_1399 = arith.addi %iota3A, %broadcast_in_dim3A_1398 : vector<16xi32>
          %broadcast_in_dim3A_1400 = arith.constant 15 : i32
          %broadcast_in_dim3A_1401 = vector.broadcast %broadcast_in_dim3A_1400 : i32 to vector<16xi32>
          %and3A_1402 = arith.andi %add3A_1399, %broadcast_in_dim3A_1401 : vector<16xi32>
          %broadcast_in_dim3A_1403 = vector.broadcast %mul3A_284 : i32 to vector<16xi32>
          %add3A_1404 = arith.addi %and3A_1402, %broadcast_in_dim3A_1403 : vector<16xi32>
          %gather3A_1405 = tpu.vector_load_idx %arg5[%add3A_199, %add3A_1404] : memref<64x512xf32, #tpu.memory_space<vmem>>[vector<16xi32>, vector<16xi32>], vector<16xf32>,
          %broadcast_in_dim3A_1406 = arith.constant 15 : i32
          %broadcast_in_dim3A_1407 = vector.broadcast %broadcast_in_dim3A_1406 : i32 to vector<16xi32>
          %add3A_1408 = arith.addi %iota3A, %broadcast_in_dim3A_1407 : vector<16xi32>
          %broadcast_in_dim3A_1409 = arith.constant 15 : i32
          %broadcast_in_dim3A_1410 = vector.broadcast %broadcast_in_dim3A_1409 : i32 to vector<16xi32>
          %and3A_1411 = arith.andi %add3A_1408, %broadcast_in_dim3A_1410 : vector<16xi32>
          %broadcast_in_dim3A_1412 = vector.broadcast %mul3A_284 : i32 to vector<16xi32>
          %add3A_1413 = arith.addi %and3A_1411, %broadcast_in_dim3A_1412 : vector<16xi32>
          %gather3A_1414 = tpu.vector_load_idx %arg5[%add3A_199, %add3A_1413] : memref<64x512xf32, #tpu.memory_space<vmem>>[vector<16xi32>, vector<16xi32>], vector<16xf32>,
          %max3A_1415 = arith.maximumf %gather3A_1279, %gather3A_1288 : vector<16xf32>
          %min3A_1416 = arith.minimumf %gather3A_1279, %gather3A_1288 : vector<16xf32>
          %max3A_1417 = arith.maximumf %gather3A_1297, %gather3A_1306 : vector<16xf32>
          %min3A_1418 = arith.minimumf %gather3A_1297, %gather3A_1306 : vector<16xf32>
          %max3A_1419 = arith.maximumf %gather3A_1315, %gather3A_1324 : vector<16xf32>
          %min3A_1420 = arith.minimumf %gather3A_1315, %gather3A_1324 : vector<16xf32>
          %max3A_1421 = arith.maximumf %gather3A_1333, %gather3A_1342 : vector<16xf32>
          %min3A_1422 = arith.minimumf %gather3A_1333, %gather3A_1342 : vector<16xf32>
          %max3A_1423 = arith.maximumf %gather3A_1351, %gather3A_1360 : vector<16xf32>
          %min3A_1424 = arith.minimumf %gather3A_1351, %gather3A_1360 : vector<16xf32>
          %max3A_1425 = arith.maximumf %gather3A_1369, %gather3A_1378 : vector<16xf32>
          %min3A_1426 = arith.minimumf %gather3A_1369, %gather3A_1378 : vector<16xf32>
          %max3A_1427 = arith.maximumf %gather3A_1387, %gather3A_1396 : vector<16xf32>
          %min3A_1428 = arith.minimumf %gather3A_1387, %gather3A_1396 : vector<16xf32>
          %max3A_1429 = arith.maximumf %gather3A_1405, %gather3A_1414 : vector<16xf32>
          %min3A_1430 = arith.minimumf %gather3A_1405, %gather3A_1414 : vector<16xf32>
          %max3A_1431 = arith.maximumf %max3A_1415, %max3A_1417 : vector<16xf32>
          %min3A_1432 = arith.minimumf %max3A_1415, %max3A_1417 : vector<16xf32>
          %max3A_1433 = arith.maximumf %min3A_1416, %min3A_1418 : vector<16xf32>
          %min3A_1434 = arith.minimumf %min3A_1416, %min3A_1418 : vector<16xf32>
          %max3A_1435 = arith.maximumf %min3A_1432, %max3A_1433 : vector<16xf32>
          %min3A_1436 = arith.minimumf %min3A_1432, %max3A_1433 : vector<16xf32>
          %max3A_1437 = arith.maximumf %max3A_1419, %max3A_1421 : vector<16xf32>
          %min3A_1438 = arith.minimumf %max3A_1419, %max3A_1421 : vector<16xf32>
          %max3A_1439 = arith.maximumf %min3A_1420, %min3A_1422 : vector<16xf32>
          %min3A_1440 = arith.minimumf %min3A_1420, %min3A_1422 : vector<16xf32>
          %max3A_1441 = arith.maximumf %min3A_1438, %max3A_1439 : vector<16xf32>
          %min3A_1442 = arith.minimumf %min3A_1438, %max3A_1439 : vector<16xf32>
          %max3A_1443 = arith.maximumf %max3A_1423, %max3A_1425 : vector<16xf32>
          %min3A_1444 = arith.minimumf %max3A_1423, %max3A_1425 : vector<16xf32>
          %max3A_1445 = arith.maximumf %min3A_1424, %min3A_1426 : vector<16xf32>
          %min3A_1446 = arith.minimumf %min3A_1424, %min3A_1426 : vector<16xf32>
          %max3A_1447 = arith.maximumf %min3A_1444, %max3A_1445 : vector<16xf32>
          %min3A_1448 = arith.minimumf %min3A_1444, %max3A_1445 : vector<16xf32>
          %max3A_1449 = arith.maximumf %max3A_1427, %max3A_1429 : vector<16xf32>
          %min3A_1450 = arith.minimumf %max3A_1427, %max3A_1429 : vector<16xf32>
          %max3A_1451 = arith.maximumf %min3A_1428, %min3A_1430 : vector<16xf32>
          %min3A_1452 = arith.minimumf %min3A_1428, %min3A_1430 : vector<16xf32>
          %max3A_1453 = arith.maximumf %min3A_1450, %max3A_1451 : vector<16xf32>
          %min3A_1454 = arith.minimumf %min3A_1450, %max3A_1451 : vector<16xf32>
          %max3A_1455 = arith.maximumf %max3A_1431, %min3A_1440 : vector<16xf32>
          %min3A_1456 = arith.minimumf %max3A_1431, %min3A_1440 : vector<16xf32>
          %max3A_1457 = arith.maximumf %max3A_1435, %min3A_1442 : vector<16xf32>
          %min3A_1458 = arith.minimumf %max3A_1435, %min3A_1442 : vector<16xf32>
          %max3A_1459 = arith.maximumf %min3A_1436, %max3A_1441 : vector<16xf32>
          %min3A_1460 = arith.minimumf %min3A_1436, %max3A_1441 : vector<16xf32>
          %max3A_1461 = arith.maximumf %min3A_1434, %max3A_1437 : vector<16xf32>
          %min3A_1462 = arith.minimumf %min3A_1434, %max3A_1437 : vector<16xf32>
          %max3A_1463 = arith.maximumf %max3A_1455, %max3A_1459 : vector<16xf32>
          %min3A_1464 = arith.minimumf %max3A_1455, %max3A_1459 : vector<16xf32>
          %max3A_1465 = arith.maximumf %max3A_1457, %max3A_1461 : vector<16xf32>
          %min3A_1466 = arith.minimumf %max3A_1457, %max3A_1461 : vector<16xf32>
          %max3A_1467 = arith.maximumf %min3A_1456, %min3A_1460 : vector<16xf32>
          %min3A_1468 = arith.minimumf %min3A_1456, %min3A_1460 : vector<16xf32>
          %max3A_1469 = arith.maximumf %min3A_1458, %min3A_1462 : vector<16xf32>
          %min3A_1470 = arith.minimumf %min3A_1458, %min3A_1462 : vector<16xf32>
          %max3A_1471 = arith.maximumf %max3A_1463, %max3A_1465 : vector<16xf32>
          %min3A_1472 = arith.minimumf %max3A_1463, %max3A_1465 : vector<16xf32>
          %max3A_1473 = arith.maximumf %min3A_1464, %min3A_1466 : vector<16xf32>
          %min3A_1474 = arith.minimumf %min3A_1464, %min3A_1466 : vector<16xf32>
          %max3A_1475 = arith.maximumf %max3A_1467, %max3A_1469 : vector<16xf32>
          %min3A_1476 = arith.minimumf %max3A_1467, %max3A_1469 : vector<16xf32>
          %max3A_1477 = arith.maximumf %min3A_1468, %min3A_1470 : vector<16xf32>
          %min3A_1478 = arith.minimumf %min3A_1468, %min3A_1470 : vector<16xf32>
          %max3A_1479 = arith.maximumf %max3A_1443, %min3A_1452 : vector<16xf32>
          %min3A_1480 = arith.minimumf %max3A_1443, %min3A_1452 : vector<16xf32>
          %max3A_1481 = arith.maximumf %max3A_1447, %min3A_1454 : vector<16xf32>
          %min3A_1482 = arith.minimumf %max3A_1447, %min3A_1454 : vector<16xf32>
          %max3A_1483 = arith.maximumf %min3A_1448, %max3A_1453 : vector<16xf32>
          %min3A_1484 = arith.minimumf %min3A_1448, %max3A_1453 : vector<16xf32>
          %max3A_1485 = arith.maximumf %min3A_1446, %max3A_1449 : vector<16xf32>
          %min3A_1486 = arith.minimumf %min3A_1446, %max3A_1449 : vector<16xf32>
          %max3A_1487 = arith.maximumf %max3A_1479, %max3A_1483 : vector<16xf32>
          %min3A_1488 = arith.minimumf %max3A_1479, %max3A_1483 : vector<16xf32>
          %max3A_1489 = arith.maximumf %max3A_1481, %max3A_1485 : vector<16xf32>
          %min3A_1490 = arith.minimumf %max3A_1481, %max3A_1485 : vector<16xf32>
          %max3A_1491 = arith.maximumf %min3A_1480, %min3A_1484 : vector<16xf32>
          %min3A_1492 = arith.minimumf %min3A_1480, %min3A_1484 : vector<16xf32>
          %max3A_1493 = arith.maximumf %min3A_1482, %min3A_1486 : vector<16xf32>
          %min3A_1494 = arith.minimumf %min3A_1482, %min3A_1486 : vector<16xf32>
          %max3A_1495 = arith.maximumf %max3A_1487, %max3A_1489 : vector<16xf32>
          %min3A_1496 = arith.minimumf %max3A_1487, %max3A_1489 : vector<16xf32>
          %max3A_1497 = arith.maximumf %min3A_1488, %min3A_1490 : vector<16xf32>
          %min3A_1498 = arith.minimumf %min3A_1488, %min3A_1490 : vector<16xf32>
          %max3A_1499 = arith.maximumf %max3A_1491, %max3A_1493 : vector<16xf32>
          %min3A_1500 = arith.minimumf %max3A_1491, %max3A_1493 : vector<16xf32>
          %max3A_1501 = arith.maximumf %min3A_1492, %min3A_1494 : vector<16xf32>
          %min3A_1502 = arith.minimumf %min3A_1492, %min3A_1494 : vector<16xf32>
          %max3A_1503 = arith.maximumf %max3A_1471, %min3A_1502 : vector<16xf32>
          %max3A_1504 = arith.maximumf %min3A_1472, %max3A_1501 : vector<16xf32>
          %max3A_1505 = arith.maximumf %max3A_1473, %min3A_1500 : vector<16xf32>
          %max3A_1506 = arith.maximumf %min3A_1474, %max3A_1499 : vector<16xf32>
          %max3A_1507 = arith.maximumf %max3A_1475, %min3A_1498 : vector<16xf32>
          %max3A_1508 = arith.maximumf %min3A_1476, %max3A_1497 : vector<16xf32>
          %max3A_1509 = arith.maximumf %max3A_1477, %min3A_1496 : vector<16xf32>
          %max3A_1510 = arith.maximumf %min3A_1478, %max3A_1495 : vector<16xf32>
          %max3A_1511 = arith.maximumf %max3A_1503, %max3A_1507 : vector<16xf32>
          %min3A_1512 = arith.minimumf %max3A_1503, %max3A_1507 : vector<16xf32>
          %max3A_1513 = arith.maximumf %max3A_1504, %max3A_1508 : vector<16xf32>
          %min3A_1514 = arith.minimumf %max3A_1504, %max3A_1508 : vector<16xf32>
          %max3A_1515 = arith.maximumf %max3A_1505, %max3A_1509 : vector<16xf32>
          %min3A_1516 = arith.minimumf %max3A_1505, %max3A_1509 : vector<16xf32>
          %max3A_1517 = arith.maximumf %max3A_1506, %max3A_1510 : vector<16xf32>
          %min3A_1518 = arith.minimumf %max3A_1506, %max3A_1510 : vector<16xf32>
          %max3A_1519 = arith.maximumf %max3A_1511, %max3A_1515 : vector<16xf32>
          %min3A_1520 = arith.minimumf %max3A_1511, %max3A_1515 : vector<16xf32>
          %max3A_1521 = arith.maximumf %max3A_1513, %max3A_1517 : vector<16xf32>
          %min3A_1522 = arith.minimumf %max3A_1513, %max3A_1517 : vector<16xf32>
          %max3A_1523 = arith.maximumf %min3A_1512, %min3A_1516 : vector<16xf32>
          %min3A_1524 = arith.minimumf %min3A_1512, %min3A_1516 : vector<16xf32>
          %max3A_1525 = arith.maximumf %min3A_1514, %min3A_1518 : vector<16xf32>
          %min3A_1526 = arith.minimumf %min3A_1514, %min3A_1518 : vector<16xf32>
          %max3A_1527 = arith.maximumf %max3A_1519, %max3A_1521 : vector<16xf32>
          %min3A_1528 = arith.minimumf %max3A_1519, %max3A_1521 : vector<16xf32>
          %max3A_1529 = arith.maximumf %min3A_1520, %min3A_1522 : vector<16xf32>
          %min3A_1530 = arith.minimumf %min3A_1520, %min3A_1522 : vector<16xf32>
          %max3A_1531 = arith.maximumf %max3A_1523, %max3A_1525 : vector<16xf32>
          %min3A_1532 = arith.minimumf %max3A_1523, %max3A_1525 : vector<16xf32>
          %max3A_1533 = arith.maximumf %min3A_1524, %min3A_1526 : vector<16xf32>
          %min3A_1534 = arith.minimumf %min3A_1524, %min3A_1526 : vector<16xf32>
          %get3A_1535 = arith.constant 0 : i32
          %get3A_1536 = arith.index_cast %get3A_1535 : i32 to index
          %get3A_1537 = arith.constant 32 : index
          %get3A_1538 = tpu.vector_load %arg6[%get3A_1536, %get3A_1537] {strides = array<i32>} : memref<8x64xf32, #tpu.memory_space<vmem>>, vector<16xf32>,
          %get3A_1539 = arith.constant 1 : i32
          %get3A_1540 = arith.index_cast %get3A_1539 : i32 to index
          %get3A_1541 = arith.constant 32 : index
          %get3A_1542 = tpu.vector_load %arg6[%get3A_1540, %get3A_1541] {strides = array<i32>} : memref<8x64xf32, #tpu.memory_space<vmem>>, vector<16xf32>,
          %get3A_1543 = arith.constant 2 : i32
          %get3A_1544 = arith.index_cast %get3A_1543 : i32 to index
          %get3A_1545 = arith.constant 32 : index
          %get3A_1546 = tpu.vector_load %arg6[%get3A_1544, %get3A_1545] {strides = array<i32>} : memref<8x64xf32, #tpu.memory_space<vmem>>, vector<16xf32>,
          %get3A_1547 = arith.constant 3 : i32
          %get3A_1548 = arith.index_cast %get3A_1547 : i32 to index
          %get3A_1549 = arith.constant 32 : index
          %get3A_1550 = tpu.vector_load %arg6[%get3A_1548, %get3A_1549] {strides = array<i32>} : memref<8x64xf32, #tpu.memory_space<vmem>>, vector<16xf32>,
          %get3A_1551 = arith.constant 4 : i32
          %get3A_1552 = arith.index_cast %get3A_1551 : i32 to index
          %get3A_1553 = arith.constant 32 : index
          %get3A_1554 = tpu.vector_load %arg6[%get3A_1552, %get3A_1553] {strides = array<i32>} : memref<8x64xf32, #tpu.memory_space<vmem>>, vector<16xf32>,
          %get3A_1555 = arith.constant 5 : i32
          %get3A_1556 = arith.index_cast %get3A_1555 : i32 to index
          %get3A_1557 = arith.constant 32 : index
          %get3A_1558 = tpu.vector_load %arg6[%get3A_1556, %get3A_1557] {strides = array<i32>} : memref<8x64xf32, #tpu.memory_space<vmem>>, vector<16xf32>,
          %get3A_1559 = arith.constant 6 : i32
          %get3A_1560 = arith.index_cast %get3A_1559 : i32 to index
          %get3A_1561 = arith.constant 32 : index
          %get3A_1562 = tpu.vector_load %arg6[%get3A_1560, %get3A_1561] {strides = array<i32>} : memref<8x64xf32, #tpu.memory_space<vmem>>, vector<16xf32>,
          %get3A_1563 = arith.constant 7 : i32
          %get3A_1564 = arith.index_cast %get3A_1563 : i32 to index
          %get3A_1565 = arith.constant 32 : index
          %get3A_1566 = tpu.vector_load %arg6[%get3A_1564, %get3A_1565] {strides = array<i32>} : memref<8x64xf32, #tpu.memory_space<vmem>>, vector<16xf32>,
          %max3A_1567 = arith.maximumf %get3A_1538, %min3A_1534 : vector<16xf32>
          %max3A_1568 = arith.maximumf %get3A_1542, %max3A_1533 : vector<16xf32>
          %max3A_1569 = arith.maximumf %get3A_1546, %min3A_1532 : vector<16xf32>
          %max3A_1570 = arith.maximumf %get3A_1550, %max3A_1531 : vector<16xf32>
          %max3A_1571 = arith.maximumf %get3A_1554, %min3A_1530 : vector<16xf32>
          %max3A_1572 = arith.maximumf %get3A_1558, %max3A_1529 : vector<16xf32>
          %max3A_1573 = arith.maximumf %get3A_1562, %min3A_1528 : vector<16xf32>
          %max3A_1574 = arith.maximumf %get3A_1566, %max3A_1527 : vector<16xf32>
          %max3A_1575 = arith.maximumf %max3A_1567, %max3A_1571 : vector<16xf32>
          %min3A_1576 = arith.minimumf %max3A_1567, %max3A_1571 : vector<16xf32>
          %max3A_1577 = arith.maximumf %max3A_1568, %max3A_1572 : vector<16xf32>
          %min3A_1578 = arith.minimumf %max3A_1568, %max3A_1572 : vector<16xf32>
          %max3A_1579 = arith.maximumf %max3A_1569, %max3A_1573 : vector<16xf32>
          %min3A_1580 = arith.minimumf %max3A_1569, %max3A_1573 : vector<16xf32>
          %max3A_1581 = arith.maximumf %max3A_1570, %max3A_1574 : vector<16xf32>
          %min3A_1582 = arith.minimumf %max3A_1570, %max3A_1574 : vector<16xf32>
          %max3A_1583 = arith.maximumf %max3A_1575, %max3A_1579 : vector<16xf32>
          %min3A_1584 = arith.minimumf %max3A_1575, %max3A_1579 : vector<16xf32>
          %max3A_1585 = arith.maximumf %max3A_1577, %max3A_1581 : vector<16xf32>
          %min3A_1586 = arith.minimumf %max3A_1577, %max3A_1581 : vector<16xf32>
          %max3A_1587 = arith.maximumf %min3A_1576, %min3A_1580 : vector<16xf32>
          %min3A_1588 = arith.minimumf %min3A_1576, %min3A_1580 : vector<16xf32>
          %max3A_1589 = arith.maximumf %min3A_1578, %min3A_1582 : vector<16xf32>
          %min3A_1590 = arith.minimumf %min3A_1578, %min3A_1582 : vector<16xf32>
          %max3A_1591 = arith.maximumf %max3A_1583, %max3A_1585 : vector<16xf32>
          %min3A_1592 = arith.minimumf %max3A_1583, %max3A_1585 : vector<16xf32>
          %max3A_1593 = arith.maximumf %min3A_1584, %min3A_1586 : vector<16xf32>
          %min3A_1594 = arith.minimumf %min3A_1584, %min3A_1586 : vector<16xf32>
          %max3A_1595 = arith.maximumf %max3A_1587, %max3A_1589 : vector<16xf32>
          %min3A_1596 = arith.minimumf %max3A_1587, %max3A_1589 : vector<16xf32>
          %max3A_1597 = arith.maximumf %min3A_1588, %min3A_1590 : vector<16xf32>
          %min3A_1598 = arith.minimumf %min3A_1588, %min3A_1590 : vector<16xf32>
          %swap3A_1599 = arith.constant 0 : i32
          %swap3A_1600 = arith.index_cast %swap3A_1599 : i32 to index
          %swap3A_1601 = arith.constant 32 : index
          %swap3A_1602 = tpu.vector_load %arg6[%swap3A_1600, %swap3A_1601] {strides = array<i32>} : memref<8x64xf32, #tpu.memory_space<vmem>>, vector<16xf32>,
          tpu.vector_store %arg6[%swap3A_1600, %swap3A_1601], %max3A_1591 {strides = array<i32>} : memref<8x64xf32, #tpu.memory_space<vmem>>, vector<16xf32>,
          %swap3A_1603 = arith.constant 1 : i32
          %swap3A_1604 = arith.index_cast %swap3A_1603 : i32 to index
          %swap3A_1605 = arith.constant 32 : index
          %swap3A_1606 = tpu.vector_load %arg6[%swap3A_1604, %swap3A_1605] {strides = array<i32>} : memref<8x64xf32, #tpu.memory_space<vmem>>, vector<16xf32>,
          tpu.vector_store %arg6[%swap3A_1604, %swap3A_1605], %min3A_1592 {strides = array<i32>} : memref<8x64xf32, #tpu.memory_space<vmem>>, vector<16xf32>,
          %swap3A_1607 = arith.constant 2 : i32
          %swap3A_1608 = arith.index_cast %swap3A_1607 : i32 to index
          %swap3A_1609 = arith.constant 32 : index
          %swap3A_1610 = tpu.vector_load %arg6[%swap3A_1608, %swap3A_1609] {strides = array<i32>} : memref<8x64xf32, #tpu.memory_space<vmem>>, vector<16xf32>,
          tpu.vector_store %arg6[%swap3A_1608, %swap3A_1609], %max3A_1593 {strides = array<i32>} : memref<8x64xf32, #tpu.memory_space<vmem>>, vector<16xf32>,
          %swap3A_1611 = arith.constant 3 : i32
          %swap3A_1612 = arith.index_cast %swap3A_1611 : i32 to index
          %swap3A_1613 = arith.constant 32 : index
          %swap3A_1614 = tpu.vector_load %arg6[%swap3A_1612, %swap3A_1613] {strides = array<i32>} : memref<8x64xf32, #tpu.memory_space<vmem>>, vector<16xf32>,
          tpu.vector_store %arg6[%swap3A_1612, %swap3A_1613], %min3A_1594 {strides = array<i32>} : memref<8x64xf32, #tpu.memory_space<vmem>>, vector<16xf32>,
          %swap3A_1615 = arith.constant 4 : i32
          %swap3A_1616 = arith.index_cast %swap3A_1615 : i32 to index
          %swap3A_1617 = arith.constant 32 : index
          %swap3A_1618 = tpu.vector_load %arg6[%swap3A_1616, %swap3A_1617] {strides = array<i32>} : memref<8x64xf32, #tpu.memory_space<vmem>>, vector<16xf32>,
          tpu.vector_store %arg6[%swap3A_1616, %swap3A_1617], %max3A_1595 {strides = array<i32>} : memref<8x64xf32, #tpu.memory_space<vmem>>, vector<16xf32>,
          %swap3A_1619 = arith.constant 5 : i32
          %swap3A_1620 = arith.index_cast %swap3A_1619 : i32 to index
          %swap3A_1621 = arith.constant 32 : index
          %swap3A_1622 = tpu.vector_load %arg6[%swap3A_1620, %swap3A_1621] {strides = array<i32>} : memref<8x64xf32, #tpu.memory_space<vmem>>, vector<16xf32>,
          tpu.vector_store %arg6[%swap3A_1620, %swap3A_1621], %min3A_1596 {strides = array<i32>} : memref<8x64xf32, #tpu.memory_space<vmem>>, vector<16xf32>,
          %swap3A_1623 = arith.constant 6 : i32
          %swap3A_1624 = arith.index_cast %swap3A_1623 : i32 to index
          %swap3A_1625 = arith.constant 32 : index
          %swap3A_1626 = tpu.vector_load %arg6[%swap3A_1624, %swap3A_1625] {strides = array<i32>} : memref<8x64xf32, #tpu.memory_space<vmem>>, vector<16xf32>,
          tpu.vector_store %arg6[%swap3A_1624, %swap3A_1625], %max3A_1597 {strides = array<i32>} : memref<8x64xf32, #tpu.memory_space<vmem>>, vector<16xf32>,
          %swap3A_1627 = arith.constant 7 : i32
          %swap3A_1628 = arith.index_cast %swap3A_1627 : i32 to index
          %swap3A_1629 = arith.constant 32 : index
          %swap3A_1630 = tpu.vector_load %arg6[%swap3A_1628, %swap3A_1629] {strides = array<i32>} : memref<8x64xf32, #tpu.memory_space<vmem>>, vector<16xf32>,
          tpu.vector_store %arg6[%swap3A_1628, %swap3A_1629], %min3A_1598 {strides = array<i32>} : memref<8x64xf32, #tpu.memory_space<vmem>>, vector<16xf32>,
          %broadcast_in_dim3A_1631 = arith.constant 0 : i32
          %broadcast_in_dim3A_1632 = vector.broadcast %broadcast_in_dim3A_1631 : i32 to vector<16xi32>
          %add3A_1633 = arith.addi %iota3A, %broadcast_in_dim3A_1632 : vector<16xi32>
          %broadcast_in_dim3A_1634 = arith.constant 15 : i32
          %broadcast_in_dim3A_1635 = vector.broadcast %broadcast_in_dim3A_1634 : i32 to vector<16xi32>
          %and3A_1636 = arith.andi %add3A_1633, %broadcast_in_dim3A_1635 : vector<16xi32>
          %broadcast_in_dim3A_1637 = vector.broadcast %mul3A_284 : i32 to vector<16xi32>
          %add3A_1638 = arith.addi %and3A_1636, %broadcast_in_dim3A_1637 : vector<16xi32>
          %gather3A_1639 = tpu.vector_load_idx %arg5[%add3A_202, %add3A_1638] : memref<64x512xf32, #tpu.memory_space<vmem>>[vector<16xi32>, vector<16xi32>], vector<16xf32>,
          %broadcast_in_dim3A_1640 = arith.constant 1 : i32
          %broadcast_in_dim3A_1641 = vector.broadcast %broadcast_in_dim3A_1640 : i32 to vector<16xi32>
          %add3A_1642 = arith.addi %iota3A, %broadcast_in_dim3A_1641 : vector<16xi32>
          %broadcast_in_dim3A_1643 = arith.constant 15 : i32
          %broadcast_in_dim3A_1644 = vector.broadcast %broadcast_in_dim3A_1643 : i32 to vector<16xi32>
          %and3A_1645 = arith.andi %add3A_1642, %broadcast_in_dim3A_1644 : vector<16xi32>
          %broadcast_in_dim3A_1646 = vector.broadcast %mul3A_284 : i32 to vector<16xi32>
          %add3A_1647 = arith.addi %and3A_1645, %broadcast_in_dim3A_1646 : vector<16xi32>
          %gather3A_1648 = tpu.vector_load_idx %arg5[%add3A_202, %add3A_1647] : memref<64x512xf32, #tpu.memory_space<vmem>>[vector<16xi32>, vector<16xi32>], vector<16xf32>,
          %broadcast_in_dim3A_1649 = arith.constant 2 : i32
          %broadcast_in_dim3A_1650 = vector.broadcast %broadcast_in_dim3A_1649 : i32 to vector<16xi32>
          %add3A_1651 = arith.addi %iota3A, %broadcast_in_dim3A_1650 : vector<16xi32>
          %broadcast_in_dim3A_1652 = arith.constant 15 : i32
          %broadcast_in_dim3A_1653 = vector.broadcast %broadcast_in_dim3A_1652 : i32 to vector<16xi32>
          %and3A_1654 = arith.andi %add3A_1651, %broadcast_in_dim3A_1653 : vector<16xi32>
          %broadcast_in_dim3A_1655 = vector.broadcast %mul3A_284 : i32 to vector<16xi32>
          %add3A_1656 = arith.addi %and3A_1654, %broadcast_in_dim3A_1655 : vector<16xi32>
          %gather3A_1657 = tpu.vector_load_idx %arg5[%add3A_202, %add3A_1656] : memref<64x512xf32, #tpu.memory_space<vmem>>[vector<16xi32>, vector<16xi32>], vector<16xf32>,
          %broadcast_in_dim3A_1658 = arith.constant 3 : i32
          %broadcast_in_dim3A_1659 = vector.broadcast %broadcast_in_dim3A_1658 : i32 to vector<16xi32>
          %add3A_1660 = arith.addi %iota3A, %broadcast_in_dim3A_1659 : vector<16xi32>
          %broadcast_in_dim3A_1661 = arith.constant 15 : i32
          %broadcast_in_dim3A_1662 = vector.broadcast %broadcast_in_dim3A_1661 : i32 to vector<16xi32>
          %and3A_1663 = arith.andi %add3A_1660, %broadcast_in_dim3A_1662 : vector<16xi32>
          %broadcast_in_dim3A_1664 = vector.broadcast %mul3A_284 : i32 to vector<16xi32>
          %add3A_1665 = arith.addi %and3A_1663, %broadcast_in_dim3A_1664 : vector<16xi32>
          %gather3A_1666 = tpu.vector_load_idx %arg5[%add3A_202, %add3A_1665] : memref<64x512xf32, #tpu.memory_space<vmem>>[vector<16xi32>, vector<16xi32>], vector<16xf32>,
          %broadcast_in_dim3A_1667 = arith.constant 4 : i32
          %broadcast_in_dim3A_1668 = vector.broadcast %broadcast_in_dim3A_1667 : i32 to vector<16xi32>
          %add3A_1669 = arith.addi %iota3A, %broadcast_in_dim3A_1668 : vector<16xi32>
          %broadcast_in_dim3A_1670 = arith.constant 15 : i32
          %broadcast_in_dim3A_1671 = vector.broadcast %broadcast_in_dim3A_1670 : i32 to vector<16xi32>
          %and3A_1672 = arith.andi %add3A_1669, %broadcast_in_dim3A_1671 : vector<16xi32>
          %broadcast_in_dim3A_1673 = vector.broadcast %mul3A_284 : i32 to vector<16xi32>
          %add3A_1674 = arith.addi %and3A_1672, %broadcast_in_dim3A_1673 : vector<16xi32>
          %gather3A_1675 = tpu.vector_load_idx %arg5[%add3A_202, %add3A_1674] : memref<64x512xf32, #tpu.memory_space<vmem>>[vector<16xi32>, vector<16xi32>], vector<16xf32>,
          %broadcast_in_dim3A_1676 = arith.constant 5 : i32
          %broadcast_in_dim3A_1677 = vector.broadcast %broadcast_in_dim3A_1676 : i32 to vector<16xi32>
          %add3A_1678 = arith.addi %iota3A, %broadcast_in_dim3A_1677 : vector<16xi32>
          %broadcast_in_dim3A_1679 = arith.constant 15 : i32
          %broadcast_in_dim3A_1680 = vector.broadcast %broadcast_in_dim3A_1679 : i32 to vector<16xi32>
          %and3A_1681 = arith.andi %add3A_1678, %broadcast_in_dim3A_1680 : vector<16xi32>
          %broadcast_in_dim3A_1682 = vector.broadcast %mul3A_284 : i32 to vector<16xi32>
          %add3A_1683 = arith.addi %and3A_1681, %broadcast_in_dim3A_1682 : vector<16xi32>
          %gather3A_1684 = tpu.vector_load_idx %arg5[%add3A_202, %add3A_1683] : memref<64x512xf32, #tpu.memory_space<vmem>>[vector<16xi32>, vector<16xi32>], vector<16xf32>,
          %broadcast_in_dim3A_1685 = arith.constant 6 : i32
          %broadcast_in_dim3A_1686 = vector.broadcast %broadcast_in_dim3A_1685 : i32 to vector<16xi32>
          %add3A_1687 = arith.addi %iota3A, %broadcast_in_dim3A_1686 : vector<16xi32>
          %broadcast_in_dim3A_1688 = arith.constant 15 : i32
          %broadcast_in_dim3A_1689 = vector.broadcast %broadcast_in_dim3A_1688 : i32 to vector<16xi32>
          %and3A_1690 = arith.andi %add3A_1687, %broadcast_in_dim3A_1689 : vector<16xi32>
          %broadcast_in_dim3A_1691 = vector.broadcast %mul3A_284 : i32 to vector<16xi32>
          %add3A_1692 = arith.addi %and3A_1690, %broadcast_in_dim3A_1691 : vector<16xi32>
          %gather3A_1693 = tpu.vector_load_idx %arg5[%add3A_202, %add3A_1692] : memref<64x512xf32, #tpu.memory_space<vmem>>[vector<16xi32>, vector<16xi32>], vector<16xf32>,
          %broadcast_in_dim3A_1694 = arith.constant 7 : i32
          %broadcast_in_dim3A_1695 = vector.broadcast %broadcast_in_dim3A_1694 : i32 to vector<16xi32>
          %add3A_1696 = arith.addi %iota3A, %broadcast_in_dim3A_1695 : vector<16xi32>
          %broadcast_in_dim3A_1697 = arith.constant 15 : i32
          %broadcast_in_dim3A_1698 = vector.broadcast %broadcast_in_dim3A_1697 : i32 to vector<16xi32>
          %and3A_1699 = arith.andi %add3A_1696, %broadcast_in_dim3A_1698 : vector<16xi32>
          %broadcast_in_dim3A_1700 = vector.broadcast %mul3A_284 : i32 to vector<16xi32>
          %add3A_1701 = arith.addi %and3A_1699, %broadcast_in_dim3A_1700 : vector<16xi32>
          %gather3A_1702 = tpu.vector_load_idx %arg5[%add3A_202, %add3A_1701] : memref<64x512xf32, #tpu.memory_space<vmem>>[vector<16xi32>, vector<16xi32>], vector<16xf32>,
          %broadcast_in_dim3A_1703 = arith.constant 8 : i32
          %broadcast_in_dim3A_1704 = vector.broadcast %broadcast_in_dim3A_1703 : i32 to vector<16xi32>
          %add3A_1705 = arith.addi %iota3A, %broadcast_in_dim3A_1704 : vector<16xi32>
          %broadcast_in_dim3A_1706 = arith.constant 15 : i32
          %broadcast_in_dim3A_1707 = vector.broadcast %broadcast_in_dim3A_1706 : i32 to vector<16xi32>
          %and3A_1708 = arith.andi %add3A_1705, %broadcast_in_dim3A_1707 : vector<16xi32>
          %broadcast_in_dim3A_1709 = vector.broadcast %mul3A_284 : i32 to vector<16xi32>
          %add3A_1710 = arith.addi %and3A_1708, %broadcast_in_dim3A_1709 : vector<16xi32>
          %gather3A_1711 = tpu.vector_load_idx %arg5[%add3A_202, %add3A_1710] : memref<64x512xf32, #tpu.memory_space<vmem>>[vector<16xi32>, vector<16xi32>], vector<16xf32>,
          %broadcast_in_dim3A_1712 = arith.constant 9 : i32
          %broadcast_in_dim3A_1713 = vector.broadcast %broadcast_in_dim3A_1712 : i32 to vector<16xi32>
          %add3A_1714 = arith.addi %iota3A, %broadcast_in_dim3A_1713 : vector<16xi32>
          %broadcast_in_dim3A_1715 = arith.constant 15 : i32
          %broadcast_in_dim3A_1716 = vector.broadcast %broadcast_in_dim3A_1715 : i32 to vector<16xi32>
          %and3A_1717 = arith.andi %add3A_1714, %broadcast_in_dim3A_1716 : vector<16xi32>
          %broadcast_in_dim3A_1718 = vector.broadcast %mul3A_284 : i32 to vector<16xi32>
          %add3A_1719 = arith.addi %and3A_1717, %broadcast_in_dim3A_1718 : vector<16xi32>
          %gather3A_1720 = tpu.vector_load_idx %arg5[%add3A_202, %add3A_1719] : memref<64x512xf32, #tpu.memory_space<vmem>>[vector<16xi32>, vector<16xi32>], vector<16xf32>,
          %broadcast_in_dim3A_1721 = arith.constant 10 : i32
          %broadcast_in_dim3A_1722 = vector.broadcast %broadcast_in_dim3A_1721 : i32 to vector<16xi32>
          %add3A_1723 = arith.addi %iota3A, %broadcast_in_dim3A_1722 : vector<16xi32>
          %broadcast_in_dim3A_1724 = arith.constant 15 : i32
          %broadcast_in_dim3A_1725 = vector.broadcast %broadcast_in_dim3A_1724 : i32 to vector<16xi32>
          %and3A_1726 = arith.andi %add3A_1723, %broadcast_in_dim3A_1725 : vector<16xi32>
          %broadcast_in_dim3A_1727 = vector.broadcast %mul3A_284 : i32 to vector<16xi32>
          %add3A_1728 = arith.addi %and3A_1726, %broadcast_in_dim3A_1727 : vector<16xi32>
          %gather3A_1729 = tpu.vector_load_idx %arg5[%add3A_202, %add3A_1728] : memref<64x512xf32, #tpu.memory_space<vmem>>[vector<16xi32>, vector<16xi32>], vector<16xf32>,
          %broadcast_in_dim3A_1730 = arith.constant 11 : i32
          %broadcast_in_dim3A_1731 = vector.broadcast %broadcast_in_dim3A_1730 : i32 to vector<16xi32>
          %add3A_1732 = arith.addi %iota3A, %broadcast_in_dim3A_1731 : vector<16xi32>
          %broadcast_in_dim3A_1733 = arith.constant 15 : i32
          %broadcast_in_dim3A_1734 = vector.broadcast %broadcast_in_dim3A_1733 : i32 to vector<16xi32>
          %and3A_1735 = arith.andi %add3A_1732, %broadcast_in_dim3A_1734 : vector<16xi32>
          %broadcast_in_dim3A_1736 = vector.broadcast %mul3A_284 : i32 to vector<16xi32>
          %add3A_1737 = arith.addi %and3A_1735, %broadcast_in_dim3A_1736 : vector<16xi32>
          %gather3A_1738 = tpu.vector_load_idx %arg5[%add3A_202, %add3A_1737] : memref<64x512xf32, #tpu.memory_space<vmem>>[vector<16xi32>, vector<16xi32>], vector<16xf32>,
          %broadcast_in_dim3A_1739 = arith.constant 12 : i32
          %broadcast_in_dim3A_1740 = vector.broadcast %broadcast_in_dim3A_1739 : i32 to vector<16xi32>
          %add3A_1741 = arith.addi %iota3A, %broadcast_in_dim3A_1740 : vector<16xi32>
          %broadcast_in_dim3A_1742 = arith.constant 15 : i32
          %broadcast_in_dim3A_1743 = vector.broadcast %broadcast_in_dim3A_1742 : i32 to vector<16xi32>
          %and3A_1744 = arith.andi %add3A_1741, %broadcast_in_dim3A_1743 : vector<16xi32>
          %broadcast_in_dim3A_1745 = vector.broadcast %mul3A_284 : i32 to vector<16xi32>
          %add3A_1746 = arith.addi %and3A_1744, %broadcast_in_dim3A_1745 : vector<16xi32>
          %gather3A_1747 = tpu.vector_load_idx %arg5[%add3A_202, %add3A_1746] : memref<64x512xf32, #tpu.memory_space<vmem>>[vector<16xi32>, vector<16xi32>], vector<16xf32>,
          %broadcast_in_dim3A_1748 = arith.constant 13 : i32
          %broadcast_in_dim3A_1749 = vector.broadcast %broadcast_in_dim3A_1748 : i32 to vector<16xi32>
          %add3A_1750 = arith.addi %iota3A, %broadcast_in_dim3A_1749 : vector<16xi32>
          %broadcast_in_dim3A_1751 = arith.constant 15 : i32
          %broadcast_in_dim3A_1752 = vector.broadcast %broadcast_in_dim3A_1751 : i32 to vector<16xi32>
          %and3A_1753 = arith.andi %add3A_1750, %broadcast_in_dim3A_1752 : vector<16xi32>
          %broadcast_in_dim3A_1754 = vector.broadcast %mul3A_284 : i32 to vector<16xi32>
          %add3A_1755 = arith.addi %and3A_1753, %broadcast_in_dim3A_1754 : vector<16xi32>
          %gather3A_1756 = tpu.vector_load_idx %arg5[%add3A_202, %add3A_1755] : memref<64x512xf32, #tpu.memory_space<vmem>>[vector<16xi32>, vector<16xi32>], vector<16xf32>,
          %broadcast_in_dim3A_1757 = arith.constant 14 : i32
          %broadcast_in_dim3A_1758 = vector.broadcast %broadcast_in_dim3A_1757 : i32 to vector<16xi32>
          %add3A_1759 = arith.addi %iota3A, %broadcast_in_dim3A_1758 : vector<16xi32>
          %broadcast_in_dim3A_1760 = arith.constant 15 : i32
          %broadcast_in_dim3A_1761 = vector.broadcast %broadcast_in_dim3A_1760 : i32 to vector<16xi32>
          %and3A_1762 = arith.andi %add3A_1759, %broadcast_in_dim3A_1761 : vector<16xi32>
          %broadcast_in_dim3A_1763 = vector.broadcast %mul3A_284 : i32 to vector<16xi32>
          %add3A_1764 = arith.addi %and3A_1762, %broadcast_in_dim3A_1763 : vector<16xi32>
          %gather3A_1765 = tpu.vector_load_idx %arg5[%add3A_202, %add3A_1764] : memref<64x512xf32, #tpu.memory_space<vmem>>[vector<16xi32>, vector<16xi32>], vector<16xf32>,
          %broadcast_in_dim3A_1766 = arith.constant 15 : i32
          %broadcast_in_dim3A_1767 = vector.broadcast %broadcast_in_dim3A_1766 : i32 to vector<16xi32>
          %add3A_1768 = arith.addi %iota3A, %broadcast_in_dim3A_1767 : vector<16xi32>
          %broadcast_in_dim3A_1769 = arith.constant 15 : i32
          %broadcast_in_dim3A_1770 = vector.broadcast %broadcast_in_dim3A_1769 : i32 to vector<16xi32>
          %and3A_1771 = arith.andi %add3A_1768, %broadcast_in_dim3A_1770 : vector<16xi32>
          %broadcast_in_dim3A_1772 = vector.broadcast %mul3A_284 : i32 to vector<16xi32>
          %add3A_1773 = arith.addi %and3A_1771, %broadcast_in_dim3A_1772 : vector<16xi32>
          %gather3A_1774 = tpu.vector_load_idx %arg5[%add3A_202, %add3A_1773] : memref<64x512xf32, #tpu.memory_space<vmem>>[vector<16xi32>, vector<16xi32>], vector<16xf32>,
          %max3A_1775 = arith.maximumf %gather3A_1639, %gather3A_1648 : vector<16xf32>
          %min3A_1776 = arith.minimumf %gather3A_1639, %gather3A_1648 : vector<16xf32>
          %max3A_1777 = arith.maximumf %gather3A_1657, %gather3A_1666 : vector<16xf32>
          %min3A_1778 = arith.minimumf %gather3A_1657, %gather3A_1666 : vector<16xf32>
          %max3A_1779 = arith.maximumf %gather3A_1675, %gather3A_1684 : vector<16xf32>
          %min3A_1780 = arith.minimumf %gather3A_1675, %gather3A_1684 : vector<16xf32>
          %max3A_1781 = arith.maximumf %gather3A_1693, %gather3A_1702 : vector<16xf32>
          %min3A_1782 = arith.minimumf %gather3A_1693, %gather3A_1702 : vector<16xf32>
          %max3A_1783 = arith.maximumf %gather3A_1711, %gather3A_1720 : vector<16xf32>
          %min3A_1784 = arith.minimumf %gather3A_1711, %gather3A_1720 : vector<16xf32>
          %max3A_1785 = arith.maximumf %gather3A_1729, %gather3A_1738 : vector<16xf32>
          %min3A_1786 = arith.minimumf %gather3A_1729, %gather3A_1738 : vector<16xf32>
          %max3A_1787 = arith.maximumf %gather3A_1747, %gather3A_1756 : vector<16xf32>
          %min3A_1788 = arith.minimumf %gather3A_1747, %gather3A_1756 : vector<16xf32>
          %max3A_1789 = arith.maximumf %gather3A_1765, %gather3A_1774 : vector<16xf32>
          %min3A_1790 = arith.minimumf %gather3A_1765, %gather3A_1774 : vector<16xf32>
          %max3A_1791 = arith.maximumf %max3A_1775, %max3A_1777 : vector<16xf32>
          %min3A_1792 = arith.minimumf %max3A_1775, %max3A_1777 : vector<16xf32>
          %max3A_1793 = arith.maximumf %min3A_1776, %min3A_1778 : vector<16xf32>
          %min3A_1794 = arith.minimumf %min3A_1776, %min3A_1778 : vector<16xf32>
          %max3A_1795 = arith.maximumf %min3A_1792, %max3A_1793 : vector<16xf32>
          %min3A_1796 = arith.minimumf %min3A_1792, %max3A_1793 : vector<16xf32>
          %max3A_1797 = arith.maximumf %max3A_1779, %max3A_1781 : vector<16xf32>
          %min3A_1798 = arith.minimumf %max3A_1779, %max3A_1781 : vector<16xf32>
          %max3A_1799 = arith.maximumf %min3A_1780, %min3A_1782 : vector<16xf32>
          %min3A_1800 = arith.minimumf %min3A_1780, %min3A_1782 : vector<16xf32>
          %max3A_1801 = arith.maximumf %min3A_1798, %max3A_1799 : vector<16xf32>
          %min3A_1802 = arith.minimumf %min3A_1798, %max3A_1799 : vector<16xf32>
          %max3A_1803 = arith.maximumf %max3A_1783, %max3A_1785 : vector<16xf32>
          %min3A_1804 = arith.minimumf %max3A_1783, %max3A_1785 : vector<16xf32>
          %max3A_1805 = arith.maximumf %min3A_1784, %min3A_1786 : vector<16xf32>
          %min3A_1806 = arith.minimumf %min3A_1784, %min3A_1786 : vector<16xf32>
          %max3A_1807 = arith.maximumf %min3A_1804, %max3A_1805 : vector<16xf32>
          %min3A_1808 = arith.minimumf %min3A_1804, %max3A_1805 : vector<16xf32>
          %max3A_1809 = arith.maximumf %max3A_1787, %max3A_1789 : vector<16xf32>
          %min3A_1810 = arith.minimumf %max3A_1787, %max3A_1789 : vector<16xf32>
          %max3A_1811 = arith.maximumf %min3A_1788, %min3A_1790 : vector<16xf32>
          %min3A_1812 = arith.minimumf %min3A_1788, %min3A_1790 : vector<16xf32>
          %max3A_1813 = arith.maximumf %min3A_1810, %max3A_1811 : vector<16xf32>
          %min3A_1814 = arith.minimumf %min3A_1810, %max3A_1811 : vector<16xf32>
          %max3A_1815 = arith.maximumf %max3A_1791, %min3A_1800 : vector<16xf32>
          %min3A_1816 = arith.minimumf %max3A_1791, %min3A_1800 : vector<16xf32>
          %max3A_1817 = arith.maximumf %max3A_1795, %min3A_1802 : vector<16xf32>
          %min3A_1818 = arith.minimumf %max3A_1795, %min3A_1802 : vector<16xf32>
          %max3A_1819 = arith.maximumf %min3A_1796, %max3A_1801 : vector<16xf32>
          %min3A_1820 = arith.minimumf %min3A_1796, %max3A_1801 : vector<16xf32>
          %max3A_1821 = arith.maximumf %min3A_1794, %max3A_1797 : vector<16xf32>
          %min3A_1822 = arith.minimumf %min3A_1794, %max3A_1797 : vector<16xf32>
          %max3A_1823 = arith.maximumf %max3A_1815, %max3A_1819 : vector<16xf32>
          %min3A_1824 = arith.minimumf %max3A_1815, %max3A_1819 : vector<16xf32>
          %max3A_1825 = arith.maximumf %max3A_1817, %max3A_1821 : vector<16xf32>
          %min3A_1826 = arith.minimumf %max3A_1817, %max3A_1821 : vector<16xf32>
          %max3A_1827 = arith.maximumf %min3A_1816, %min3A_1820 : vector<16xf32>
          %min3A_1828 = arith.minimumf %min3A_1816, %min3A_1820 : vector<16xf32>
          %max3A_1829 = arith.maximumf %min3A_1818, %min3A_1822 : vector<16xf32>
          %min3A_1830 = arith.minimumf %min3A_1818, %min3A_1822 : vector<16xf32>
          %max3A_1831 = arith.maximumf %max3A_1823, %max3A_1825 : vector<16xf32>
          %min3A_1832 = arith.minimumf %max3A_1823, %max3A_1825 : vector<16xf32>
          %max3A_1833 = arith.maximumf %min3A_1824, %min3A_1826 : vector<16xf32>
          %min3A_1834 = arith.minimumf %min3A_1824, %min3A_1826 : vector<16xf32>
          %max3A_1835 = arith.maximumf %max3A_1827, %max3A_1829 : vector<16xf32>
          %min3A_1836 = arith.minimumf %max3A_1827, %max3A_1829 : vector<16xf32>
          %max3A_1837 = arith.maximumf %min3A_1828, %min3A_1830 : vector<16xf32>
          %min3A_1838 = arith.minimumf %min3A_1828, %min3A_1830 : vector<16xf32>
          %max3A_1839 = arith.maximumf %max3A_1803, %min3A_1812 : vector<16xf32>
          %min3A_1840 = arith.minimumf %max3A_1803, %min3A_1812 : vector<16xf32>
          %max3A_1841 = arith.maximumf %max3A_1807, %min3A_1814 : vector<16xf32>
          %min3A_1842 = arith.minimumf %max3A_1807, %min3A_1814 : vector<16xf32>
          %max3A_1843 = arith.maximumf %min3A_1808, %max3A_1813 : vector<16xf32>
          %min3A_1844 = arith.minimumf %min3A_1808, %max3A_1813 : vector<16xf32>
          %max3A_1845 = arith.maximumf %min3A_1806, %max3A_1809 : vector<16xf32>
          %min3A_1846 = arith.minimumf %min3A_1806, %max3A_1809 : vector<16xf32>
          %max3A_1847 = arith.maximumf %max3A_1839, %max3A_1843 : vector<16xf32>
          %min3A_1848 = arith.minimumf %max3A_1839, %max3A_1843 : vector<16xf32>
          %max3A_1849 = arith.maximumf %max3A_1841, %max3A_1845 : vector<16xf32>
          %min3A_1850 = arith.minimumf %max3A_1841, %max3A_1845 : vector<16xf32>
          %max3A_1851 = arith.maximumf %min3A_1840, %min3A_1844 : vector<16xf32>
          %min3A_1852 = arith.minimumf %min3A_1840, %min3A_1844 : vector<16xf32>
          %max3A_1853 = arith.maximumf %min3A_1842, %min3A_1846 : vector<16xf32>
          %min3A_1854 = arith.minimumf %min3A_1842, %min3A_1846 : vector<16xf32>
          %max3A_1855 = arith.maximumf %max3A_1847, %max3A_1849 : vector<16xf32>
          %min3A_1856 = arith.minimumf %max3A_1847, %max3A_1849 : vector<16xf32>
          %max3A_1857 = arith.maximumf %min3A_1848, %min3A_1850 : vector<16xf32>
          %min3A_1858 = arith.minimumf %min3A_1848, %min3A_1850 : vector<16xf32>
          %max3A_1859 = arith.maximumf %max3A_1851, %max3A_1853 : vector<16xf32>
          %min3A_1860 = arith.minimumf %max3A_1851, %max3A_1853 : vector<16xf32>
          %max3A_1861 = arith.maximumf %min3A_1852, %min3A_1854 : vector<16xf32>
          %min3A_1862 = arith.minimumf %min3A_1852, %min3A_1854 : vector<16xf32>
          %max3A_1863 = arith.maximumf %max3A_1831, %min3A_1862 : vector<16xf32>
          %max3A_1864 = arith.maximumf %min3A_1832, %max3A_1861 : vector<16xf32>
          %max3A_1865 = arith.maximumf %max3A_1833, %min3A_1860 : vector<16xf32>
          %max3A_1866 = arith.maximumf %min3A_1834, %max3A_1859 : vector<16xf32>
          %max3A_1867 = arith.maximumf %max3A_1835, %min3A_1858 : vector<16xf32>
          %max3A_1868 = arith.maximumf %min3A_1836, %max3A_1857 : vector<16xf32>
          %max3A_1869 = arith.maximumf %max3A_1837, %min3A_1856 : vector<16xf32>
          %max3A_1870 = arith.maximumf %min3A_1838, %max3A_1855 : vector<16xf32>
          %max3A_1871 = arith.maximumf %max3A_1863, %max3A_1867 : vector<16xf32>
          %min3A_1872 = arith.minimumf %max3A_1863, %max3A_1867 : vector<16xf32>
          %max3A_1873 = arith.maximumf %max3A_1864, %max3A_1868 : vector<16xf32>
          %min3A_1874 = arith.minimumf %max3A_1864, %max3A_1868 : vector<16xf32>
          %max3A_1875 = arith.maximumf %max3A_1865, %max3A_1869 : vector<16xf32>
          %min3A_1876 = arith.minimumf %max3A_1865, %max3A_1869 : vector<16xf32>
          %max3A_1877 = arith.maximumf %max3A_1866, %max3A_1870 : vector<16xf32>
          %min3A_1878 = arith.minimumf %max3A_1866, %max3A_1870 : vector<16xf32>
          %max3A_1879 = arith.maximumf %max3A_1871, %max3A_1875 : vector<16xf32>
          %min3A_1880 = arith.minimumf %max3A_1871, %max3A_1875 : vector<16xf32>
          %max3A_1881 = arith.maximumf %max3A_1873, %max3A_1877 : vector<16xf32>
          %min3A_1882 = arith.minimumf %max3A_1873, %max3A_1877 : vector<16xf32>
          %max3A_1883 = arith.maximumf %min3A_1872, %min3A_1876 : vector<16xf32>
          %min3A_1884 = arith.minimumf %min3A_1872, %min3A_1876 : vector<16xf32>
          %max3A_1885 = arith.maximumf %min3A_1874, %min3A_1878 : vector<16xf32>
          %min3A_1886 = arith.minimumf %min3A_1874, %min3A_1878 : vector<16xf32>
          %max3A_1887 = arith.maximumf %max3A_1879, %max3A_1881 : vector<16xf32>
          %min3A_1888 = arith.minimumf %max3A_1879, %max3A_1881 : vector<16xf32>
          %max3A_1889 = arith.maximumf %min3A_1880, %min3A_1882 : vector<16xf32>
          %min3A_1890 = arith.minimumf %min3A_1880, %min3A_1882 : vector<16xf32>
          %max3A_1891 = arith.maximumf %max3A_1883, %max3A_1885 : vector<16xf32>
          %min3A_1892 = arith.minimumf %max3A_1883, %max3A_1885 : vector<16xf32>
          %max3A_1893 = arith.maximumf %min3A_1884, %min3A_1886 : vector<16xf32>
          %min3A_1894 = arith.minimumf %min3A_1884, %min3A_1886 : vector<16xf32>
          %get3A_1895 = arith.constant 0 : i32
          %get3A_1896 = arith.index_cast %get3A_1895 : i32 to index
          %get3A_1897 = arith.constant 48 : index
          %get3A_1898 = tpu.vector_load %arg6[%get3A_1896, %get3A_1897] {strides = array<i32>} : memref<8x64xf32, #tpu.memory_space<vmem>>, vector<16xf32>,
          %get3A_1899 = arith.constant 1 : i32
          %get3A_1900 = arith.index_cast %get3A_1899 : i32 to index
          %get3A_1901 = arith.constant 48 : index
          %get3A_1902 = tpu.vector_load %arg6[%get3A_1900, %get3A_1901] {strides = array<i32>} : memref<8x64xf32, #tpu.memory_space<vmem>>, vector<16xf32>,
          %get3A_1903 = arith.constant 2 : i32
          %get3A_1904 = arith.index_cast %get3A_1903 : i32 to index
          %get3A_1905 = arith.constant 48 : index
          %get3A_1906 = tpu.vector_load %arg6[%get3A_1904, %get3A_1905] {strides = array<i32>} : memref<8x64xf32, #tpu.memory_space<vmem>>, vector<16xf32>,
          %get3A_1907 = arith.constant 3 : i32
          %get3A_1908 = arith.index_cast %get3A_1907 : i32 to index
          %get3A_1909 = arith.constant 48 : index
          %get3A_1910 = tpu.vector_load %arg6[%get3A_1908, %get3A_1909] {strides = array<i32>} : memref<8x64xf32, #tpu.memory_space<vmem>>, vector<16xf32>,
          %get3A_1911 = arith.constant 4 : i32
          %get3A_1912 = arith.index_cast %get3A_1911 : i32 to index
          %get3A_1913 = arith.constant 48 : index
          %get3A_1914 = tpu.vector_load %arg6[%get3A_1912, %get3A_1913] {strides = array<i32>} : memref<8x64xf32, #tpu.memory_space<vmem>>, vector<16xf32>,
          %get3A_1915 = arith.constant 5 : i32
          %get3A_1916 = arith.index_cast %get3A_1915 : i32 to index
          %get3A_1917 = arith.constant 48 : index
          %get3A_1918 = tpu.vector_load %arg6[%get3A_1916, %get3A_1917] {strides = array<i32>} : memref<8x64xf32, #tpu.memory_space<vmem>>, vector<16xf32>,
          %get3A_1919 = arith.constant 6 : i32
          %get3A_1920 = arith.index_cast %get3A_1919 : i32 to index
          %get3A_1921 = arith.constant 48 : index
          %get3A_1922 = tpu.vector_load %arg6[%get3A_1920, %get3A_1921] {strides = array<i32>} : memref<8x64xf32, #tpu.memory_space<vmem>>, vector<16xf32>,
          %get3A_1923 = arith.constant 7 : i32
          %get3A_1924 = arith.index_cast %get3A_1923 : i32 to index
          %get3A_1925 = arith.constant 48 : index
          %get3A_1926 = tpu.vector_load %arg6[%get3A_1924, %get3A_1925] {strides = array<i32>} : memref<8x64xf32, #tpu.memory_space<vmem>>, vector<16xf32>,
          %max3A_1927 = arith.maximumf %get3A_1898, %min3A_1894 : vector<16xf32>
          %max3A_1928 = arith.maximumf %get3A_1902, %max3A_1893 : vector<16xf32>
          %max3A_1929 = arith.maximumf %get3A_1906, %min3A_1892 : vector<16xf32>
          %max3A_1930 = arith.maximumf %get3A_1910, %max3A_1891 : vector<16xf32>
          %max3A_1931 = arith.maximumf %get3A_1914, %min3A_1890 : vector<16xf32>
          %max3A_1932 = arith.maximumf %get3A_1918, %max3A_1889 : vector<16xf32>
          %max3A_1933 = arith.maximumf %get3A_1922, %min3A_1888 : vector<16xf32>
          %max3A_1934 = arith.maximumf %get3A_1926, %max3A_1887 : vector<16xf32>
          %max3A_1935 = arith.maximumf %max3A_1927, %max3A_1931 : vector<16xf32>
          %min3A_1936 = arith.minimumf %max3A_1927, %max3A_1931 : vector<16xf32>
          %max3A_1937 = arith.maximumf %max3A_1928, %max3A_1932 : vector<16xf32>
          %min3A_1938 = arith.minimumf %max3A_1928, %max3A_1932 : vector<16xf32>
          %max3A_1939 = arith.maximumf %max3A_1929, %max3A_1933 : vector<16xf32>
          %min3A_1940 = arith.minimumf %max3A_1929, %max3A_1933 : vector<16xf32>
          %max3A_1941 = arith.maximumf %max3A_1930, %max3A_1934 : vector<16xf32>
          %min3A_1942 = arith.minimumf %max3A_1930, %max3A_1934 : vector<16xf32>
          %max3A_1943 = arith.maximumf %max3A_1935, %max3A_1939 : vector<16xf32>
          %min3A_1944 = arith.minimumf %max3A_1935, %max3A_1939 : vector<16xf32>
          %max3A_1945 = arith.maximumf %max3A_1937, %max3A_1941 : vector<16xf32>
          %min3A_1946 = arith.minimumf %max3A_1937, %max3A_1941 : vector<16xf32>
          %max3A_1947 = arith.maximumf %min3A_1936, %min3A_1940 : vector<16xf32>
          %min3A_1948 = arith.minimumf %min3A_1936, %min3A_1940 : vector<16xf32>
          %max3A_1949 = arith.maximumf %min3A_1938, %min3A_1942 : vector<16xf32>
          %min3A_1950 = arith.minimumf %min3A_1938, %min3A_1942 : vector<16xf32>
          %max3A_1951 = arith.maximumf %max3A_1943, %max3A_1945 : vector<16xf32>
          %min3A_1952 = arith.minimumf %max3A_1943, %max3A_1945 : vector<16xf32>
          %max3A_1953 = arith.maximumf %min3A_1944, %min3A_1946 : vector<16xf32>
          %min3A_1954 = arith.minimumf %min3A_1944, %min3A_1946 : vector<16xf32>
          %max3A_1955 = arith.maximumf %max3A_1947, %max3A_1949 : vector<16xf32>
          %min3A_1956 = arith.minimumf %max3A_1947, %max3A_1949 : vector<16xf32>
          %max3A_1957 = arith.maximumf %min3A_1948, %min3A_1950 : vector<16xf32>
          %min3A_1958 = arith.minimumf %min3A_1948, %min3A_1950 : vector<16xf32>
          %swap3A_1959 = arith.constant 0 : i32
          %swap3A_1960 = arith.index_cast %swap3A_1959 : i32 to index
          %swap3A_1961 = arith.constant 48 : index
          %swap3A_1962 = tpu.vector_load %arg6[%swap3A_1960, %swap3A_1961] {strides = array<i32>} : memref<8x64xf32, #tpu.memory_space<vmem>>, vector<16xf32>,
          tpu.vector_store %arg6[%swap3A_1960, %swap3A_1961], %max3A_1951 {strides = array<i32>} : memref<8x64xf32, #tpu.memory_space<vmem>>, vector<16xf32>,
          %swap3A_1963 = arith.constant 1 : i32
          %swap3A_1964 = arith.index_cast %swap3A_1963 : i32 to index
          %swap3A_1965 = arith.constant 48 : index
          %swap3A_1966 = tpu.vector_load %arg6[%swap3A_1964, %swap3A_1965] {strides = array<i32>} : memref<8x64xf32, #tpu.memory_space<vmem>>, vector<16xf32>,
          tpu.vector_store %arg6[%swap3A_1964, %swap3A_1965], %min3A_1952 {strides = array<i32>} : memref<8x64xf32, #tpu.memory_space<vmem>>, vector<16xf32>,
          %swap3A_1967 = arith.constant 2 : i32
          %swap3A_1968 = arith.index_cast %swap3A_1967 : i32 to index
          %swap3A_1969 = arith.constant 48 : index
          %swap3A_1970 = tpu.vector_load %arg6[%swap3A_1968, %swap3A_1969] {strides = array<i32>} : memref<8x64xf32, #tpu.memory_space<vmem>>, vector<16xf32>,
          tpu.vector_store %arg6[%swap3A_1968, %swap3A_1969], %max3A_1953 {strides = array<i32>} : memref<8x64xf32, #tpu.memory_space<vmem>>, vector<16xf32>,
          %swap3A_1971 = arith.constant 3 : i32
          %swap3A_1972 = arith.index_cast %swap3A_1971 : i32 to index
          %swap3A_1973 = arith.constant 48 : index
          %swap3A_1974 = tpu.vector_load %arg6[%swap3A_1972, %swap3A_1973] {strides = array<i32>} : memref<8x64xf32, #tpu.memory_space<vmem>>, vector<16xf32>,
          tpu.vector_store %arg6[%swap3A_1972, %swap3A_1973], %min3A_1954 {strides = array<i32>} : memref<8x64xf32, #tpu.memory_space<vmem>>, vector<16xf32>,
          %swap3A_1975 = arith.constant 4 : i32
          %swap3A_1976 = arith.index_cast %swap3A_1975 : i32 to index
          %swap3A_1977 = arith.constant 48 : index
          %swap3A_1978 = tpu.vector_load %arg6[%swap3A_1976, %swap3A_1977] {strides = array<i32>} : memref<8x64xf32, #tpu.memory_space<vmem>>, vector<16xf32>,
          tpu.vector_store %arg6[%swap3A_1976, %swap3A_1977], %max3A_1955 {strides = array<i32>} : memref<8x64xf32, #tpu.memory_space<vmem>>, vector<16xf32>,
          %swap3A_1979 = arith.constant 5 : i32
          %swap3A_1980 = arith.index_cast %swap3A_1979 : i32 to index
          %swap3A_1981 = arith.constant 48 : index
          %swap3A_1982 = tpu.vector_load %arg6[%swap3A_1980, %swap3A_1981] {strides = array<i32>} : memref<8x64xf32, #tpu.memory_space<vmem>>, vector<16xf32>,
          tpu.vector_store %arg6[%swap3A_1980, %swap3A_1981], %min3A_1956 {strides = array<i32>} : memref<8x64xf32, #tpu.memory_space<vmem>>, vector<16xf32>,
          %swap3A_1983 = arith.constant 6 : i32
          %swap3A_1984 = arith.index_cast %swap3A_1983 : i32 to index
          %swap3A_1985 = arith.constant 48 : index
          %swap3A_1986 = tpu.vector_load %arg6[%swap3A_1984, %swap3A_1985] {strides = array<i32>} : memref<8x64xf32, #tpu.memory_space<vmem>>, vector<16xf32>,
          tpu.vector_store %arg6[%swap3A_1984, %swap3A_1985], %max3A_1957 {strides = array<i32>} : memref<8x64xf32, #tpu.memory_space<vmem>>, vector<16xf32>,
          %swap3A_1987 = arith.constant 7 : i32
          %swap3A_1988 = arith.index_cast %swap3A_1987 : i32 to index
          %swap3A_1989 = arith.constant 48 : index
          %swap3A_1990 = tpu.vector_load %arg6[%swap3A_1988, %swap3A_1989] {strides = array<i32>} : memref<8x64xf32, #tpu.memory_space<vmem>>, vector<16xf32>,
          tpu.vector_store %arg6[%swap3A_1988, %swap3A_1989], %min3A_1958 {strides = array<i32>} : memref<8x64xf32, #tpu.memory_space<vmem>>, vector<16xf32>,
          scf.yield %min3A_878, %min3A_1238, %min3A_1598, %min3A_1958 : vector<16xf32>, vector<16xf32>, vector<16xf32>, vector<16xf32>
        } else {
          scf.yield %scan3A_279, %scan3A_280, %scan3A_281, %scan3A_282 : vector<16xf32>, vector<16xf32>, vector<16xf32>, vector<16xf32>
        }
        scf.yield %cond3A_552#0, %cond3A_552#1, %cond3A_552#2, %cond3A_552#3 : vector<16xf32>, vector<16xf32>, vector<16xf32>, vector<16xf32>
      }
      %scan3A_270 = arith.constant 32 : i32
      %add3A_271 = arith.constant 3 : i32
      %add3A_272 = arith.addi %mul3A_237, %add3A_271 : i32
      %lt3A_273 = arith.constant 64 : i32
      %lt3A_274 = arith.cmpi slt, %add3A_272, %lt3A_273 : i32
      %convert_element_type3A_275 = arith.extui %lt3A_274 : i1 to i32
      %cond3A_276 = arith.constant 0 : i32
      %cond3A_277 = arith.cmpi ne, %convert_element_type3A_275, %cond3A_276 : i32
      scf.if %cond3A_277 {
        %add3A_278 = arith.constant 3 : i32
        %add3A_279 = arith.addi %mul3A_237, %add3A_278 : i32
        %mul3A_280 = arith.constant 512 : i32
        %mul3A_281 = arith.muli %add3A_279, %mul3A_280 : i32
        %dma_start3A_282 = arith.constant 0 : i32
        %dma_start3A_283 = tpu.memref_slice %arg2[%add3A, %dma_start3A_282, %mul3A_281] : memref<32x64x32768xf32, #tpu.memory_space<hbm>> -> memref<1x64x512xf32, #tpu.memory_space<hbm>>
        %dma_start3A_284 = tpu.memref_squeeze %dma_start3A_283 : memref<1x64x512xf32, #tpu.memory_space<hbm>> -> memref<64x512xf32, #tpu.memory_space<hbm>>
        %dma_start3A_285 = arith.constant 0 : i32
        %dma_start3A_286 = tpu.memref_slice %arg2[%add3A, %dma_start3A_285, %mul3A_281] : memref<32x64x32768xf32, #tpu.memory_space<hbm>> -> memref<1x64x512xf32, #tpu.memory_space<hbm>>
        %dma_start3A_287 = tpu.memref_squeeze %dma_start3A_286 : memref<1x64x512xf32, #tpu.memory_space<hbm>> -> memref<64x512xf32, #tpu.memory_space<hbm>>
        tpu.enqueue_dma source(%dma_start3A_287 : memref<64x512xf32, #tpu.memory_space<hbm>>) target(%arg5 : memref<64x512xf32, #tpu.memory_space<vmem>>) target_semaphore(%arg8 : memref<!tpu.dma_semaphore, #tpu.memory_space<semaphore_mem>>)
      } else {
      }
      scf.yield %scan3A_269#0, %scan3A_269#1, %scan3A_269#2, %scan3A_269#3 : vector<16xf32>, vector<16xf32>, vector<16xf32>, vector<16xf32>
    }
    %scan3A_230 = arith.constant 32 : i32
    "tpu.region"() ({
      %run_scoped3A = tpu.sem_alloc : memref<!tpu.dma_semaphore, #tpu.memory_space<semaphore_mem>>
      %dma_start3A_231 = arith.constant 0 : i32
      %dma_start3A_232 = arith.constant 0 : i32
      %dma_start3A_233 = tpu.memref_slice %arg3[%add3A, %dma_start3A_231, %dma_start3A_232] : memref<32x8x64xf32, #tpu.memory_space<hbm>> -> memref<1x8x64xf32, #tpu.memory_space<hbm>>
      %dma_start3A_234 = tpu.memref_squeeze %dma_start3A_233 : memref<1x8x64xf32, #tpu.memory_space<hbm>> -> memref<8x64xf32, #tpu.memory_space<hbm>>
      %dma_start3A_235 = arith.constant 0 : i32
      %dma_start3A_236 = arith.constant 0 : i32
      %dma_start3A_237 = tpu.memref_slice %arg3[%add3A, %dma_start3A_235, %dma_start3A_236] : memref<32x8x64xf32, #tpu.memory_space<hbm>> -> memref<1x8x64xf32, #tpu.memory_space<hbm>>
      %dma_start3A_238 = tpu.memref_squeeze %dma_start3A_237 : memref<1x8x64xf32, #tpu.memory_space<hbm>> -> memref<8x64xf32, #tpu.memory_space<hbm>>
      tpu.enqueue_dma source(%arg6 : memref<8x64xf32, #tpu.memory_space<vmem>>) target(%dma_start3A_238 : memref<8x64xf32, #tpu.memory_space<hbm>>) target_semaphore(%run_scoped3A : memref<!tpu.dma_semaphore, #tpu.memory_space<semaphore_mem>>)
      %dma_wait3A = arith.constant 0 : i32
      %dma_wait3A_239 = arith.constant 0 : i32
      %dma_wait3A_240 = tpu.memref_slice %arg3[%add3A, %dma_wait3A, %dma_wait3A_239] : memref<32x8x64xf32, #tpu.memory_space<hbm>> -> memref<1x8x64xf32, #tpu.memory_space<hbm>>
      %dma_wait3A_241 = tpu.memref_squeeze %dma_wait3A_240 : memref<1x8x64xf32, #tpu.memory_space<hbm>> -> memref<8x64xf32, #tpu.memory_space<hbm>>
      %dma_wait3A_242 = arith.constant 0 : i32
      %dma_wait3A_243 = arith.constant 0 : i32
      %dma_wait3A_244 = tpu.memref_slice %arg3[%add3A, %dma_wait3A_242, %dma_wait3A_243] : memref<32x8x64xf32, #tpu.memory_space<hbm>> -> memref<1x8x64xf32, #tpu.memory_space<hbm>>
      %dma_wait3A_245 = tpu.memref_squeeze %dma_wait3A_244 : memref<1x8x64xf32, #tpu.memory_space<hbm>> -> memref<8x64xf32, #tpu.memory_space<hbm>>
      tpu.wait_dma2 semaphore(%run_scoped3A : memref<!tpu.dma_semaphore, #tpu.memory_space<semaphore_mem>>) src(%arg6 : memref<8x64xf32, #tpu.memory_space<vmem>>) dst(%dma_wait3A_245 : memref<8x64xf32, #tpu.memory_space<hbm>>)
      tpu.yield
    }) : () -> ()
    return
  }
}

</mosaic_0001>

<sc_bundles>
// kernel: _kmax.3.cloned.1.call-start
scs
__scs_entry_jumppad:
0x0: {  	(pc) =	sbr.rel $0x88, $3  }
0x1: {  	(tag) =	ssettag $0x0;
	lr =	simm.s32 $0x1  }
0x2: {  	[smem:$0x3FA0] =	sst lr;
	_ =	strace $0xD0000000  }
0x3: {  	_ = 	snop  }
0x4: {  	_ = 	snop  }
0x5: {  	_ = 	snop  }
0x6: {  	_ = 	snop  }
0x7: {  	_ = 	snop  }
__scs_overlays_trampoline_lowered:
0x8: {  	[smem:$0x3FAF] =	sst s0  }
0x9: {  	[smem:$0x3FB0] =	sst s1  }
0xa: {  	[smem:$0x3FB1] =	sst s2  }
0xb: {  	[smem:$0x3FB2] =	sst s3  }
0xc: {  	[smem:$0x3FB3] =	sst s4  }
0xd: {  	[smem:$0x3FB4] =	sst s5  }
0xe: {  	[smem:$0x3FB5] =	sst s6  }
0xf: {  	[smem:$0x3FB6] =	sst s7  }
0x10: {  	[smem:$0x3FB7] =	sst s8  }
0x11: {  	[smem:$0x3FB8] =	sst s9;
	s0 =	simm.s32 @!p0 $0x0  }
0x12: {  	s1 =	sld [smem:$0x3F9E];
	s0 =	simm.s32 @p0 $0x1  }
0x13: {  	[smem:$0x3FB9] =	sst s0;
	s0 =	simm.s32 @!p1 $0x0  }
0x14: {  	s2 =	sld [smem:$0x3F9D];
	s0 =	simm.s32 @p1 $0x1  }
0x15: {  	[smem:$0x3FBA] =	sst s0;
	s0 =	simm.s32 @!p2 $0x0  }
0x16: {  	s3 =	sld [smem:$0x3FDB];
	s0 =	simm.s32 @p2 $0x1  }
0x17: {  	s4 =	simm.s32 $0x1BF5;
	[smem:$0x3FBC] =	sst s0  }
0x18: {  	s0 =	sld [smem:$0x3F9F];
	_ =	swait.ge [sflag:s4], $0x0  }
0x19: {  	s7 =	sld [smem:$0x3FA0]  }
0x1a: {  	s8 =	sadd.s32 $0xFFFFE003, lr  }
0x1b: {  	s9 =	sadd.s32 $0xFFFFFEF7, lr;
	s5 =	simm.s32 $0xFFFFFFFF;
	p2 =	slt.u32 s8, $0xFFFFF086  }
0x1c: {  	p1 =	slt.u32 s9, $0xF7A;
	s5 =	simm.s32 @!p2 $0x0  }
0x1d: {  	s5 =	simm.s32 @p1 $0x1;
	p0 =	seq.s32 s7, s2  }
0x1e: {  	s7 =	smul.u32 @!p0 $0xF7A, s2;
	p2 =	seq.s32 @!p0 s5, $0x0  }
0x1f: {  	s9 =	smul.u32 $0xF7A, s1;
	s8 =	simm.s32 @!p0 $0x1BF5;
	p2 =	por !p2, p0  }
0x20: {  	[sflag:s8] =	ssyncset.s32 @!p0 $0xFFFFF086;
	s6 =	sadd.s32 @!p0 s3, s7;
	s7 =	simm.s32 @!p0 $0x108  }
0x21: {  	s3 =	sadd.s32 s3, s9;
	s6 =	sadd.s32 @!p0 $0x88, s6;
	s7 =	simm.s32 @p2 $0x1082  }
0x22: {  	[simem:s7], [sflag:s8] =	dma.local @!p0 [hbm:s6], $0xF7A  }
0x23: {  	s9 =	sor.u32 $0xD0000000, s2;
	s6 =	simm.s32 $0x108;
	_ =	swait.ge @!p0 [sflag:s8], $0x0  }
0x24: {  	s3 =	sadd.s32 $0x88, s3;
	s6 =	simm.s32 @!p1 $0x1082;
	[sflag:s4] =	ssyncset.s32 $0xFFFFF086  }
0x25: {  	[simem:s6], [sflag:s4] =	dma.local [hbm:s3], $0xF7A  }
0x26: {  	[smem:$0x3FA0] =	sst s1;
	(tag) =	ssettag s2;
	_ =	strace s9  }
0x27: {  	s1 =	sld [smem:$0x3FB0]  }
0x28: {  	s2 =	sld [smem:$0x3FB1]  }
0x29: {  	s4 =	sld [smem:$0x3FB3]  }
0x2a: {  	p0 =	seq.s32 s5, $0x0;
	s5 =	sld [smem:$0x3FB4]  }
0x2b: {  	s6 =	sld [smem:$0x3FB5]  }
0x2c: {  	s7 =	sld [smem:$0x3FB6]  }
0x2d: {  	s3 =	simm.s32 $0x108;
	s8 =	sld [smem:$0x3FB7]  }
0x2e: {  	s3 =	simm.s32 @!p0 $0x1082;
	s9 =	sld [smem:$0x3FB8]  }
0x2f: {  	lr =	sadd.s32 s0, s3;
	s0 =	sld [smem:$0x3FAF]  }
0x30: {  	s3 =	sld [smem:$0x3FB2]  }
0x31: {  	[smem:$0x3FBB] =	sst s10  }
0x32: {  	s10 =	sld [smem:$0x3FB9];
	_ =	sdelay $0x3  }
0x33: {  	p0 =	seq.s32 s10, $0x1;
	s10 =	sld [smem:$0x3FBB];
	_ =	sdelay $0x3  }
0x34: {  	[smem:$0x3FBB] =	sst s10  }
0x35: {  	s10 =	sld [smem:$0x3FBA];
	_ =	sdelay $0x3  }
0x36: {  	p1 =	seq.s32 s10, $0x1;
	s10 =	sld [smem:$0x3FBB];
	_ =	sdelay $0x3  }
0x37: {  	[smem:$0x3FBB] =	sst s10  }
0x38: {  	s10 =	sld [smem:$0x3FBC]  }
0x39: {  	_ = 	snop;
	(pc) =	sbr.ind lr, $3  }
0x3a: {  	_ = 	snop  }
0x3b: {  	_ = 	snop  }
0x3c: {  	p2 =	seq.s32 s10, $0x1;
	s10 =	sld [smem:$0x3FBB]  }
0x3d: {  	_ =	shalt  }
0x3e: {  	_ =	shalt  }
0x3f: {  	_ =	shalt  }
0x40: {  	_ =	shalt  }
0x41: {  	_ =	shalt  }
0x42: {  	_ =	shalt  }
0x43: {  	_ =	shalt  }
0x44: {  	_ =	shalt  }
0x45: {  	_ =	shalt  }
0x46: {  	_ =	shalt  }
0x47: {  	_ =	shalt  }
0x48: {  	_ =	shalt  }
0x49: {  	_ =	shalt  }
0x4a: {  	_ =	shalt  }
0x4b: {  	_ =	shalt  }
0x4c: {  	_ =	shalt  }
0x4d: {  	_ =	shalt  }
0x4e: {  	_ =	shalt  }
0x4f: {  	_ =	shalt  }
0x50: {  	_ =	shalt  }
0x51: {  	_ =	shalt  }
0x52: {  	_ =	shalt  }
0x53: {  	_ =	shalt  }
0x54: {  	_ =	shalt  }
0x55: {  	_ =	shalt  }
0x56: {  	_ =	shalt  }
0x57: {  	_ =	shalt  }
0x58: {  	_ =	shalt  }
0x59: {  	_ =	shalt  }
0x5a: {  	_ =	shalt  }
0x5b: {  	_ =	shalt  }
0x5c: {  	_ =	shalt  }
0x5d: {  	_ =	shalt  }
0x5e: {  	_ =	shalt  }
0x5f: {  	_ =	shalt  }
0x60: {  	_ =	shalt  }
0x61: {  	_ =	shalt  }
0x62: {  	_ =	shalt  }
0x63: {  	_ =	shalt  }
0x64: {  	_ =	shalt  }
0x65: {  	_ =	shalt  }
0x66: {  	_ =	shalt  }
0x67: {  	_ =	shalt  }
0x68: {  	_ =	shalt  }
0x69: {  	_ =	shalt  }
0x6a: {  	_ =	shalt  }
0x6b: {  	_ =	shalt  }
0x6c: {  	_ =	shalt  }
0x6d: {  	_ =	shalt  }
0x6e: {  	_ =	shalt  }
0x6f: {  	_ =	shalt  }
0x70: {  	_ =	shalt  }
0x71: {  	_ =	shalt  }
0x72: {  	_ =	shalt  }
0x73: {  	_ =	shalt  }
0x74: {  	_ =	shalt  }
0x75: {  	_ =	shalt  }
0x76: {  	_ =	shalt  }
0x77: {  	_ =	shalt  }
0x78: {  	_ =	shalt  }
0x79: {  	_ =	shalt  }
0x7a: {  	_ =	shalt  }
0x7b: {  	_ =	shalt  }
0x7c: {  	_ =	shalt  }
0x7d: {  	_ =	shalt  }
0x7e: {  	_ =	shalt  }
0x7f: {  	_ =	shalt  }
0x80: {  	_ =	shalt  }
0x81: {  	_ =	shalt  }
0x82: {  	_ =	shalt  }
0x83: {  	_ =	shalt  }
0x84: {  	_ =	shalt  }
0x85: {  	_ =	shalt  }
0x86: {  	_ =	shalt  }
0x87: {  	_ =	shalt  }
.Lfunc_end0:
.L_simem_size_0:
called_computation_lowered:
.L_overlay_start_0:
0x88: {  	s2 =	sld [smem:$0x3FD9]  }
0x89: {  	s3 =	sld [smem:$0x3FFE];
	_ =	sdelay $0x1  }
0x8a: {  	s1 =	srdreg.scid  }
0x8b: {  	s0 =	sand.u32 $0x1, s1  }
0x8c: {  	s18 =	sshll.u32 s0, $0xA;
	s2 =	sadd.s32 s3, s2  }
0x8d: {  	s2 =	sadd.s32 s2, s18  }
0x8e: {  	[smem:$0x3FC7] =	sst s2  }
0x8f: {  	_ = 	snop  }
0x90: {  	s2 =	sld [smem:$0x3FC9]  }
0x91: {  	s19 =	sld [smem:$0x3FD0];
	(tm) =	ssettm $0x1  }
0x92: {  	s4 =	sld [smem:$0x3FFB];
	_ =	sdelay $0x3  }
0x93: {  	_ =	strace s4  }
0x94: {  	s4 =	sld [smem:$0x3FFC];
	_ =	sdelay $0x3  }
0x95: {  	_ =	strace s4  }
0x96: {  	s4 =	sld [smem:$0x3FFD];
	_ =	sdelay $0x3  }
0x97: {  	_ =	strace s4  }
0x98: {  	_ =	strace $0x8FFFFFFF  }
0x99: {  	s20 =	sld [smem:$0x3FDB];
	_ =	sdelay $0x1  }
0x9a: {  	s5 =	simm.s32 $_scs_section_size  }
0x9b: {  	s6 =	simm.s32 $_size__tile_overlayer_lowered;
	s7 =	simm.s32 $_tile_overlayer_lowered  }
0x9c: {  	s23 =	simm.s32 $0x1BFF;
	s22 =	sshll.u32 s7, $0x1;
	s4 =	sadd.s32 s5, s20  }
0x9d: {  	s8 =	simm.s32 $0x0;
	s21 =	sshll.u32 s6, $0x1;
	s6 =	sadd.s32 s22, s4  }
0x9e: {  	[timem:s8], [sflag:s23] =	dma.local [hbm:s6], s21  }
0x9f: {  	_ =	swait.ge [sflag:s23], s21  }
0xa0: {  	s5 =	ssub.s32 $0x0, s21;
	[sflag:s23] =	ssyncset.done $0x0  }
0xa1: {  	[sflag:s23] =	ssyncadd.s32 s5;
	_ =	sdelay $0x1  }
0xa2: {  	s24 =	simm.s32 $0x1B8B  }
0xa3: {  	_ =	swait.ge [sflag:s24], $0x1  }
0xa4: {  	[sflag:s24] =	ssyncset.done $0x0  }
0xa5: {  	s25 =	simm.s32 $0x1B8E;
	[sflag:s24] =	ssyncadd.s32 $0xFFFFFFFF  }
0xa6: {  	s26 =	simm.s32 $execute0_lowered;
	[smem:$0x3FD2] =	sst s25  }
0xa7: {  	s5 =	sshll.u32 s26, $0x1;
	_ =	strace $0x80000046;
	[dreg:$0x1] =	wrdreg $0xFFFFFFFF  }
0xa8: {  	s28 =	simm.s32 $_size_execute0_lowered;
	s4 =	sadd.s32 s4, s5;
	[dreg:$0x0] =	wrdreg $0x0  }
0xa9: {  	s5 =	sshll.u32 s28, $0x1;
	[dreg:$0x2] =	wrdreg s4  }
0xaa: {  	[dreg:$0x3] =	wrdreg s5  }
0xab: {  	[dreg:$0x4] =	wrdreg $0xC0  }
0xac: {  	_ =	task [dreg:s8], $0x5FFFF  }
0xad: {  	[dreg:$0x1] =	wrdreg $0xFFFFFFFF  }
0xae: {  	[dreg:$0x0] =	wrdreg $0x60  }
0xaf: {  	[dreg:$0x2] =	wrdreg s2  }
0xb0: {  	[dreg:$0x3] =	wrdreg s19  }
0xb1: {  	[dreg:$0x4] =	wrdreg $0x9  }
0xb2: {  	_ =	task.clear_ibuf [dreg:s8], $0x5FFFF;
	_ =	strace $0x90000046  }
0xb3: {  	s29 =	simm.s32 $0x9;
	_ =	strace $0x80000048  }
0xb4: {  	_ =	swait.ge [sflag:s29], $0x1  }
0xb5: {  	[sflag:s29] =	ssyncadd.s32 $0xFFFFFFFF  }
0xb6: {  	_ =	strace $0x90000048  }
0xb7: {  	_ =	sfence  }
0xb8: {  	s30 =	sld [smem:$0x0];
	_ =	sdelay $0x2  }
0xb9: {  	s31 =	sshll.u32 s1, $0xD;
	s1 =	sshrl.u32 s1, $0x2  }
0xba: {  	s3 =	sand.u32 $0x4000, s31;
	s1 =	sadd.s32 s1, s30  }
0xbb: {  	s0 =	sor.u32 s3, s0;
	s1 =	sshll.u32 s1, $0x11  }
0xbc: {  	s0 =	sor.u32 s1, s0  }
0xbd: {  	s0 =	sadd.s32 $0x8F2B, s0  }
0xbe: {  	[sflag:s0] =	ssyncadd.remote.s32 $0x1  }
0xbf: {  	_ =	sfence.sel $0xFFFF  }
0xc0: {  	[dreg:$0x0] =	wrdreg $0xFFFFFFFF;
	(pc) =	sbr.abs _section_cstart, $3  }
0xc1: {  	[dreg:$0x1] =	wrdreg $0xFFFFFFFF  }
0xc2: {  	_ =	task.clear_ibuf [dreg:s8], $0x2FFFF;
	_ =	strace $0x9FFFFFFF  }
0xc3: {  	(tm) =	ssettm $0x7FFFFFFF  }
tec
execute0_lowered:
.L_overlay_start_1:
0x0: {  	(tag) =	ssettag $0x1  }
0x1: {  	v0 =	vimm.s32 $0x1380;
	vm14 =	vcmask $0x300  }
0x2: {  	vm13 =	vcmask $0x704;
	vm12 =	vcmask $0xB08;
	vm11 =	vcmask $0xF0C  }
0x3: {  	vm3 =	vcmask $0x1310;
	v1 =	vimm.s32 $0xFEDCBA9;
	vm4 =	vcmask $0x1714  }
0x4: {  	vm5 =	vcmask $0x1B18;
	v2 =	vimm.s32 $0x87654321;
	vm6 =	vcmask $0x1F1C  }
0x5: {  	vm7 =	vcmask $0x2320;
	vm8 =	vcmask $0x2724;
	vm9 =	vcmask $0x2B28  }
0x6: {  	vm2 =	vcmask $0x2F2C;
	vm10 =	vcmask $0x3330;
	vm1 =	vcmask $0x3734  }
0x7: {  	v36 =	vimm.s32 $0x3380;
	vm0 =	vcmask $0x3B38;
	v4 =	vimm.s32 $0x5380  }
0x8: {  	v39 =	vimm.s32 $0x7380;
	v43 =	vimm.s32 $0x10FEDCBA;
	v44 =	vimm.s32 $0x98765432  }
0x9: {  	v5 =	vimm.s32 $0x210FEDCB;
	v6 =	vimm.s32 $0xA9876543;
	v7 =	vimm.s32 $0x3210FEDC  }
0xa: {  	v8 =	vimm.s32 $0xBA987654;
	v9 =	vimm.s32 $0x43210FED;
	v10 =	vimm.s32 $0xCBA98765  }
0xb: {  	v51 =	vimm.s32 $0x543210FE;
	v13 =	vimm.s32 $0xDCBA9876;
	v14 =	vimm.s32 $0x6543210F  }
0xc: {  	v15 =	vimm.s32 $0xEDCBA987;
	v16 =	vimm.s32 $0xFEDCBA98;
	v17 =	vimm.s32 $0x76543210  }
0xd: {  	v0 =	vsel vm14, $0x0, v0;
	v1 =	vunpack.c.l.s4.s8 v1;
	v2 =	vunpack.c.l.s4.s8 v2  }
0xe: {  	v38 =	vsel vm14, $0x4000, v4;
	v4 =	vsel vm14, $0x6000, v39;
	v5 =	vunpack.c.l.s4.s8 v5  }
0xf: {  	v6 =	vunpack.c.l.s4.s8 v6;
	v7 =	vunpack.c.l.s4.s8 v7;
	v8 =	vunpack.c.l.s4.s8 v8  }
0x10: {  	v9 =	vunpack.c.l.s4.s8 v9;
	v10 =	vunpack.c.l.s4.s8 v10;
	v13 =	vunpack.c.l.s4.s8 v13  }
0x11: {  	v14 =	vunpack.c.l.s4.s8 v14;
	v15 =	vunpack.c.l.s4.s8 v15;
	v0 =	vsel vm13, $0x80, v0  }
0x12: {  	v16 =	vunpack.c.l.s4.s8 v16;
	v17 =	vunpack.c.l.s4.s8 v17;
	v0 =	vsel vm12, $0x100, v0  }
0x13: {  	v4 =	vsel vm13, $0x6080, v4;
	v32 =	vunpack.c.0.s8.s32 v1;
	v0 =	vsel vm11, $0x180, v0  }
0x14: {  	v33 =	vunpack.c.0.s8.s32 v2;
	v4 =	vsel vm12, $0x6100, v4;
	v0 =	vsel vm3, $0x200, v0  }
0x15: {  	v5 =	vunpack.c.0.s8.s32 v5;
	v6 =	vunpack.c.0.s8.s32 v6;
	v0 =	vsel vm4, $0x280, v0  }
0x16: {  	v7 =	vunpack.c.0.s8.s32 v7;
	v8 =	vunpack.c.0.s8.s32 v8;
	v0 =	vsel vm5, $0x300, v0  }
0x17: {  	v45 =	vunpack.c.0.s8.s32 v9;
	v35 =	vcombine.low v33, v32;
	v3 =	vsel vm6, $0x380, v0  }
0x18: {  	v46 =	vunpack.c.0.s8.s32 v10;
	v13 =	vunpack.c.0.s8.s32 v13;
	v3 =	vsel vm7, $0x1000, v3  }
0x19: {  	v14 =	vunpack.c.0.s8.s32 v14;
	v34 =	vsel vm8, $0x1080, v3;
	v3 =	vand.u32 $0xF, v35  }
0x1a: {  	v15 =	vunpack.c.0.s8.s32 v15;
	v2 =	vsel vm9, $0x1100, v34;
	[tilespmem:$0x1FED0] =	vst v3;
	v3 =	vsel vm14, $0x2000, v36  }
0x1b: {  	v2 =	vsel vm2, $0x1180, v2;
	v37 =	vsel vm13, $0x2080, v3;
	v3 =	vsel vm13, $0x4080, v38  }
0x1c: {  	v4 =	vsel vm11, $0x6180, v4;
	v2 =	vsel vm10, $0x1200, v2;
	v3 =	vsel vm12, $0x4100, v3  }
0x1d: {  	v4 =	vsel vm3, $0x6200, v4;
	v2 =	vsel vm1, $0x1280, v2;
	v3 =	vsel vm11, $0x4180, v3  }
0x1e: {  	v12 =	vcombine.low v6, v5;
	v2 =	vsel vm0, $0x1300, v2;
	v3 =	vsel vm3, $0x4200, v3  }
0x1f: {  	v4 =	vsel vm4, $0x6280, v4;
	[tilespmem:$0x1FEE0] =	vst v2;
	v2 =	vsel vm12, $0x2100, v37;
	v3 =	vsel vm4, $0x4280, v3  }
0x20: {  	v4 =	vsel vm5, $0x6300, v4;
	v2 =	vsel vm11, $0x2180, v2;
	v3 =	vsel vm5, $0x4300, v3  }
0x21: {  	v4 =	vsel vm6, $0x6380, v4;
	v2 =	vsel vm3, $0x2200, v2;
	v3 =	vsel vm6, $0x4380, v3  }
0x22: {  	v4 =	vsel vm7, $0x7000, v4;
	v2 =	vsel vm4, $0x2280, v2;
	v3 =	vsel vm7, $0x5000, v3  }
0x23: {  	v4 =	vsel vm8, $0x7080, v4;
	v2 =	vsel vm5, $0x2300, v2;
	v3 =	vsel vm8, $0x5080, v3  }
0x24: {  	v4 =	vsel vm9, $0x7100, v4;
	v2 =	vsel vm6, $0x2380, v2;
	v3 =	vsel vm9, $0x5100, v3  }
0x25: {  	v41 =	vsel vm2, $0x7180, v4;
	v2 =	vsel vm7, $0x3000, v2;
	v3 =	vsel vm2, $0x5180, v3  }
0x26: {  	v4 =	vunpack.c.l.s4.s8 v44;
	v2 =	vsel vm8, $0x3080, v2;
	v3 =	vsel vm10, $0x5200, v3  }
0x27: {  	v2 =	vsel vm9, $0x3100, v2;
	v40 =	vsel vm1, $0x5280, v3;
	v3 =	vunpack.c.l.s4.s8 v43  }
0x28: {  	v49 =	vcombine.low v8, v7;
	v48 =	vand.u32 $0xF, v12;
	v2 =	vsel vm2, $0x3180, v2  }
0x29: {  	v4 =	vunpack.c.0.s8.s32 v4;
	v2 =	vsel vm10, $0x3200, v2;
	v3 =	vunpack.c.0.s8.s32 v3  }
0x2a: {  	v12 =	vunpack.c.l.s4.s8 v51;
	v10 =	vand.u32 $0xF, v49;
	[tilespmem:$0x1FF30] =	vst v48;
	v2 =	vsel vm1, $0x3280, v2  }
0x2b: {  	v16 =	vunpack.c.0.s8.s32 v16;
	[tilespmem:$0x1FF40] =	vst v10;
	v2 =	vsel vm0, $0x3300, v2;
	v11 =	vcombine.low v4, v3  }
0x2c: {  	v50 =	vcombine.low v46, v45;
	v12 =	vunpack.c.0.s8.s32 v12;
	[tilespmem:$0x1FEF0] =	vst v2;
	v2 =	vsel vm0, $0x5300, v40  }
0x2d: {  	v17 =	vunpack.c.0.s8.s32 v17;
	v42 =	vsel vm10, $0x7200, v41;
	[tilespmem:$0x1FF00] =	vst v2;
	v47 =	vand.u32 $0xF, v11  }
0x2e: {  	s0 =	rddreg [dreg:$0x0];
	s3 =	srdreg.scid;
	v52 =	vcombine.low v13, v12;
	v2 =	vsel vm1, $0x7280, v42;
	v11 =	vand.u32 $0xF, v50;
	[tilespmem:$0x1FF20] =	vst v47  }
0x2f: {  	s8 =	rddreg [dreg:$0x1];
	s4 =	sand.u32 $0x1, s3;
	s3 =	simm.s32 $0x0;
	v16 =	vand.u32 $0xF, v16;
	v2 =	vsel vm0, $0x7300, v2;
	[tilespmem:$0x1FF50] =	vst v11  }
0x30: {  	[smem:$0x7FF] =	sst s3;
	v53 =	vcombine.low v15, v14;
	v54 =	vcombine.low v16, v17;
	v10 =	vand.u32 $0xF, v52;
	[tilespmem:$0x1FF10] =	vst v2  }
0x31: {  	s2 =	rddreg [dreg:$0x2];
	v0 =	vcombine.low v32, v33;
	_ =	strace $0x80000047;
	[tilespmem:$0x1FF60] =	vst v10  }
0x32: {  	v55 =	vand.u32 $0xF, v53;
	v56 =	vcombine.low v3, v4;
	[tilespmem:$0x1FF70] =	vst v54  }
0x33: {  	s1 =	stileid.u32;
	s12 =	simm.s32 $0x8000;
	s13 =	simm.s32 $0x1;
	v57 =	vcombine.low v5, v6;
	v0 =	vand.u32 $0xF, v0;
	[tilespmem:$0x1FF80] =	vst v55  }
0x34: {  	s14 =	simm.s32 $0x2;
	s15 =	simm.s32 $0x10000;
	s16 =	simm.s32 $0x3;
	v59 =	vcombine.low v12, v13;
	v1 =	vand.u32 $0xF, v56;
	[tilespmem:$0x1FF90] =	vst v0  }
0x35: {  	s17 =	simm.s32 $0x0;
	s5 =	sshll.u32 s1, $0x1;
	s6 =	ssub.s32 $0x2, s4;
	v60 =	vcombine.low v14, v15;
	v3 =	vand.u32 $0xF, v57;
	[tilespmem:$0x1FFA0] =	vst v1  }
.Ltmp0:
0x36: {  	s7 =	sor.u32 s4, s5;
	s31 =	sshrl.u32 s6, $0x1;
	v58 =	vcombine.low v7, v8;
	v62 =	vand.u32 $0xF, v59;
	[tilespmem:$0x1FFB0] =	vst v3;
	(pc) =	sbr.rel .LBB2_1-.Ltmp0, $4  }
0x37: {  	s5 =	sshll.u32 s7, $0x12;
	s10 =	sshll.u32 s7, $0x15;
	s11 =	sshll.u32 s7, $0x7;
	v63 =	vand.u32 $0xF, v60;
	v2 =	vcombine.low v45, v46;
	[tilespmem:$0x1FFE0] =	vst v62  }
0x38: {  	s9 =	ssub.s32 s6, s31;
	s4 =	sadd.s32 s0, s5;
	s6 =	sor.u32 $0x2000, s10;
	v0 =	vand.u32 $0xF, v58;
	[tilespmem:$0x1FFF0] =	vst v63  }
0x39: {  	s7 =	sor.u32 $0x3000, s10;
	s8 =	sadd.s32 s8, s11;
	s10 =	simm.s32 $0x1000;
	[tilespmem:$0x1FFC0] =	vst v0;
	v61 =	vand.u32 $0xF, v2  }
0x3a: {  	s11 =	simm.s32 $0x40000;
	s5 =	sadd.s32 $0x200, s4;
	s9 =	smax.u32 s9, $0x1;
	[tilespmem:$0x1FFD0] =	vst v61  }
.LBB2_12:
0x3b: {  	s17 =	sadd.s32 $0x1, s17  }
0x3c: {  	p0 =	sne.s32 s17, s9  }
.Ltmp1:
0x3d: {  	_ = 	snop;
	(pc) =	sbr.rel @!p0 .LBB2_13-.Ltmp1, $4  }
0x3e: {  	[hbm4b:s8+s3] =	stream.linear.scatter [tilespmem:s15], [sflag:$0x3], $0x400, $0x38;
	[tilespmem:$0x10400] =	vst v63  }
0x3f: {  	_ =	swait.ge [sflag:s16], $0x400  }
0x40: {  	[sflag:s16] =	ssyncset.done $0x0  }
0x41: {  	[sflag:s16] =	ssyncadd.s32 $0xFFFFFC00  }
.LBB2_1:
0x42: {  	v42 =	vimm.f32 $-Inf  }
0x43: {  	[tilespmem:$0x10000] =	vst v42  }
0x44: {  	[tilespmem:$0x10010] =	vst v42  }
0x45: {  	[tilespmem:$0x10020] =	vst v42  }
0x46: {  	[tilespmem:$0x10030] =	vst v42  }
0x47: {  	[tilespmem:$0x10080] =	vst v42  }
0x48: {  	[tilespmem:$0x10090] =	vst v42  }
0x49: {  	[tilespmem:$0x100A0] =	vst v42  }
0x4a: {  	[tilespmem:$0x100B0] =	vst v42  }
0x4b: {  	[tilespmem:$0x10100] =	vst v42  }
0x4c: {  	[tilespmem:$0x10110] =	vst v42  }
0x4d: {  	[tilespmem:$0x10120] =	vst v42  }
0x4e: {  	[tilespmem:$0x10130] =	vst v42  }
0x4f: {  	[tilespmem:$0x10180] =	vst v42  }
0x50: {  	[tilespmem:$0x10190] =	vst v42  }
0x51: {  	[tilespmem:$0x101A0] =	vst v42  }
0x52: {  	[tilespmem:$0x101B0] =	vst v42  }
0x53: {  	[tilespmem:$0x10200] =	vst v42  }
0x54: {  	[tilespmem:$0x10210] =	vst v42  }
0x55: {  	[tilespmem:$0x10220] =	vst v42  }
0x56: {  	[tilespmem:$0x10230] =	vst v42  }
0x57: {  	[tilespmem:$0x10280] =	vst v42  }
0x58: {  	[tilespmem:$0x10290] =	vst v42  }
0x59: {  	[tilespmem:$0x102A0] =	vst v42  }
0x5a: {  	[tilespmem:$0x102B0] =	vst v42  }
0x5b: {  	[tilespmem:$0x10300] =	vst v42  }
0x5c: {  	[tilespmem:$0x10310] =	vst v42  }
0x5d: {  	[tilespmem:$0x10320] =	vst v42  }
0x5e: {  	[tilespmem:$0x10330] =	vst v42  }
0x5f: {  	[tilespmem:$0x10380] =	vst v42  }
0x60: {  	[tilespmem:$0x10390] =	vst v42  }
0x61: {  	[tilespmem:$0x103A0] =	vst v42  }
0x62: {  	v0 =	vimm.f32 $-Inf;
	[tilespmem:$0x103B0] =	vst v42  }
0x63: {  	v62 =	vimm.f32 $-Inf;
	[tilespmem:$0x1FEA0] =	vst v0  }
0x64: {  	[tilespmem:$0x1FEB0] =	vst v62  }
0x65: {  	v63 =	vimm.f32 $-Inf;
	[tilespmem:s3], [sflag:$0x1] =	stream.strided.gather [hbm4b:s4+s10], $0x8000, s11, s10, $0x38;
	[tilespmem:$0x10400] =	vst v63  }
0x66: {  	s18 =	simm.s32 $0x0;
	[tilespmem:$0x1FEC0] =	vst v63  }
0x67: {  	[tilespmem:s12], [sflag:$0x2] =	stream.strided.gather [hbm4b:s5+s10], $0x8000, s11, s10, $0x38;
	[tilespmem:$0x10400] =	vst v63  }
.LBB2_2:
.Ltmp2:
0x68: {  	(pc) =	sbr.rel .LBB2_3-.Ltmp2, $4  }
0x69: {  	_ = 	snop  }
0x6a: {  	_ =	swait.ge [sflag:s13], $0x8000  }
0x6b: {  	[sflag:s13] =	ssyncset.done $0x0  }
0x6c: {  	s19 =	simm.s32 $0x0;
	[sflag:s13] =	ssyncadd.s32 $0xFFFF8000  }
.LBB2_5:
0x6d: {  	s19 =	sadd.s32 $0x10, s19  }
0x6e: {  	p0 =	sne.s32 s19, $0x200  }
.Ltmp3:
0x6f: {  	_ = 	snop;
	(pc) =	sbr.rel @!p0 .LBB2_6-.Ltmp3, $1  }
0x70: {  	_ =	sdelay $0x3  }
.LBB2_3:
0x71: {  	v2 =	vld [tilespmem:$0x1FEE0]  }
0x72: {  	v4 =	vld [tilespmem:$0x1FEF0];
	_ =	sdelay $0x1  }
0x73: {  	v0 =	vmov s19  }
0x74: {  	v1 =	vlaneseq.u32;
	v0 =	vshll.u32 v0, $0x3  }
0x75: {  	v1 =	vor.u32 s19, v1;
	v0 =	vand.u32 $0xC00, v0  }
0x76: {  	v1 =	vand.u32 $0x7F, v1;
	v2 =	vor.u32 v2, v0;
	v7 =	vor.u32 v4, v0;
	v4 =	vld [tilespmem:$0x1FF00]  }
0x77: {  	v3 =	vor.u32 v1, v2;
	_ =	sdelay $0x2  }
0x78: {  	v5 =	vld [tilespmem:$0x1FF10]  }
0x79: {  	v38 =	vor.u32 v4, v0;
	v4 =	vld [tilespmem:$0x1FED0]  }
0x7a: {  	v8 =	vld.idx.msk [tilespmem:v3+s3+$0x0], $0xffff  }
0x7b: {  	v3 =	vld [tilespmem:$0x1FF20];
	_ =	sdelay $0x2  }
0x7c: {  	v39 =	vor.u32 v5, v0;
	v4 =	vor.u32 s19, v4  }
0x7d: {  	v10 =	vor.u32 v1, v7;
	v6 =	vor.u32 v1, v39;
	v0 =	vand.u32 $0x7F, v4  }
0x7e: {  	v9 =	vor.u32 v1, v38;
	v3 =	vor.u32 s19, v3;
	v1 =	vor.u32 v0, v2  }
0x7f: {  	v13 =	vor.u32 v0, v7;
	v12 =	vor.u32 v0, v38;
	v11 =	vor.u32 v0, v39;
	v0 =	vld [tilespmem:$0x1FF30]  }
0x80: {  	v3 =	vand.u32 $0x7F, v3  }
0x81: {  	v14 =	vor.u32 v3, v7;
	_ =	sdelay $0x2  }
0x82: {  	v21 =	vld [tilespmem:$0x1FFD0];
	v0 =	vor.u32 s19, v0  }
0x83: {  	v4 =	vld.idx.msk [tilespmem:v10+s3+$0x0], $0xffff;
	v0 =	vand.u32 $0x7F, v0  }
0x84: {  	[tilespmem:$0x1FD30] =	vst v14;
	v37 =	vld.idx.msk [tilespmem:v14+s3+$0x0], $0xffff;
	v14 =	vor.u32 v0, v39  }
0x85: {  	v5 =	vld.idx.msk [tilespmem:v9+s3+$0x0], $0xffff  }
0x86: {  	[tilespmem:$0x1FCE0] =	vst v9;
	v9 =	vld.idx.msk [tilespmem:v1+s3+$0x0], $0xffff  }
0x87: {  	v34 =	vld.idx.msk [tilespmem:v13+s3+$0x0], $0xffff  }
0x88: {  	[tilespmem:$0x1FD10] =	vst v12;
	v35 =	vld.idx.msk [tilespmem:v12+s3+$0x0], $0xffff;
	v12 =	vor.u32 v3, v39  }
0x89: {  	v26 =	vld.idx.msk [tilespmem:v14+s3+$0x0], $0xffff  }
0x8a: {  	v1 =	vor.u32 v0, v2;
	[tilespmem:$0x1FD80] =	vst v14;
	v14 =	vld [tilespmem:$0x1FF80]  }
0x8b: {  	v36 =	vld.idx.msk [tilespmem:v11+s3+$0x0], $0xffff  }
0x8c: {  	v16 =	vor.u32 v0, v7;
	v15 =	vor.u32 v0, v38;
	v0 =	vld [tilespmem:$0x1FF50]  }
0x8d: {  	v56 =	vld.idx.msk [tilespmem:v12+s3+$0x0], $0xffff  }
0x8e: {  	[tilespmem:$0x1FD70] =	vst v12;
	v12 =	vld [tilespmem:$0x1FF60]  }
0x8f: {  	[tilespmem:$0x1FD20] =	vst v11;
	v11 =	vld.idx.msk [tilespmem:v1+s3+$0x0], $0xffff;
	v14 =	vor.u32 s19, v14  }
0x90: {  	[tilespmem:$0x1FD00] =	vst v13;
	v13 =	vor.u32 v3, v38;
	v31 =	vand.u32 $0x7F, v14;
	v14 =	vld [tilespmem:$0x1FF70]  }
0x91: {  	v1 =	vld [tilespmem:$0x1FF40]  }
0x92: {  	[tilespmem:$0x1FCD0] =	vst v10;
	v10 =	vor.u32 v3, v2;
	v53 =	vld.idx.msk [tilespmem:v16+s3+$0x0], $0xffff  }
0x93: {  	[tilespmem:$0x1FD40] =	vst v16;
	v0 =	vor.u32 s19, v0;
	v16 =	vld [tilespmem:$0x1FF90]  }
0x94: {  	[tilespmem:$0x1FCF0] =	vst v6;
	v6 =	vld.idx.msk [tilespmem:v6+s3+$0x0], $0xffff;
	v0 =	vand.u32 $0x7F, v0  }
0x95: {  	[tilespmem:$0x1FD50] =	vst v13;
	v54 =	vld.idx.msk [tilespmem:v13+s3+$0x0], $0xffff;
	v13 =	vor.u32 v0, v2;
	v14 =	vor.u32 s19, v14  }
0x96: {  	v18 =	vor.u32 v0, v7;
	v32 =	vand.u32 $0x7F, v14;
	v14 =	vld [tilespmem:$0x1FFA0]  }
0x97: {  	v10 =	vld.idx.msk [tilespmem:v10+s3+$0x0], $0xffff;
	v45 =	vor.u32 v0, v38;
	v12 =	vor.u32 s19, v12  }
0x98: {  	v55 =	vld.idx.msk [tilespmem:v15+s3+$0x0], $0xffff;
	v20 =	vand.u32 $0x7F, v12;
	v1 =	vor.u32 s19, v1;
	v16 =	vor.u32 s19, v16  }
0x99: {  	v49 =	vor.u32 v20, v38;
	v1 =	vand.u32 $0x7F, v1;
	v33 =	vand.u32 $0x7F, v16;
	v16 =	vld [tilespmem:$0x1FFB0]  }
0x9a: {  	v3 =	vor.u32 v1, v2;
	v13 =	vld.idx.msk [tilespmem:v13+s3+$0x0], $0xffff  }
0x9b: {  	v17 =	vor.u32 v1, v7;
	v28 =	vld.idx.msk [tilespmem:v18+s3+$0x0], $0xffff;
	v14 =	vor.u32 s19, v14  }
0x9c: {  	[tilespmem:$0x1FD60] =	vst v15;
	v19 =	vor.u32 v1, v38;
	v29 =	vand.u32 $0x7F, v14;
	v14 =	vld [tilespmem:$0x1FFC0]  }
0x9d: {  	[tilespmem:$0x1FDC0] =	vst v45;
	v45 =	vld.idx.msk [tilespmem:v45+s3+$0x0], $0xffff  }
0x9e: {  	[tilespmem:$0x1FDF0] =	vst v49;
	v15 =	vor.u32 v31, v2;
	v49 =	vld.idx.msk [tilespmem:v49+s3+$0x0], $0xffff  }
0x9f: {  	v1 =	vor.u32 v1, v39;
	v12 =	vld.idx.msk [tilespmem:v3+s3+$0x0], $0xffff  }
0xa0: {  	v50 =	vor.u32 v31, v38;
	v16 =	vor.u32 s19, v16;
	v27 =	vld.idx.msk [tilespmem:v17+s3+$0x0], $0xffff  }
0xa1: {  	v58 =	vor.u32 v33, v38;
	v30 =	vld.idx.msk [tilespmem:v19+s3+$0x0], $0xffff;
	v40 =	vand.u32 $0x7F, v16;
	v16 =	vor.u32 s19, v14  }
0xa2: {  	[tilespmem:$0x1FD90] =	vst v17;
	v17 =	vor.u32 v32, v2;
	v41 =	vand.u32 $0x7F, v16;
	v16 =	vld [tilespmem:$0x1FFE0]  }
0xa3: {  	v15 =	vld.idx.msk [tilespmem:v15+s3+$0x0], $0xffff  }
0xa4: {  	[tilespmem:$0x1FDD0] =	vst v1;
	v46 =	vld.idx.msk [tilespmem:v1+s3+$0x0], $0xffff;
	v1 =	vor.u32 v33, v7  }
0xa5: {  	[tilespmem:$0x1FE00] =	vst v50;
	v50 =	vld.idx.msk [tilespmem:v50+s3+$0x0], $0xffff;
	v57 =	vor.u32 v32, v38  }
0xa6: {  	v21 =	vor.u32 s19, v21;
	[tilespmem:$0x1FE40] =	vst v58;
	v58 =	vld.idx.msk [tilespmem:v58+s3+$0x0], $0xffff;
	v59 =	vor.u32 v32, v39  }
0xa7: {  	v43 =	vand.u32 $0x7F, v21;
	v3 =	vor.u32 v20, v2;
	v21 =	vor.u32 s19, v16;
	v16 =	vld.idx.msk [tilespmem:v17+s3+$0x0], $0xffff  }
0xa8: {  	[tilespmem:$0x1FDA0] =	vst v18;
	v61 =	vor.u32 v29, v38;
	v17 =	vld [tilespmem:$0x1FFF0]  }
0xa9: {  	v37 =	vmax.f32 v4, v37;
	[tilespmem:$0x1FDB0] =	vst v19;
	v52 =	vld.idx.msk [tilespmem:v1+s3+$0x0], $0xffff;
	v4 =	vor.u32 v29, v39  }
0xaa: {  	v18 =	vor.u32 v33, v2;
	[tilespmem:$0x1FE30] =	vst v57;
	v57 =	vld.idx.msk [tilespmem:v57+s3+$0x0], $0xffff  }
0xab: {  	[tilespmem:$0x1FE50] =	vst v59;
	v59 =	vld.idx.msk [tilespmem:v59+s3+$0x0], $0xffff;
	v19 =	vor.u32 v29, v2  }
0xac: {  	v24 =	vor.u32 v43, v2;
	v6 =	vmax.f32 v6, v56;
	v14 =	vld.idx.msk [tilespmem:v3+s3+$0x0], $0xffff;
	v3 =	vor.u32 v40, v2  }
0xad: {  	v55 =	vmax.f32 v35, v55;
	v35 =	vld.idx.msk [tilespmem:v61+s3+$0x0], $0xffff;
	v22 =	vor.u32 v41, v2;
	v25 =	vor.u32 s19, v17  }
0xae: {  	v6 =	vmax.f32 v6, v46;
	v46 =	vld.idx.msk [tilespmem:v4+s3+$0x0], $0xffff;
	v44 =	vand.u32 $0x7F, v21;
	v23 =	vand.u32 $0x7F, v25  }
0xaf: {  	v47 =	vor.u32 v44, v2;
	v17 =	vld.idx.msk [tilespmem:v18+s3+$0x0], $0xffff;
	v2 =	vor.u32 v23, v2  }
0xb0: {  	v18 =	vld.idx.msk [tilespmem:v19+s3+$0x0], $0xffff  }
0xb1: {  	v19 =	vld.idx.msk [tilespmem:v3+s3+$0x0], $0xffff;
	v3 =	vor.u32 v0, v39  }
0xb2: {  	v63 =	vor.u32 v20, v7;
	v21 =	vld.idx.msk [tilespmem:v22+s3+$0x0], $0xffff  }
0xb3: {  	v22 =	vld.idx.msk [tilespmem:v24+s3+$0x0], $0xffff;
	v0 =	vor.u32 v31, v7  }
0xb4: {  	v25 =	vld.idx.msk [tilespmem:v2+s3+$0x0], $0xffff;
	v2 =	vor.u32 v20, v39  }
0xb5: {  	v60 =	vor.u32 v33, v39;
	v24 =	vld.idx.msk [tilespmem:v47+s3+$0x0], $0xffff  }
0xb6: {  	v54 =	vmax.f32 v5, v54;
	v26 =	vmax.f32 v36, v26;
	v62 =	vor.u32 v40, v38;
	v47 =	vld.idx.msk [tilespmem:v3+s3+$0x0], $0xffff  }
0xb7: {  	v36 =	vor.u32 v41, v7;
	[tilespmem:$0x1FDE0] =	vst v3;
	v3 =	vor.u32 v31, v39;
	v31 =	vld.idx.msk [tilespmem:v63+s3+$0x0], $0xffff  }
0xb8: {  	v5 =	vor.u32 v43, v7;
	v53 =	vmax.f32 v34, v53;
	[tilespmem:$0x1FE60] =	vst v60;
	v48 =	vld.idx.msk [tilespmem:v0+s3+$0x0], $0xffff  }
0xb9: {  	v30 =	vmax.f32 v54, v30;
	[tilespmem:$0x1FE80] =	vst v4;
	v4 =	vor.u32 v41, v39;
	v51 =	vld.idx.msk [tilespmem:v2+s3+$0x0], $0xffff  }
0xba: {  	[tilespmem:$0x1FE10] =	vst v2;
	v2 =	vor.u32 v29, v7;
	v29 =	vld.idx.msk [tilespmem:v60+s3+$0x0], $0xffff;
	v60 =	vor.u32 v40, v39  }
0xbb: {  	v54 =	vor.u32 v43, v38;
	[tilespmem:$0x1FE70] =	vst v61;
	v61 =	vmax.f32 v55, v45;
	v45 =	vld.idx.msk [tilespmem:v62+s3+$0x0], $0xffff  }
0xbc: {  	v27 =	vmax.f32 v37, v27;
	v37 =	vor.u32 v43, v39;
	v43 =	vld.idx.msk [tilespmem:v36+s3+$0x0], $0xffff;
	v20 =	vor.u32 v32, v7  }
0xbd: {  	v30 =	vmax.f32 v30, v49;
	[tilespmem:$0x1FE20] =	vst v3;
	v32 =	vld.idx.msk [tilespmem:v3+s3+$0x0], $0xffff;
	v3 =	vor.u32 v40, v7  }
0xbe: {  	v28 =	vmax.f32 v53, v28;
	v30 =	vmax.f32 v30, v57;
	v57 =	vld.idx.msk [tilespmem:v4+s3+$0x0], $0xffff;
	v27 =	vmax.f32 v27, v31  }
0xbf: {  	v28 =	vmax.f32 v28, v48;
	[tilespmem:$0x1FE90] =	vst v60;
	v31 =	vld.idx.msk [tilespmem:v60+s3+$0x0], $0xffff;
	v60 =	vmax.f32 v61, v50  }
0xc0: {  	v48 =	vld.idx.msk [tilespmem:v54+s3+$0x0], $0xffff;
	v61 =	vmax.f32 v6, v51;
	v6 =	vor.u32 v44, v7;
	v7 =	vor.u32 v23, v7  }
0xc1: {  	v53 =	vor.u32 v41, v38;
	v33 =	vld.idx.msk [tilespmem:v20+s3+$0x0], $0xffff  }
0xc2: {  	v56 =	vor.u32 v23, v38;
	v26 =	vmax.f32 v26, v47;
	v34 =	vld.idx.msk [tilespmem:v3+s3+$0x0], $0xffff  }
0xc3: {  	v26 =	vmax.f32 v26, v32;
	v32 =	vld.idx.msk [tilespmem:v5+s3+$0x0], $0xffff  }
0xc4: {  	v55 =	vor.u32 v44, v38;
	v40 =	vld.idx.msk [tilespmem:v2+s3+$0x0], $0xffff  }
0xc5: {  	v30 =	vmax.f32 v30, v35;
	v38 =	vor.u32 v44, v39;
	v47 =	vmax.f32 v61, v59;
	v61 =	vld.idx.msk [tilespmem:v7+s3+$0x0], $0xffff  }
0xc6: {  	v28 =	vmax.f32 v28, v52;
	v27 =	vmax.f32 v27, v33;
	v33 =	vld.idx.msk [tilespmem:v53+s3+$0x0], $0xffff;
	v41 =	vmax.f32 v60, v58  }
0xc7: {  	v39 =	vor.u32 v23, v39;
	v26 =	vmax.f32 v26, v29;
	v51 =	vld.idx.msk [tilespmem:v56+s3+$0x0], $0xffff;
	v59 =	vmax.f32 v41, v45  }
0xc8: {  	v60 =	vmax.f32 v47, v46;
	v47 =	vmax.f32 v9, v11;
	v28 =	vmax.f32 v28, v34;
	v23 =	vld.idx.msk [tilespmem:v6+s3+$0x0], $0xffff  }
0xc9: {  	v49 =	vld.idx.msk [tilespmem:v55+s3+$0x0], $0xffff;
	v46 =	vmax.f32 v8, v10;
	v50 =	vmax.f32 v47, v13;
	v28 =	vmax.f32 v28, v32  }
0xca: {  	v35 =	vmax.f32 v59, v48;
	v29 =	vmax.f32 v60, v57;
	v28 =	vmax.f32 v28, v61;
	v61 =	vld [tilespmem:$0x1FEB0]  }
0xcb: {  	v44 =	vld.idx.msk [tilespmem:v38+s3+$0x0], $0xffff;
	v32 =	vmax.f32 v46, v12;
	v27 =	vmax.f32 v27, v40;
	v26 =	vmax.f32 v26, v31  }
0xcc: {  	v58 =	vld.idx.msk [tilespmem:v37+s3+$0x0], $0xffff;
	v30 =	vmax.f32 v30, v33;
	v32 =	vmax.f32 v32, v14;
	v27 =	vmax.f32 v27, v43  }
0xcd: {  	v52 =	vld.idx.msk [tilespmem:v39+s3+$0x0], $0xffff;
	v33 =	vmax.f32 v50, v15;
	v59 =	vmax.f32 v35, v51;
	v23 =	vmax.f32 v27, v23  }
0xce: {  	v60 =	vld [tilespmem:$0x1FEC0];
	v32 =	vmax.f32 v32, v16;
	v33 =	vmax.f32 v33, v17;
	v23 =	vmax.f32 v23, v28  }
0xcf: {  	v32 =	vmax.f32 v32, v18;
	v33 =	vmax.f32 v33, v19;
	vm1 =	vgt.f32 v23, v61;
	v23 =	vld [tilespmem:$0x1FEA0]  }
0xd0: {  	v29 =	vmax.f32 v29, v44;
	v57 =	vmax.f32 v33, v22;
	v27 =	vmax.f32 v32, v21  }
0xd1: {  	v26 =	vmax.f32 v26, v58;
	v58 =	vmax.f32 v57, v25;
	v27 =	vmax.f32 v27, v24  }
0xd2: {  	v30 =	vmax.f32 v30, v49;
	v26 =	vmax.f32 v26, v52;
	v27 =	vmax.f32 v27, v58  }
0xd3: {  	v26 =	vmax.f32 v29, v26;
	vm0 =	vgt.f32 v27, v60;
	v27 =	vmax.f32 v30, v59  }
0xd4: {  	vm3 =	vgt.f32 v26, v42;
	vm2 =	vgt.f32 v27, v23  }
0xd5: {  	vm0 =	vmor vm0, vm1;
	vm15 =	vmor vm2, vm3  }
0xd6: {  	v23 =	vimm.f32 $0.0e+00;
	vm0 =	vmor vm0, vm15  }
0xd7: {  	v23 =	vsel vm0, $0x3F800000, v23  }
0xd8: {  	(xrf0) =	vmax.scan.msk.f32 $0xffff, v23;
	_ =	sdelay $0x5  }
0xd9: {  	v23, _, _ =	vpop (xrf0)  }
0xda: {  	(v2sf) =	vpush v23, $0xF;
	_ =	sdelay $0xe  }
0xdb: {  	s20 =	spop (v2sf)  }
0xdc: {  	p0 =	sgt.f32 s20, $0.0e+00  }
.Ltmp4:
0xdd: {  	_ = 	snop;
	(pc) =	sbr.rel @!p0 .LBB2_5-.Ltmp4, $1  }
0xde: {  	_ =	sdelay $0x3  }
0xdf: {  	v23 =	vmax.f32 v8, v9;
	v28 =	vmin.f32 v8, v9;
	v29 =	vmax.f32 v10, v11  }
0xe0: {  	v30 =	vmin.f32 v10, v11;
	v31 =	vmax.f32 v12, v13;
	v32 =	vmin.f32 v12, v13  }
0xe1: {  	v33 =	vmax.f32 v14, v15;
	v34 =	vmin.f32 v14, v15;
	v35 =	vmax.f32 v16, v17  }
0xe2: {  	v40 =	vmin.f32 v16, v17;
	v41 =	vmax.f32 v18, v19;
	v42 =	vmin.f32 v18, v19  }
0xe3: {  	v43 =	vmax.f32 v21, v22;
	v44 =	vmin.f32 v21, v22;
	v45 =	vmax.f32 v24, v25  }
0xe4: {  	v46 =	vmin.f32 v24, v25;
	v47 =	vmin.f32 v23, v29;
	v26 =	vmax.f32 v28, v30  }
0xe5: {  	v9 =	vmax.f32 v23, v29;
	v8 =	vmin.f32 v28, v30;
	v50 =	vmin.f32 v31, v33  }
0xe6: {  	v51 =	vmax.f32 v32, v34;
	v11 =	vmax.f32 v31, v33;
	v12 =	vmin.f32 v32, v34  }
0xe7: {  	v58 =	vmin.f32 v35, v41;
	v59 =	vmax.f32 v40, v42;
	v15 =	vmax.f32 v35, v41  }
0xe8: {  	v16 =	vmin.f32 v40, v42;
	v28 =	vmin.f32 v43, v45;
	v29 =	vmax.f32 v44, v46  }
0xe9: {  	v19 =	vmax.f32 v43, v45;
	v21 =	vmin.f32 v44, v46;
	v48 =	vmax.f32 v47, v26  }
0xea: {  	v49 =	vmin.f32 v47, v26;
	v52 =	vmax.f32 v50, v51;
	v57 =	vmin.f32 v50, v51  }
0xeb: {  	v60 =	vmax.f32 v58, v59;
	v61 =	vmin.f32 v58, v59;
	v30 =	vmax.f32 v28, v29  }
0xec: {  	v31 =	vmin.f32 v28, v29;
	v32 =	vmax.f32 v9, v12;
	v9 =	vmin.f32 v9, v12  }
0xed: {  	v35 =	vmax.f32 v8, v11;
	v8 =	vmin.f32 v8, v11;
	v51 =	vmax.f32 v16, v19  }
0xee: {  	v16 =	vmin.f32 v16, v19;
	v33 =	vmax.f32 v48, v57;
	v10 =	vmin.f32 v48, v57  }
0xef: {  	v34 =	vmax.f32 v49, v52;
	v13 =	vmin.f32 v49, v52;
	v48 =	vmax.f32 v15, v21  }
0xf0: {  	v15 =	vmin.f32 v15, v21;
	v49 =	vmax.f32 v60, v31;
	v17 =	vmin.f32 v60, v31  }
0xf1: {  	v50 =	vmax.f32 v61, v30;
	v18 =	vmin.f32 v61, v30;
	v40 =	vmax.f32 v32, v34  }
0xf2: {  	v14 =	vmin.f32 v32, v34;
	v41 =	vmax.f32 v33, v35;
	v12 =	vmin.f32 v33, v35  }
0xf3: {  	v42 =	vmax.f32 v9, v13;
	v9 =	vmin.f32 v9, v13;
	v43 =	vmax.f32 v10, v8  }
0xf4: {  	v8 =	vmin.f32 v10, v8;
	v52 =	vmax.f32 v48, v50;
	v57 =	vmax.f32 v49, v51  }
0xf5: {  	v21 =	vmin.f32 v49, v51;
	v58 =	vmax.f32 v15, v18;
	v15 =	vmin.f32 v15, v18  }
0xf6: {  	v59 =	vmax.f32 v17, v16;
	v16 =	vmin.f32 v17, v16;
	v44 =	vmax.f32 v40, v41  }
0xf7: {  	v11 =	vmin.f32 v40, v41;
	v45 =	vmax.f32 v14, v12;
	v12 =	vmin.f32 v14, v12  }
0xf8: {  	v46 =	vmax.f32 v42, v43;
	v13 =	vmin.f32 v42, v43;
	v47 =	vmax.f32 v9, v8  }
0xf9: {  	v8 =	vmin.f32 v9, v8;
	v9 =	vmin.f32 v48, v50;
	v60 =	vmax.f32 v52, v57  }
0xfa: {  	v19 =	vmin.f32 v52, v57;
	v27 =	vmax.f32 v15, v16;
	v15 =	vmin.f32 v15, v16  }
0xfb: {  	v28 =	vmax.f32 v58, v59;
	v18 =	vmin.f32 v58, v59;
	v61 =	vmax.f32 v9, v21  }
0xfc: {  	v9 =	vmin.f32 v9, v21;
	v10 =	vmax.f32 v44, v15;
	v11 =	vmax.f32 v11, v27  }
0xfd: {  	v30 =	vld [tilespmem:$0x10000];
	v29 =	vmax.f32 v45, v18;
	v12 =	vmax.f32 v12, v28;
	v31 =	vmax.f32 v47, v19  }
0xfe: {  	v32 =	vld [tilespmem:$0x10080];
	v8 =	vmax.f32 v8, v60;
	v9 =	vmax.f32 v46, v9;
	v13 =	vmax.f32 v13, v61  }
0xff: {  	v35 =	vld [tilespmem:$0x10100];
	v40 =	vmax.f32 v29, v31;
	v15 =	vmin.f32 v29, v31;
	v42 =	vmax.f32 v12, v8  }
0x100: {  	v49 =	vld [tilespmem:$0x10300];
	v8 =	vmin.f32 v12, v8;
	v33 =	vmax.f32 v10, v9;
	v9 =	vmin.f32 v10, v9  }
0x101: {  	v51 =	vld [tilespmem:$0x10380];
	v34 =	vmax.f32 v11, v13;
	v11 =	vmin.f32 v11, v13;
	v43 =	vmax.f32 v33, v40  }
0x102: {  	v41 =	vld [tilespmem:$0x10180];
	v13 =	vmin.f32 v33, v40;
	v45 =	vmax.f32 v34, v42;
	v10 =	vmin.f32 v34, v42  }
0x103: {  	v44 =	vld [tilespmem:$0x10200];
	v47 =	vmax.f32 v9, v15;
	v9 =	vmin.f32 v9, v15;
	v48 =	vmax.f32 v11, v8  }
0x104: {  	v46 =	vld [tilespmem:$0x10280];
	v8 =	vmin.f32 v11, v8;
	v50 =	vmax.f32 v43, v45;
	v12 =	vmin.f32 v43, v45  }
0x105: {  	v52 =	vmax.f32 v13, v10;
	v10 =	vmin.f32 v13, v10;
	v57 =	vmax.f32 v47, v48  }
0x106: {  	v15 =	vmin.f32 v47, v48;
	v58 =	vmax.f32 v9, v8;
	v8 =	vmin.f32 v9, v8  }
0x107: {  	v8 =	vmax.f32 v30, v8;
	v59 =	vmax.f32 v32, v58;
	v60 =	vmax.f32 v35, v15  }
0x108: {  	v13 =	vmax.f32 v41, v57;
	v10 =	vmax.f32 v44, v10;
	v12 =	vmax.f32 v49, v12  }
0x109: {  	v11 =	vmax.f32 v51, v50;
	v61 =	vmax.f32 v46, v52;
	v24 =	vmax.f32 v8, v10  }
0x10a: {  	v25 =	vmax.f32 v60, v12;
	v26 =	vmax.f32 v13, v11;
	v17 =	vmax.f32 v59, v61  }
0x10b: {  	v27 =	vmax.f32 v24, v25;
	v28 =	vmax.f32 v17, v26  }
0x10c: {  	v8 =	vmin.f32 v8, v10;
	v33 =	vmin.f32 v60, v12;
	v29 =	vmax.f32 v27, v28  }
0x10d: {  	v30 =	vmin.f32 v24, v25;
	v31 =	vmin.f32 v17, v26;
	v32 =	vmin.f32 v27, v28;
	[tilespmem:$0x10000] =	vst v29  }
0x10e: {  	v11 =	vmin.f32 v13, v11;
	v9 =	vmin.f32 v59, v61;
	v34 =	vmax.f32 v30, v31;
	[tilespmem:$0x10080] =	vst v32  }
0x10f: {  	v45 =	vld [tilespmem:$0x1FD00];
	v14 =	vmax.f32 v8, v33;
	v40 =	vmax.f32 v9, v11;
	v35 =	vmin.f32 v30, v31;
	[tilespmem:$0x10100] =	vst v34  }
0x110: {  	v47 =	vld [tilespmem:$0x1FD40];
	v41 =	vmax.f32 v14, v40;
	[tilespmem:$0x10180] =	vst v35  }
0x111: {  	v48 =	vld [tilespmem:$0x1FD90];
	v8 =	vmin.f32 v8, v33;
	v9 =	vmin.f32 v9, v11;
	v42 =	vmin.f32 v14, v40;
	[tilespmem:$0x10200] =	vst v41  }
0x112: {  	v44 =	vld [tilespmem:$0x1FCD0];
	v43 =	vmax.f32 v8, v9;
	[tilespmem:$0x10280] =	vst v42  }
0x113: {  	v49 =	vld [tilespmem:$0x1FDA0];
	v8 =	vmin.f32 v8, v9;
	[tilespmem:$0x10300] =	vst v43  }
0x114: {  	v46 =	vld [tilespmem:$0x1FD30];
	[tilespmem:$0x10380] =	vst v8  }
0x115: {  	v50 =	vld.idx.msk [tilespmem:v63+s3+$0x0], $0xffff  }
0x116: {  	v0 =	vld.idx.msk [tilespmem:v0+s3+$0x0], $0xffff  }
0x117: {  	v51 =	vld.idx.msk [tilespmem:v20+s3+$0x0], $0xffff  }
0x118: {  	v1 =	vld.idx.msk [tilespmem:v1+s3+$0x0], $0xffff  }
0x119: {  	v2 =	vld.idx.msk [tilespmem:v2+s3+$0x0], $0xffff  }
0x11a: {  	v3 =	vld.idx.msk [tilespmem:v3+s3+$0x0], $0xffff  }
0x11b: {  	v52 =	vld.idx.msk [tilespmem:v36+s3+$0x0], $0xffff  }
0x11c: {  	v5 =	vld.idx.msk [tilespmem:v5+s3+$0x0], $0xffff  }
0x11d: {  	v6 =	vld.idx.msk [tilespmem:v6+s3+$0x0], $0xffff  }
0x11e: {  	v7 =	vld.idx.msk [tilespmem:v7+s3+$0x0], $0xffff  }
0x11f: {  	v9 =	vld.idx.msk [tilespmem:v45+s3+$0x0], $0xffff  }
0x120: {  	[tilespmem:$0x1FEC0] =	vst v8;
	v12 =	vld.idx.msk [tilespmem:v48+s3+$0x0], $0xffff  }
0x121: {  	v8 =	vld.idx.msk [tilespmem:v44+s3+$0x0], $0xffff;
	v60 =	vmax.f32 v50, v0;
	v0 =	vmin.f32 v50, v0;
	v61 =	vmax.f32 v51, v1  }
0x122: {  	v13 =	vld.idx.msk [tilespmem:v49+s3+$0x0], $0xffff;
	v1 =	vmin.f32 v51, v1;
	v63 =	vmax.f32 v2, v3;
	v2 =	vmin.f32 v2, v3  }
0x123: {  	v18 =	vmovc v4;
	v20 =	vmax.f32 v52, v5;
	v4 =	vmin.f32 v52, v5;
	v21 =	vmax.f32 v6, v7  }
0x124: {  	v11 =	vld.idx.msk [tilespmem:v47+s3+$0x0], $0xffff;
	v6 =	vmin.f32 v6, v7;
	v29 =	vmin.f32 v61, v63;
	v30 =	vmax.f32 v1, v2  }
0x125: {  	v10 =	vld.idx.msk [tilespmem:v46+s3+$0x0], $0xffff;
	v14 =	vmax.f32 v61, v63;
	v1 =	vmin.f32 v1, v2;
	v33 =	vmin.f32 v20, v21  }
0x126: {  	v34 =	vmax.f32 v4, v6;
	v3 =	vmax.f32 v20, v21;
	v4 =	vmin.f32 v4, v6  }
0x127: {  	v57 =	vmax.f32 v8, v9;
	v8 =	vmin.f32 v8, v9;
	v59 =	vmax.f32 v12, v13  }
0x128: {  	v12 =	vmin.f32 v12, v13;
	v31 =	vmax.f32 v29, v30;
	v32 =	vmin.f32 v29, v30  }
0x129: {  	v35 =	vmax.f32 v33, v34;
	v36 =	vmin.f32 v33, v34;
	v52 =	vmax.f32 v14, v4  }
0x12a: {  	v4 =	vmin.f32 v14, v4;
	v58 =	vmax.f32 v10, v11;
	v10 =	vmin.f32 v10, v11  }
0x12b: {  	v25 =	vmin.f32 v59, v60;
	v26 =	vmax.f32 v12, v0;
	v11 =	vmax.f32 v59, v60  }
0x12c: {  	v0 =	vmin.f32 v12, v0;
	v2 =	vmin.f32 v31, v36;
	v5 =	vmin.f32 v32, v35  }
0x12d: {  	v59 =	vmax.f32 v1, v3;
	v1 =	vmin.f32 v1, v3;
	v22 =	vmin.f32 v57, v58  }
0x12e: {  	v23 =	vmax.f32 v8, v10;
	v9 =	vmax.f32 v57, v58;
	v8 =	vmin.f32 v8, v10  }
0x12f: {  	v27 =	vmax.f32 v25, v26;
	v28 =	vmin.f32 v25, v26;
	v57 =	vmax.f32 v31, v36  }
0x130: {  	v58 =	vmax.f32 v32, v35;
	v63 =	vmax.f32 v4, v5;
	v4 =	vmin.f32 v4, v5  }
0x131: {  	v19 =	vmax.f32 v2, v1;
	v1 =	vmin.f32 v2, v1;
	v24 =	vmax.f32 v22, v23  }
0x132: {  	v7 =	vmin.f32 v22, v23;
	v40 =	vmax.f32 v9, v0;
	v0 =	vmin.f32 v9, v0  }
0x133: {  	v43 =	vmax.f32 v8, v11;
	v8 =	vmin.f32 v8, v11;
	v60 =	vmax.f32 v52, v58  }
0x134: {  	v6 =	vmin.f32 v52, v58;
	v61 =	vmax.f32 v57, v59;
	v14 =	vmin.f32 v57, v59  }
0x135: {  	v22 =	vmax.f32 v4, v1;
	v1 =	vmin.f32 v4, v1;
	v23 =	vmax.f32 v63, v19  }
0x136: {  	v5 =	vmin.f32 v63, v19;
	v41 =	vmax.f32 v24, v28;
	v10 =	vmin.f32 v24, v28  }
0x137: {  	v42 =	vmax.f32 v7, v27;
	v7 =	vmin.f32 v7, v27;
	v20 =	vmax.f32 v60, v61  }
0x138: {  	v3 =	vmin.f32 v60, v61;
	v21 =	vmax.f32 v6, v14;
	v6 =	vmin.f32 v6, v14  }
0x139: {  	v44 =	vmax.f32 v40, v42;
	v13 =	vmin.f32 v40, v42;
	v45 =	vmax.f32 v41, v43  }
0x13a: {  	v9 =	vmin.f32 v41, v43;
	v46 =	vmax.f32 v0, v7;
	v0 =	vmin.f32 v0, v7  }
0x13b: {  	v47 =	vmax.f32 v10, v8;
	v8 =	vmin.f32 v10, v8;
	v48 =	vmax.f32 v44, v45  }
0x13c: {  	v11 =	vmin.f32 v44, v45;
	v49 =	vmax.f32 v13, v9;
	v9 =	vmin.f32 v13, v9  }
0x13d: {  	v50 =	vmax.f32 v46, v47;
	v7 =	vmin.f32 v46, v47;
	v51 =	vmax.f32 v0, v8  }
0x13e: {  	v0 =	vmin.f32 v0, v8;
	v1 =	vmax.f32 v48, v1;
	v24 =	vmax.f32 v11, v22  }
0x13f: {  	v29 =	vld [tilespmem:$0x10110];
	v5 =	vmax.f32 v49, v5;
	v4 =	vmax.f32 v9, v23;
	v6 =	vmax.f32 v50, v6  }
0x140: {  	v34 =	vld [tilespmem:$0x10210];
	v7 =	vmax.f32 v7, v21;
	v3 =	vmax.f32 v51, v3;
	v0 =	vmax.f32 v0, v20  }
0x141: {  	v25 =	vld [tilespmem:$0x10010];
	v27 =	vmax.f32 v1, v6;
	v1 =	vmin.f32 v1, v6;
	v28 =	vmax.f32 v24, v7  }
0x142: {  	v26 =	vld [tilespmem:$0x10090];
	v7 =	vmin.f32 v24, v7;
	v30 =	vmax.f32 v5, v3;
	v3 =	vmin.f32 v5, v3  }
0x143: {  	v31 =	vld [tilespmem:$0x10190];
	v32 =	vmax.f32 v4, v0;
	v0 =	vmin.f32 v4, v0;
	v33 =	vmax.f32 v27, v30  }
0x144: {  	v36 =	vld [tilespmem:$0x10290];
	v8 =	vmin.f32 v27, v30;
	v35 =	vmax.f32 v28, v32;
	v6 =	vmin.f32 v28, v32  }
0x145: {  	v42 =	vld [tilespmem:$0x10310];
	v40 =	vmax.f32 v1, v3;
	v1 =	vmin.f32 v1, v3;
	v41 =	vmax.f32 v7, v0  }
0x146: {  	v44 =	vld [tilespmem:$0x10390];
	v0 =	vmin.f32 v7, v0;
	v43 =	vmax.f32 v33, v35;
	v4 =	vmin.f32 v33, v35  }
0x147: {  	v45 =	vmax.f32 v8, v6;
	v6 =	vmin.f32 v8, v6;
	v46 =	vmax.f32 v40, v41  }
0x148: {  	v3 =	vmin.f32 v40, v41;
	v47 =	vmax.f32 v1, v0;
	v0 =	vmin.f32 v1, v0  }
0x149: {  	v0 =	vmax.f32 v25, v0;
	v48 =	vmax.f32 v26, v47;
	v49 =	vmax.f32 v29, v3  }
0x14a: {  	v50 =	vmax.f32 v31, v46;
	v51 =	vmax.f32 v34, v6;
	v52 =	vmax.f32 v36, v45  }
0x14b: {  	v4 =	vmax.f32 v42, v4;
	v7 =	vmax.f32 v44, v43;
	v57 =	vmax.f32 v0, v51  }
0x14c: {  	v27 =	vld [tilespmem:$0x1FCE0];
	v58 =	vmax.f32 v48, v52;
	v59 =	vmax.f32 v49, v4;
	v60 =	vmax.f32 v50, v7  }
0x14d: {  	v28 =	vld [tilespmem:$0x1FD10];
	v61 =	vmax.f32 v57, v59;
	v63 =	vmax.f32 v58, v60  }
0x14e: {  	v30 =	vld [tilespmem:$0x1FD60];
	v0 =	vmin.f32 v0, v51;
	v1 =	vmin.f32 v48, v52;
	v15 =	vmax.f32 v61, v63  }
0x14f: {  	v32 =	vld [tilespmem:$0x1FDC0];
	v16 =	vmin.f32 v57, v59;
	v17 =	vmin.f32 v58, v60;
	v19 =	vmin.f32 v61, v63;
	[tilespmem:$0x10010] =	vst v15  }
0x150: {  	v33 =	vld [tilespmem:$0x1FDF0];
	v2 =	vmin.f32 v49, v4;
	v3 =	vmin.f32 v50, v7;
	v20 =	vmax.f32 v16, v17;
	[tilespmem:$0x10090] =	vst v19  }
0x151: {  	v35 =	vld [tilespmem:$0x1FE30];
	v22 =	vmax.f32 v0, v2;
	v23 =	vmax.f32 v1, v3;
	v21 =	vmin.f32 v16, v17;
	[tilespmem:$0x10110] =	vst v20  }
0x152: {  	v40 =	vld [tilespmem:$0x1FE70];
	v24 =	vmax.f32 v22, v23;
	[tilespmem:$0x10190] =	vst v21  }
0x153: {  	v29 =	vld [tilespmem:$0x1FD50];
	v0 =	vmin.f32 v0, v2;
	v1 =	vmin.f32 v1, v3;
	v25 =	vmin.f32 v22, v23;
	[tilespmem:$0x10210] =	vst v24  }
0x154: {  	v31 =	vld [tilespmem:$0x1FDB0];
	v26 =	vmax.f32 v0, v1;
	[tilespmem:$0x10290] =	vst v25  }
0x155: {  	v34 =	vld [tilespmem:$0x1FE00];
	v0 =	vmin.f32 v0, v1;
	[tilespmem:$0x10310] =	vst v26  }
0x156: {  	v36 =	vld [tilespmem:$0x1FE40];
	[tilespmem:$0x10390] =	vst v0  }
0x157: {  	v41 =	vld.idx.msk [tilespmem:v62+s3+$0x0], $0xffff  }
0x158: {  	v42 =	vld.idx.msk [tilespmem:v53+s3+$0x0], $0xffff  }
0x159: {  	v43 =	vld.idx.msk [tilespmem:v54+s3+$0x0], $0xffff  }
0x15a: {  	v44 =	vld.idx.msk [tilespmem:v55+s3+$0x0], $0xffff  }
0x15b: {  	v45 =	vld.idx.msk [tilespmem:v56+s3+$0x0], $0xffff  }
0x15c: {  	[tilespmem:$0x1FEB0] =	vst v0;
	v0 =	vld.idx.msk [tilespmem:v27+s3+$0x0], $0xffff  }
0x15d: {  	v1 =	vld.idx.msk [tilespmem:v28+s3+$0x0], $0xffff  }
0x15e: {  	v3 =	vld.idx.msk [tilespmem:v30+s3+$0x0], $0xffff  }
0x15f: {  	v5 =	vld.idx.msk [tilespmem:v32+s3+$0x0], $0xffff  }
0x160: {  	v6 =	vld.idx.msk [tilespmem:v33+s3+$0x0], $0xffff  }
0x161: {  	v8 =	vld.idx.msk [tilespmem:v35+s3+$0x0], $0xffff  }
0x162: {  	v10 =	vld.idx.msk [tilespmem:v40+s3+$0x0], $0xffff  }
0x163: {  	v2 =	vld.idx.msk [tilespmem:v29+s3+$0x0], $0xffff  }
0x164: {  	v4 =	vld.idx.msk [tilespmem:v31+s3+$0x0], $0xffff  }
0x165: {  	v7 =	vld.idx.msk [tilespmem:v34+s3+$0x0], $0xffff;
	v52 =	vmax.f32 v42, v43;
	v12 =	vmin.f32 v42, v43;
	v53 =	vmax.f32 v44, v45  }
0x166: {  	v9 =	vld.idx.msk [tilespmem:v36+s3+$0x0], $0xffff;
	v14 =	vmin.f32 v44, v45;
	v46 =	vmax.f32 v0, v1;
	v0 =	vmin.f32 v0, v1  }
0x167: {  	v21 =	vmin.f32 v52, v53;
	v22 =	vmax.f32 v12, v14;
	v11 =	vmax.f32 v52, v53  }
0x168: {  	v12 =	vmin.f32 v12, v14;
	v51 =	vmax.f32 v10, v41;
	v10 =	vmin.f32 v10, v41  }
0x169: {  	v23 =	vmax.f32 v21, v22;
	v24 =	vmin.f32 v21, v22;
	v47 =	vmax.f32 v2, v3  }
0x16a: {  	v2 =	vmin.f32 v2, v3;
	v48 =	vmax.f32 v4, v5;
	v4 =	vmin.f32 v4, v5  }
0x16b: {  	v49 =	vmax.f32 v6, v7;
	v6 =	vmin.f32 v6, v7;
	v50 =	vmax.f32 v8, v9  }
0x16c: {  	v8 =	vmin.f32 v8, v9;
	v54 =	vmin.f32 v46, v47;
	v55 =	vmax.f32 v0, v2  }
0x16d: {  	v1 =	vmax.f32 v46, v47;
	v0 =	vmin.f32 v0, v2;
	v57 =	vmin.f32 v48, v49  }
0x16e: {  	v58 =	vmax.f32 v4, v6;
	v3 =	vmax.f32 v48, v49;
	v4 =	vmin.f32 v4, v6  }
0x16f: {  	v61 =	vmin.f32 v50, v51;
	v62 =	vmax.f32 v8, v10;
	v7 =	vmax.f32 v50, v51  }
0x170: {  	v8 =	vmin.f32 v8, v10;
	v56 =	vmax.f32 v54, v55;
	v15 =	vmin.f32 v54, v55  }
0x171: {  	v59 =	vmax.f32 v57, v58;
	v60 =	vmin.f32 v57, v58;
	v63 =	vmax.f32 v61, v62  }
0x172: {  	v20 =	vmin.f32 v61, v62;
	v25 =	vmax.f32 v1, v4;
	v1 =	vmin.f32 v1, v4  }
0x173: {  	v28 =	vmax.f32 v0, v3;
	v0 =	vmin.f32 v0, v3;
	v40 =	vmax.f32 v7, v12  }
0x174: {  	v7 =	vmin.f32 v7, v12;
	v43 =	vmax.f32 v8, v11;
	v8 =	vmin.f32 v8, v11  }
0x175: {  	v26 =	vmax.f32 v56, v60;
	v2 =	vmin.f32 v56, v60;
	v27 =	vmax.f32 v15, v59  }
0x176: {  	v5 =	vmin.f32 v15, v59;
	v41 =	vmax.f32 v63, v24;
	v9 =	vmin.f32 v63, v24  }
0x177: {  	v42 =	vmax.f32 v20, v23;
	v10 =	vmin.f32 v20, v23;
	v29 =	vmax.f32 v25, v27  }
0x178: {  	v6 =	vmin.f32 v25, v27;
	v30 =	vmax.f32 v26, v28;
	v4 =	vmin.f32 v26, v28  }
0x179: {  	v31 =	vmax.f32 v1, v5;
	v1 =	vmin.f32 v1, v5;
	v32 =	vmax.f32 v2, v0  }
0x17a: {  	v0 =	vmin.f32 v2, v0;
	v44 =	vmax.f32 v40, v42;
	v45 =	vmax.f32 v41, v43  }
0x17b: {  	v12 =	vmin.f32 v41, v43;
	v46 =	vmax.f32 v7, v10;
	v7 =	vmin.f32 v7, v10  }
0x17c: {  	v47 =	vmax.f32 v9, v8;
	v8 =	vmin.f32 v9, v8;
	v33 =	vmax.f32 v29, v30  }
0x17d: {  	v3 =	vmin.f32 v29, v30;
	v34 =	vmax.f32 v6, v4;
	v4 =	vmin.f32 v6, v4  }
0x17e: {  	v35 =	vmax.f32 v31, v32;
	v5 =	vmin.f32 v31, v32;
	v36 =	vmax.f32 v1, v0  }
0x17f: {  	v0 =	vmin.f32 v1, v0;
	v1 =	vmin.f32 v40, v42;
	v48 =	vmax.f32 v44, v45  }
0x180: {  	v11 =	vmin.f32 v44, v45;
	v50 =	vmax.f32 v7, v8;
	v7 =	vmin.f32 v7, v8  }
0x181: {  	v51 =	vmax.f32 v46, v47;
	v10 =	vmin.f32 v46, v47;
	v49 =	vmax.f32 v1, v12  }
0x182: {  	v1 =	vmin.f32 v1, v12;
	v2 =	vmax.f32 v33, v7;
	v3 =	vmax.f32 v3, v50  }
0x183: {  	v53 =	vld [tilespmem:$0x10020];
	v52 =	vmax.f32 v34, v10;
	v4 =	vmax.f32 v4, v51;
	v54 =	vmax.f32 v36, v11  }
0x184: {  	v55 =	vld [tilespmem:$0x100A0];
	v0 =	vmax.f32 v0, v48;
	v1 =	vmax.f32 v35, v1;
	v5 =	vmax.f32 v5, v49  }
0x185: {  	v58 =	vld [tilespmem:$0x10120];
	v59 =	vmax.f32 v52, v54;
	v7 =	vmin.f32 v52, v54;
	v61 =	vmax.f32 v4, v0  }
0x186: {  	v60 =	vld [tilespmem:$0x101A0];
	v0 =	vmin.f32 v4, v0;
	v56 =	vmax.f32 v2, v1;
	v1 =	vmin.f32 v2, v1  }
0x187: {  	v63 =	vld [tilespmem:$0x10220];
	v57 =	vmax.f32 v3, v5;
	v3 =	vmin.f32 v3, v5;
	v62 =	vmax.f32 v56, v59  }
0x188: {  	v20 =	vld [tilespmem:$0x102A0];
	v5 =	vmin.f32 v56, v59;
	v19 =	vmax.f32 v57, v61;
	v2 =	vmin.f32 v57, v61  }
0x189: {  	v23 =	vld [tilespmem:$0x10320];
	v21 =	vmax.f32 v1, v7;
	v1 =	vmin.f32 v1, v7;
	v22 =	vmax.f32 v3, v0  }
0x18a: {  	v25 =	vld [tilespmem:$0x103A0];
	v0 =	vmin.f32 v3, v0;
	v24 =	vmax.f32 v62, v19;
	v4 =	vmin.f32 v62, v19  }
0x18b: {  	v26 =	vmax.f32 v5, v2;
	v2 =	vmin.f32 v5, v2;
	v27 =	vmax.f32 v21, v22  }
0x18c: {  	v7 =	vmin.f32 v21, v22;
	v28 =	vmax.f32 v1, v0;
	v0 =	vmin.f32 v1, v0  }
0x18d: {  	v0 =	vmax.f32 v53, v0;
	v29 =	vmax.f32 v55, v28;
	v30 =	vmax.f32 v58, v7  }
0x18e: {  	v5 =	vmax.f32 v60, v27;
	v2 =	vmax.f32 v63, v2;
	v31 =	vmax.f32 v20, v26  }
0x18f: {  	v51 =	vld [tilespmem:$0x1FCF0];
	v4 =	vmax.f32 v23, v4;
	v3 =	vmax.f32 v25, v24;
	v32 =	vmax.f32 v0, v2  }
0x190: {  	v52 =	vld [tilespmem:$0x1FD20];
	v9 =	vmax.f32 v29, v31;
	v33 =	vmax.f32 v30, v4;
	v34 =	vmax.f32 v5, v3  }
0x191: {  	v54 =	vld [tilespmem:$0x1FD80];
	v35 =	vmax.f32 v32, v33;
	v36 =	vmax.f32 v9, v34  }
0x192: {  	v56 =	vld [tilespmem:$0x1FDE0];
	v0 =	vmin.f32 v0, v2;
	v1 =	vmin.f32 v29, v31;
	v40 =	vmax.f32 v35, v36  }
0x193: {  	v57 =	vld [tilespmem:$0x1FE10];
	v41 =	vmin.f32 v32, v33;
	v42 =	vmin.f32 v9, v34;
	v43 =	vmin.f32 v35, v36;
	[tilespmem:$0x10020] =	vst v40  }
0x194: {  	v59 =	vld [tilespmem:$0x1FE50];
	v44 =	vmin.f32 v30, v4;
	v3 =	vmin.f32 v5, v3;
	v45 =	vmax.f32 v41, v42;
	[tilespmem:$0x100A0] =	vst v43  }
0x195: {  	v61 =	vld [tilespmem:$0x1FE80];
	v6 =	vmax.f32 v0, v44;
	v47 =	vmax.f32 v1, v3;
	v46 =	vmin.f32 v41, v42;
	[tilespmem:$0x10120] =	vst v45  }
0x196: {  	v62 =	vld [tilespmem:$0x1FE90];
	v48 =	vmax.f32 v6, v47;
	[tilespmem:$0x101A0] =	vst v46  }
0x197: {  	v53 =	vld [tilespmem:$0x1FD70];
	v0 =	vmin.f32 v0, v44;
	v1 =	vmin.f32 v1, v3;
	v49 =	vmin.f32 v6, v47;
	[tilespmem:$0x10220] =	vst v48  }
0x198: {  	v55 =	vld [tilespmem:$0x1FDD0];
	v50 =	vmax.f32 v0, v1;
	[tilespmem:$0x102A0] =	vst v49  }
0x199: {  	v58 =	vld [tilespmem:$0x1FE20];
	v0 =	vmin.f32 v0, v1;
	[tilespmem:$0x10320] =	vst v50  }
0x19a: {  	v60 =	vld [tilespmem:$0x1FE60];
	[tilespmem:$0x103A0] =	vst v0  }
0x19b: {  	[tilespmem:$0x1FEA0] =	vst v0;
	v0 =	vld.idx.msk [tilespmem:v51+s3+$0x0], $0xffff  }
0x19c: {  	v1 =	vld.idx.msk [tilespmem:v52+s3+$0x0], $0xffff  }
0x19d: {  	v3 =	vld.idx.msk [tilespmem:v54+s3+$0x0], $0xffff  }
0x19e: {  	v63 =	vld.idx.msk [tilespmem:v18+s3+$0x0], $0xffff  }
0x19f: {  	v20 =	vld.idx.msk [tilespmem:v37+s3+$0x0], $0xffff  }
0x1a0: {  	v21 =	vld.idx.msk [tilespmem:v38+s3+$0x0], $0xffff  }
0x1a1: {  	v22 =	vld.idx.msk [tilespmem:v39+s3+$0x0], $0xffff  }
0x1a2: {  	v5 =	vld.idx.msk [tilespmem:v56+s3+$0x0], $0xffff  }
0x1a3: {  	v6 =	vld.idx.msk [tilespmem:v57+s3+$0x0], $0xffff  }
0x1a4: {  	v8 =	vld.idx.msk [tilespmem:v59+s3+$0x0], $0xffff  }
0x1a5: {  	v10 =	vld.idx.msk [tilespmem:v61+s3+$0x0], $0xffff  }
0x1a6: {  	v11 =	vld.idx.msk [tilespmem:v62+s3+$0x0], $0xffff  }
0x1a7: {  	v2 =	vld.idx.msk [tilespmem:v53+s3+$0x0], $0xffff  }
0x1a8: {  	v4 =	vld.idx.msk [tilespmem:v55+s3+$0x0], $0xffff  }
0x1a9: {  	v7 =	vld.idx.msk [tilespmem:v58+s3+$0x0], $0xffff;
	v23 =	vmax.f32 v0, v1;
	v0 =	vmin.f32 v0, v1;
	v29 =	vmax.f32 v63, v20  }
0x1aa: {  	v9 =	vld.idx.msk [tilespmem:v60+s3+$0x0], $0xffff;
	v12 =	vmin.f32 v63, v20;
	v30 =	vmax.f32 v21, v22;
	v14 =	vmin.f32 v21, v22  }
0x1ab: {  	v42 =	vmin.f32 v29, v30;
	v43 =	vmax.f32 v12, v14;
	v12 =	vmin.f32 v12, v14  }
0x1ac: {  	v28 =	vmax.f32 v10, v11;
	v10 =	vmin.f32 v10, v11;
	v11 =	vmax.f32 v29, v30  }
0x1ad: {  	v44 =	vmax.f32 v42, v43;
	v45 =	vmin.f32 v42, v43;
	v24 =	vmax.f32 v2, v3  }
0x1ae: {  	v2 =	vmin.f32 v2, v3;
	v25 =	vmax.f32 v4, v5;
	v4 =	vmin.f32 v4, v5  }
0x1af: {  	v26 =	vmax.f32 v6, v7;
	v6 =	vmin.f32 v6, v7;
	v27 =	vmax.f32 v8, v9  }
0x1b0: {  	v8 =	vmin.f32 v8, v9;
	v31 =	vmin.f32 v23, v24;
	v32 =	vmax.f32 v0, v2  }
0x1b1: {  	v1 =	vmax.f32 v23, v24;
	v0 =	vmin.f32 v0, v2;
	v34 =	vmin.f32 v25, v26  }
0x1b2: {  	v35 =	vmax.f32 v4, v6;
	v3 =	vmax.f32 v25, v26;
	v4 =	vmin.f32 v4, v6  }
0x1b3: {  	v38 =	vmin.f32 v27, v28;
	v39 =	vmax.f32 v8, v10;
	v7 =	vmax.f32 v27, v28  }
0x1b4: {  	v8 =	vmin.f32 v8, v10;
	v33 =	vmax.f32 v31, v32;
	v15 =	vmin.f32 v31, v32  }
0x1b5: {  	v36 =	vmax.f32 v34, v35;
	v37 =	vmin.f32 v34, v35;
	v40 =	vmax.f32 v38, v39  }
0x1b6: {  	v41 =	vmin.f32 v38, v39;
	v46 =	vmax.f32 v1, v4;
	v1 =	vmin.f32 v1, v4  }
0x1b7: {  	v49 =	vmax.f32 v0, v3;
	v0 =	vmin.f32 v0, v3;
	v58 =	vmax.f32 v7, v12  }
0x1b8: {  	v7 =	vmin.f32 v7, v12;
	v61 =	vmax.f32 v8, v11;
	v8 =	vmin.f32 v8, v11  }
0x1b9: {  	v47 =	vmax.f32 v33, v37;
	v2 =	vmin.f32 v33, v37;
	v48 =	vmax.f32 v15, v36  }
0x1ba: {  	v5 =	vmin.f32 v15, v36;
	v59 =	vmax.f32 v40, v45;
	v9 =	vmin.f32 v40, v45  }
0x1bb: {  	v60 =	vmax.f32 v41, v44;
	v10 =	vmin.f32 v41, v44;
	v50 =	vmax.f32 v46, v48  }
0x1bc: {  	v6 =	vmin.f32 v46, v48;
	v51 =	vmax.f32 v47, v49;
	v4 =	vmin.f32 v47, v49  }
0x1bd: {  	v52 =	vmax.f32 v1, v5;
	v1 =	vmin.f32 v1, v5;
	v53 =	vmax.f32 v2, v0  }
0x1be: {  	v0 =	vmin.f32 v2, v0;
	v62 =	vmax.f32 v58, v60;
	v63 =	vmax.f32 v59, v61  }
0x1bf: {  	v12 =	vmin.f32 v59, v61;
	v17 =	vmax.f32 v7, v10;
	v7 =	vmin.f32 v7, v10  }
0x1c0: {  	v18 =	vmax.f32 v9, v8;
	v8 =	vmin.f32 v9, v8;
	v54 =	vmax.f32 v50, v51  }
0x1c1: {  	v3 =	vmin.f32 v50, v51;
	v55 =	vmax.f32 v6, v4;
	v4 =	vmin.f32 v6, v4  }
0x1c2: {  	v56 =	vmax.f32 v52, v53;
	v5 =	vmin.f32 v52, v53;
	v57 =	vmax.f32 v1, v0  }
0x1c3: {  	v0 =	vmin.f32 v1, v0;
	v1 =	vmin.f32 v58, v60;
	v19 =	vmax.f32 v62, v63  }
0x1c4: {  	v11 =	vmin.f32 v62, v63;
	v21 =	vmax.f32 v7, v8;
	v7 =	vmin.f32 v7, v8  }
0x1c5: {  	v22 =	vmax.f32 v17, v18;
	v10 =	vmin.f32 v17, v18;
	v20 =	vmax.f32 v1, v12  }
0x1c6: {  	v1 =	vmin.f32 v1, v12;
	v2 =	vmax.f32 v54, v7;
	v3 =	vmax.f32 v3, v21  }
0x1c7: {  	v29 =	vld [tilespmem:$0x10130];
	v23 =	vmax.f32 v55, v10;
	v4 =	vmax.f32 v4, v22;
	v25 =	vmax.f32 v57, v11  }
0x1c8: {  	v24 =	vld [tilespmem:$0x10030];
	v0 =	vmax.f32 v0, v19;
	v1 =	vmax.f32 v56, v1;
	v5 =	vmax.f32 v5, v20  }
0x1c9: {  	v26 =	vld [tilespmem:$0x100B0];
	v30 =	vmax.f32 v23, v25;
	v7 =	vmin.f32 v23, v25;
	v32 =	vmax.f32 v4, v0  }
0x1ca: {  	v31 =	vld [tilespmem:$0x101B0];
	v0 =	vmin.f32 v4, v0;
	v27 =	vmax.f32 v2, v1;
	v1 =	vmin.f32 v2, v1  }
0x1cb: {  	v34 =	vld [tilespmem:$0x10230];
	v28 =	vmax.f32 v3, v5;
	v3 =	vmin.f32 v3, v5;
	v33 =	vmax.f32 v27, v30  }
0x1cc: {  	v39 =	vld [tilespmem:$0x10330];
	v5 =	vmin.f32 v27, v30;
	v35 =	vmax.f32 v28, v32;
	v2 =	vmin.f32 v28, v32  }
0x1cd: {  	v36 =	vld [tilespmem:$0x102B0];
	v37 =	vmax.f32 v1, v7;
	v1 =	vmin.f32 v1, v7;
	v38 =	vmax.f32 v3, v0  }
0x1ce: {  	v41 =	vld [tilespmem:$0x103B0];
	v0 =	vmin.f32 v3, v0;
	v40 =	vmax.f32 v33, v35;
	v4 =	vmin.f32 v33, v35  }
0x1cf: {  	v42 =	vmax.f32 v5, v2;
	v2 =	vmin.f32 v5, v2;
	v43 =	vmax.f32 v37, v38  }
0x1d0: {  	v7 =	vmin.f32 v37, v38;
	v44 =	vmax.f32 v1, v0;
	v0 =	vmin.f32 v1, v0  }
0x1d1: {  	v0 =	vmax.f32 v24, v0;
	v45 =	vmax.f32 v26, v44;
	v46 =	vmax.f32 v29, v7  }
0x1d2: {  	v5 =	vmax.f32 v31, v43;
	v2 =	vmax.f32 v34, v2;
	v47 =	vmax.f32 v36, v42  }
0x1d3: {  	v4 =	vmax.f32 v39, v4;
	v3 =	vmax.f32 v41, v40;
	v48 =	vmax.f32 v0, v2  }
0x1d4: {  	v9 =	vmax.f32 v45, v47;
	v49 =	vmax.f32 v46, v4;
	v50 =	vmax.f32 v5, v3  }
0x1d5: {  	v51 =	vmax.f32 v48, v49;
	v52 =	vmax.f32 v9, v50  }
0x1d6: {  	v0 =	vmin.f32 v0, v2;
	v1 =	vmin.f32 v45, v47;
	v53 =	vmax.f32 v51, v52  }
0x1d7: {  	v54 =	vmin.f32 v48, v49;
	v55 =	vmin.f32 v9, v50;
	v56 =	vmin.f32 v51, v52;
	[tilespmem:$0x10030] =	vst v53  }
0x1d8: {  	v57 =	vmin.f32 v46, v4;
	v3 =	vmin.f32 v5, v3;
	v58 =	vmax.f32 v54, v55;
	[tilespmem:$0x100B0] =	vst v56  }
0x1d9: {  	v6 =	vmax.f32 v0, v57;
	v60 =	vmax.f32 v1, v3;
	v59 =	vmin.f32 v54, v55;
	[tilespmem:$0x10130] =	vst v58  }
.Ltmp5:
0x1da: {  	v61 =	vmax.f32 v6, v60;
	[tilespmem:$0x101B0] =	vst v59;
	(pc) =	sbr.rel .LBB2_5-.Ltmp5, $4  }
0x1db: {  	v0 =	vmin.f32 v0, v57;
	v1 =	vmin.f32 v1, v3;
	v62 =	vmin.f32 v6, v60;
	[tilespmem:$0x10230] =	vst v61  }
0x1dc: {  	v63 =	vmax.f32 v0, v1;
	[tilespmem:$0x102B0] =	vst v62  }
0x1dd: {  	v42 =	vmin.f32 v0, v1;
	[tilespmem:$0x10330] =	vst v63  }
0x1de: {  	[tilespmem:$0x103B0] =	vst v42  }
.LBB2_6:
0x1df: {  	s19 =	sshll.u32 s18, $0xD;
	p0 =	seq.s32 s18, $0x1F  }
0x1e0: {  	s20 =	sadd.s32 @!p0 s6, s19  }
0x1e1: {  	s21 =	simm.s32 @!p0 $0x1000;
	s22 =	simm.s32 @!p0 $0x40000;
	s20 =	sshrl.u32 @!p0 s20, $0x3  }
.Ltmp6:
0x1e2: {  	s23 =	simm.s32 @!p0 $0x0;
	s20 =	sadd.s32 @!p0 s0, s20;
	(pc) =	sbr.rel .LBB2_7-.Ltmp6, $4  }
0x1e3: {  	[tilespmem:s23], [sflag:$0x1] =	stream.strided.gather @!p0 [hbm4b:s20+s21], $0x8000, s22, s21, $0x38;
	[tilespmem:$0x10400] =	vst v63  }
0x1e4: {  	_ =	swait.ge [sflag:s14], $0x8000  }
0x1e5: {  	[sflag:s14] =	ssyncset.done $0x0  }
0x1e6: {  	s20 =	simm.s32 $0x0;
	[sflag:s14] =	ssyncadd.s32 $0xFFFF8000  }
.LBB2_9:
0x1e7: {  	s20 =	sadd.s32 $0x10, s20  }
0x1e8: {  	p1 =	sne.s32 s20, $0x200  }
.Ltmp7:
0x1e9: {  	_ = 	snop;
	(pc) =	sbr.rel @!p1 .LBB2_10-.Ltmp7, $1  }
0x1ea: {  	_ =	sdelay $0x3  }
.LBB2_7:
0x1eb: {  	v2 =	vld [tilespmem:$0x1FEE0]  }
0x1ec: {  	v4 =	vld [tilespmem:$0x1FEF0];
	_ =	sdelay $0x1  }
0x1ed: {  	v0 =	vmov s20  }
0x1ee: {  	v1 =	vlaneseq.u32;
	v0 =	vshll.u32 v0, $0x3  }
0x1ef: {  	v1 =	vor.u32 s20, v1;
	v0 =	vand.u32 $0xC00, v0  }
0x1f0: {  	v1 =	vand.u32 $0x7F, v1;
	v2 =	vor.u32 v2, v0;
	v7 =	vor.u32 v4, v0;
	v4 =	vld [tilespmem:$0x1FF00]  }
0x1f1: {  	v3 =	vor.u32 v1, v2;
	_ =	sdelay $0x2  }
0x1f2: {  	v5 =	vld [tilespmem:$0x1FF10]  }
0x1f3: {  	v38 =	vor.u32 v4, v0;
	v4 =	vld [tilespmem:$0x1FED0]  }
0x1f4: {  	v8 =	vld.idx.msk [tilespmem:v3+s12+$0x0], $0xffff  }
0x1f5: {  	v3 =	vld [tilespmem:$0x1FF20];
	_ =	sdelay $0x2  }
0x1f6: {  	v39 =	vor.u32 v5, v0;
	v4 =	vor.u32 s20, v4  }
0x1f7: {  	v10 =	vor.u32 v1, v7;
	v6 =	vor.u32 v1, v39;
	v0 =	vand.u32 $0x7F, v4  }
0x1f8: {  	v9 =	vor.u32 v1, v38;
	v3 =	vor.u32 s20, v3;
	v1 =	vor.u32 v0, v2  }
0x1f9: {  	v13 =	vor.u32 v0, v7;
	v12 =	vor.u32 v0, v38;
	v11 =	vor.u32 v0, v39;
	v0 =	vld [tilespmem:$0x1FF30]  }
0x1fa: {  	v3 =	vand.u32 $0x7F, v3  }
0x1fb: {  	v14 =	vor.u32 v3, v7  }
0x1fc: {  	v21 =	vld [tilespmem:$0x1FFD0]  }
0x1fd: {  	v4 =	vld.idx.msk [tilespmem:v10+s12+$0x0], $0xffff  }
0x1fe: {  	v5 =	vld.idx.msk [tilespmem:v9+s12+$0x0], $0xffff;
	v0 =	vor.u32 s20, v0  }
0x1ff: {  	[tilespmem:$0x1FB30] =	vst v9;
	v9 =	vld.idx.msk [tilespmem:v1+s12+$0x0], $0xffff;
	v0 =	vand.u32 $0x7F, v0  }
0x200: {  	[tilespmem:$0x1FB80] =	vst v14;
	v34 =	vld.idx.msk [tilespmem:v14+s12+$0x0], $0xffff;
	v14 =	vor.u32 v0, v39  }
0x201: {  	v23 =	vld.idx.msk [tilespmem:v13+s12+$0x0], $0xffff  }
0x202: {  	[tilespmem:$0x1FB60] =	vst v12;
	v35 =	vld.idx.msk [tilespmem:v12+s12+$0x0], $0xffff;
	v12 =	vor.u32 v3, v39  }
0x203: {  	v36 =	vld.idx.msk [tilespmem:v11+s12+$0x0], $0xffff  }
0x204: {  	v1 =	vor.u32 v0, v2;
	v16 =	vor.u32 v0, v7;
	v15 =	vor.u32 v0, v38;
	v0 =	vld [tilespmem:$0x1FF50]  }
0x205: {  	v56 =	vld.idx.msk [tilespmem:v14+s12+$0x0], $0xffff  }
0x206: {  	[tilespmem:$0x1FBD0] =	vst v14;
	v14 =	vld [tilespmem:$0x1FF80]  }
0x207: {  	v55 =	vld.idx.msk [tilespmem:v12+s12+$0x0], $0xffff  }
0x208: {  	[tilespmem:$0x1FBC0] =	vst v12;
	v12 =	vld [tilespmem:$0x1FF60]  }
0x209: {  	[tilespmem:$0x1FB70] =	vst v11;
	v11 =	vld.idx.msk [tilespmem:v1+s12+$0x0], $0xffff  }
0x20a: {  	[tilespmem:$0x1FB50] =	vst v13;
	v13 =	vor.u32 v3, v38;
	v1 =	vld [tilespmem:$0x1FF40]  }
0x20b: {  	[tilespmem:$0x1FB20] =	vst v10;
	v10 =	vor.u32 v3, v2;
	v37 =	vld.idx.msk [tilespmem:v16+s12+$0x0], $0xffff;
	v14 =	vor.u32 s20, v14  }
0x20c: {  	v31 =	vand.u32 $0x7F, v14;
	v14 =	vld [tilespmem:$0x1FF70]  }
0x20d: {  	[tilespmem:$0x1FB90] =	vst v16;
	v0 =	vor.u32 s20, v0;
	v16 =	vld [tilespmem:$0x1FF90]  }
0x20e: {  	[tilespmem:$0x1FB40] =	vst v6;
	v6 =	vld.idx.msk [tilespmem:v6+s12+$0x0], $0xffff;
	v0 =	vand.u32 $0x7F, v0  }
0x20f: {  	[tilespmem:$0x1FBA0] =	vst v13;
	v53 =	vld.idx.msk [tilespmem:v13+s12+$0x0], $0xffff;
	v13 =	vor.u32 v0, v2  }
0x210: {  	v10 =	vld.idx.msk [tilespmem:v10+s12+$0x0], $0xffff;
	v18 =	vor.u32 v0, v7;
	v45 =	vor.u32 v0, v38;
	v12 =	vor.u32 s20, v12  }
0x211: {  	v54 =	vld.idx.msk [tilespmem:v15+s12+$0x0], $0xffff;
	v20 =	vand.u32 $0x7F, v12;
	v1 =	vor.u32 s20, v1;
	v14 =	vor.u32 s20, v14  }
0x212: {  	v16 =	vor.u32 s20, v16;
	v49 =	vor.u32 v20, v38;
	v32 =	vand.u32 $0x7F, v14;
	v14 =	vld [tilespmem:$0x1FFA0]  }
0x213: {  	v1 =	vand.u32 $0x7F, v1;
	v33 =	vand.u32 $0x7F, v16;
	v16 =	vld [tilespmem:$0x1FFB0]  }
0x214: {  	v3 =	vor.u32 v1, v2;
	v13 =	vld.idx.msk [tilespmem:v13+s12+$0x0], $0xffff  }
0x215: {  	v17 =	vor.u32 v1, v7;
	v27 =	vld.idx.msk [tilespmem:v18+s12+$0x0], $0xffff  }
0x216: {  	[tilespmem:$0x1FC10] =	vst v45;
	v19 =	vor.u32 v1, v38;
	v45 =	vld.idx.msk [tilespmem:v45+s12+$0x0], $0xffff  }
0x217: {  	[tilespmem:$0x1FC40] =	vst v49;
	v1 =	vor.u32 v1, v39;
	v49 =	vld.idx.msk [tilespmem:v49+s12+$0x0], $0xffff;
	v14 =	vor.u32 s20, v14  }
0x218: {  	[tilespmem:$0x1FBB0] =	vst v15;
	v15 =	vor.u32 v31, v2;
	v28 =	vand.u32 $0x7F, v14;
	v14 =	vld [tilespmem:$0x1FFC0]  }
0x219: {  	v12 =	vld.idx.msk [tilespmem:v3+s12+$0x0], $0xffff  }
0x21a: {  	v21 =	vor.u32 s20, v21;
	v50 =	vor.u32 v31, v38;
	v26 =	vld.idx.msk [tilespmem:v17+s12+$0x0], $0xffff  }
0x21b: {  	v41 =	vand.u32 $0x7F, v21;
	v58 =	vor.u32 v33, v38;
	v29 =	vld.idx.msk [tilespmem:v19+s12+$0x0], $0xffff  }
0x21c: {  	v53 =	vmax.f32 v5, v53;
	[tilespmem:$0x1FC20] =	vst v1;
	v16 =	vor.u32 s20, v16;
	v46 =	vld.idx.msk [tilespmem:v1+s12+$0x0], $0xffff;
	v1 =	vor.u32 v33, v7  }
0x21d: {  	v5 =	vor.u32 v41, v7;
	v30 =	vand.u32 $0x7F, v16;
	v15 =	vld.idx.msk [tilespmem:v15+s12+$0x0], $0xffff;
	v16 =	vor.u32 s20, v14  }
0x21e: {  	[tilespmem:$0x1FBE0] =	vst v17;
	v17 =	vor.u32 v32, v2;
	v40 =	vand.u32 $0x7F, v16;
	v16 =	vld [tilespmem:$0x1FFE0]  }
0x21f: {  	[tilespmem:$0x1FC50] =	vst v50;
	v50 =	vld.idx.msk [tilespmem:v50+s12+$0x0], $0xffff  }
0x220: {  	[tilespmem:$0x1FC90] =	vst v58;
	v58 =	vld.idx.msk [tilespmem:v58+s12+$0x0], $0xffff;
	v57 =	vor.u32 v32, v38  }
0x221: {  	v6 =	vmax.f32 v6, v55;
	v3 =	vor.u32 v20, v2;
	v52 =	vld.idx.msk [tilespmem:v1+s12+$0x0], $0xffff  }
0x222: {  	v59 =	vor.u32 v32, v39;
	v6 =	vmax.f32 v6, v46;
	v46 =	vld.idx.msk [tilespmem:v5+s12+$0x0], $0xffff  }
0x223: {  	[tilespmem:$0x1FBF0] =	vst v18;
	v62 =	vor.u32 v30, v38;
	v21 =	vor.u32 s20, v16;
	v16 =	vld.idx.msk [tilespmem:v17+s12+$0x0], $0xffff  }
0x224: {  	v18 =	vor.u32 v33, v2;
	[tilespmem:$0x1FC00] =	vst v19;
	v17 =	vld [tilespmem:$0x1FFF0]  }
0x225: {  	v37 =	vmax.f32 v23, v37;
	[tilespmem:$0x1FC80] =	vst v57;
	v57 =	vld.idx.msk [tilespmem:v57+s12+$0x0], $0xffff;
	v19 =	vor.u32 v28, v2  }
0x226: {  	v54 =	vmax.f32 v35, v54;
	v27 =	vmax.f32 v37, v27;
	v14 =	vld.idx.msk [tilespmem:v3+s12+$0x0], $0xffff;
	v3 =	vor.u32 v30, v2  }
0x227: {  	v37 =	vmax.f32 v54, v45;
	v54 =	vor.u32 v41, v38;
	[tilespmem:$0x1FCA0] =	vst v59;
	v59 =	vld.idx.msk [tilespmem:v59+s12+$0x0], $0xffff  }
0x228: {  	v45 =	vld.idx.msk [tilespmem:v62+s12+$0x0], $0xffff;
	v22 =	vor.u32 v40, v2  }
0x229: {  	v24 =	vor.u32 v41, v2;
	v43 =	vand.u32 $0x7F, v21;
	v25 =	vor.u32 s20, v17;
	v17 =	vld.idx.msk [tilespmem:v18+s12+$0x0], $0xffff  }
0x22a: {  	v47 =	vor.u32 v43, v2;
	v18 =	vld.idx.msk [tilespmem:v19+s12+$0x0], $0xffff  }
0x22b: {  	v29 =	vmax.f32 v53, v29;
	v19 =	vld.idx.msk [tilespmem:v3+s12+$0x0], $0xffff;
	v3 =	vor.u32 v0, v39  }
0x22c: {  	v63 =	vor.u32 v20, v7;
	v29 =	vmax.f32 v29, v49;
	v49 =	vld.idx.msk [tilespmem:v54+s12+$0x0], $0xffff;
	v44 =	vand.u32 $0x7F, v25  }
0x22d: {  	v21 =	vld.idx.msk [tilespmem:v22+s12+$0x0], $0xffff;
	v2 =	vor.u32 v44, v2  }
0x22e: {  	v61 =	vor.u32 v28, v38;
	v22 =	vld.idx.msk [tilespmem:v24+s12+$0x0], $0xffff  }
0x22f: {  	v0 =	vor.u32 v31, v7;
	v24 =	vld.idx.msk [tilespmem:v47+s12+$0x0], $0xffff  }
0x230: {  	[tilespmem:$0x1FC30] =	vst v3;
	v47 =	vld.idx.msk [tilespmem:v3+s12+$0x0], $0xffff;
	v3 =	vor.u32 v31, v39  }
0x231: {  	v35 =	vor.u32 v30, v39;
	v31 =	vld.idx.msk [tilespmem:v63+s12+$0x0], $0xffff  }
0x232: {  	v34 =	vmax.f32 v4, v34;
	v25 =	vld.idx.msk [tilespmem:v2+s12+$0x0], $0xffff;
	v2 =	vor.u32 v20, v39  }
0x233: {  	v60 =	vor.u32 v33, v39;
	v26 =	vmax.f32 v34, v26;
	v34 =	vld.idx.msk [tilespmem:v61+s12+$0x0], $0xffff  }
0x234: {  	v48 =	vld.idx.msk [tilespmem:v0+s12+$0x0], $0xffff;
	v20 =	vor.u32 v32, v7  }
0x235: {  	[tilespmem:$0x1FCB0] =	vst v60;
	v53 =	vor.u32 v40, v38;
	v32 =	vld.idx.msk [tilespmem:v3+s12+$0x0], $0xffff  }
0x236: {  	[tilespmem:$0x1FC70] =	vst v3;
	v3 =	vor.u32 v30, v7;
	v26 =	vmax.f32 v26, v31;
	v31 =	vld.idx.msk [tilespmem:v35+s12+$0x0], $0xffff  }
0x237: {  	v4 =	vor.u32 v28, v39;
	[tilespmem:$0x1FC60] =	vst v2;
	v51 =	vld.idx.msk [tilespmem:v2+s12+$0x0], $0xffff;
	v2 =	vor.u32 v28, v7  }
0x238: {  	v36 =	vmax.f32 v36, v56;
	v56 =	vmax.f32 v37, v50;
	[tilespmem:$0x1FCC0] =	vst v61;
	v28 =	vld.idx.msk [tilespmem:v60+s12+$0x0], $0xffff;
	v60 =	vmov v4  }
0x239: {  	v61 =	vmax.f32 v36, v47;
	v36 =	vor.u32 v40, v39;
	v33 =	vld.idx.msk [tilespmem:v20+s12+$0x0], $0xffff;
	v4 =	vor.u32 v40, v7  }
0x23a: {  	v40 =	vmax.f32 v56, v58;
	v56 =	vor.u32 v44, v38;
	v32 =	vmax.f32 v61, v32;
	v61 =	vld.idx.msk [tilespmem:v53+s12+$0x0], $0xffff  }
0x23b: {  	v23 =	vld.idx.msk [tilespmem:v3+s12+$0x0], $0xffff  }
0x23c: {  	v27 =	vmax.f32 v27, v48;
	v30 =	vld.idx.msk [tilespmem:v2+s12+$0x0], $0xffff;
	v48 =	vmax.f32 v6, v51;
	v6 =	vor.u32 v43, v7  }
0x23d: {  	v29 =	vmax.f32 v29, v57;
	v47 =	vld.idx.msk [tilespmem:v60+s12+$0x0], $0xffff;
	v7 =	vor.u32 v44, v7  }
0x23e: {  	v37 =	vor.u32 v41, v39;
	v29 =	vmax.f32 v29, v34;
	v55 =	vor.u32 v43, v38;
	v41 =	vld.idx.msk [tilespmem:v4+s12+$0x0], $0xffff  }
0x23f: {  	v29 =	vmax.f32 v29, v61;
	v61 =	vld.idx.msk [tilespmem:v56+s12+$0x0], $0xffff  }
0x240: {  	v27 =	vmax.f32 v27, v52;
	v28 =	vmax.f32 v32, v28;
	v32 =	vld.idx.msk [tilespmem:v36+s12+$0x0], $0xffff  }
0x241: {  	v52 =	vmax.f32 v8, v10;
	v38 =	vor.u32 v43, v39;
	v39 =	vor.u32 v44, v39;
	v34 =	vld.idx.msk [tilespmem:v6+s12+$0x0], $0xffff  }
0x242: {  	v50 =	vmax.f32 v40, v45;
	v26 =	vmax.f32 v26, v33;
	v28 =	vmax.f32 v28, v31;
	v31 =	vld.idx.msk [tilespmem:v7+s12+$0x0], $0xffff  }
0x243: {  	v58 =	vmax.f32 v52, v12;
	v44 =	vld.idx.msk [tilespmem:v55+s12+$0x0], $0xffff;
	v26 =	vmax.f32 v26, v30;
	v30 =	vmax.f32 v50, v49  }
0x244: {  	v57 =	vmax.f32 v9, v11;
	v33 =	vmax.f32 v58, v14;
	v30 =	vmax.f32 v30, v61;
	v61 =	vld [tilespmem:$0x1FEB0]  }
0x245: {  	v48 =	vmax.f32 v48, v59;
	v59 =	vmax.f32 v57, v13;
	v23 =	vmax.f32 v27, v23;
	v27 =	vld.idx.msk [tilespmem:v37+s12+$0x0], $0xffff  }
0x246: {  	v23 =	vmax.f32 v23, v46;
	v51 =	vmax.f32 v48, v47;
	v48 =	vld.idx.msk [tilespmem:v38+s12+$0x0], $0xffff;
	v26 =	vmax.f32 v26, v41  }
0x247: {  	v33 =	vmax.f32 v33, v16;
	v50 =	vld.idx.msk [tilespmem:v39+s12+$0x0], $0xffff;
	v26 =	vmax.f32 v26, v34;
	v23 =	vmax.f32 v23, v31  }
0x248: {  	v41 =	vmax.f32 v59, v15;
	v32 =	vmax.f32 v51, v32;
	v59 =	vld [tilespmem:$0x1FEC0];
	v23 =	vmax.f32 v26, v23  }
0x249: {  	v51 =	vmax.f32 v33, v18;
	v49 =	vmax.f32 v41, v17;
	vm1 =	vgt.f32 v23, v61;
	v23 =	vld [tilespmem:$0x1FEA0]  }
0x24a: {  	v27 =	vmax.f32 v28, v27;
	v52 =	vmax.f32 v49, v19;
	v28 =	vmax.f32 v51, v21  }
0x24b: {  	v29 =	vmax.f32 v29, v44;
	v33 =	vmax.f32 v52, v22;
	v28 =	vmax.f32 v28, v24  }
0x24c: {  	v57 =	vmax.f32 v33, v25;
	v58 =	vmax.f32 v32, v48;
	v27 =	vmax.f32 v27, v50  }
0x24d: {  	v28 =	vmax.f32 v28, v57;
	v26 =	vmax.f32 v29, v30;
	v27 =	vmax.f32 v58, v27  }
0x24e: {  	vm0 =	vgt.f32 v28, v59;
	vm3 =	vgt.f32 v27, v42;
	vm2 =	vgt.f32 v26, v23  }
0x24f: {  	vm0 =	vmor vm0, vm1;
	vm15 =	vmor vm2, vm3  }
0x250: {  	v23 =	vimm.f32 $0.0e+00;
	vm0 =	vmor vm0, vm15  }
0x251: {  	v23 =	vsel vm0, $0x3F800000, v23  }
0x252: {  	(xrf0) =	vmax.scan.msk.f32 $0xffff, v23;
	_ =	sdelay $0x5  }
0x253: {  	v23, _, _ =	vpop (xrf0)  }
0x254: {  	(v2sf) =	vpush v23, $0xF;
	_ =	sdelay $0xe  }
0x255: {  	s21 =	spop (v2sf)  }
0x256: {  	p1 =	sgt.f32 s21, $0.0e+00  }
.Ltmp8:
0x257: {  	_ = 	snop;
	(pc) =	sbr.rel @!p1 .LBB2_9-.Ltmp8, $1  }
0x258: {  	_ =	sdelay $0x3  }
0x259: {  	v23 =	vmax.f32 v8, v9;
	v42 =	vmin.f32 v8, v9;
	v43 =	vmax.f32 v10, v11  }
0x25a: {  	v44 =	vmin.f32 v10, v11;
	v45 =	vmax.f32 v12, v13;
	v46 =	vmin.f32 v12, v13  }
0x25b: {  	v47 =	vmax.f32 v14, v15;
	v48 =	vmin.f32 v14, v15;
	v49 =	vmax.f32 v16, v17  }
0x25c: {  	v50 =	vmin.f32 v16, v17;
	v51 =	vmax.f32 v18, v19;
	v52 =	vmin.f32 v18, v19  }
0x25d: {  	v57 =	vmax.f32 v21, v22;
	v58 =	vmin.f32 v21, v22;
	v59 =	vmax.f32 v24, v25  }
0x25e: {  	v61 =	vmin.f32 v24, v25;
	v28 =	vmin.f32 v23, v43;
	v26 =	vmax.f32 v42, v44  }
0x25f: {  	v9 =	vmax.f32 v23, v43;
	v8 =	vmin.f32 v42, v44;
	v31 =	vmin.f32 v45, v47  }
0x260: {  	v32 =	vmax.f32 v46, v48;
	v11 =	vmax.f32 v45, v47;
	v12 =	vmin.f32 v46, v48  }
0x261: {  	v40 =	vmin.f32 v49, v51;
	v41 =	vmax.f32 v50, v52;
	v15 =	vmax.f32 v49, v51  }
0x262: {  	v16 =	vmin.f32 v50, v52;
	v44 =	vmin.f32 v57, v59;
	v45 =	vmax.f32 v58, v61  }
0x263: {  	v19 =	vmax.f32 v57, v59;
	v21 =	vmin.f32 v58, v61;
	v29 =	vmax.f32 v28, v26  }
0x264: {  	v30 =	vmin.f32 v28, v26;
	v33 =	vmax.f32 v31, v32;
	v34 =	vmin.f32 v31, v32  }
0x265: {  	v42 =	vmax.f32 v40, v41;
	v43 =	vmin.f32 v40, v41;
	v46 =	vmax.f32 v44, v45  }
0x266: {  	v47 =	vmin.f32 v44, v45;
	v48 =	vmax.f32 v9, v12;
	v9 =	vmin.f32 v9, v12  }
0x267: {  	v51 =	vmax.f32 v8, v11;
	v8 =	vmin.f32 v8, v11;
	v31 =	vmax.f32 v15, v21  }
0x268: {  	v15 =	vmin.f32 v15, v21;
	v49 =	vmax.f32 v29, v34;
	v10 =	vmin.f32 v29, v34  }
0x269: {  	v50 =	vmax.f32 v30, v33;
	v13 =	vmin.f32 v30, v33;
	v32 =	vmax.f32 v42, v47  }
0x26a: {  	v17 =	vmin.f32 v42, v47;
	v33 =	vmax.f32 v43, v46;
	v18 =	vmin.f32 v43, v46  }
0x26b: {  	v34 =	vmax.f32 v16, v19;
	v16 =	vmin.f32 v16, v19;
	v52 =	vmax.f32 v48, v50  }
0x26c: {  	v14 =	vmin.f32 v48, v50;
	v57 =	vmax.f32 v49, v51;
	v12 =	vmin.f32 v49, v51  }
0x26d: {  	v58 =	vmax.f32 v9, v13;
	v9 =	vmin.f32 v9, v13;
	v59 =	vmax.f32 v10, v8  }
0x26e: {  	v8 =	vmin.f32 v10, v8;
	v40 =	vmax.f32 v31, v33;
	v41 =	vmax.f32 v32, v34  }
0x26f: {  	v21 =	vmin.f32 v32, v34;
	v42 =	vmax.f32 v15, v18;
	v15 =	vmin.f32 v15, v18  }
0x270: {  	v43 =	vmax.f32 v17, v16;
	v16 =	vmin.f32 v17, v16;
	v61 =	vmax.f32 v52, v57  }
0x271: {  	v11 =	vmin.f32 v52, v57;
	v28 =	vmax.f32 v14, v12;
	v12 =	vmin.f32 v14, v12  }
0x272: {  	v29 =	vmax.f32 v58, v59;
	v13 =	vmin.f32 v58, v59;
	v30 =	vmax.f32 v9, v8  }
0x273: {  	v8 =	vmin.f32 v9, v8;
	v9 =	vmin.f32 v31, v33;
	v44 =	vmax.f32 v40, v41  }
0x274: {  	v19 =	vmin.f32 v40, v41;
	v46 =	vmax.f32 v15, v16;
	v15 =	vmin.f32 v15, v16  }
0x275: {  	v47 =	vmax.f32 v42, v43;
	v18 =	vmin.f32 v42, v43;
	v45 =	vmax.f32 v9, v21  }
0x276: {  	v9 =	vmin.f32 v9, v21;
	v10 =	vmax.f32 v61, v15;
	v11 =	vmax.f32 v11, v46  }
0x277: {  	v49 =	vld [tilespmem:$0x10000];
	v48 =	vmax.f32 v28, v18;
	v12 =	vmax.f32 v12, v47;
	v50 =	vmax.f32 v30, v19  }
0x278: {  	v51 =	vld [tilespmem:$0x10080];
	v8 =	vmax.f32 v8, v44;
	v9 =	vmax.f32 v29, v9;
	v13 =	vmax.f32 v13, v45  }
0x279: {  	v34 =	vld [tilespmem:$0x10300];
	v59 =	vmax.f32 v48, v50;
	v15 =	vmin.f32 v48, v50;
	v27 =	vmax.f32 v12, v8  }
0x27a: {  	v58 =	vld [tilespmem:$0x10100];
	v8 =	vmin.f32 v12, v8;
	v52 =	vmax.f32 v10, v9;
	v9 =	vmin.f32 v10, v9  }
0x27b: {  	v31 =	vld [tilespmem:$0x10280];
	v57 =	vmax.f32 v11, v13;
	v11 =	vmin.f32 v11, v13;
	v28 =	vmax.f32 v52, v59  }
0x27c: {  	v41 =	vld [tilespmem:$0x10380];
	v13 =	vmin.f32 v52, v59;
	v30 =	vmax.f32 v57, v27;
	v10 =	vmin.f32 v57, v27  }
0x27d: {  	v61 =	vld [tilespmem:$0x10180];
	v32 =	vmax.f32 v9, v15;
	v9 =	vmin.f32 v9, v15;
	v33 =	vmax.f32 v11, v8  }
0x27e: {  	v29 =	vld [tilespmem:$0x10200];
	v8 =	vmin.f32 v11, v8;
	v40 =	vmax.f32 v28, v30;
	v12 =	vmin.f32 v28, v30  }
0x27f: {  	v42 =	vmax.f32 v13, v10;
	v10 =	vmin.f32 v13, v10;
	v43 =	vmax.f32 v32, v33  }
0x280: {  	v15 =	vmin.f32 v32, v33;
	v44 =	vmax.f32 v9, v8;
	v8 =	vmin.f32 v9, v8  }
0x281: {  	v8 =	vmax.f32 v49, v8;
	v45 =	vmax.f32 v51, v44;
	v46 =	vmax.f32 v58, v15  }
0x282: {  	v13 =	vmax.f32 v61, v43;
	v47 =	vmax.f32 v31, v42;
	v12 =	vmax.f32 v34, v12  }
0x283: {  	v11 =	vmax.f32 v41, v40;
	v10 =	vmax.f32 v29, v10;
	v17 =	vmax.f32 v45, v47  }
0x284: {  	v49 =	vmax.f32 v46, v12;
	v50 =	vmax.f32 v13, v11;
	v48 =	vmax.f32 v8, v10  }
0x285: {  	v52 =	vmax.f32 v17, v50;
	v51 =	vmax.f32 v48, v49  }
0x286: {  	v9 =	vmin.f32 v45, v47;
	v21 =	vmin.f32 v46, v12;
	v57 =	vmax.f32 v51, v52  }
0x287: {  	v59 =	vmin.f32 v17, v50;
	v58 =	vmin.f32 v48, v49;
	v61 =	vmin.f32 v51, v52;
	[tilespmem:$0x10000] =	vst v57  }
0x288: {  	v11 =	vmin.f32 v13, v11;
	v8 =	vmin.f32 v8, v10;
	v22 =	vmax.f32 v58, v59;
	[tilespmem:$0x10080] =	vst v61  }
0x289: {  	v28 =	vld [tilespmem:$0x1FB20];
	v24 =	vmax.f32 v9, v11;
	v14 =	vmax.f32 v8, v21;
	v23 =	vmin.f32 v58, v59;
	[tilespmem:$0x10100] =	vst v22  }
0x28a: {  	v30 =	vld [tilespmem:$0x1FB80];
	v25 =	vmax.f32 v14, v24;
	[tilespmem:$0x10180] =	vst v23  }
0x28b: {  	v32 =	vld [tilespmem:$0x1FBE0];
	v9 =	vmin.f32 v9, v11;
	v8 =	vmin.f32 v8, v21;
	v26 =	vmin.f32 v14, v24;
	[tilespmem:$0x10200] =	vst v25  }
0x28c: {  	v33 =	vld [tilespmem:$0x1FBF0];
	v27 =	vmax.f32 v8, v9;
	[tilespmem:$0x10280] =	vst v26  }
0x28d: {  	v31 =	vld [tilespmem:$0x1FB90];
	v8 =	vmin.f32 v8, v9;
	[tilespmem:$0x10300] =	vst v27  }
0x28e: {  	v29 =	vld [tilespmem:$0x1FB50];
	[tilespmem:$0x10380] =	vst v8  }
0x28f: {  	v34 =	vld.idx.msk [tilespmem:v63+s12+$0x0], $0xffff  }
0x290: {  	v0 =	vld.idx.msk [tilespmem:v0+s12+$0x0], $0xffff  }
0x291: {  	v40 =	vld.idx.msk [tilespmem:v20+s12+$0x0], $0xffff  }
0x292: {  	v1 =	vld.idx.msk [tilespmem:v1+s12+$0x0], $0xffff  }
0x293: {  	v2 =	vld.idx.msk [tilespmem:v2+s12+$0x0], $0xffff  }
0x294: {  	v3 =	vld.idx.msk [tilespmem:v3+s12+$0x0], $0xffff  }
0x295: {  	v4 =	vld.idx.msk [tilespmem:v4+s12+$0x0], $0xffff  }
0x296: {  	v5 =	vld.idx.msk [tilespmem:v5+s12+$0x0], $0xffff  }
0x297: {  	v6 =	vld.idx.msk [tilespmem:v6+s12+$0x0], $0xffff  }
0x298: {  	v7 =	vld.idx.msk [tilespmem:v7+s12+$0x0], $0xffff  }
0x299: {  	v12 =	vld.idx.msk [tilespmem:v32+s12+$0x0], $0xffff  }
0x29a: {  	v13 =	vld.idx.msk [tilespmem:v33+s12+$0x0], $0xffff;
	_ =	sdelay $0x1  }
0x29b: {  	v10 =	vld.idx.msk [tilespmem:v30+s12+$0x0], $0xffff;
	v44 =	vmax.f32 v34, v0;
	v0 =	vmin.f32 v34, v0;
	v45 =	vmax.f32 v40, v1  }
0x29c: {  	v11 =	vld.idx.msk [tilespmem:v31+s12+$0x0], $0xffff;
	v1 =	vmin.f32 v40, v1;
	v46 =	vmax.f32 v2, v3;
	v2 =	vmin.f32 v2, v3  }
0x29d: {  	v47 =	vmax.f32 v4, v5;
	v4 =	vmin.f32 v4, v5;
	v48 =	vmax.f32 v6, v7  }
0x29e: {  	v6 =	vmin.f32 v6, v7;
	v43 =	vmax.f32 v12, v13;
	v12 =	vmin.f32 v12, v13  }
0x29f: {  	[tilespmem:$0x1FEC0] =	vst v8;
	v61 =	vmin.f32 v45, v46;
	v63 =	vmax.f32 v1, v2;
	v14 =	vmax.f32 v45, v46  }
0x2a0: {  	v8 =	vld.idx.msk [tilespmem:v28+s12+$0x0], $0xffff;
	v1 =	vmin.f32 v1, v2;
	v22 =	vmin.f32 v47, v48;
	v23 =	vmax.f32 v4, v6  }
0x2a1: {  	v9 =	vld.idx.msk [tilespmem:v29+s12+$0x0], $0xffff;
	v3 =	vmax.f32 v47, v48;
	v4 =	vmin.f32 v4, v6;
	v42 =	vmax.f32 v10, v11  }
0x2a2: {  	v10 =	vmin.f32 v10, v11;
	v52 =	vmin.f32 v43, v44;
	v57 =	vmax.f32 v12, v0  }
0x2a3: {  	v11 =	vmax.f32 v43, v44;
	v0 =	vmin.f32 v12, v0;
	v20 =	vmax.f32 v61, v63  }
0x2a4: {  	v21 =	vmin.f32 v61, v63;
	v24 =	vmax.f32 v22, v23;
	v25 =	vmin.f32 v22, v23  }
0x2a5: {  	v43 =	vmax.f32 v14, v4;
	v4 =	vmin.f32 v14, v4;
	v46 =	vmax.f32 v1, v3  }
0x2a6: {  	v1 =	vmin.f32 v1, v3;
	v41 =	vmax.f32 v8, v9;
	v8 =	vmin.f32 v8, v9  }
0x2a7: {  	v58 =	vmax.f32 v52, v57;
	v59 =	vmin.f32 v52, v57;
	v44 =	vmax.f32 v20, v25  }
0x2a8: {  	v2 =	vmin.f32 v20, v25;
	v45 =	vmax.f32 v21, v24;
	v5 =	vmin.f32 v21, v24  }
0x2a9: {  	v49 =	vmin.f32 v41, v42;
	v50 =	vmax.f32 v8, v10;
	v9 =	vmax.f32 v41, v42  }
0x2aa: {  	v8 =	vmin.f32 v8, v10;
	v47 =	vmax.f32 v43, v45;
	v6 =	vmin.f32 v43, v45  }
0x2ab: {  	v48 =	vmax.f32 v44, v46;
	v14 =	vmin.f32 v44, v46;
	v51 =	vmax.f32 v49, v50  }
0x2ac: {  	v7 =	vmin.f32 v49, v50;
	v26 =	vmax.f32 v9, v0;
	v0 =	vmin.f32 v9, v0  }
0x2ad: {  	v29 =	vmax.f32 v8, v11;
	v8 =	vmin.f32 v8, v11;
	v49 =	vmax.f32 v4, v5  }
0x2ae: {  	v4 =	vmin.f32 v4, v5;
	v50 =	vmax.f32 v2, v1;
	v1 =	vmin.f32 v2, v1  }
0x2af: {  	v3 =	vmin.f32 v47, v48;
	v52 =	vmax.f32 v6, v14;
	v6 =	vmin.f32 v6, v14  }
0x2b0: {  	v27 =	vmax.f32 v51, v59;
	v10 =	vmin.f32 v51, v59;
	v28 =	vmax.f32 v7, v58  }
0x2b1: {  	v7 =	vmin.f32 v7, v58;
	v51 =	vmax.f32 v47, v48;
	v57 =	vmax.f32 v4, v1  }
0x2b2: {  	v1 =	vmin.f32 v4, v1;
	v58 =	vmax.f32 v49, v50;
	v5 =	vmin.f32 v49, v50  }
0x2b3: {  	v30 =	vmax.f32 v26, v28;
	v13 =	vmin.f32 v26, v28;
	v31 =	vmax.f32 v27, v29  }
0x2b4: {  	v9 =	vmin.f32 v27, v29;
	v32 =	vmax.f32 v0, v7;
	v0 =	vmin.f32 v0, v7  }
0x2b5: {  	v33 =	vmax.f32 v10, v8;
	v8 =	vmin.f32 v10, v8;
	v34 =	vmax.f32 v30, v31  }
0x2b6: {  	v11 =	vmin.f32 v30, v31;
	v40 =	vmax.f32 v13, v9;
	v9 =	vmin.f32 v13, v9  }
0x2b7: {  	v41 =	vmax.f32 v32, v33;
	v7 =	vmin.f32 v32, v33;
	v42 =	vmax.f32 v0, v8  }
0x2b8: {  	v0 =	vmin.f32 v0, v8;
	v1 =	vmax.f32 v34, v1;
	v59 =	vmax.f32 v11, v57  }
0x2b9: {  	v61 =	vld [tilespmem:$0x10010];
	v5 =	vmax.f32 v40, v5;
	v4 =	vmax.f32 v9, v58;
	v6 =	vmax.f32 v41, v6  }
0x2ba: {  	v63 =	vld [tilespmem:$0x10090];
	v7 =	vmax.f32 v7, v52;
	v3 =	vmax.f32 v42, v3;
	v0 =	vmax.f32 v0, v51  }
0x2bb: {  	v22 =	vld [tilespmem:$0x10110];
	v20 =	vmax.f32 v1, v6;
	v1 =	vmin.f32 v1, v6;
	v21 =	vmax.f32 v59, v7  }
0x2bc: {  	v24 =	vld [tilespmem:$0x10190];
	v7 =	vmin.f32 v59, v7;
	v23 =	vmax.f32 v5, v3;
	v3 =	vmin.f32 v5, v3  }
0x2bd: {  	v27 =	vld [tilespmem:$0x10210];
	v25 =	vmax.f32 v4, v0;
	v0 =	vmin.f32 v4, v0;
	v26 =	vmax.f32 v20, v23  }
0x2be: {  	v29 =	vld [tilespmem:$0x10290];
	v8 =	vmin.f32 v20, v23;
	v28 =	vmax.f32 v21, v25;
	v6 =	vmin.f32 v21, v25  }
0x2bf: {  	v32 =	vld [tilespmem:$0x10310];
	v30 =	vmax.f32 v1, v3;
	v1 =	vmin.f32 v1, v3;
	v31 =	vmax.f32 v7, v0  }
0x2c0: {  	v34 =	vld [tilespmem:$0x10390];
	v0 =	vmin.f32 v7, v0;
	v33 =	vmax.f32 v26, v28;
	v4 =	vmin.f32 v26, v28  }
0x2c1: {  	v40 =	vmax.f32 v8, v6;
	v6 =	vmin.f32 v8, v6;
	v41 =	vmax.f32 v30, v31  }
0x2c2: {  	v3 =	vmin.f32 v30, v31;
	v42 =	vmax.f32 v1, v0;
	v0 =	vmin.f32 v1, v0  }
0x2c3: {  	v0 =	vmax.f32 v61, v0;
	v43 =	vmax.f32 v63, v42;
	v44 =	vmax.f32 v22, v3  }
0x2c4: {  	v45 =	vmax.f32 v24, v41;
	v46 =	vmax.f32 v27, v6;
	v47 =	vmax.f32 v29, v40  }
0x2c5: {  	v4 =	vmax.f32 v32, v4;
	v7 =	vmax.f32 v34, v33;
	v48 =	vmax.f32 v0, v46  }
0x2c6: {  	v18 =	vld [tilespmem:$0x1FB60];
	v49 =	vmax.f32 v43, v47;
	v50 =	vmax.f32 v44, v4;
	v51 =	vmax.f32 v45, v7  }
0x2c7: {  	v19 =	vld [tilespmem:$0x1FBA0];
	v52 =	vmax.f32 v48, v50;
	v57 =	vmax.f32 v49, v51  }
0x2c8: {  	v17 =	vld [tilespmem:$0x1FB30];
	v0 =	vmin.f32 v0, v46;
	v1 =	vmin.f32 v43, v47;
	v58 =	vmax.f32 v52, v57  }
0x2c9: {  	v20 =	vld [tilespmem:$0x1FBB0];
	v59 =	vmin.f32 v48, v50;
	v61 =	vmin.f32 v49, v51;
	v63 =	vmin.f32 v52, v57;
	[tilespmem:$0x10010] =	vst v58  }
0x2ca: {  	v21 =	vld [tilespmem:$0x1FC00];
	v2 =	vmin.f32 v44, v4;
	v3 =	vmin.f32 v45, v7;
	v10 =	vmax.f32 v59, v61;
	[tilespmem:$0x10090] =	vst v63  }
0x2cb: {  	v23 =	vld [tilespmem:$0x1FC40];
	v12 =	vmax.f32 v0, v2;
	v13 =	vmax.f32 v1, v3;
	v11 =	vmin.f32 v59, v61;
	[tilespmem:$0x10110] =	vst v10  }
0x2cc: {  	v25 =	vld [tilespmem:$0x1FC80];
	v14 =	vmax.f32 v12, v13;
	[tilespmem:$0x10190] =	vst v11  }
0x2cd: {  	v26 =	vld [tilespmem:$0x1FC90];
	v0 =	vmin.f32 v0, v2;
	v1 =	vmin.f32 v1, v3;
	v15 =	vmin.f32 v12, v13;
	[tilespmem:$0x10210] =	vst v14  }
0x2ce: {  	v22 =	vld [tilespmem:$0x1FC10];
	v16 =	vmax.f32 v0, v1;
	[tilespmem:$0x10290] =	vst v15  }
0x2cf: {  	v24 =	vld [tilespmem:$0x1FC50];
	v0 =	vmin.f32 v0, v1;
	[tilespmem:$0x10310] =	vst v16  }
0x2d0: {  	v27 =	vld [tilespmem:$0x1FCC0];
	[tilespmem:$0x10390] =	vst v0  }
0x2d1: {  	[tilespmem:$0x1FEB0] =	vst v0;
	v0 =	vld.idx.msk [tilespmem:v17+s12+$0x0], $0xffff  }
0x2d2: {  	v1 =	vld.idx.msk [tilespmem:v18+s12+$0x0], $0xffff  }
0x2d3: {  	v2 =	vld.idx.msk [tilespmem:v19+s12+$0x0], $0xffff  }
0x2d4: {  	v3 =	vld.idx.msk [tilespmem:v20+s12+$0x0], $0xffff  }
0x2d5: {  	v4 =	vld.idx.msk [tilespmem:v21+s12+$0x0], $0xffff  }
0x2d6: {  	v8 =	vld.idx.msk [tilespmem:v25+s12+$0x0], $0xffff  }
0x2d7: {  	v29 =	vld.idx.msk [tilespmem:v53+s12+$0x0], $0xffff  }
0x2d8: {  	v30 =	vld.idx.msk [tilespmem:v54+s12+$0x0], $0xffff  }
0x2d9: {  	v31 =	vld.idx.msk [tilespmem:v55+s12+$0x0], $0xffff  }
0x2da: {  	v32 =	vld.idx.msk [tilespmem:v56+s12+$0x0], $0xffff  }
0x2db: {  	v9 =	vld.idx.msk [tilespmem:v26+s12+$0x0], $0xffff  }
0x2dc: {  	v6 =	vld.idx.msk [tilespmem:v23+s12+$0x0], $0xffff  }
0x2dd: {  	v28 =	vld.idx.msk [tilespmem:v62+s12+$0x0], $0xffff  }
0x2de: {  	v5 =	vld.idx.msk [tilespmem:v22+s12+$0x0], $0xffff;
	v33 =	vmax.f32 v0, v1;
	v0 =	vmin.f32 v0, v1;
	v34 =	vmax.f32 v2, v3  }
0x2df: {  	v7 =	vld.idx.msk [tilespmem:v24+s12+$0x0], $0xffff;
	v2 =	vmin.f32 v2, v3;
	v44 =	vmax.f32 v29, v30;
	v12 =	vmin.f32 v29, v30  }
0x2e0: {  	v10 =	vld.idx.msk [tilespmem:v27+s12+$0x0], $0xffff;
	v45 =	vmax.f32 v31, v32;
	v14 =	vmin.f32 v31, v32;
	v42 =	vmax.f32 v8, v9  }
0x2e1: {  	v8 =	vmin.f32 v8, v9;
	v46 =	vmin.f32 v33, v34;
	v47 =	vmax.f32 v0, v2  }
0x2e2: {  	v1 =	vmax.f32 v33, v34;
	v0 =	vmin.f32 v0, v2;
	v57 =	vmin.f32 v44, v45  }
0x2e3: {  	v58 =	vmax.f32 v12, v14;
	v11 =	vmax.f32 v44, v45;
	v12 =	vmin.f32 v12, v14  }
0x2e4: {  	v40 =	vmax.f32 v4, v5;
	v4 =	vmin.f32 v4, v5;
	v41 =	vmax.f32 v6, v7  }
0x2e5: {  	v6 =	vmin.f32 v6, v7;
	v43 =	vmax.f32 v10, v28;
	v10 =	vmin.f32 v10, v28  }
0x2e6: {  	v48 =	vmax.f32 v46, v47;
	v15 =	vmin.f32 v46, v47;
	v59 =	vmax.f32 v57, v58  }
0x2e7: {  	v61 =	vmin.f32 v57, v58;
	v49 =	vmin.f32 v40, v41;
	v50 =	vmax.f32 v4, v6  }
0x2e8: {  	v3 =	vmax.f32 v40, v41;
	v4 =	vmin.f32 v4, v6;
	v53 =	vmin.f32 v42, v43  }
0x2e9: {  	v54 =	vmax.f32 v8, v10;
	v7 =	vmax.f32 v42, v43;
	v8 =	vmin.f32 v8, v10  }
0x2ea: {  	v51 =	vmax.f32 v49, v50;
	v52 =	vmin.f32 v49, v50;
	v55 =	vmax.f32 v53, v54  }
0x2eb: {  	v56 =	vmin.f32 v53, v54;
	v62 =	vmax.f32 v1, v4;
	v1 =	vmin.f32 v1, v4  }
0x2ec: {  	v21 =	vmax.f32 v0, v3;
	v0 =	vmin.f32 v0, v3;
	v30 =	vmax.f32 v7, v12  }
0x2ed: {  	v7 =	vmin.f32 v7, v12;
	v33 =	vmax.f32 v8, v11;
	v8 =	vmin.f32 v8, v11  }
0x2ee: {  	v63 =	vmax.f32 v48, v52;
	v2 =	vmin.f32 v48, v52;
	v20 =	vmax.f32 v15, v51  }
0x2ef: {  	v5 =	vmin.f32 v15, v51;
	v31 =	vmax.f32 v55, v61;
	v9 =	vmin.f32 v55, v61  }
0x2f0: {  	v32 =	vmax.f32 v56, v59;
	v10 =	vmin.f32 v56, v59;
	v22 =	vmax.f32 v62, v20  }
0x2f1: {  	v6 =	vmin.f32 v62, v20;
	v23 =	vmax.f32 v63, v21;
	v4 =	vmin.f32 v63, v21  }
0x2f2: {  	v24 =	vmax.f32 v1, v5;
	v1 =	vmin.f32 v1, v5;
	v25 =	vmax.f32 v2, v0  }
0x2f3: {  	v0 =	vmin.f32 v2, v0;
	v34 =	vmax.f32 v30, v32;
	v40 =	vmax.f32 v31, v33  }
0x2f4: {  	v12 =	vmin.f32 v31, v33;
	v41 =	vmax.f32 v7, v10;
	v7 =	vmin.f32 v7, v10  }
0x2f5: {  	v42 =	vmax.f32 v9, v8;
	v8 =	vmin.f32 v9, v8;
	v26 =	vmax.f32 v22, v23  }
0x2f6: {  	v3 =	vmin.f32 v22, v23;
	v27 =	vmax.f32 v6, v4;
	v4 =	vmin.f32 v6, v4  }
0x2f7: {  	v28 =	vmax.f32 v24, v25;
	v5 =	vmin.f32 v24, v25;
	v29 =	vmax.f32 v1, v0  }
0x2f8: {  	v0 =	vmin.f32 v1, v0;
	v1 =	vmin.f32 v30, v32;
	v43 =	vmax.f32 v34, v40  }
0x2f9: {  	v11 =	vmin.f32 v34, v40;
	v45 =	vmax.f32 v7, v8;
	v7 =	vmin.f32 v7, v8  }
0x2fa: {  	v46 =	vmax.f32 v41, v42;
	v10 =	vmin.f32 v41, v42;
	v44 =	vmax.f32 v1, v12  }
0x2fb: {  	v1 =	vmin.f32 v1, v12;
	v2 =	vmax.f32 v26, v7;
	v3 =	vmax.f32 v3, v45  }
0x2fc: {  	v58 =	vld [tilespmem:$0x10220];
	v47 =	vmax.f32 v27, v10;
	v4 =	vmax.f32 v4, v46;
	v49 =	vmax.f32 v29, v11  }
0x2fd: {  	v50 =	vld [tilespmem:$0x100A0];
	v0 =	vmax.f32 v0, v43;
	v1 =	vmax.f32 v28, v1;
	v5 =	vmax.f32 v5, v44  }
0x2fe: {  	v53 =	vld [tilespmem:$0x10120];
	v54 =	vmax.f32 v47, v49;
	v7 =	vmin.f32 v47, v49;
	v56 =	vmax.f32 v4, v0  }
0x2ff: {  	v48 =	vld [tilespmem:$0x10020];
	v0 =	vmin.f32 v4, v0;
	v51 =	vmax.f32 v2, v1;
	v1 =	vmin.f32 v2, v1  }
0x300: {  	v55 =	vld [tilespmem:$0x101A0];
	v52 =	vmax.f32 v3, v5;
	v3 =	vmin.f32 v3, v5;
	v57 =	vmax.f32 v51, v54  }
0x301: {  	v61 =	vld [tilespmem:$0x102A0];
	v5 =	vmin.f32 v51, v54;
	v59 =	vmax.f32 v52, v56;
	v2 =	vmin.f32 v52, v56  }
0x302: {  	v20 =	vld [tilespmem:$0x10320];
	v62 =	vmax.f32 v1, v7;
	v1 =	vmin.f32 v1, v7;
	v63 =	vmax.f32 v3, v0  }
0x303: {  	v22 =	vld [tilespmem:$0x103A0];
	v0 =	vmin.f32 v3, v0;
	v21 =	vmax.f32 v57, v59;
	v4 =	vmin.f32 v57, v59  }
0x304: {  	v23 =	vmax.f32 v5, v2;
	v2 =	vmin.f32 v5, v2;
	v24 =	vmax.f32 v62, v63  }
0x305: {  	v7 =	vmin.f32 v62, v63;
	v25 =	vmax.f32 v1, v0;
	v0 =	vmin.f32 v1, v0  }
0x306: {  	v0 =	vmax.f32 v48, v0;
	v26 =	vmax.f32 v50, v25;
	v27 =	vmax.f32 v53, v7  }
0x307: {  	v5 =	vmax.f32 v55, v24;
	v2 =	vmax.f32 v58, v2;
	v28 =	vmax.f32 v61, v23  }
0x308: {  	v4 =	vmax.f32 v20, v4;
	v3 =	vmax.f32 v22, v21;
	v29 =	vmax.f32 v0, v2  }
0x309: {  	v9 =	vmax.f32 v26, v28;
	v30 =	vmax.f32 v27, v4;
	v31 =	vmax.f32 v5, v3  }
0x30a: {  	v51 =	vld [tilespmem:$0x1FB70];
	v32 =	vmax.f32 v29, v30;
	v33 =	vmax.f32 v9, v31  }
0x30b: {  	v52 =	vld [tilespmem:$0x1FBC0];
	v0 =	vmin.f32 v0, v2;
	v1 =	vmin.f32 v26, v28;
	v34 =	vmax.f32 v32, v33  }
0x30c: {  	v54 =	vld [tilespmem:$0x1FC20];
	v40 =	vmin.f32 v29, v30;
	v41 =	vmin.f32 v9, v31;
	v42 =	vmin.f32 v32, v33;
	[tilespmem:$0x10020] =	vst v34  }
0x30d: {  	v56 =	vld [tilespmem:$0x1FC60];
	v43 =	vmin.f32 v27, v4;
	v3 =	vmin.f32 v5, v3;
	v44 =	vmax.f32 v40, v41;
	[tilespmem:$0x100A0] =	vst v42  }
0x30e: {  	v57 =	vld [tilespmem:$0x1FC70];
	v6 =	vmax.f32 v0, v43;
	v46 =	vmax.f32 v1, v3;
	v45 =	vmin.f32 v40, v41;
	[tilespmem:$0x10120] =	vst v44  }
0x30f: {  	v59 =	vld [tilespmem:$0x1FCB0];
	v47 =	vmax.f32 v6, v46;
	[tilespmem:$0x101A0] =	vst v45  }
0x310: {  	v50 =	vld [tilespmem:$0x1FB40];
	v0 =	vmin.f32 v0, v43;
	v1 =	vmin.f32 v1, v3;
	v48 =	vmin.f32 v6, v46;
	[tilespmem:$0x10220] =	vst v47  }
0x311: {  	v53 =	vld [tilespmem:$0x1FBD0];
	v49 =	vmax.f32 v0, v1;
	[tilespmem:$0x102A0] =	vst v48  }
0x312: {  	v55 =	vld [tilespmem:$0x1FC30];
	v0 =	vmin.f32 v0, v1;
	[tilespmem:$0x10320] =	vst v49  }
0x313: {  	v58 =	vld [tilespmem:$0x1FCA0];
	[tilespmem:$0x103A0] =	vst v0  }
0x314: {  	v61 =	vld.idx.msk [tilespmem:v60+s12+$0x0], $0xffff  }
0x315: {  	v62 =	vld.idx.msk [tilespmem:v35+s12+$0x0], $0xffff  }
0x316: {  	v63 =	vld.idx.msk [tilespmem:v36+s12+$0x0], $0xffff  }
0x317: {  	v20 =	vld.idx.msk [tilespmem:v37+s12+$0x0], $0xffff  }
0x318: {  	v21 =	vld.idx.msk [tilespmem:v38+s12+$0x0], $0xffff  }
0x319: {  	v22 =	vld.idx.msk [tilespmem:v39+s12+$0x0], $0xffff  }
0x31a: {  	v1 =	vld.idx.msk [tilespmem:v51+s12+$0x0], $0xffff  }
0x31b: {  	v2 =	vld.idx.msk [tilespmem:v52+s12+$0x0], $0xffff  }
0x31c: {  	v4 =	vld.idx.msk [tilespmem:v54+s12+$0x0], $0xffff  }
0x31d: {  	v6 =	vld.idx.msk [tilespmem:v56+s12+$0x0], $0xffff  }
0x31e: {  	v7 =	vld.idx.msk [tilespmem:v57+s12+$0x0], $0xffff  }
0x31f: {  	v9 =	vld.idx.msk [tilespmem:v59+s12+$0x0], $0xffff  }
0x320: {  	[tilespmem:$0x1FEA0] =	vst v0;
	v0 =	vld.idx.msk [tilespmem:v50+s12+$0x0], $0xffff  }
0x321: {  	v3 =	vld.idx.msk [tilespmem:v53+s12+$0x0], $0xffff  }
0x322: {  	v5 =	vld.idx.msk [tilespmem:v55+s12+$0x0], $0xffff;
	v28 =	vmax.f32 v61, v62;
	v10 =	vmin.f32 v61, v62;
	v29 =	vmax.f32 v63, v20  }
0x323: {  	v8 =	vld.idx.msk [tilespmem:v58+s12+$0x0], $0xffff;
	v12 =	vmin.f32 v63, v20;
	v30 =	vmax.f32 v21, v22;
	v14 =	vmin.f32 v21, v22  }
0x324: {  	v42 =	vmin.f32 v29, v30;
	v43 =	vmax.f32 v12, v14;
	v11 =	vmax.f32 v29, v30  }
0x325: {  	v12 =	vmin.f32 v12, v14;
	v26 =	vmax.f32 v6, v7;
	v6 =	vmin.f32 v6, v7  }
0x326: {  	v44 =	vmax.f32 v42, v43;
	v45 =	vmin.f32 v42, v43;
	v23 =	vmax.f32 v0, v1  }
0x327: {  	v0 =	vmin.f32 v0, v1;
	v24 =	vmax.f32 v2, v3;
	v2 =	vmin.f32 v2, v3  }
0x328: {  	v25 =	vmax.f32 v4, v5;
	v4 =	vmin.f32 v4, v5;
	v27 =	vmax.f32 v8, v9  }
0x329: {  	v8 =	vmin.f32 v8, v9;
	v31 =	vmin.f32 v23, v24;
	v32 =	vmax.f32 v0, v2  }
0x32a: {  	v1 =	vmax.f32 v23, v24;
	v0 =	vmin.f32 v0, v2;
	v34 =	vmin.f32 v25, v26  }
0x32b: {  	v35 =	vmax.f32 v4, v6;
	v3 =	vmax.f32 v25, v26;
	v4 =	vmin.f32 v4, v6  }
0x32c: {  	v38 =	vmin.f32 v27, v28;
	v39 =	vmax.f32 v8, v10;
	v7 =	vmax.f32 v27, v28  }
0x32d: {  	v8 =	vmin.f32 v8, v10;
	v33 =	vmax.f32 v31, v32;
	v15 =	vmin.f32 v31, v32  }
0x32e: {  	v36 =	vmax.f32 v34, v35;
	v37 =	vmin.f32 v34, v35;
	v40 =	vmax.f32 v38, v39  }
0x32f: {  	v41 =	vmin.f32 v38, v39;
	v46 =	vmax.f32 v1, v4;
	v1 =	vmin.f32 v1, v4  }
0x330: {  	v49 =	vmax.f32 v0, v3;
	v0 =	vmin.f32 v0, v3;
	v58 =	vmax.f32 v7, v12  }
0x331: {  	v7 =	vmin.f32 v7, v12;
	v61 =	vmax.f32 v8, v11;
	v8 =	vmin.f32 v8, v11  }
0x332: {  	v47 =	vmax.f32 v33, v37;
	v2 =	vmin.f32 v33, v37;
	v48 =	vmax.f32 v15, v36  }
0x333: {  	v5 =	vmin.f32 v15, v36;
	v59 =	vmax.f32 v40, v45;
	v9 =	vmin.f32 v40, v45  }
0x334: {  	v60 =	vmax.f32 v41, v44;
	v10 =	vmin.f32 v41, v44;
	v50 =	vmax.f32 v46, v48  }
0x335: {  	v6 =	vmin.f32 v46, v48;
	v51 =	vmax.f32 v47, v49;
	v4 =	vmin.f32 v47, v49  }
0x336: {  	v52 =	vmax.f32 v1, v5;
	v1 =	vmin.f32 v1, v5;
	v53 =	vmax.f32 v2, v0  }
0x337: {  	v0 =	vmin.f32 v2, v0;
	v62 =	vmax.f32 v58, v60;
	v63 =	vmax.f32 v59, v61  }
0x338: {  	v12 =	vmin.f32 v59, v61;
	v17 =	vmax.f32 v7, v10;
	v7 =	vmin.f32 v7, v10  }
0x339: {  	v18 =	vmax.f32 v9, v8;
	v8 =	vmin.f32 v9, v8;
	v54 =	vmax.f32 v50, v51  }
0x33a: {  	v3 =	vmin.f32 v50, v51;
	v55 =	vmax.f32 v6, v4;
	v4 =	vmin.f32 v6, v4  }
0x33b: {  	v56 =	vmax.f32 v52, v53;
	v5 =	vmin.f32 v52, v53;
	v57 =	vmax.f32 v1, v0  }
0x33c: {  	v0 =	vmin.f32 v1, v0;
	v1 =	vmin.f32 v58, v60;
	v19 =	vmax.f32 v62, v63  }
0x33d: {  	v11 =	vmin.f32 v62, v63;
	v21 =	vmax.f32 v7, v8;
	v7 =	vmin.f32 v7, v8  }
0x33e: {  	v22 =	vmax.f32 v17, v18;
	v10 =	vmin.f32 v17, v18;
	v20 =	vmax.f32 v1, v12  }
0x33f: {  	v1 =	vmin.f32 v1, v12;
	v2 =	vmax.f32 v54, v7;
	v3 =	vmax.f32 v3, v21  }
0x340: {  	v29 =	vld [tilespmem:$0x10130];
	v23 =	vmax.f32 v55, v10;
	v4 =	vmax.f32 v4, v22;
	v25 =	vmax.f32 v57, v11  }
0x341: {  	v24 =	vld [tilespmem:$0x10030];
	v0 =	vmax.f32 v0, v19;
	v1 =	vmax.f32 v56, v1;
	v5 =	vmax.f32 v5, v20  }
0x342: {  	v26 =	vld [tilespmem:$0x100B0];
	v30 =	vmax.f32 v23, v25;
	v7 =	vmin.f32 v23, v25;
	v32 =	vmax.f32 v4, v0  }
0x343: {  	v31 =	vld [tilespmem:$0x101B0];
	v0 =	vmin.f32 v4, v0;
	v27 =	vmax.f32 v2, v1;
	v1 =	vmin.f32 v2, v1  }
0x344: {  	v34 =	vld [tilespmem:$0x10230];
	v28 =	vmax.f32 v3, v5;
	v3 =	vmin.f32 v3, v5;
	v33 =	vmax.f32 v27, v30  }
0x345: {  	v39 =	vld [tilespmem:$0x10330];
	v5 =	vmin.f32 v27, v30;
	v35 =	vmax.f32 v28, v32;
	v2 =	vmin.f32 v28, v32  }
0x346: {  	v36 =	vld [tilespmem:$0x102B0];
	v37 =	vmax.f32 v1, v7;
	v1 =	vmin.f32 v1, v7;
	v38 =	vmax.f32 v3, v0  }
0x347: {  	v41 =	vld [tilespmem:$0x103B0];
	v0 =	vmin.f32 v3, v0;
	v40 =	vmax.f32 v33, v35;
	v4 =	vmin.f32 v33, v35  }
0x348: {  	v42 =	vmax.f32 v5, v2;
	v2 =	vmin.f32 v5, v2;
	v43 =	vmax.f32 v37, v38  }
0x349: {  	v7 =	vmin.f32 v37, v38;
	v44 =	vmax.f32 v1, v0;
	v0 =	vmin.f32 v1, v0  }
0x34a: {  	v0 =	vmax.f32 v24, v0;
	v45 =	vmax.f32 v26, v44;
	v46 =	vmax.f32 v29, v7  }
0x34b: {  	v5 =	vmax.f32 v31, v43;
	v2 =	vmax.f32 v34, v2;
	v47 =	vmax.f32 v36, v42  }
0x34c: {  	v4 =	vmax.f32 v39, v4;
	v3 =	vmax.f32 v41, v40;
	v48 =	vmax.f32 v0, v2  }
0x34d: {  	v9 =	vmax.f32 v45, v47;
	v49 =	vmax.f32 v46, v4;
	v50 =	vmax.f32 v5, v3  }
0x34e: {  	v51 =	vmax.f32 v48, v49;
	v52 =	vmax.f32 v9, v50  }
0x34f: {  	v0 =	vmin.f32 v0, v2;
	v1 =	vmin.f32 v45, v47;
	v53 =	vmax.f32 v51, v52  }
0x350: {  	v54 =	vmin.f32 v48, v49;
	v55 =	vmin.f32 v9, v50;
	v56 =	vmin.f32 v51, v52;
	[tilespmem:$0x10030] =	vst v53  }
0x351: {  	v57 =	vmin.f32 v46, v4;
	v3 =	vmin.f32 v5, v3;
	v58 =	vmax.f32 v54, v55;
	[tilespmem:$0x100B0] =	vst v56  }
0x352: {  	v6 =	vmax.f32 v0, v57;
	v60 =	vmax.f32 v1, v3;
	v59 =	vmin.f32 v54, v55;
	[tilespmem:$0x10130] =	vst v58  }
.Ltmp9:
0x353: {  	v61 =	vmax.f32 v6, v60;
	[tilespmem:$0x101B0] =	vst v59;
	(pc) =	sbr.rel .LBB2_9-.Ltmp9, $4  }
0x354: {  	v0 =	vmin.f32 v0, v57;
	v1 =	vmin.f32 v1, v3;
	v62 =	vmin.f32 v6, v60;
	[tilespmem:$0x10230] =	vst v61  }
0x355: {  	v63 =	vmax.f32 v0, v1;
	[tilespmem:$0x102B0] =	vst v62  }
0x356: {  	v42 =	vmin.f32 v0, v1;
	[tilespmem:$0x10330] =	vst v63  }
0x357: {  	[tilespmem:$0x103B0] =	vst v42  }
.LBB2_10:
.Ltmp10:
0x358: {  	(pc) =	sbr.rel @p0 .LBB2_12-.Ltmp10, $1  }
0x359: {  	_ =	sdelay $0x3  }
.Ltmp11:
0x35a: {  	(pc) =	sbr.rel .LBB2_2-.Ltmp11, $4  }
0x35b: {  	s19 =	sadd.s32 s7, s19  }
0x35c: {  	s19 =	sshrl.u32 s19, $0x3  }
0x35d: {  	s18 =	sadd.s32 $0x1, s18;
	s19 =	sadd.s32 s0, s19  }
0x35e: {  	[tilespmem:s12], [sflag:$0x2] =	stream.strided.gather [hbm4b:s19+s10], $0x8000, s11, s10, $0x38;
	[tilespmem:$0x10400] =	vst v63  }
.LBB2_13:
0x35f: {  	_ =	sfence.sel $0x180000  }
0x360: {  	[bflag:$0x0] =	sbarrier.arrive $0xFFFF  }
0x361: {  	p0 =	sne.s32 s1, $0x0;
	_ =	strace $0x90000047  }
0x362: {  	s0 =	sadd.s32 @!p0 $0x100000, s2;
	[bflag:$0x2] =	sbarrier.arrive $0xFFFF  }
0x363: {  	[sflag:s0] =	ssyncadd.tile.s32 @!p0 $0x1;
	_ =	shalt  }
.Lfunc_end2:
_tile_overlayer_lowered:
.L_overlay_start_2:
0x364: {  	(tag) =	ssettag $0x2  }
0x365: {  	s0 =	rddreg [dreg:$0x0];
	s2 =	stileid.u32  }
0x366: {  	s1 =	rddreg [dreg:$0x1];
	p0 =	sne.s32 s2, $0x0  }
0x367: {  	s3 =	rddreg [dreg:$0x2];
	[bflag:$0x3] =	sbarrier.arrive $0xFFFF;
	s2 =	simm.s32 @!p0 $0x1C03  }
0x368: {  	[timem:s3], [sflag:s2] =	dma.local @!p0 [hbm:s0], s1  }
0x369: {  	s0 =	simm.s32 @!p0 $0x3  }
0x36a: {  	_ =	swait.ge @!p0 [sflag:s0], s1  }
0x36b: {  	s1 =	ssub.s32 @!p0 $0x0, s1;
	[sflag:s0] =	ssyncset.done @!p0 $0x0  }
0x36c: {  	[sflag:s0] =	ssyncadd.s32 @!p0 s1  }
0x36d: {  	[bflag:$0x3] =	sbarrier.arrive $0xFFFF  }
0x36e: {  	_ =	shalt  }

</sc_bundles>
